<compile_context>
chip_gen: v7x
topology: tpu7x:2x2x1
jax: 0.10.2.dev20260603
libtpu: 0.0.44.dev20260713+nightly
codegen_flags: <defaults>
</compile_context>

<pallas_src>
import functools

import jax
import jax.numpy as jnp
from jax import lax
from jax.experimental import pallas as pl
from jax.experimental.pallas import tpu as pltpu
from jax.experimental.pallas import tpu_sc as plsc

VOCAB = 1000000
DIM = 64
BATCH = 16384
CTX = 20

NC = 2
NS = 16
NW = NC * NS
BPW = BATCH // NW
STEP = 64
NSTEP = BPW // STEP
NK = DIM // 16


def _body(cs_hbm, os_hbm, word_hbm, bkp_hbm, out_hbm,
          idx_os, idx_cs, bufs, cbuf, prow, ysig, sem):
    wid = lax.axis_index("s") * NC + lax.axis_index("c")
    base = wid * BPW

    pltpu.sync_copy(cs_hbm.at[pl.ds(base, BPW)], idx_cs)
    for c in range(CTX):
        pltpu.sync_copy(os_hbm.at[c, pl.ds(base, BPW)], idx_os.at[c])

    lane = lax.iota(jnp.int32, 16)

    def step(si, carry):
        sbase = si * STEP
        copies = []
        for c in range(CTX):
            cp = pltpu.make_async_copy(
                word_hbm.at[idx_os.at[c, pl.ds(sbase, STEP)]], bufs.at[c], sem)
            cp.start()
            copies.append(cp)
        cpc = pltpu.make_async_copy(
            bkp_hbm.at[idx_cs.at[pl.ds(sbase, STEP)]], cbuf, sem)
        cpc.start()
        for cp in copies:
            cp.wait()
        cpc.wait()

        def row(r, rcarry):
            pr = jnp.zeros((16,), jnp.float32)
            for k in range(NK):
                a = bufs[0, r, pl.ds(k * 16, 16)]
                for c in range(1, CTX):
                    a = a + bufs[c, r, pl.ds(k * 16, 16)]
                pr = pr + a * cbuf[r, pl.ds(k * 16, 16)]
            prow[r] = pr * (1.0 / CTX)
            return rcarry

        lax.fori_loop(0, STEP, row, 0, unroll=2)

        for g in range(STEP // 16):
            y = jnp.zeros((16,), jnp.float32)
            for l in range(16):
                s = jnp.sum(prow[g * 16 + l])
                y = jnp.where(lane == l, s, y)
            ysig[pl.ds(sbase + g * 16, 16)] = 1.0 / (1.0 + jnp.exp(-y))
        return carry

    lax.fori_loop(0, NSTEP, step, 0)

    pltpu.sync_copy(ysig, out_hbm.at[pl.ds(base, BPW)])


@jax.jit
def _cbow(cs, os, word_embs, bkp_word_embs):
    mesh = plsc.VectorSubcoreMesh(core_axis_name="c", subcore_axis_name="s")
    f = pl.kernel(
        _body,
        out_type=jax.ShapeDtypeStruct((BATCH,), jnp.float32),
        mesh=mesh,
        compiler_params=pltpu.CompilerParams(
            needs_layout_passes=False, use_tc_tiling_on_sc=False),
        scratch_types=[
            pltpu.VMEM((CTX, BPW), jnp.int32),
            pltpu.VMEM((BPW,), jnp.int32),
            pltpu.VMEM((CTX, STEP, DIM), jnp.float32),
            pltpu.VMEM((STEP, DIM), jnp.float32),
            pltpu.VMEM((STEP, 16), jnp.float32),
            pltpu.VMEM((BPW,), jnp.float32),
            pltpu.SemaphoreType.DMA,
        ],
    )
    return f(cs, os, word_embs, bkp_word_embs)


def kernel(cs, os, word_embs, bkp_word_embs):
    return _cbow(cs, os, word_embs, bkp_word_embs)

# --- scband reference (transcript-rebuilt; emitter-appended) ---
"""Pipeline reference for scband-cbow-with-negative-sampling-4389456577353 (READ-ONLY COPY).

The authoritative reference and input builder live on the scoring server;
editing this copy changes nothing except your own understanding.
"""

import jax, jax.numpy as jnp
import numpy as np

VOCAB = 1000000
DIM = 64
BATCH = 16384
CTX = 20

def setup_inputs(seed: int = 0) -> dict:
    key = jax.random.key(seed)
    k1, k2, k3, k4 = jax.random.split(key, 4)
    cs = jax.random.randint(k1, (BATCH,), 0, VOCAB, dtype=jnp.int64 if jax.config.jax_enable_x64 else jnp.int32).astype(jnp.int32)
    os_ = jax.random.randint(k2, (CTX, BATCH), 0, VOCAB, dtype=jnp.int32)
    word_embs = jax.random.normal(k3, (VOCAB, DIM), dtype=jnp.float32)
    bkp_word_embs = jax.random.normal(k4, (VOCAB, DIM), dtype=jnp.float32)
    return {"cs": cs, "os": os_, "word_embs": word_embs, "bkp_word_embs": bkp_word_embs}

def reference(cs, os, word_embs, bkp_word_embs):
    # os: [CTX, BATCH] -> embed -> [CTX, BATCH, DIM] -> mean over dim 0 -> [BATCH, DIM]
    o = jnp.take(word_embs, os, axis=0)
    o = jnp.mean(o, axis=0)
    # cs: [BATCH] -> embed -> [BATCH, DIM]
    c = jnp.take(bkp_word_embs, cs, axis=0)
    y = jnp.sum(c * o, axis=1)
    return jax.nn.sigmoid(y)

if __name__ == "__main__":
    import jax
    _d = setup_inputs()
    print(jax.jit(kernel)(*tuple(_d.values())))

</pallas_src>

<mosaic_0001>
#map = affine_map<(d0, d1) -> (0)>
#map1 = affine_map<(d0, d1) -> (0, 0)>
module attributes {stable_mosaic.version = 14 : i64} {
  func.func @_body(%arg0: i32, %arg1: i32, %arg2: memref<16384xi32, #tpu.memory_space<hbm>>, %arg3: memref<20x16384xi32, #tpu.memory_space<hbm>>, %arg4: memref<1000000x64xf32, #tpu.memory_space<hbm>>, %arg5: memref<1000000x64xf32, #tpu.memory_space<hbm>>, %arg6: memref<16384xf32, #tpu.memory_space<hbm>>, %arg7: memref<20x512xi32, #tpu.memory_space<vmem>>, %arg8: memref<512xi32, #tpu.memory_space<vmem>>, %arg9: memref<20x64x64xf32, #tpu.memory_space<vmem>>, %arg10: memref<64x64xf32, #tpu.memory_space<vmem>>, %arg11: memref<64x16xf32, #tpu.memory_space<vmem>>, %arg12: memref<512xf32, #tpu.memory_space<vmem>>, %arg13: memref<!tpu.dma_semaphore, #tpu.memory_space<semaphore_mem>>) attributes {dimension_semantics = [#tpu.dimension_semantics<core_parallel>, #tpu.dimension_semantics<subcore_parallel>], iteration_bounds = array<i64: 2, 16>, scalar_prefetch = 0 : i64, scratch_operands = 7 : i64, tpu.core_type = #tpu.core_type<sc_vector_subcore>, window_params = [{transform_indices = #map}, {transform_indices = #map1}, {transform_indices = #map1}, {transform_indices = #map1}, {transform_indices = #map}]} {
    %mul3A = arith.constant 2 : i32
    %mul3A_0 = arith.muli %arg1, %mul3A : i32
    %add3A = arith.addi %mul3A_0, %arg0 : i32
    %mul3A_1 = arith.constant 512 : i32
    %mul3A_2 = arith.muli %add3A, %mul3A_1 : i32
    "tpu.region"() ({
      %run_scoped3A_47 = tpu.sem_alloc : memref<!tpu.dma_semaphore, #tpu.memory_space<semaphore_mem>>
      %dma_start3A = tpu.memref_slice %arg2[%mul3A_2] : memref<16384xi32, #tpu.memory_space<hbm>> -> memref<512xi32, #tpu.memory_space<hbm>>
      %dma_start3A_48 = tpu.memref_slice %arg2[%mul3A_2] : memref<16384xi32, #tpu.memory_space<hbm>> -> memref<512xi32, #tpu.memory_space<hbm>>
      tpu.enqueue_dma source(%dma_start3A_48 : memref<512xi32, #tpu.memory_space<hbm>>) target(%arg8 : memref<512xi32, #tpu.memory_space<vmem>>) target_semaphore(%run_scoped3A_47 : memref<!tpu.dma_semaphore, #tpu.memory_space<semaphore_mem>>)
      %dma_wait3A = tpu.memref_slice %arg2[%mul3A_2] : memref<16384xi32, #tpu.memory_space<hbm>> -> memref<512xi32, #tpu.memory_space<hbm>>
      %dma_wait3A_49 = tpu.memref_slice %arg2[%mul3A_2] : memref<16384xi32, #tpu.memory_space<hbm>> -> memref<512xi32, #tpu.memory_space<hbm>>
      tpu.wait_dma2 semaphore(%run_scoped3A_47 : memref<!tpu.dma_semaphore, #tpu.memory_space<semaphore_mem>>) src(%dma_wait3A_49 : memref<512xi32, #tpu.memory_space<hbm>>) dst(%arg8 : memref<512xi32, #tpu.memory_space<vmem>>)
      tpu.yield
    }) : () -> ()
    %run_scoped3A = arith.constant 0 : i32
    %run_scoped3A_3 = arith.constant 0 : i32
    "tpu.region"() ({
      %run_scoped3A_47 = tpu.sem_alloc : memref<!tpu.dma_semaphore, #tpu.memory_space<semaphore_mem>>
      %dma_start3A = arith.constant 0 : i32
      %dma_start3A_48 = tpu.memref_slice %arg7[%run_scoped3A_3, %dma_start3A] : memref<20x512xi32, #tpu.memory_space<vmem>> -> memref<1x512xi32, #tpu.memory_space<vmem>>
      %dma_start3A_49 = tpu.memref_squeeze %dma_start3A_48 : memref<1x512xi32, #tpu.memory_space<vmem>> -> memref<512xi32, #tpu.memory_space<vmem>>
      %dma_start3A_50 = tpu.memref_slice %arg3[%run_scoped3A, %mul3A_2] : memref<20x16384xi32, #tpu.memory_space<hbm>> -> memref<1x512xi32, #tpu.memory_space<hbm>>
      %dma_start3A_51 = tpu.memref_squeeze %dma_start3A_50 : memref<1x512xi32, #tpu.memory_space<hbm>> -> memref<512xi32, #tpu.memory_space<hbm>>
      %dma_start3A_52 = arith.constant 0 : i32
      %dma_start3A_53 = tpu.memref_slice %arg7[%run_scoped3A_3, %dma_start3A_52] : memref<20x512xi32, #tpu.memory_space<vmem>> -> memref<1x512xi32, #tpu.memory_space<vmem>>
      %dma_start3A_54 = tpu.memref_squeeze %dma_start3A_53 : memref<1x512xi32, #tpu.memory_space<vmem>> -> memref<512xi32, #tpu.memory_space<vmem>>
      %dma_start3A_55 = tpu.memref_slice %arg3[%run_scoped3A, %mul3A_2] : memref<20x16384xi32, #tpu.memory_space<hbm>> -> memref<1x512xi32, #tpu.memory_space<hbm>>
      %dma_start3A_56 = tpu.memref_squeeze %dma_start3A_55 : memref<1x512xi32, #tpu.memory_space<hbm>> -> memref<512xi32, #tpu.memory_space<hbm>>
      tpu.enqueue_dma source(%dma_start3A_56 : memref<512xi32, #tpu.memory_space<hbm>>) target(%dma_start3A_54 : memref<512xi32, #tpu.memory_space<vmem>>) target_semaphore(%run_scoped3A_47 : memref<!tpu.dma_semaphore, #tpu.memory_space<semaphore_mem>>)
      %dma_wait3A = arith.constant 0 : i32
      %dma_wait3A_57 = tpu.memref_slice %arg7[%run_scoped3A_3, %dma_wait3A] : memref<20x512xi32, #tpu.memory_space<vmem>> -> memref<1x512xi32, #tpu.memory_space<vmem>>
      %dma_wait3A_58 = tpu.memref_squeeze %dma_wait3A_57 : memref<1x512xi32, #tpu.memory_space<vmem>> -> memref<512xi32, #tpu.memory_space<vmem>>
      %dma_wait3A_59 = tpu.memref_slice %arg3[%run_scoped3A, %mul3A_2] : memref<20x16384xi32, #tpu.memory_space<hbm>> -> memref<1x512xi32, #tpu.memory_space<hbm>>
      %dma_wait3A_60 = tpu.memref_squeeze %dma_wait3A_59 : memref<1x512xi32, #tpu.memory_space<hbm>> -> memref<512xi32, #tpu.memory_space<hbm>>
      %dma_wait3A_61 = arith.constant 0 : i32
      %dma_wait3A_62 = tpu.memref_slice %arg7[%run_scoped3A_3, %dma_wait3A_61] : memref<20x512xi32, #tpu.memory_space<vmem>> -> memref<1x512xi32, #tpu.memory_space<vmem>>
      %dma_wait3A_63 = tpu.memref_squeeze %dma_wait3A_62 : memref<1x512xi32, #tpu.memory_space<vmem>> -> memref<512xi32, #tpu.memory_space<vmem>>
      %dma_wait3A_64 = tpu.memref_slice %arg3[%run_scoped3A, %mul3A_2] : memref<20x16384xi32, #tpu.memory_space<hbm>> -> memref<1x512xi32, #tpu.memory_space<hbm>>
      %dma_wait3A_65 = tpu.memref_squeeze %dma_wait3A_64 : memref<1x512xi32, #tpu.memory_space<hbm>> -> memref<512xi32, #tpu.memory_space<hbm>>
      tpu.wait_dma2 semaphore(%run_scoped3A_47 : memref<!tpu.dma_semaphore, #tpu.memory_space<semaphore_mem>>) src(%dma_wait3A_65 : memref<512xi32, #tpu.memory_space<hbm>>) dst(%dma_wait3A_63 : memref<512xi32, #tpu.memory_space<vmem>>)
      tpu.yield
    }) : () -> ()
    %run_scoped3A_4 = arith.constant 1 : i32
    %run_scoped3A_5 = arith.constant 1 : i32
    "tpu.region"() ({
      %run_scoped3A_47 = tpu.sem_alloc : memref<!tpu.dma_semaphore, #tpu.memory_space<semaphore_mem>>
      %dma_start3A = arith.constant 0 : i32
      %dma_start3A_48 = tpu.memref_slice %arg7[%run_scoped3A_5, %dma_start3A] : memref<20x512xi32, #tpu.memory_space<vmem>> -> memref<1x512xi32, #tpu.memory_space<vmem>>
      %dma_start3A_49 = tpu.memref_squeeze %dma_start3A_48 : memref<1x512xi32, #tpu.memory_space<vmem>> -> memref<512xi32, #tpu.memory_space<vmem>>
      %dma_start3A_50 = tpu.memref_slice %arg3[%run_scoped3A_4, %mul3A_2] : memref<20x16384xi32, #tpu.memory_space<hbm>> -> memref<1x512xi32, #tpu.memory_space<hbm>>
      %dma_start3A_51 = tpu.memref_squeeze %dma_start3A_50 : memref<1x512xi32, #tpu.memory_space<hbm>> -> memref<512xi32, #tpu.memory_space<hbm>>
      %dma_start3A_52 = arith.constant 0 : i32
      %dma_start3A_53 = tpu.memref_slice %arg7[%run_scoped3A_5, %dma_start3A_52] : memref<20x512xi32, #tpu.memory_space<vmem>> -> memref<1x512xi32, #tpu.memory_space<vmem>>
      %dma_start3A_54 = tpu.memref_squeeze %dma_start3A_53 : memref<1x512xi32, #tpu.memory_space<vmem>> -> memref<512xi32, #tpu.memory_space<vmem>>
      %dma_start3A_55 = tpu.memref_slice %arg3[%run_scoped3A_4, %mul3A_2] : memref<20x16384xi32, #tpu.memory_space<hbm>> -> memref<1x512xi32, #tpu.memory_space<hbm>>
      %dma_start3A_56 = tpu.memref_squeeze %dma_start3A_55 : memref<1x512xi32, #tpu.memory_space<hbm>> -> memref<512xi32, #tpu.memory_space<hbm>>
      tpu.enqueue_dma source(%dma_start3A_56 : memref<512xi32, #tpu.memory_space<hbm>>) target(%dma_start3A_54 : memref<512xi32, #tpu.memory_space<vmem>>) target_semaphore(%run_scoped3A_47 : memref<!tpu.dma_semaphore, #tpu.memory_space<semaphore_mem>>)
      %dma_wait3A = arith.constant 0 : i32
      %dma_wait3A_57 = tpu.memref_slice %arg7[%run_scoped3A_5, %dma_wait3A] : memref<20x512xi32, #tpu.memory_space<vmem>> -> memref<1x512xi32, #tpu.memory_space<vmem>>
      %dma_wait3A_58 = tpu.memref_squeeze %dma_wait3A_57 : memref<1x512xi32, #tpu.memory_space<vmem>> -> memref<512xi32, #tpu.memory_space<vmem>>
      %dma_wait3A_59 = tpu.memref_slice %arg3[%run_scoped3A_4, %mul3A_2] : memref<20x16384xi32, #tpu.memory_space<hbm>> -> memref<1x512xi32, #tpu.memory_space<hbm>>
      %dma_wait3A_60 = tpu.memref_squeeze %dma_wait3A_59 : memref<1x512xi32, #tpu.memory_space<hbm>> -> memref<512xi32, #tpu.memory_space<hbm>>
      %dma_wait3A_61 = arith.constant 0 : i32
      %dma_wait3A_62 = tpu.memref_slice %arg7[%run_scoped3A_5, %dma_wait3A_61] : memref<20x512xi32, #tpu.memory_space<vmem>> -> memref<1x512xi32, #tpu.memory_space<vmem>>
      %dma_wait3A_63 = tpu.memref_squeeze %dma_wait3A_62 : memref<1x512xi32, #tpu.memory_space<vmem>> -> memref<512xi32, #tpu.memory_space<vmem>>
      %dma_wait3A_64 = tpu.memref_slice %arg3[%run_scoped3A_4, %mul3A_2] : memref<20x16384xi32, #tpu.memory_space<hbm>> -> memref<1x512xi32, #tpu.memory_space<hbm>>
      %dma_wait3A_65 = tpu.memref_squeeze %dma_wait3A_64 : memref<1x512xi32, #tpu.memory_space<hbm>> -> memref<512xi32, #tpu.memory_space<hbm>>
      tpu.wait_dma2 semaphore(%run_scoped3A_47 : memref<!tpu.dma_semaphore, #tpu.memory_space<semaphore_mem>>) src(%dma_wait3A_65 : memref<512xi32, #tpu.memory_space<hbm>>) dst(%dma_wait3A_63 : memref<512xi32, #tpu.memory_space<vmem>>)
      tpu.yield
    }) : () -> ()
    %run_scoped3A_6 = arith.constant 2 : i32
    %run_scoped3A_7 = arith.constant 2 : i32
    "tpu.region"() ({
      %run_scoped3A_47 = tpu.sem_alloc : memref<!tpu.dma_semaphore, #tpu.memory_space<semaphore_mem>>
      %dma_start3A = arith.constant 0 : i32
      %dma_start3A_48 = tpu.memref_slice %arg7[%run_scoped3A_7, %dma_start3A] : memref<20x512xi32, #tpu.memory_space<vmem>> -> memref<1x512xi32, #tpu.memory_space<vmem>>
      %dma_start3A_49 = tpu.memref_squeeze %dma_start3A_48 : memref<1x512xi32, #tpu.memory_space<vmem>> -> memref<512xi32, #tpu.memory_space<vmem>>
      %dma_start3A_50 = tpu.memref_slice %arg3[%run_scoped3A_6, %mul3A_2] : memref<20x16384xi32, #tpu.memory_space<hbm>> -> memref<1x512xi32, #tpu.memory_space<hbm>>
      %dma_start3A_51 = tpu.memref_squeeze %dma_start3A_50 : memref<1x512xi32, #tpu.memory_space<hbm>> -> memref<512xi32, #tpu.memory_space<hbm>>
      %dma_start3A_52 = arith.constant 0 : i32
      %dma_start3A_53 = tpu.memref_slice %arg7[%run_scoped3A_7, %dma_start3A_52] : memref<20x512xi32, #tpu.memory_space<vmem>> -> memref<1x512xi32, #tpu.memory_space<vmem>>
      %dma_start3A_54 = tpu.memref_squeeze %dma_start3A_53 : memref<1x512xi32, #tpu.memory_space<vmem>> -> memref<512xi32, #tpu.memory_space<vmem>>
      %dma_start3A_55 = tpu.memref_slice %arg3[%run_scoped3A_6, %mul3A_2] : memref<20x16384xi32, #tpu.memory_space<hbm>> -> memref<1x512xi32, #tpu.memory_space<hbm>>
      %dma_start3A_56 = tpu.memref_squeeze %dma_start3A_55 : memref<1x512xi32, #tpu.memory_space<hbm>> -> memref<512xi32, #tpu.memory_space<hbm>>
      tpu.enqueue_dma source(%dma_start3A_56 : memref<512xi32, #tpu.memory_space<hbm>>) target(%dma_start3A_54 : memref<512xi32, #tpu.memory_space<vmem>>) target_semaphore(%run_scoped3A_47 : memref<!tpu.dma_semaphore, #tpu.memory_space<semaphore_mem>>)
      %dma_wait3A = arith.constant 0 : i32
      %dma_wait3A_57 = tpu.memref_slice %arg7[%run_scoped3A_7, %dma_wait3A] : memref<20x512xi32, #tpu.memory_space<vmem>> -> memref<1x512xi32, #tpu.memory_space<vmem>>
      %dma_wait3A_58 = tpu.memref_squeeze %dma_wait3A_57 : memref<1x512xi32, #tpu.memory_space<vmem>> -> memref<512xi32, #tpu.memory_space<vmem>>
      %dma_wait3A_59 = tpu.memref_slice %arg3[%run_scoped3A_6, %mul3A_2] : memref<20x16384xi32, #tpu.memory_space<hbm>> -> memref<1x512xi32, #tpu.memory_space<hbm>>
      %dma_wait3A_60 = tpu.memref_squeeze %dma_wait3A_59 : memref<1x512xi32, #tpu.memory_space<hbm>> -> memref<512xi32, #tpu.memory_space<hbm>>
      %dma_wait3A_61 = arith.constant 0 : i32
      %dma_wait3A_62 = tpu.memref_slice %arg7[%run_scoped3A_7, %dma_wait3A_61] : memref<20x512xi32, #tpu.memory_space<vmem>> -> memref<1x512xi32, #tpu.memory_space<vmem>>
      %dma_wait3A_63 = tpu.memref_squeeze %dma_wait3A_62 : memref<1x512xi32, #tpu.memory_space<vmem>> -> memref<512xi32, #tpu.memory_space<vmem>>
      %dma_wait3A_64 = tpu.memref_slice %arg3[%run_scoped3A_6, %mul3A_2] : memref<20x16384xi32, #tpu.memory_space<hbm>> -> memref<1x512xi32, #tpu.memory_space<hbm>>
      %dma_wait3A_65 = tpu.memref_squeeze %dma_wait3A_64 : memref<1x512xi32, #tpu.memory_space<hbm>> -> memref<512xi32, #tpu.memory_space<hbm>>
      tpu.wait_dma2 semaphore(%run_scoped3A_47 : memref<!tpu.dma_semaphore, #tpu.memory_space<semaphore_mem>>) src(%dma_wait3A_65 : memref<512xi32, #tpu.memory_space<hbm>>) dst(%dma_wait3A_63 : memref<512xi32, #tpu.memory_space<vmem>>)
      tpu.yield
    }) : () -> ()
    %run_scoped3A_8 = arith.constant 3 : i32
    %run_scoped3A_9 = arith.constant 3 : i32
    "tpu.region"() ({
      %run_scoped3A_47 = tpu.sem_alloc : memref<!tpu.dma_semaphore, #tpu.memory_space<semaphore_mem>>
      %dma_start3A = arith.constant 0 : i32
      %dma_start3A_48 = tpu.memref_slice %arg7[%run_scoped3A_9, %dma_start3A] : memref<20x512xi32, #tpu.memory_space<vmem>> -> memref<1x512xi32, #tpu.memory_space<vmem>>
      %dma_start3A_49 = tpu.memref_squeeze %dma_start3A_48 : memref<1x512xi32, #tpu.memory_space<vmem>> -> memref<512xi32, #tpu.memory_space<vmem>>
      %dma_start3A_50 = tpu.memref_slice %arg3[%run_scoped3A_8, %mul3A_2] : memref<20x16384xi32, #tpu.memory_space<hbm>> -> memref<1x512xi32, #tpu.memory_space<hbm>>
      %dma_start3A_51 = tpu.memref_squeeze %dma_start3A_50 : memref<1x512xi32, #tpu.memory_space<hbm>> -> memref<512xi32, #tpu.memory_space<hbm>>
      %dma_start3A_52 = arith.constant 0 : i32
      %dma_start3A_53 = tpu.memref_slice %arg7[%run_scoped3A_9, %dma_start3A_52] : memref<20x512xi32, #tpu.memory_space<vmem>> -> memref<1x512xi32, #tpu.memory_space<vmem>>
      %dma_start3A_54 = tpu.memref_squeeze %dma_start3A_53 : memref<1x512xi32, #tpu.memory_space<vmem>> -> memref<512xi32, #tpu.memory_space<vmem>>
      %dma_start3A_55 = tpu.memref_slice %arg3[%run_scoped3A_8, %mul3A_2] : memref<20x16384xi32, #tpu.memory_space<hbm>> -> memref<1x512xi32, #tpu.memory_space<hbm>>
      %dma_start3A_56 = tpu.memref_squeeze %dma_start3A_55 : memref<1x512xi32, #tpu.memory_space<hbm>> -> memref<512xi32, #tpu.memory_space<hbm>>
      tpu.enqueue_dma source(%dma_start3A_56 : memref<512xi32, #tpu.memory_space<hbm>>) target(%dma_start3A_54 : memref<512xi32, #tpu.memory_space<vmem>>) target_semaphore(%run_scoped3A_47 : memref<!tpu.dma_semaphore, #tpu.memory_space<semaphore_mem>>)
      %dma_wait3A = arith.constant 0 : i32
      %dma_wait3A_57 = tpu.memref_slice %arg7[%run_scoped3A_9, %dma_wait3A] : memref<20x512xi32, #tpu.memory_space<vmem>> -> memref<1x512xi32, #tpu.memory_space<vmem>>
      %dma_wait3A_58 = tpu.memref_squeeze %dma_wait3A_57 : memref<1x512xi32, #tpu.memory_space<vmem>> -> memref<512xi32, #tpu.memory_space<vmem>>
      %dma_wait3A_59 = tpu.memref_slice %arg3[%run_scoped3A_8, %mul3A_2] : memref<20x16384xi32, #tpu.memory_space<hbm>> -> memref<1x512xi32, #tpu.memory_space<hbm>>
      %dma_wait3A_60 = tpu.memref_squeeze %dma_wait3A_59 : memref<1x512xi32, #tpu.memory_space<hbm>> -> memref<512xi32, #tpu.memory_space<hbm>>
      %dma_wait3A_61 = arith.constant 0 : i32
      %dma_wait3A_62 = tpu.memref_slice %arg7[%run_scoped3A_9, %dma_wait3A_61] : memref<20x512xi32, #tpu.memory_space<vmem>> -> memref<1x512xi32, #tpu.memory_space<vmem>>
      %dma_wait3A_63 = tpu.memref_squeeze %dma_wait3A_62 : memref<1x512xi32, #tpu.memory_space<vmem>> -> memref<512xi32, #tpu.memory_space<vmem>>
      %dma_wait3A_64 = tpu.memref_slice %arg3[%run_scoped3A_8, %mul3A_2] : memref<20x16384xi32, #tpu.memory_space<hbm>> -> memref<1x512xi32, #tpu.memory_space<hbm>>
      %dma_wait3A_65 = tpu.memref_squeeze %dma_wait3A_64 : memref<1x512xi32, #tpu.memory_space<hbm>> -> memref<512xi32, #tpu.memory_space<hbm>>
      tpu.wait_dma2 semaphore(%run_scoped3A_47 : memref<!tpu.dma_semaphore, #tpu.memory_space<semaphore_mem>>) src(%dma_wait3A_65 : memref<512xi32, #tpu.memory_space<hbm>>) dst(%dma_wait3A_63 : memref<512xi32, #tpu.memory_space<vmem>>)
      tpu.yield
    }) : () -> ()
    %run_scoped3A_10 = arith.constant 4 : i32
    %run_scoped3A_11 = arith.constant 4 : i32
    "tpu.region"() ({
      %run_scoped3A_47 = tpu.sem_alloc : memref<!tpu.dma_semaphore, #tpu.memory_space<semaphore_mem>>
      %dma_start3A = arith.constant 0 : i32
      %dma_start3A_48 = tpu.memref_slice %arg7[%run_scoped3A_11, %dma_start3A] : memref<20x512xi32, #tpu.memory_space<vmem>> -> memref<1x512xi32, #tpu.memory_space<vmem>>
      %dma_start3A_49 = tpu.memref_squeeze %dma_start3A_48 : memref<1x512xi32, #tpu.memory_space<vmem>> -> memref<512xi32, #tpu.memory_space<vmem>>
      %dma_start3A_50 = tpu.memref_slice %arg3[%run_scoped3A_10, %mul3A_2] : memref<20x16384xi32, #tpu.memory_space<hbm>> -> memref<1x512xi32, #tpu.memory_space<hbm>>
      %dma_start3A_51 = tpu.memref_squeeze %dma_start3A_50 : memref<1x512xi32, #tpu.memory_space<hbm>> -> memref<512xi32, #tpu.memory_space<hbm>>
      %dma_start3A_52 = arith.constant 0 : i32
      %dma_start3A_53 = tpu.memref_slice %arg7[%run_scoped3A_11, %dma_start3A_52] : memref<20x512xi32, #tpu.memory_space<vmem>> -> memref<1x512xi32, #tpu.memory_space<vmem>>
      %dma_start3A_54 = tpu.memref_squeeze %dma_start3A_53 : memref<1x512xi32, #tpu.memory_space<vmem>> -> memref<512xi32, #tpu.memory_space<vmem>>
      %dma_start3A_55 = tpu.memref_slice %arg3[%run_scoped3A_10, %mul3A_2] : memref<20x16384xi32, #tpu.memory_space<hbm>> -> memref<1x512xi32, #tpu.memory_space<hbm>>
      %dma_start3A_56 = tpu.memref_squeeze %dma_start3A_55 : memref<1x512xi32, #tpu.memory_space<hbm>> -> memref<512xi32, #tpu.memory_space<hbm>>
      tpu.enqueue_dma source(%dma_start3A_56 : memref<512xi32, #tpu.memory_space<hbm>>) target(%dma_start3A_54 : memref<512xi32, #tpu.memory_space<vmem>>) target_semaphore(%run_scoped3A_47 : memref<!tpu.dma_semaphore, #tpu.memory_space<semaphore_mem>>)
      %dma_wait3A = arith.constant 0 : i32
      %dma_wait3A_57 = tpu.memref_slice %arg7[%run_scoped3A_11, %dma_wait3A] : memref<20x512xi32, #tpu.memory_space<vmem>> -> memref<1x512xi32, #tpu.memory_space<vmem>>
      %dma_wait3A_58 = tpu.memref_squeeze %dma_wait3A_57 : memref<1x512xi32, #tpu.memory_space<vmem>> -> memref<512xi32, #tpu.memory_space<vmem>>
      %dma_wait3A_59 = tpu.memref_slice %arg3[%run_scoped3A_10, %mul3A_2] : memref<20x16384xi32, #tpu.memory_space<hbm>> -> memref<1x512xi32, #tpu.memory_space<hbm>>
      %dma_wait3A_60 = tpu.memref_squeeze %dma_wait3A_59 : memref<1x512xi32, #tpu.memory_space<hbm>> -> memref<512xi32, #tpu.memory_space<hbm>>
      %dma_wait3A_61 = arith.constant 0 : i32
      %dma_wait3A_62 = tpu.memref_slice %arg7[%run_scoped3A_11, %dma_wait3A_61] : memref<20x512xi32, #tpu.memory_space<vmem>> -> memref<1x512xi32, #tpu.memory_space<vmem>>
      %dma_wait3A_63 = tpu.memref_squeeze %dma_wait3A_62 : memref<1x512xi32, #tpu.memory_space<vmem>> -> memref<512xi32, #tpu.memory_space<vmem>>
      %dma_wait3A_64 = tpu.memref_slice %arg3[%run_scoped3A_10, %mul3A_2] : memref<20x16384xi32, #tpu.memory_space<hbm>> -> memref<1x512xi32, #tpu.memory_space<hbm>>
      %dma_wait3A_65 = tpu.memref_squeeze %dma_wait3A_64 : memref<1x512xi32, #tpu.memory_space<hbm>> -> memref<512xi32, #tpu.memory_space<hbm>>
      tpu.wait_dma2 semaphore(%run_scoped3A_47 : memref<!tpu.dma_semaphore, #tpu.memory_space<semaphore_mem>>) src(%dma_wait3A_65 : memref<512xi32, #tpu.memory_space<hbm>>) dst(%dma_wait3A_63 : memref<512xi32, #tpu.memory_space<vmem>>)
      tpu.yield
    }) : () -> ()
    %run_scoped3A_12 = arith.constant 5 : i32
    %run_scoped3A_13 = arith.constant 5 : i32
    "tpu.region"() ({
      %run_scoped3A_47 = tpu.sem_alloc : memref<!tpu.dma_semaphore, #tpu.memory_space<semaphore_mem>>
      %dma_start3A = arith.constant 0 : i32
      %dma_start3A_48 = tpu.memref_slice %arg7[%run_scoped3A_13, %dma_start3A] : memref<20x512xi32, #tpu.memory_space<vmem>> -> memref<1x512xi32, #tpu.memory_space<vmem>>
      %dma_start3A_49 = tpu.memref_squeeze %dma_start3A_48 : memref<1x512xi32, #tpu.memory_space<vmem>> -> memref<512xi32, #tpu.memory_space<vmem>>
      %dma_start3A_50 = tpu.memref_slice %arg3[%run_scoped3A_12, %mul3A_2] : memref<20x16384xi32, #tpu.memory_space<hbm>> -> memref<1x512xi32, #tpu.memory_space<hbm>>
      %dma_start3A_51 = tpu.memref_squeeze %dma_start3A_50 : memref<1x512xi32, #tpu.memory_space<hbm>> -> memref<512xi32, #tpu.memory_space<hbm>>
      %dma_start3A_52 = arith.constant 0 : i32
      %dma_start3A_53 = tpu.memref_slice %arg7[%run_scoped3A_13, %dma_start3A_52] : memref<20x512xi32, #tpu.memory_space<vmem>> -> memref<1x512xi32, #tpu.memory_space<vmem>>
      %dma_start3A_54 = tpu.memref_squeeze %dma_start3A_53 : memref<1x512xi32, #tpu.memory_space<vmem>> -> memref<512xi32, #tpu.memory_space<vmem>>
      %dma_start3A_55 = tpu.memref_slice %arg3[%run_scoped3A_12, %mul3A_2] : memref<20x16384xi32, #tpu.memory_space<hbm>> -> memref<1x512xi32, #tpu.memory_space<hbm>>
      %dma_start3A_56 = tpu.memref_squeeze %dma_start3A_55 : memref<1x512xi32, #tpu.memory_space<hbm>> -> memref<512xi32, #tpu.memory_space<hbm>>
      tpu.enqueue_dma source(%dma_start3A_56 : memref<512xi32, #tpu.memory_space<hbm>>) target(%dma_start3A_54 : memref<512xi32, #tpu.memory_space<vmem>>) target_semaphore(%run_scoped3A_47 : memref<!tpu.dma_semaphore, #tpu.memory_space<semaphore_mem>>)
      %dma_wait3A = arith.constant 0 : i32
      %dma_wait3A_57 = tpu.memref_slice %arg7[%run_scoped3A_13, %dma_wait3A] : memref<20x512xi32, #tpu.memory_space<vmem>> -> memref<1x512xi32, #tpu.memory_space<vmem>>
      %dma_wait3A_58 = tpu.memref_squeeze %dma_wait3A_57 : memref<1x512xi32, #tpu.memory_space<vmem>> -> memref<512xi32, #tpu.memory_space<vmem>>
      %dma_wait3A_59 = tpu.memref_slice %arg3[%run_scoped3A_12, %mul3A_2] : memref<20x16384xi32, #tpu.memory_space<hbm>> -> memref<1x512xi32, #tpu.memory_space<hbm>>
      %dma_wait3A_60 = tpu.memref_squeeze %dma_wait3A_59 : memref<1x512xi32, #tpu.memory_space<hbm>> -> memref<512xi32, #tpu.memory_space<hbm>>
      %dma_wait3A_61 = arith.constant 0 : i32
      %dma_wait3A_62 = tpu.memref_slice %arg7[%run_scoped3A_13, %dma_wait3A_61] : memref<20x512xi32, #tpu.memory_space<vmem>> -> memref<1x512xi32, #tpu.memory_space<vmem>>
      %dma_wait3A_63 = tpu.memref_squeeze %dma_wait3A_62 : memref<1x512xi32, #tpu.memory_space<vmem>> -> memref<512xi32, #tpu.memory_space<vmem>>
      %dma_wait3A_64 = tpu.memref_slice %arg3[%run_scoped3A_12, %mul3A_2] : memref<20x16384xi32, #tpu.memory_space<hbm>> -> memref<1x512xi32, #tpu.memory_space<hbm>>
      %dma_wait3A_65 = tpu.memref_squeeze %dma_wait3A_64 : memref<1x512xi32, #tpu.memory_space<hbm>> -> memref<512xi32, #tpu.memory_space<hbm>>
      tpu.wait_dma2 semaphore(%run_scoped3A_47 : memref<!tpu.dma_semaphore, #tpu.memory_space<semaphore_mem>>) src(%dma_wait3A_65 : memref<512xi32, #tpu.memory_space<hbm>>) dst(%dma_wait3A_63 : memref<512xi32, #tpu.memory_space<vmem>>)
      tpu.yield
    }) : () -> ()
    %run_scoped3A_14 = arith.constant 6 : i32
    %run_scoped3A_15 = arith.constant 6 : i32
    "tpu.region"() ({
      %run_scoped3A_47 = tpu.sem_alloc : memref<!tpu.dma_semaphore, #tpu.memory_space<semaphore_mem>>
      %dma_start3A = arith.constant 0 : i32
      %dma_start3A_48 = tpu.memref_slice %arg7[%run_scoped3A_15, %dma_start3A] : memref<20x512xi32, #tpu.memory_space<vmem>> -> memref<1x512xi32, #tpu.memory_space<vmem>>
      %dma_start3A_49 = tpu.memref_squeeze %dma_start3A_48 : memref<1x512xi32, #tpu.memory_space<vmem>> -> memref<512xi32, #tpu.memory_space<vmem>>
      %dma_start3A_50 = tpu.memref_slice %arg3[%run_scoped3A_14, %mul3A_2] : memref<20x16384xi32, #tpu.memory_space<hbm>> -> memref<1x512xi32, #tpu.memory_space<hbm>>
      %dma_start3A_51 = tpu.memref_squeeze %dma_start3A_50 : memref<1x512xi32, #tpu.memory_space<hbm>> -> memref<512xi32, #tpu.memory_space<hbm>>
      %dma_start3A_52 = arith.constant 0 : i32
      %dma_start3A_53 = tpu.memref_slice %arg7[%run_scoped3A_15, %dma_start3A_52] : memref<20x512xi32, #tpu.memory_space<vmem>> -> memref<1x512xi32, #tpu.memory_space<vmem>>
      %dma_start3A_54 = tpu.memref_squeeze %dma_start3A_53 : memref<1x512xi32, #tpu.memory_space<vmem>> -> memref<512xi32, #tpu.memory_space<vmem>>
      %dma_start3A_55 = tpu.memref_slice %arg3[%run_scoped3A_14, %mul3A_2] : memref<20x16384xi32, #tpu.memory_space<hbm>> -> memref<1x512xi32, #tpu.memory_space<hbm>>
      %dma_start3A_56 = tpu.memref_squeeze %dma_start3A_55 : memref<1x512xi32, #tpu.memory_space<hbm>> -> memref<512xi32, #tpu.memory_space<hbm>>
      tpu.enqueue_dma source(%dma_start3A_56 : memref<512xi32, #tpu.memory_space<hbm>>) target(%dma_start3A_54 : memref<512xi32, #tpu.memory_space<vmem>>) target_semaphore(%run_scoped3A_47 : memref<!tpu.dma_semaphore, #tpu.memory_space<semaphore_mem>>)
      %dma_wait3A = arith.constant 0 : i32
      %dma_wait3A_57 = tpu.memref_slice %arg7[%run_scoped3A_15, %dma_wait3A] : memref<20x512xi32, #tpu.memory_space<vmem>> -> memref<1x512xi32, #tpu.memory_space<vmem>>
      %dma_wait3A_58 = tpu.memref_squeeze %dma_wait3A_57 : memref<1x512xi32, #tpu.memory_space<vmem>> -> memref<512xi32, #tpu.memory_space<vmem>>
      %dma_wait3A_59 = tpu.memref_slice %arg3[%run_scoped3A_14, %mul3A_2] : memref<20x16384xi32, #tpu.memory_space<hbm>> -> memref<1x512xi32, #tpu.memory_space<hbm>>
      %dma_wait3A_60 = tpu.memref_squeeze %dma_wait3A_59 : memref<1x512xi32, #tpu.memory_space<hbm>> -> memref<512xi32, #tpu.memory_space<hbm>>
      %dma_wait3A_61 = arith.constant 0 : i32
      %dma_wait3A_62 = tpu.memref_slice %arg7[%run_scoped3A_15, %dma_wait3A_61] : memref<20x512xi32, #tpu.memory_space<vmem>> -> memref<1x512xi32, #tpu.memory_space<vmem>>
      %dma_wait3A_63 = tpu.memref_squeeze %dma_wait3A_62 : memref<1x512xi32, #tpu.memory_space<vmem>> -> memref<512xi32, #tpu.memory_space<vmem>>
      %dma_wait3A_64 = tpu.memref_slice %arg3[%run_scoped3A_14, %mul3A_2] : memref<20x16384xi32, #tpu.memory_space<hbm>> -> memref<1x512xi32, #tpu.memory_space<hbm>>
      %dma_wait3A_65 = tpu.memref_squeeze %dma_wait3A_64 : memref<1x512xi32, #tpu.memory_space<hbm>> -> memref<512xi32, #tpu.memory_space<hbm>>
      tpu.wait_dma2 semaphore(%run_scoped3A_47 : memref<!tpu.dma_semaphore, #tpu.memory_space<semaphore_mem>>) src(%dma_wait3A_65 : memref<512xi32, #tpu.memory_space<hbm>>) dst(%dma_wait3A_63 : memref<512xi32, #tpu.memory_space<vmem>>)
      tpu.yield
    }) : () -> ()
    %run_scoped3A_16 = arith.constant 7 : i32
    %run_scoped3A_17 = arith.constant 7 : i32
    "tpu.region"() ({
      %run_scoped3A_47 = tpu.sem_alloc : memref<!tpu.dma_semaphore, #tpu.memory_space<semaphore_mem>>
      %dma_start3A = arith.constant 0 : i32
      %dma_start3A_48 = tpu.memref_slice %arg7[%run_scoped3A_17, %dma_start3A] : memref<20x512xi32, #tpu.memory_space<vmem>> -> memref<1x512xi32, #tpu.memory_space<vmem>>
      %dma_start3A_49 = tpu.memref_squeeze %dma_start3A_48 : memref<1x512xi32, #tpu.memory_space<vmem>> -> memref<512xi32, #tpu.memory_space<vmem>>
      %dma_start3A_50 = tpu.memref_slice %arg3[%run_scoped3A_16, %mul3A_2] : memref<20x16384xi32, #tpu.memory_space<hbm>> -> memref<1x512xi32, #tpu.memory_space<hbm>>
      %dma_start3A_51 = tpu.memref_squeeze %dma_start3A_50 : memref<1x512xi32, #tpu.memory_space<hbm>> -> memref<512xi32, #tpu.memory_space<hbm>>
      %dma_start3A_52 = arith.constant 0 : i32
      %dma_start3A_53 = tpu.memref_slice %arg7[%run_scoped3A_17, %dma_start3A_52] : memref<20x512xi32, #tpu.memory_space<vmem>> -> memref<1x512xi32, #tpu.memory_space<vmem>>
      %dma_start3A_54 = tpu.memref_squeeze %dma_start3A_53 : memref<1x512xi32, #tpu.memory_space<vmem>> -> memref<512xi32, #tpu.memory_space<vmem>>
      %dma_start3A_55 = tpu.memref_slice %arg3[%run_scoped3A_16, %mul3A_2] : memref<20x16384xi32, #tpu.memory_space<hbm>> -> memref<1x512xi32, #tpu.memory_space<hbm>>
      %dma_start3A_56 = tpu.memref_squeeze %dma_start3A_55 : memref<1x512xi32, #tpu.memory_space<hbm>> -> memref<512xi32, #tpu.memory_space<hbm>>
      tpu.enqueue_dma source(%dma_start3A_56 : memref<512xi32, #tpu.memory_space<hbm>>) target(%dma_start3A_54 : memref<512xi32, #tpu.memory_space<vmem>>) target_semaphore(%run_scoped3A_47 : memref<!tpu.dma_semaphore, #tpu.memory_space<semaphore_mem>>)
      %dma_wait3A = arith.constant 0 : i32
      %dma_wait3A_57 = tpu.memref_slice %arg7[%run_scoped3A_17, %dma_wait3A] : memref<20x512xi32, #tpu.memory_space<vmem>> -> memref<1x512xi32, #tpu.memory_space<vmem>>
      %dma_wait3A_58 = tpu.memref_squeeze %dma_wait3A_57 : memref<1x512xi32, #tpu.memory_space<vmem>> -> memref<512xi32, #tpu.memory_space<vmem>>
      %dma_wait3A_59 = tpu.memref_slice %arg3[%run_scoped3A_16, %mul3A_2] : memref<20x16384xi32, #tpu.memory_space<hbm>> -> memref<1x512xi32, #tpu.memory_space<hbm>>
      %dma_wait3A_60 = tpu.memref_squeeze %dma_wait3A_59 : memref<1x512xi32, #tpu.memory_space<hbm>> -> memref<512xi32, #tpu.memory_space<hbm>>
      %dma_wait3A_61 = arith.constant 0 : i32
      %dma_wait3A_62 = tpu.memref_slice %arg7[%run_scoped3A_17, %dma_wait3A_61] : memref<20x512xi32, #tpu.memory_space<vmem>> -> memref<1x512xi32, #tpu.memory_space<vmem>>
      %dma_wait3A_63 = tpu.memref_squeeze %dma_wait3A_62 : memref<1x512xi32, #tpu.memory_space<vmem>> -> memref<512xi32, #tpu.memory_space<vmem>>
      %dma_wait3A_64 = tpu.memref_slice %arg3[%run_scoped3A_16, %mul3A_2] : memref<20x16384xi32, #tpu.memory_space<hbm>> -> memref<1x512xi32, #tpu.memory_space<hbm>>
      %dma_wait3A_65 = tpu.memref_squeeze %dma_wait3A_64 : memref<1x512xi32, #tpu.memory_space<hbm>> -> memref<512xi32, #tpu.memory_space<hbm>>
      tpu.wait_dma2 semaphore(%run_scoped3A_47 : memref<!tpu.dma_semaphore, #tpu.memory_space<semaphore_mem>>) src(%dma_wait3A_65 : memref<512xi32, #tpu.memory_space<hbm>>) dst(%dma_wait3A_63 : memref<512xi32, #tpu.memory_space<vmem>>)
      tpu.yield
    }) : () -> ()
    %run_scoped3A_18 = arith.constant 8 : i32
    %run_scoped3A_19 = arith.constant 8 : i32
    "tpu.region"() ({
      %run_scoped3A_47 = tpu.sem_alloc : memref<!tpu.dma_semaphore, #tpu.memory_space<semaphore_mem>>
      %dma_start3A = arith.constant 0 : i32
      %dma_start3A_48 = tpu.memref_slice %arg7[%run_scoped3A_19, %dma_start3A] : memref<20x512xi32, #tpu.memory_space<vmem>> -> memref<1x512xi32, #tpu.memory_space<vmem>>
      %dma_start3A_49 = tpu.memref_squeeze %dma_start3A_48 : memref<1x512xi32, #tpu.memory_space<vmem>> -> memref<512xi32, #tpu.memory_space<vmem>>
      %dma_start3A_50 = tpu.memref_slice %arg3[%run_scoped3A_18, %mul3A_2] : memref<20x16384xi32, #tpu.memory_space<hbm>> -> memref<1x512xi32, #tpu.memory_space<hbm>>
      %dma_start3A_51 = tpu.memref_squeeze %dma_start3A_50 : memref<1x512xi32, #tpu.memory_space<hbm>> -> memref<512xi32, #tpu.memory_space<hbm>>
      %dma_start3A_52 = arith.constant 0 : i32
      %dma_start3A_53 = tpu.memref_slice %arg7[%run_scoped3A_19, %dma_start3A_52] : memref<20x512xi32, #tpu.memory_space<vmem>> -> memref<1x512xi32, #tpu.memory_space<vmem>>
      %dma_start3A_54 = tpu.memref_squeeze %dma_start3A_53 : memref<1x512xi32, #tpu.memory_space<vmem>> -> memref<512xi32, #tpu.memory_space<vmem>>
      %dma_start3A_55 = tpu.memref_slice %arg3[%run_scoped3A_18, %mul3A_2] : memref<20x16384xi32, #tpu.memory_space<hbm>> -> memref<1x512xi32, #tpu.memory_space<hbm>>
      %dma_start3A_56 = tpu.memref_squeeze %dma_start3A_55 : memref<1x512xi32, #tpu.memory_space<hbm>> -> memref<512xi32, #tpu.memory_space<hbm>>
      tpu.enqueue_dma source(%dma_start3A_56 : memref<512xi32, #tpu.memory_space<hbm>>) target(%dma_start3A_54 : memref<512xi32, #tpu.memory_space<vmem>>) target_semaphore(%run_scoped3A_47 : memref<!tpu.dma_semaphore, #tpu.memory_space<semaphore_mem>>)
      %dma_wait3A = arith.constant 0 : i32
      %dma_wait3A_57 = tpu.memref_slice %arg7[%run_scoped3A_19, %dma_wait3A] : memref<20x512xi32, #tpu.memory_space<vmem>> -> memref<1x512xi32, #tpu.memory_space<vmem>>
      %dma_wait3A_58 = tpu.memref_squeeze %dma_wait3A_57 : memref<1x512xi32, #tpu.memory_space<vmem>> -> memref<512xi32, #tpu.memory_space<vmem>>
      %dma_wait3A_59 = tpu.memref_slice %arg3[%run_scoped3A_18, %mul3A_2] : memref<20x16384xi32, #tpu.memory_space<hbm>> -> memref<1x512xi32, #tpu.memory_space<hbm>>
      %dma_wait3A_60 = tpu.memref_squeeze %dma_wait3A_59 : memref<1x512xi32, #tpu.memory_space<hbm>> -> memref<512xi32, #tpu.memory_space<hbm>>
      %dma_wait3A_61 = arith.constant 0 : i32
      %dma_wait3A_62 = tpu.memref_slice %arg7[%run_scoped3A_19, %dma_wait3A_61] : memref<20x512xi32, #tpu.memory_space<vmem>> -> memref<1x512xi32, #tpu.memory_space<vmem>>
      %dma_wait3A_63 = tpu.memref_squeeze %dma_wait3A_62 : memref<1x512xi32, #tpu.memory_space<vmem>> -> memref<512xi32, #tpu.memory_space<vmem>>
      %dma_wait3A_64 = tpu.memref_slice %arg3[%run_scoped3A_18, %mul3A_2] : memref<20x16384xi32, #tpu.memory_space<hbm>> -> memref<1x512xi32, #tpu.memory_space<hbm>>
      %dma_wait3A_65 = tpu.memref_squeeze %dma_wait3A_64 : memref<1x512xi32, #tpu.memory_space<hbm>> -> memref<512xi32, #tpu.memory_space<hbm>>
      tpu.wait_dma2 semaphore(%run_scoped3A_47 : memref<!tpu.dma_semaphore, #tpu.memory_space<semaphore_mem>>) src(%dma_wait3A_65 : memref<512xi32, #tpu.memory_space<hbm>>) dst(%dma_wait3A_63 : memref<512xi32, #tpu.memory_space<vmem>>)
      tpu.yield
    }) : () -> ()
    %run_scoped3A_20 = arith.constant 9 : i32
    %run_scoped3A_21 = arith.constant 9 : i32
    "tpu.region"() ({
      %run_scoped3A_47 = tpu.sem_alloc : memref<!tpu.dma_semaphore, #tpu.memory_space<semaphore_mem>>
      %dma_start3A = arith.constant 0 : i32
      %dma_start3A_48 = tpu.memref_slice %arg7[%run_scoped3A_21, %dma_start3A] : memref<20x512xi32, #tpu.memory_space<vmem>> -> memref<1x512xi32, #tpu.memory_space<vmem>>
      %dma_start3A_49 = tpu.memref_squeeze %dma_start3A_48 : memref<1x512xi32, #tpu.memory_space<vmem>> -> memref<512xi32, #tpu.memory_space<vmem>>
      %dma_start3A_50 = tpu.memref_slice %arg3[%run_scoped3A_20, %mul3A_2] : memref<20x16384xi32, #tpu.memory_space<hbm>> -> memref<1x512xi32, #tpu.memory_space<hbm>>
      %dma_start3A_51 = tpu.memref_squeeze %dma_start3A_50 : memref<1x512xi32, #tpu.memory_space<hbm>> -> memref<512xi32, #tpu.memory_space<hbm>>
      %dma_start3A_52 = arith.constant 0 : i32
      %dma_start3A_53 = tpu.memref_slice %arg7[%run_scoped3A_21, %dma_start3A_52] : memref<20x512xi32, #tpu.memory_space<vmem>> -> memref<1x512xi32, #tpu.memory_space<vmem>>
      %dma_start3A_54 = tpu.memref_squeeze %dma_start3A_53 : memref<1x512xi32, #tpu.memory_space<vmem>> -> memref<512xi32, #tpu.memory_space<vmem>>
      %dma_start3A_55 = tpu.memref_slice %arg3[%run_scoped3A_20, %mul3A_2] : memref<20x16384xi32, #tpu.memory_space<hbm>> -> memref<1x512xi32, #tpu.memory_space<hbm>>
      %dma_start3A_56 = tpu.memref_squeeze %dma_start3A_55 : memref<1x512xi32, #tpu.memory_space<hbm>> -> memref<512xi32, #tpu.memory_space<hbm>>
      tpu.enqueue_dma source(%dma_start3A_56 : memref<512xi32, #tpu.memory_space<hbm>>) target(%dma_start3A_54 : memref<512xi32, #tpu.memory_space<vmem>>) target_semaphore(%run_scoped3A_47 : memref<!tpu.dma_semaphore, #tpu.memory_space<semaphore_mem>>)
      %dma_wait3A = arith.constant 0 : i32
      %dma_wait3A_57 = tpu.memref_slice %arg7[%run_scoped3A_21, %dma_wait3A] : memref<20x512xi32, #tpu.memory_space<vmem>> -> memref<1x512xi32, #tpu.memory_space<vmem>>
      %dma_wait3A_58 = tpu.memref_squeeze %dma_wait3A_57 : memref<1x512xi32, #tpu.memory_space<vmem>> -> memref<512xi32, #tpu.memory_space<vmem>>
      %dma_wait3A_59 = tpu.memref_slice %arg3[%run_scoped3A_20, %mul3A_2] : memref<20x16384xi32, #tpu.memory_space<hbm>> -> memref<1x512xi32, #tpu.memory_space<hbm>>
      %dma_wait3A_60 = tpu.memref_squeeze %dma_wait3A_59 : memref<1x512xi32, #tpu.memory_space<hbm>> -> memref<512xi32, #tpu.memory_space<hbm>>
      %dma_wait3A_61 = arith.constant 0 : i32
      %dma_wait3A_62 = tpu.memref_slice %arg7[%run_scoped3A_21, %dma_wait3A_61] : memref<20x512xi32, #tpu.memory_space<vmem>> -> memref<1x512xi32, #tpu.memory_space<vmem>>
      %dma_wait3A_63 = tpu.memref_squeeze %dma_wait3A_62 : memref<1x512xi32, #tpu.memory_space<vmem>> -> memref<512xi32, #tpu.memory_space<vmem>>
      %dma_wait3A_64 = tpu.memref_slice %arg3[%run_scoped3A_20, %mul3A_2] : memref<20x16384xi32, #tpu.memory_space<hbm>> -> memref<1x512xi32, #tpu.memory_space<hbm>>
      %dma_wait3A_65 = tpu.memref_squeeze %dma_wait3A_64 : memref<1x512xi32, #tpu.memory_space<hbm>> -> memref<512xi32, #tpu.memory_space<hbm>>
      tpu.wait_dma2 semaphore(%run_scoped3A_47 : memref<!tpu.dma_semaphore, #tpu.memory_space<semaphore_mem>>) src(%dma_wait3A_65 : memref<512xi32, #tpu.memory_space<hbm>>) dst(%dma_wait3A_63 : memref<512xi32, #tpu.memory_space<vmem>>)
      tpu.yield
    }) : () -> ()
    %run_scoped3A_22 = arith.constant 10 : i32
    %run_scoped3A_23 = arith.constant 10 : i32
    "tpu.region"() ({
      %run_scoped3A_47 = tpu.sem_alloc : memref<!tpu.dma_semaphore, #tpu.memory_space<semaphore_mem>>
      %dma_start3A = arith.constant 0 : i32
      %dma_start3A_48 = tpu.memref_slice %arg7[%run_scoped3A_23, %dma_start3A] : memref<20x512xi32, #tpu.memory_space<vmem>> -> memref<1x512xi32, #tpu.memory_space<vmem>>
      %dma_start3A_49 = tpu.memref_squeeze %dma_start3A_48 : memref<1x512xi32, #tpu.memory_space<vmem>> -> memref<512xi32, #tpu.memory_space<vmem>>
      %dma_start3A_50 = tpu.memref_slice %arg3[%run_scoped3A_22, %mul3A_2] : memref<20x16384xi32, #tpu.memory_space<hbm>> -> memref<1x512xi32, #tpu.memory_space<hbm>>
      %dma_start3A_51 = tpu.memref_squeeze %dma_start3A_50 : memref<1x512xi32, #tpu.memory_space<hbm>> -> memref<512xi32, #tpu.memory_space<hbm>>
      %dma_start3A_52 = arith.constant 0 : i32
      %dma_start3A_53 = tpu.memref_slice %arg7[%run_scoped3A_23, %dma_start3A_52] : memref<20x512xi32, #tpu.memory_space<vmem>> -> memref<1x512xi32, #tpu.memory_space<vmem>>
      %dma_start3A_54 = tpu.memref_squeeze %dma_start3A_53 : memref<1x512xi32, #tpu.memory_space<vmem>> -> memref<512xi32, #tpu.memory_space<vmem>>
      %dma_start3A_55 = tpu.memref_slice %arg3[%run_scoped3A_22, %mul3A_2] : memref<20x16384xi32, #tpu.memory_space<hbm>> -> memref<1x512xi32, #tpu.memory_space<hbm>>
      %dma_start3A_56 = tpu.memref_squeeze %dma_start3A_55 : memref<1x512xi32, #tpu.memory_space<hbm>> -> memref<512xi32, #tpu.memory_space<hbm>>
      tpu.enqueue_dma source(%dma_start3A_56 : memref<512xi32, #tpu.memory_space<hbm>>) target(%dma_start3A_54 : memref<512xi32, #tpu.memory_space<vmem>>) target_semaphore(%run_scoped3A_47 : memref<!tpu.dma_semaphore, #tpu.memory_space<semaphore_mem>>)
      %dma_wait3A = arith.constant 0 : i32
      %dma_wait3A_57 = tpu.memref_slice %arg7[%run_scoped3A_23, %dma_wait3A] : memref<20x512xi32, #tpu.memory_space<vmem>> -> memref<1x512xi32, #tpu.memory_space<vmem>>
      %dma_wait3A_58 = tpu.memref_squeeze %dma_wait3A_57 : memref<1x512xi32, #tpu.memory_space<vmem>> -> memref<512xi32, #tpu.memory_space<vmem>>
      %dma_wait3A_59 = tpu.memref_slice %arg3[%run_scoped3A_22, %mul3A_2] : memref<20x16384xi32, #tpu.memory_space<hbm>> -> memref<1x512xi32, #tpu.memory_space<hbm>>
      %dma_wait3A_60 = tpu.memref_squeeze %dma_wait3A_59 : memref<1x512xi32, #tpu.memory_space<hbm>> -> memref<512xi32, #tpu.memory_space<hbm>>
      %dma_wait3A_61 = arith.constant 0 : i32
      %dma_wait3A_62 = tpu.memref_slice %arg7[%run_scoped3A_23, %dma_wait3A_61] : memref<20x512xi32, #tpu.memory_space<vmem>> -> memref<1x512xi32, #tpu.memory_space<vmem>>
      %dma_wait3A_63 = tpu.memref_squeeze %dma_wait3A_62 : memref<1x512xi32, #tpu.memory_space<vmem>> -> memref<512xi32, #tpu.memory_space<vmem>>
      %dma_wait3A_64 = tpu.memref_slice %arg3[%run_scoped3A_22, %mul3A_2] : memref<20x16384xi32, #tpu.memory_space<hbm>> -> memref<1x512xi32, #tpu.memory_space<hbm>>
      %dma_wait3A_65 = tpu.memref_squeeze %dma_wait3A_64 : memref<1x512xi32, #tpu.memory_space<hbm>> -> memref<512xi32, #tpu.memory_space<hbm>>
      tpu.wait_dma2 semaphore(%run_scoped3A_47 : memref<!tpu.dma_semaphore, #tpu.memory_space<semaphore_mem>>) src(%dma_wait3A_65 : memref<512xi32, #tpu.memory_space<hbm>>) dst(%dma_wait3A_63 : memref<512xi32, #tpu.memory_space<vmem>>)
      tpu.yield
    }) : () -> ()
    %run_scoped3A_24 = arith.constant 11 : i32
    %run_scoped3A_25 = arith.constant 11 : i32
    "tpu.region"() ({
      %run_scoped3A_47 = tpu.sem_alloc : memref<!tpu.dma_semaphore, #tpu.memory_space<semaphore_mem>>
      %dma_start3A = arith.constant 0 : i32
      %dma_start3A_48 = tpu.memref_slice %arg7[%run_scoped3A_25, %dma_start3A] : memref<20x512xi32, #tpu.memory_space<vmem>> -> memref<1x512xi32, #tpu.memory_space<vmem>>
      %dma_start3A_49 = tpu.memref_squeeze %dma_start3A_48 : memref<1x512xi32, #tpu.memory_space<vmem>> -> memref<512xi32, #tpu.memory_space<vmem>>
      %dma_start3A_50 = tpu.memref_slice %arg3[%run_scoped3A_24, %mul3A_2] : memref<20x16384xi32, #tpu.memory_space<hbm>> -> memref<1x512xi32, #tpu.memory_space<hbm>>
      %dma_start3A_51 = tpu.memref_squeeze %dma_start3A_50 : memref<1x512xi32, #tpu.memory_space<hbm>> -> memref<512xi32, #tpu.memory_space<hbm>>
      %dma_start3A_52 = arith.constant 0 : i32
      %dma_start3A_53 = tpu.memref_slice %arg7[%run_scoped3A_25, %dma_start3A_52] : memref<20x512xi32, #tpu.memory_space<vmem>> -> memref<1x512xi32, #tpu.memory_space<vmem>>
      %dma_start3A_54 = tpu.memref_squeeze %dma_start3A_53 : memref<1x512xi32, #tpu.memory_space<vmem>> -> memref<512xi32, #tpu.memory_space<vmem>>
      %dma_start3A_55 = tpu.memref_slice %arg3[%run_scoped3A_24, %mul3A_2] : memref<20x16384xi32, #tpu.memory_space<hbm>> -> memref<1x512xi32, #tpu.memory_space<hbm>>
      %dma_start3A_56 = tpu.memref_squeeze %dma_start3A_55 : memref<1x512xi32, #tpu.memory_space<hbm>> -> memref<512xi32, #tpu.memory_space<hbm>>
      tpu.enqueue_dma source(%dma_start3A_56 : memref<512xi32, #tpu.memory_space<hbm>>) target(%dma_start3A_54 : memref<512xi32, #tpu.memory_space<vmem>>) target_semaphore(%run_scoped3A_47 : memref<!tpu.dma_semaphore, #tpu.memory_space<semaphore_mem>>)
      %dma_wait3A = arith.constant 0 : i32
      %dma_wait3A_57 = tpu.memref_slice %arg7[%run_scoped3A_25, %dma_wait3A] : memref<20x512xi32, #tpu.memory_space<vmem>> -> memref<1x512xi32, #tpu.memory_space<vmem>>
      %dma_wait3A_58 = tpu.memref_squeeze %dma_wait3A_57 : memref<1x512xi32, #tpu.memory_space<vmem>> -> memref<512xi32, #tpu.memory_space<vmem>>
      %dma_wait3A_59 = tpu.memref_slice %arg3[%run_scoped3A_24, %mul3A_2] : memref<20x16384xi32, #tpu.memory_space<hbm>> -> memref<1x512xi32, #tpu.memory_space<hbm>>
      %dma_wait3A_60 = tpu.memref_squeeze %dma_wait3A_59 : memref<1x512xi32, #tpu.memory_space<hbm>> -> memref<512xi32, #tpu.memory_space<hbm>>
      %dma_wait3A_61 = arith.constant 0 : i32
      %dma_wait3A_62 = tpu.memref_slice %arg7[%run_scoped3A_25, %dma_wait3A_61] : memref<20x512xi32, #tpu.memory_space<vmem>> -> memref<1x512xi32, #tpu.memory_space<vmem>>
      %dma_wait3A_63 = tpu.memref_squeeze %dma_wait3A_62 : memref<1x512xi32, #tpu.memory_space<vmem>> -> memref<512xi32, #tpu.memory_space<vmem>>
      %dma_wait3A_64 = tpu.memref_slice %arg3[%run_scoped3A_24, %mul3A_2] : memref<20x16384xi32, #tpu.memory_space<hbm>> -> memref<1x512xi32, #tpu.memory_space<hbm>>
      %dma_wait3A_65 = tpu.memref_squeeze %dma_wait3A_64 : memref<1x512xi32, #tpu.memory_space<hbm>> -> memref<512xi32, #tpu.memory_space<hbm>>
      tpu.wait_dma2 semaphore(%run_scoped3A_47 : memref<!tpu.dma_semaphore, #tpu.memory_space<semaphore_mem>>) src(%dma_wait3A_65 : memref<512xi32, #tpu.memory_space<hbm>>) dst(%dma_wait3A_63 : memref<512xi32, #tpu.memory_space<vmem>>)
      tpu.yield
    }) : () -> ()
    %run_scoped3A_26 = arith.constant 12 : i32
    %run_scoped3A_27 = arith.constant 12 : i32
    "tpu.region"() ({
      %run_scoped3A_47 = tpu.sem_alloc : memref<!tpu.dma_semaphore, #tpu.memory_space<semaphore_mem>>
      %dma_start3A = arith.constant 0 : i32
      %dma_start3A_48 = tpu.memref_slice %arg7[%run_scoped3A_27, %dma_start3A] : memref<20x512xi32, #tpu.memory_space<vmem>> -> memref<1x512xi32, #tpu.memory_space<vmem>>
      %dma_start3A_49 = tpu.memref_squeeze %dma_start3A_48 : memref<1x512xi32, #tpu.memory_space<vmem>> -> memref<512xi32, #tpu.memory_space<vmem>>
      %dma_start3A_50 = tpu.memref_slice %arg3[%run_scoped3A_26, %mul3A_2] : memref<20x16384xi32, #tpu.memory_space<hbm>> -> memref<1x512xi32, #tpu.memory_space<hbm>>
      %dma_start3A_51 = tpu.memref_squeeze %dma_start3A_50 : memref<1x512xi32, #tpu.memory_space<hbm>> -> memref<512xi32, #tpu.memory_space<hbm>>
      %dma_start3A_52 = arith.constant 0 : i32
      %dma_start3A_53 = tpu.memref_slice %arg7[%run_scoped3A_27, %dma_start3A_52] : memref<20x512xi32, #tpu.memory_space<vmem>> -> memref<1x512xi32, #tpu.memory_space<vmem>>
      %dma_start3A_54 = tpu.memref_squeeze %dma_start3A_53 : memref<1x512xi32, #tpu.memory_space<vmem>> -> memref<512xi32, #tpu.memory_space<vmem>>
      %dma_start3A_55 = tpu.memref_slice %arg3[%run_scoped3A_26, %mul3A_2] : memref<20x16384xi32, #tpu.memory_space<hbm>> -> memref<1x512xi32, #tpu.memory_space<hbm>>
      %dma_start3A_56 = tpu.memref_squeeze %dma_start3A_55 : memref<1x512xi32, #tpu.memory_space<hbm>> -> memref<512xi32, #tpu.memory_space<hbm>>
      tpu.enqueue_dma source(%dma_start3A_56 : memref<512xi32, #tpu.memory_space<hbm>>) target(%dma_start3A_54 : memref<512xi32, #tpu.memory_space<vmem>>) target_semaphore(%run_scoped3A_47 : memref<!tpu.dma_semaphore, #tpu.memory_space<semaphore_mem>>)
      %dma_wait3A = arith.constant 0 : i32
      %dma_wait3A_57 = tpu.memref_slice %arg7[%run_scoped3A_27, %dma_wait3A] : memref<20x512xi32, #tpu.memory_space<vmem>> -> memref<1x512xi32, #tpu.memory_space<vmem>>
      %dma_wait3A_58 = tpu.memref_squeeze %dma_wait3A_57 : memref<1x512xi32, #tpu.memory_space<vmem>> -> memref<512xi32, #tpu.memory_space<vmem>>
      %dma_wait3A_59 = tpu.memref_slice %arg3[%run_scoped3A_26, %mul3A_2] : memref<20x16384xi32, #tpu.memory_space<hbm>> -> memref<1x512xi32, #tpu.memory_space<hbm>>
      %dma_wait3A_60 = tpu.memref_squeeze %dma_wait3A_59 : memref<1x512xi32, #tpu.memory_space<hbm>> -> memref<512xi32, #tpu.memory_space<hbm>>
      %dma_wait3A_61 = arith.constant 0 : i32
      %dma_wait3A_62 = tpu.memref_slice %arg7[%run_scoped3A_27, %dma_wait3A_61] : memref<20x512xi32, #tpu.memory_space<vmem>> -> memref<1x512xi32, #tpu.memory_space<vmem>>
      %dma_wait3A_63 = tpu.memref_squeeze %dma_wait3A_62 : memref<1x512xi32, #tpu.memory_space<vmem>> -> memref<512xi32, #tpu.memory_space<vmem>>
      %dma_wait3A_64 = tpu.memref_slice %arg3[%run_scoped3A_26, %mul3A_2] : memref<20x16384xi32, #tpu.memory_space<hbm>> -> memref<1x512xi32, #tpu.memory_space<hbm>>
      %dma_wait3A_65 = tpu.memref_squeeze %dma_wait3A_64 : memref<1x512xi32, #tpu.memory_space<hbm>> -> memref<512xi32, #tpu.memory_space<hbm>>
      tpu.wait_dma2 semaphore(%run_scoped3A_47 : memref<!tpu.dma_semaphore, #tpu.memory_space<semaphore_mem>>) src(%dma_wait3A_65 : memref<512xi32, #tpu.memory_space<hbm>>) dst(%dma_wait3A_63 : memref<512xi32, #tpu.memory_space<vmem>>)
      tpu.yield
    }) : () -> ()
    %run_scoped3A_28 = arith.constant 13 : i32
    %run_scoped3A_29 = arith.constant 13 : i32
    "tpu.region"() ({
      %run_scoped3A_47 = tpu.sem_alloc : memref<!tpu.dma_semaphore, #tpu.memory_space<semaphore_mem>>
      %dma_start3A = arith.constant 0 : i32
      %dma_start3A_48 = tpu.memref_slice %arg7[%run_scoped3A_29, %dma_start3A] : memref<20x512xi32, #tpu.memory_space<vmem>> -> memref<1x512xi32, #tpu.memory_space<vmem>>
      %dma_start3A_49 = tpu.memref_squeeze %dma_start3A_48 : memref<1x512xi32, #tpu.memory_space<vmem>> -> memref<512xi32, #tpu.memory_space<vmem>>
      %dma_start3A_50 = tpu.memref_slice %arg3[%run_scoped3A_28, %mul3A_2] : memref<20x16384xi32, #tpu.memory_space<hbm>> -> memref<1x512xi32, #tpu.memory_space<hbm>>
      %dma_start3A_51 = tpu.memref_squeeze %dma_start3A_50 : memref<1x512xi32, #tpu.memory_space<hbm>> -> memref<512xi32, #tpu.memory_space<hbm>>
      %dma_start3A_52 = arith.constant 0 : i32
      %dma_start3A_53 = tpu.memref_slice %arg7[%run_scoped3A_29, %dma_start3A_52] : memref<20x512xi32, #tpu.memory_space<vmem>> -> memref<1x512xi32, #tpu.memory_space<vmem>>
      %dma_start3A_54 = tpu.memref_squeeze %dma_start3A_53 : memref<1x512xi32, #tpu.memory_space<vmem>> -> memref<512xi32, #tpu.memory_space<vmem>>
      %dma_start3A_55 = tpu.memref_slice %arg3[%run_scoped3A_28, %mul3A_2] : memref<20x16384xi32, #tpu.memory_space<hbm>> -> memref<1x512xi32, #tpu.memory_space<hbm>>
      %dma_start3A_56 = tpu.memref_squeeze %dma_start3A_55 : memref<1x512xi32, #tpu.memory_space<hbm>> -> memref<512xi32, #tpu.memory_space<hbm>>
      tpu.enqueue_dma source(%dma_start3A_56 : memref<512xi32, #tpu.memory_space<hbm>>) target(%dma_start3A_54 : memref<512xi32, #tpu.memory_space<vmem>>) target_semaphore(%run_scoped3A_47 : memref<!tpu.dma_semaphore, #tpu.memory_space<semaphore_mem>>)
      %dma_wait3A = arith.constant 0 : i32
      %dma_wait3A_57 = tpu.memref_slice %arg7[%run_scoped3A_29, %dma_wait3A] : memref<20x512xi32, #tpu.memory_space<vmem>> -> memref<1x512xi32, #tpu.memory_space<vmem>>
      %dma_wait3A_58 = tpu.memref_squeeze %dma_wait3A_57 : memref<1x512xi32, #tpu.memory_space<vmem>> -> memref<512xi32, #tpu.memory_space<vmem>>
      %dma_wait3A_59 = tpu.memref_slice %arg3[%run_scoped3A_28, %mul3A_2] : memref<20x16384xi32, #tpu.memory_space<hbm>> -> memref<1x512xi32, #tpu.memory_space<hbm>>
      %dma_wait3A_60 = tpu.memref_squeeze %dma_wait3A_59 : memref<1x512xi32, #tpu.memory_space<hbm>> -> memref<512xi32, #tpu.memory_space<hbm>>
      %dma_wait3A_61 = arith.constant 0 : i32
      %dma_wait3A_62 = tpu.memref_slice %arg7[%run_scoped3A_29, %dma_wait3A_61] : memref<20x512xi32, #tpu.memory_space<vmem>> -> memref<1x512xi32, #tpu.memory_space<vmem>>
      %dma_wait3A_63 = tpu.memref_squeeze %dma_wait3A_62 : memref<1x512xi32, #tpu.memory_space<vmem>> -> memref<512xi32, #tpu.memory_space<vmem>>
      %dma_wait3A_64 = tpu.memref_slice %arg3[%run_scoped3A_28, %mul3A_2] : memref<20x16384xi32, #tpu.memory_space<hbm>> -> memref<1x512xi32, #tpu.memory_space<hbm>>
      %dma_wait3A_65 = tpu.memref_squeeze %dma_wait3A_64 : memref<1x512xi32, #tpu.memory_space<hbm>> -> memref<512xi32, #tpu.memory_space<hbm>>
      tpu.wait_dma2 semaphore(%run_scoped3A_47 : memref<!tpu.dma_semaphore, #tpu.memory_space<semaphore_mem>>) src(%dma_wait3A_65 : memref<512xi32, #tpu.memory_space<hbm>>) dst(%dma_wait3A_63 : memref<512xi32, #tpu.memory_space<vmem>>)
      tpu.yield
    }) : () -> ()
    %run_scoped3A_30 = arith.constant 14 : i32
    %run_scoped3A_31 = arith.constant 14 : i32
    "tpu.region"() ({
      %run_scoped3A_47 = tpu.sem_alloc : memref<!tpu.dma_semaphore, #tpu.memory_space<semaphore_mem>>
      %dma_start3A = arith.constant 0 : i32
      %dma_start3A_48 = tpu.memref_slice %arg7[%run_scoped3A_31, %dma_start3A] : memref<20x512xi32, #tpu.memory_space<vmem>> -> memref<1x512xi32, #tpu.memory_space<vmem>>
      %dma_start3A_49 = tpu.memref_squeeze %dma_start3A_48 : memref<1x512xi32, #tpu.memory_space<vmem>> -> memref<512xi32, #tpu.memory_space<vmem>>
      %dma_start3A_50 = tpu.memref_slice %arg3[%run_scoped3A_30, %mul3A_2] : memref<20x16384xi32, #tpu.memory_space<hbm>> -> memref<1x512xi32, #tpu.memory_space<hbm>>
      %dma_start3A_51 = tpu.memref_squeeze %dma_start3A_50 : memref<1x512xi32, #tpu.memory_space<hbm>> -> memref<512xi32, #tpu.memory_space<hbm>>
      %dma_start3A_52 = arith.constant 0 : i32
      %dma_start3A_53 = tpu.memref_slice %arg7[%run_scoped3A_31, %dma_start3A_52] : memref<20x512xi32, #tpu.memory_space<vmem>> -> memref<1x512xi32, #tpu.memory_space<vmem>>
      %dma_start3A_54 = tpu.memref_squeeze %dma_start3A_53 : memref<1x512xi32, #tpu.memory_space<vmem>> -> memref<512xi32, #tpu.memory_space<vmem>>
      %dma_start3A_55 = tpu.memref_slice %arg3[%run_scoped3A_30, %mul3A_2] : memref<20x16384xi32, #tpu.memory_space<hbm>> -> memref<1x512xi32, #tpu.memory_space<hbm>>
      %dma_start3A_56 = tpu.memref_squeeze %dma_start3A_55 : memref<1x512xi32, #tpu.memory_space<hbm>> -> memref<512xi32, #tpu.memory_space<hbm>>
      tpu.enqueue_dma source(%dma_start3A_56 : memref<512xi32, #tpu.memory_space<hbm>>) target(%dma_start3A_54 : memref<512xi32, #tpu.memory_space<vmem>>) target_semaphore(%run_scoped3A_47 : memref<!tpu.dma_semaphore, #tpu.memory_space<semaphore_mem>>)
      %dma_wait3A = arith.constant 0 : i32
      %dma_wait3A_57 = tpu.memref_slice %arg7[%run_scoped3A_31, %dma_wait3A] : memref<20x512xi32, #tpu.memory_space<vmem>> -> memref<1x512xi32, #tpu.memory_space<vmem>>
      %dma_wait3A_58 = tpu.memref_squeeze %dma_wait3A_57 : memref<1x512xi32, #tpu.memory_space<vmem>> -> memref<512xi32, #tpu.memory_space<vmem>>
      %dma_wait3A_59 = tpu.memref_slice %arg3[%run_scoped3A_30, %mul3A_2] : memref<20x16384xi32, #tpu.memory_space<hbm>> -> memref<1x512xi32, #tpu.memory_space<hbm>>
      %dma_wait3A_60 = tpu.memref_squeeze %dma_wait3A_59 : memref<1x512xi32, #tpu.memory_space<hbm>> -> memref<512xi32, #tpu.memory_space<hbm>>
      %dma_wait3A_61 = arith.constant 0 : i32
      %dma_wait3A_62 = tpu.memref_slice %arg7[%run_scoped3A_31, %dma_wait3A_61] : memref<20x512xi32, #tpu.memory_space<vmem>> -> memref<1x512xi32, #tpu.memory_space<vmem>>
      %dma_wait3A_63 = tpu.memref_squeeze %dma_wait3A_62 : memref<1x512xi32, #tpu.memory_space<vmem>> -> memref<512xi32, #tpu.memory_space<vmem>>
      %dma_wait3A_64 = tpu.memref_slice %arg3[%run_scoped3A_30, %mul3A_2] : memref<20x16384xi32, #tpu.memory_space<hbm>> -> memref<1x512xi32, #tpu.memory_space<hbm>>
      %dma_wait3A_65 = tpu.memref_squeeze %dma_wait3A_64 : memref<1x512xi32, #tpu.memory_space<hbm>> -> memref<512xi32, #tpu.memory_space<hbm>>
      tpu.wait_dma2 semaphore(%run_scoped3A_47 : memref<!tpu.dma_semaphore, #tpu.memory_space<semaphore_mem>>) src(%dma_wait3A_65 : memref<512xi32, #tpu.memory_space<hbm>>) dst(%dma_wait3A_63 : memref<512xi32, #tpu.memory_space<vmem>>)
      tpu.yield
    }) : () -> ()
    %run_scoped3A_32 = arith.constant 15 : i32
    %run_scoped3A_33 = arith.constant 15 : i32
    "tpu.region"() ({
      %run_scoped3A_47 = tpu.sem_alloc : memref<!tpu.dma_semaphore, #tpu.memory_space<semaphore_mem>>
      %dma_start3A = arith.constant 0 : i32
      %dma_start3A_48 = tpu.memref_slice %arg7[%run_scoped3A_33, %dma_start3A] : memref<20x512xi32, #tpu.memory_space<vmem>> -> memref<1x512xi32, #tpu.memory_space<vmem>>
      %dma_start3A_49 = tpu.memref_squeeze %dma_start3A_48 : memref<1x512xi32, #tpu.memory_space<vmem>> -> memref<512xi32, #tpu.memory_space<vmem>>
      %dma_start3A_50 = tpu.memref_slice %arg3[%run_scoped3A_32, %mul3A_2] : memref<20x16384xi32, #tpu.memory_space<hbm>> -> memref<1x512xi32, #tpu.memory_space<hbm>>
      %dma_start3A_51 = tpu.memref_squeeze %dma_start3A_50 : memref<1x512xi32, #tpu.memory_space<hbm>> -> memref<512xi32, #tpu.memory_space<hbm>>
      %dma_start3A_52 = arith.constant 0 : i32
      %dma_start3A_53 = tpu.memref_slice %arg7[%run_scoped3A_33, %dma_start3A_52] : memref<20x512xi32, #tpu.memory_space<vmem>> -> memref<1x512xi32, #tpu.memory_space<vmem>>
      %dma_start3A_54 = tpu.memref_squeeze %dma_start3A_53 : memref<1x512xi32, #tpu.memory_space<vmem>> -> memref<512xi32, #tpu.memory_space<vmem>>
      %dma_start3A_55 = tpu.memref_slice %arg3[%run_scoped3A_32, %mul3A_2] : memref<20x16384xi32, #tpu.memory_space<hbm>> -> memref<1x512xi32, #tpu.memory_space<hbm>>
      %dma_start3A_56 = tpu.memref_squeeze %dma_start3A_55 : memref<1x512xi32, #tpu.memory_space<hbm>> -> memref<512xi32, #tpu.memory_space<hbm>>
      tpu.enqueue_dma source(%dma_start3A_56 : memref<512xi32, #tpu.memory_space<hbm>>) target(%dma_start3A_54 : memref<512xi32, #tpu.memory_space<vmem>>) target_semaphore(%run_scoped3A_47 : memref<!tpu.dma_semaphore, #tpu.memory_space<semaphore_mem>>)
      %dma_wait3A = arith.constant 0 : i32
      %dma_wait3A_57 = tpu.memref_slice %arg7[%run_scoped3A_33, %dma_wait3A] : memref<20x512xi32, #tpu.memory_space<vmem>> -> memref<1x512xi32, #tpu.memory_space<vmem>>
      %dma_wait3A_58 = tpu.memref_squeeze %dma_wait3A_57 : memref<1x512xi32, #tpu.memory_space<vmem>> -> memref<512xi32, #tpu.memory_space<vmem>>
      %dma_wait3A_59 = tpu.memref_slice %arg3[%run_scoped3A_32, %mul3A_2] : memref<20x16384xi32, #tpu.memory_space<hbm>> -> memref<1x512xi32, #tpu.memory_space<hbm>>
      %dma_wait3A_60 = tpu.memref_squeeze %dma_wait3A_59 : memref<1x512xi32, #tpu.memory_space<hbm>> -> memref<512xi32, #tpu.memory_space<hbm>>
      %dma_wait3A_61 = arith.constant 0 : i32
      %dma_wait3A_62 = tpu.memref_slice %arg7[%run_scoped3A_33, %dma_wait3A_61] : memref<20x512xi32, #tpu.memory_space<vmem>> -> memref<1x512xi32, #tpu.memory_space<vmem>>
      %dma_wait3A_63 = tpu.memref_squeeze %dma_wait3A_62 : memref<1x512xi32, #tpu.memory_space<vmem>> -> memref<512xi32, #tpu.memory_space<vmem>>
      %dma_wait3A_64 = tpu.memref_slice %arg3[%run_scoped3A_32, %mul3A_2] : memref<20x16384xi32, #tpu.memory_space<hbm>> -> memref<1x512xi32, #tpu.memory_space<hbm>>
      %dma_wait3A_65 = tpu.memref_squeeze %dma_wait3A_64 : memref<1x512xi32, #tpu.memory_space<hbm>> -> memref<512xi32, #tpu.memory_space<hbm>>
      tpu.wait_dma2 semaphore(%run_scoped3A_47 : memref<!tpu.dma_semaphore, #tpu.memory_space<semaphore_mem>>) src(%dma_wait3A_65 : memref<512xi32, #tpu.memory_space<hbm>>) dst(%dma_wait3A_63 : memref<512xi32, #tpu.memory_space<vmem>>)
      tpu.yield
    }) : () -> ()
    %run_scoped3A_34 = arith.constant 16 : i32
    %run_scoped3A_35 = arith.constant 16 : i32
    "tpu.region"() ({
      %run_scoped3A_47 = tpu.sem_alloc : memref<!tpu.dma_semaphore, #tpu.memory_space<semaphore_mem>>
      %dma_start3A = arith.constant 0 : i32
      %dma_start3A_48 = tpu.memref_slice %arg7[%run_scoped3A_35, %dma_start3A] : memref<20x512xi32, #tpu.memory_space<vmem>> -> memref<1x512xi32, #tpu.memory_space<vmem>>
      %dma_start3A_49 = tpu.memref_squeeze %dma_start3A_48 : memref<1x512xi32, #tpu.memory_space<vmem>> -> memref<512xi32, #tpu.memory_space<vmem>>
      %dma_start3A_50 = tpu.memref_slice %arg3[%run_scoped3A_34, %mul3A_2] : memref<20x16384xi32, #tpu.memory_space<hbm>> -> memref<1x512xi32, #tpu.memory_space<hbm>>
      %dma_start3A_51 = tpu.memref_squeeze %dma_start3A_50 : memref<1x512xi32, #tpu.memory_space<hbm>> -> memref<512xi32, #tpu.memory_space<hbm>>
      %dma_start3A_52 = arith.constant 0 : i32
      %dma_start3A_53 = tpu.memref_slice %arg7[%run_scoped3A_35, %dma_start3A_52] : memref<20x512xi32, #tpu.memory_space<vmem>> -> memref<1x512xi32, #tpu.memory_space<vmem>>
      %dma_start3A_54 = tpu.memref_squeeze %dma_start3A_53 : memref<1x512xi32, #tpu.memory_space<vmem>> -> memref<512xi32, #tpu.memory_space<vmem>>
      %dma_start3A_55 = tpu.memref_slice %arg3[%run_scoped3A_34, %mul3A_2] : memref<20x16384xi32, #tpu.memory_space<hbm>> -> memref<1x512xi32, #tpu.memory_space<hbm>>
      %dma_start3A_56 = tpu.memref_squeeze %dma_start3A_55 : memref<1x512xi32, #tpu.memory_space<hbm>> -> memref<512xi32, #tpu.memory_space<hbm>>
      tpu.enqueue_dma source(%dma_start3A_56 : memref<512xi32, #tpu.memory_space<hbm>>) target(%dma_start3A_54 : memref<512xi32, #tpu.memory_space<vmem>>) target_semaphore(%run_scoped3A_47 : memref<!tpu.dma_semaphore, #tpu.memory_space<semaphore_mem>>)
      %dma_wait3A = arith.constant 0 : i32
      %dma_wait3A_57 = tpu.memref_slice %arg7[%run_scoped3A_35, %dma_wait3A] : memref<20x512xi32, #tpu.memory_space<vmem>> -> memref<1x512xi32, #tpu.memory_space<vmem>>
      %dma_wait3A_58 = tpu.memref_squeeze %dma_wait3A_57 : memref<1x512xi32, #tpu.memory_space<vmem>> -> memref<512xi32, #tpu.memory_space<vmem>>
      %dma_wait3A_59 = tpu.memref_slice %arg3[%run_scoped3A_34, %mul3A_2] : memref<20x16384xi32, #tpu.memory_space<hbm>> -> memref<1x512xi32, #tpu.memory_space<hbm>>
      %dma_wait3A_60 = tpu.memref_squeeze %dma_wait3A_59 : memref<1x512xi32, #tpu.memory_space<hbm>> -> memref<512xi32, #tpu.memory_space<hbm>>
      %dma_wait3A_61 = arith.constant 0 : i32
      %dma_wait3A_62 = tpu.memref_slice %arg7[%run_scoped3A_35, %dma_wait3A_61] : memref<20x512xi32, #tpu.memory_space<vmem>> -> memref<1x512xi32, #tpu.memory_space<vmem>>
      %dma_wait3A_63 = tpu.memref_squeeze %dma_wait3A_62 : memref<1x512xi32, #tpu.memory_space<vmem>> -> memref<512xi32, #tpu.memory_space<vmem>>
      %dma_wait3A_64 = tpu.memref_slice %arg3[%run_scoped3A_34, %mul3A_2] : memref<20x16384xi32, #tpu.memory_space<hbm>> -> memref<1x512xi32, #tpu.memory_space<hbm>>
      %dma_wait3A_65 = tpu.memref_squeeze %dma_wait3A_64 : memref<1x512xi32, #tpu.memory_space<hbm>> -> memref<512xi32, #tpu.memory_space<hbm>>
      tpu.wait_dma2 semaphore(%run_scoped3A_47 : memref<!tpu.dma_semaphore, #tpu.memory_space<semaphore_mem>>) src(%dma_wait3A_65 : memref<512xi32, #tpu.memory_space<hbm>>) dst(%dma_wait3A_63 : memref<512xi32, #tpu.memory_space<vmem>>)
      tpu.yield
    }) : () -> ()
    %run_scoped3A_36 = arith.constant 17 : i32
    %run_scoped3A_37 = arith.constant 17 : i32
    "tpu.region"() ({
      %run_scoped3A_47 = tpu.sem_alloc : memref<!tpu.dma_semaphore, #tpu.memory_space<semaphore_mem>>
      %dma_start3A = arith.constant 0 : i32
      %dma_start3A_48 = tpu.memref_slice %arg7[%run_scoped3A_37, %dma_start3A] : memref<20x512xi32, #tpu.memory_space<vmem>> -> memref<1x512xi32, #tpu.memory_space<vmem>>
      %dma_start3A_49 = tpu.memref_squeeze %dma_start3A_48 : memref<1x512xi32, #tpu.memory_space<vmem>> -> memref<512xi32, #tpu.memory_space<vmem>>
      %dma_start3A_50 = tpu.memref_slice %arg3[%run_scoped3A_36, %mul3A_2] : memref<20x16384xi32, #tpu.memory_space<hbm>> -> memref<1x512xi32, #tpu.memory_space<hbm>>
      %dma_start3A_51 = tpu.memref_squeeze %dma_start3A_50 : memref<1x512xi32, #tpu.memory_space<hbm>> -> memref<512xi32, #tpu.memory_space<hbm>>
      %dma_start3A_52 = arith.constant 0 : i32
      %dma_start3A_53 = tpu.memref_slice %arg7[%run_scoped3A_37, %dma_start3A_52] : memref<20x512xi32, #tpu.memory_space<vmem>> -> memref<1x512xi32, #tpu.memory_space<vmem>>
      %dma_start3A_54 = tpu.memref_squeeze %dma_start3A_53 : memref<1x512xi32, #tpu.memory_space<vmem>> -> memref<512xi32, #tpu.memory_space<vmem>>
      %dma_start3A_55 = tpu.memref_slice %arg3[%run_scoped3A_36, %mul3A_2] : memref<20x16384xi32, #tpu.memory_space<hbm>> -> memref<1x512xi32, #tpu.memory_space<hbm>>
      %dma_start3A_56 = tpu.memref_squeeze %dma_start3A_55 : memref<1x512xi32, #tpu.memory_space<hbm>> -> memref<512xi32, #tpu.memory_space<hbm>>
      tpu.enqueue_dma source(%dma_start3A_56 : memref<512xi32, #tpu.memory_space<hbm>>) target(%dma_start3A_54 : memref<512xi32, #tpu.memory_space<vmem>>) target_semaphore(%run_scoped3A_47 : memref<!tpu.dma_semaphore, #tpu.memory_space<semaphore_mem>>)
      %dma_wait3A = arith.constant 0 : i32
      %dma_wait3A_57 = tpu.memref_slice %arg7[%run_scoped3A_37, %dma_wait3A] : memref<20x512xi32, #tpu.memory_space<vmem>> -> memref<1x512xi32, #tpu.memory_space<vmem>>
      %dma_wait3A_58 = tpu.memref_squeeze %dma_wait3A_57 : memref<1x512xi32, #tpu.memory_space<vmem>> -> memref<512xi32, #tpu.memory_space<vmem>>
      %dma_wait3A_59 = tpu.memref_slice %arg3[%run_scoped3A_36, %mul3A_2] : memref<20x16384xi32, #tpu.memory_space<hbm>> -> memref<1x512xi32, #tpu.memory_space<hbm>>
      %dma_wait3A_60 = tpu.memref_squeeze %dma_wait3A_59 : memref<1x512xi32, #tpu.memory_space<hbm>> -> memref<512xi32, #tpu.memory_space<hbm>>
      %dma_wait3A_61 = arith.constant 0 : i32
      %dma_wait3A_62 = tpu.memref_slice %arg7[%run_scoped3A_37, %dma_wait3A_61] : memref<20x512xi32, #tpu.memory_space<vmem>> -> memref<1x512xi32, #tpu.memory_space<vmem>>
      %dma_wait3A_63 = tpu.memref_squeeze %dma_wait3A_62 : memref<1x512xi32, #tpu.memory_space<vmem>> -> memref<512xi32, #tpu.memory_space<vmem>>
      %dma_wait3A_64 = tpu.memref_slice %arg3[%run_scoped3A_36, %mul3A_2] : memref<20x16384xi32, #tpu.memory_space<hbm>> -> memref<1x512xi32, #tpu.memory_space<hbm>>
      %dma_wait3A_65 = tpu.memref_squeeze %dma_wait3A_64 : memref<1x512xi32, #tpu.memory_space<hbm>> -> memref<512xi32, #tpu.memory_space<hbm>>
      tpu.wait_dma2 semaphore(%run_scoped3A_47 : memref<!tpu.dma_semaphore, #tpu.memory_space<semaphore_mem>>) src(%dma_wait3A_65 : memref<512xi32, #tpu.memory_space<hbm>>) dst(%dma_wait3A_63 : memref<512xi32, #tpu.memory_space<vmem>>)
      tpu.yield
    }) : () -> ()
    %run_scoped3A_38 = arith.constant 18 : i32
    %run_scoped3A_39 = arith.constant 18 : i32
    "tpu.region"() ({
      %run_scoped3A_47 = tpu.sem_alloc : memref<!tpu.dma_semaphore, #tpu.memory_space<semaphore_mem>>
      %dma_start3A = arith.constant 0 : i32
      %dma_start3A_48 = tpu.memref_slice %arg7[%run_scoped3A_39, %dma_start3A] : memref<20x512xi32, #tpu.memory_space<vmem>> -> memref<1x512xi32, #tpu.memory_space<vmem>>
      %dma_start3A_49 = tpu.memref_squeeze %dma_start3A_48 : memref<1x512xi32, #tpu.memory_space<vmem>> -> memref<512xi32, #tpu.memory_space<vmem>>
      %dma_start3A_50 = tpu.memref_slice %arg3[%run_scoped3A_38, %mul3A_2] : memref<20x16384xi32, #tpu.memory_space<hbm>> -> memref<1x512xi32, #tpu.memory_space<hbm>>
      %dma_start3A_51 = tpu.memref_squeeze %dma_start3A_50 : memref<1x512xi32, #tpu.memory_space<hbm>> -> memref<512xi32, #tpu.memory_space<hbm>>
      %dma_start3A_52 = arith.constant 0 : i32
      %dma_start3A_53 = tpu.memref_slice %arg7[%run_scoped3A_39, %dma_start3A_52] : memref<20x512xi32, #tpu.memory_space<vmem>> -> memref<1x512xi32, #tpu.memory_space<vmem>>
      %dma_start3A_54 = tpu.memref_squeeze %dma_start3A_53 : memref<1x512xi32, #tpu.memory_space<vmem>> -> memref<512xi32, #tpu.memory_space<vmem>>
      %dma_start3A_55 = tpu.memref_slice %arg3[%run_scoped3A_38, %mul3A_2] : memref<20x16384xi32, #tpu.memory_space<hbm>> -> memref<1x512xi32, #tpu.memory_space<hbm>>
      %dma_start3A_56 = tpu.memref_squeeze %dma_start3A_55 : memref<1x512xi32, #tpu.memory_space<hbm>> -> memref<512xi32, #tpu.memory_space<hbm>>
      tpu.enqueue_dma source(%dma_start3A_56 : memref<512xi32, #tpu.memory_space<hbm>>) target(%dma_start3A_54 : memref<512xi32, #tpu.memory_space<vmem>>) target_semaphore(%run_scoped3A_47 : memref<!tpu.dma_semaphore, #tpu.memory_space<semaphore_mem>>)
      %dma_wait3A = arith.constant 0 : i32
      %dma_wait3A_57 = tpu.memref_slice %arg7[%run_scoped3A_39, %dma_wait3A] : memref<20x512xi32, #tpu.memory_space<vmem>> -> memref<1x512xi32, #tpu.memory_space<vmem>>
      %dma_wait3A_58 = tpu.memref_squeeze %dma_wait3A_57 : memref<1x512xi32, #tpu.memory_space<vmem>> -> memref<512xi32, #tpu.memory_space<vmem>>
      %dma_wait3A_59 = tpu.memref_slice %arg3[%run_scoped3A_38, %mul3A_2] : memref<20x16384xi32, #tpu.memory_space<hbm>> -> memref<1x512xi32, #tpu.memory_space<hbm>>
      %dma_wait3A_60 = tpu.memref_squeeze %dma_wait3A_59 : memref<1x512xi32, #tpu.memory_space<hbm>> -> memref<512xi32, #tpu.memory_space<hbm>>
      %dma_wait3A_61 = arith.constant 0 : i32
      %dma_wait3A_62 = tpu.memref_slice %arg7[%run_scoped3A_39, %dma_wait3A_61] : memref<20x512xi32, #tpu.memory_space<vmem>> -> memref<1x512xi32, #tpu.memory_space<vmem>>
      %dma_wait3A_63 = tpu.memref_squeeze %dma_wait3A_62 : memref<1x512xi32, #tpu.memory_space<vmem>> -> memref<512xi32, #tpu.memory_space<vmem>>
      %dma_wait3A_64 = tpu.memref_slice %arg3[%run_scoped3A_38, %mul3A_2] : memref<20x16384xi32, #tpu.memory_space<hbm>> -> memref<1x512xi32, #tpu.memory_space<hbm>>
      %dma_wait3A_65 = tpu.memref_squeeze %dma_wait3A_64 : memref<1x512xi32, #tpu.memory_space<hbm>> -> memref<512xi32, #tpu.memory_space<hbm>>
      tpu.wait_dma2 semaphore(%run_scoped3A_47 : memref<!tpu.dma_semaphore, #tpu.memory_space<semaphore_mem>>) src(%dma_wait3A_65 : memref<512xi32, #tpu.memory_space<hbm>>) dst(%dma_wait3A_63 : memref<512xi32, #tpu.memory_space<vmem>>)
      tpu.yield
    }) : () -> ()
    %run_scoped3A_40 = arith.constant 19 : i32
    %run_scoped3A_41 = arith.constant 19 : i32
    "tpu.region"() ({
      %run_scoped3A_47 = tpu.sem_alloc : memref<!tpu.dma_semaphore, #tpu.memory_space<semaphore_mem>>
      %dma_start3A = arith.constant 0 : i32
      %dma_start3A_48 = tpu.memref_slice %arg7[%run_scoped3A_41, %dma_start3A] : memref<20x512xi32, #tpu.memory_space<vmem>> -> memref<1x512xi32, #tpu.memory_space<vmem>>
      %dma_start3A_49 = tpu.memref_squeeze %dma_start3A_48 : memref<1x512xi32, #tpu.memory_space<vmem>> -> memref<512xi32, #tpu.memory_space<vmem>>
      %dma_start3A_50 = tpu.memref_slice %arg3[%run_scoped3A_40, %mul3A_2] : memref<20x16384xi32, #tpu.memory_space<hbm>> -> memref<1x512xi32, #tpu.memory_space<hbm>>
      %dma_start3A_51 = tpu.memref_squeeze %dma_start3A_50 : memref<1x512xi32, #tpu.memory_space<hbm>> -> memref<512xi32, #tpu.memory_space<hbm>>
      %dma_start3A_52 = arith.constant 0 : i32
      %dma_start3A_53 = tpu.memref_slice %arg7[%run_scoped3A_41, %dma_start3A_52] : memref<20x512xi32, #tpu.memory_space<vmem>> -> memref<1x512xi32, #tpu.memory_space<vmem>>
      %dma_start3A_54 = tpu.memref_squeeze %dma_start3A_53 : memref<1x512xi32, #tpu.memory_space<vmem>> -> memref<512xi32, #tpu.memory_space<vmem>>
      %dma_start3A_55 = tpu.memref_slice %arg3[%run_scoped3A_40, %mul3A_2] : memref<20x16384xi32, #tpu.memory_space<hbm>> -> memref<1x512xi32, #tpu.memory_space<hbm>>
      %dma_start3A_56 = tpu.memref_squeeze %dma_start3A_55 : memref<1x512xi32, #tpu.memory_space<hbm>> -> memref<512xi32, #tpu.memory_space<hbm>>
      tpu.enqueue_dma source(%dma_start3A_56 : memref<512xi32, #tpu.memory_space<hbm>>) target(%dma_start3A_54 : memref<512xi32, #tpu.memory_space<vmem>>) target_semaphore(%run_scoped3A_47 : memref<!tpu.dma_semaphore, #tpu.memory_space<semaphore_mem>>)
      %dma_wait3A = arith.constant 0 : i32
      %dma_wait3A_57 = tpu.memref_slice %arg7[%run_scoped3A_41, %dma_wait3A] : memref<20x512xi32, #tpu.memory_space<vmem>> -> memref<1x512xi32, #tpu.memory_space<vmem>>
      %dma_wait3A_58 = tpu.memref_squeeze %dma_wait3A_57 : memref<1x512xi32, #tpu.memory_space<vmem>> -> memref<512xi32, #tpu.memory_space<vmem>>
      %dma_wait3A_59 = tpu.memref_slice %arg3[%run_scoped3A_40, %mul3A_2] : memref<20x16384xi32, #tpu.memory_space<hbm>> -> memref<1x512xi32, #tpu.memory_space<hbm>>
      %dma_wait3A_60 = tpu.memref_squeeze %dma_wait3A_59 : memref<1x512xi32, #tpu.memory_space<hbm>> -> memref<512xi32, #tpu.memory_space<hbm>>
      %dma_wait3A_61 = arith.constant 0 : i32
      %dma_wait3A_62 = tpu.memref_slice %arg7[%run_scoped3A_41, %dma_wait3A_61] : memref<20x512xi32, #tpu.memory_space<vmem>> -> memref<1x512xi32, #tpu.memory_space<vmem>>
      %dma_wait3A_63 = tpu.memref_squeeze %dma_wait3A_62 : memref<1x512xi32, #tpu.memory_space<vmem>> -> memref<512xi32, #tpu.memory_space<vmem>>
      %dma_wait3A_64 = tpu.memref_slice %arg3[%run_scoped3A_40, %mul3A_2] : memref<20x16384xi32, #tpu.memory_space<hbm>> -> memref<1x512xi32, #tpu.memory_space<hbm>>
      %dma_wait3A_65 = tpu.memref_squeeze %dma_wait3A_64 : memref<1x512xi32, #tpu.memory_space<hbm>> -> memref<512xi32, #tpu.memory_space<hbm>>
      tpu.wait_dma2 semaphore(%run_scoped3A_47 : memref<!tpu.dma_semaphore, #tpu.memory_space<semaphore_mem>>) src(%dma_wait3A_65 : memref<512xi32, #tpu.memory_space<hbm>>) dst(%dma_wait3A_63 : memref<512xi32, #tpu.memory_space<vmem>>)
      tpu.yield
    }) : () -> ()
    %iota3A = tpu.iota {dimensions = array<i32: 0>} : vector<16xi32>
    %scan3A = arith.constant 0 : i32
    %scan3A_42 = arith.constant 0 : i32
    %scan3A_43 = arith.constant 8 : i32
    %scan3A_44 = arith.addi %scan3A_42, %scan3A_43 : i32
    %scan3A_45 = arith.constant 1 : i32
    scf.for %scan3A_47 = %scan3A_42 to %scan3A_44 step %scan3A_45  : i32 {
      %mul3A_48 = arith.constant 64 : i32
      %mul3A_49 = arith.muli %scan3A_47, %mul3A_48 : i32
      %dma_start3A = arith.constant 0 : i32
      %dma_start3A_50 = arith.constant 0 : i32
      %dma_start3A_51 = arith.constant 0 : i32
      %dma_start3A_52 = arith.constant 0 : i32
      %dma_start3A_53 = tpu.memref_slice %arg9[%dma_start3A_50, %dma_start3A_51, %dma_start3A_52] : memref<20x64x64xf32, #tpu.memory_space<vmem>> -> memref<1x64x64xf32, #tpu.memory_space<vmem>>
      %dma_start3A_54 = tpu.memref_squeeze %dma_start3A_53 : memref<1x64x64xf32, #tpu.memory_space<vmem>> -> memref<64x64xf32, #tpu.memory_space<vmem>>
      %dma_start3A_55 = tpu.memref_slice %arg7[%dma_start3A, %mul3A_49] : memref<20x512xi32, #tpu.memory_space<vmem>> -> memref<1x64xi32, #tpu.memory_space<vmem>>
      %dma_start3A_56 = tpu.memref_squeeze %dma_start3A_55 : memref<1x64xi32, #tpu.memory_space<vmem>> -> memref<64xi32, #tpu.memory_space<vmem>>
      %dma_start3A_57 = arith.constant 0 : i32
      %dma_start3A_58 = arith.constant 0 : i32
      %dma_start3A_59 = tpu.memref_slice %arg4[%dma_start3A_57, %dma_start3A_58] : memref<1000000x64xf32, #tpu.memory_space<hbm>> -> memref<1000000x64xf32, #tpu.memory_space<hbm>>
      tpu.enqueue_indirect_dma source(%dma_start3A_59 : memref<1000000x64xf32, #tpu.memory_space<hbm>>) target(%dma_start3A_54 : memref<64x64xf32, #tpu.memory_space<vmem>>) offsets(%dma_start3A_56 : memref<64xi32, #tpu.memory_space<vmem>>) semaphore(%arg13 : memref<!tpu.dma_semaphore, #tpu.memory_space<semaphore_mem>>)
      %dma_start3A_60 = arith.constant 1 : i32
      %dma_start3A_61 = arith.constant 1 : i32
      %dma_start3A_62 = arith.constant 0 : i32
      %dma_start3A_63 = arith.constant 0 : i32
      %dma_start3A_64 = tpu.memref_slice %arg9[%dma_start3A_61, %dma_start3A_62, %dma_start3A_63] : memref<20x64x64xf32, #tpu.memory_space<vmem>> -> memref<1x64x64xf32, #tpu.memory_space<vmem>>
      %dma_start3A_65 = tpu.memref_squeeze %dma_start3A_64 : memref<1x64x64xf32, #tpu.memory_space<vmem>> -> memref<64x64xf32, #tpu.memory_space<vmem>>
      %dma_start3A_66 = tpu.memref_slice %arg7[%dma_start3A_60, %mul3A_49] : memref<20x512xi32, #tpu.memory_space<vmem>> -> memref<1x64xi32, #tpu.memory_space<vmem>>
      %dma_start3A_67 = tpu.memref_squeeze %dma_start3A_66 : memref<1x64xi32, #tpu.memory_space<vmem>> -> memref<64xi32, #tpu.memory_space<vmem>>
      %dma_start3A_68 = arith.constant 0 : i32
      %dma_start3A_69 = arith.constant 0 : i32
      %dma_start3A_70 = tpu.memref_slice %arg4[%dma_start3A_68, %dma_start3A_69] : memref<1000000x64xf32, #tpu.memory_space<hbm>> -> memref<1000000x64xf32, #tpu.memory_space<hbm>>
      tpu.enqueue_indirect_dma source(%dma_start3A_70 : memref<1000000x64xf32, #tpu.memory_space<hbm>>) target(%dma_start3A_65 : memref<64x64xf32, #tpu.memory_space<vmem>>) offsets(%dma_start3A_67 : memref<64xi32, #tpu.memory_space<vmem>>) semaphore(%arg13 : memref<!tpu.dma_semaphore, #tpu.memory_space<semaphore_mem>>)
      %dma_start3A_71 = arith.constant 2 : i32
      %dma_start3A_72 = arith.constant 2 : i32
      %dma_start3A_73 = arith.constant 0 : i32
      %dma_start3A_74 = arith.constant 0 : i32
      %dma_start3A_75 = tpu.memref_slice %arg9[%dma_start3A_72, %dma_start3A_73, %dma_start3A_74] : memref<20x64x64xf32, #tpu.memory_space<vmem>> -> memref<1x64x64xf32, #tpu.memory_space<vmem>>
      %dma_start3A_76 = tpu.memref_squeeze %dma_start3A_75 : memref<1x64x64xf32, #tpu.memory_space<vmem>> -> memref<64x64xf32, #tpu.memory_space<vmem>>
      %dma_start3A_77 = tpu.memref_slice %arg7[%dma_start3A_71, %mul3A_49] : memref<20x512xi32, #tpu.memory_space<vmem>> -> memref<1x64xi32, #tpu.memory_space<vmem>>
      %dma_start3A_78 = tpu.memref_squeeze %dma_start3A_77 : memref<1x64xi32, #tpu.memory_space<vmem>> -> memref<64xi32, #tpu.memory_space<vmem>>
      %dma_start3A_79 = arith.constant 0 : i32
      %dma_start3A_80 = arith.constant 0 : i32
      %dma_start3A_81 = tpu.memref_slice %arg4[%dma_start3A_79, %dma_start3A_80] : memref<1000000x64xf32, #tpu.memory_space<hbm>> -> memref<1000000x64xf32, #tpu.memory_space<hbm>>
      tpu.enqueue_indirect_dma source(%dma_start3A_81 : memref<1000000x64xf32, #tpu.memory_space<hbm>>) target(%dma_start3A_76 : memref<64x64xf32, #tpu.memory_space<vmem>>) offsets(%dma_start3A_78 : memref<64xi32, #tpu.memory_space<vmem>>) semaphore(%arg13 : memref<!tpu.dma_semaphore, #tpu.memory_space<semaphore_mem>>)
      %dma_start3A_82 = arith.constant 3 : i32
      %dma_start3A_83 = arith.constant 3 : i32
      %dma_start3A_84 = arith.constant 0 : i32
      %dma_start3A_85 = arith.constant 0 : i32
      %dma_start3A_86 = tpu.memref_slice %arg9[%dma_start3A_83, %dma_start3A_84, %dma_start3A_85] : memref<20x64x64xf32, #tpu.memory_space<vmem>> -> memref<1x64x64xf32, #tpu.memory_space<vmem>>
      %dma_start3A_87 = tpu.memref_squeeze %dma_start3A_86 : memref<1x64x64xf32, #tpu.memory_space<vmem>> -> memref<64x64xf32, #tpu.memory_space<vmem>>
      %dma_start3A_88 = tpu.memref_slice %arg7[%dma_start3A_82, %mul3A_49] : memref<20x512xi32, #tpu.memory_space<vmem>> -> memref<1x64xi32, #tpu.memory_space<vmem>>
      %dma_start3A_89 = tpu.memref_squeeze %dma_start3A_88 : memref<1x64xi32, #tpu.memory_space<vmem>> -> memref<64xi32, #tpu.memory_space<vmem>>
      %dma_start3A_90 = arith.constant 0 : i32
      %dma_start3A_91 = arith.constant 0 : i32
      %dma_start3A_92 = tpu.memref_slice %arg4[%dma_start3A_90, %dma_start3A_91] : memref<1000000x64xf32, #tpu.memory_space<hbm>> -> memref<1000000x64xf32, #tpu.memory_space<hbm>>
      tpu.enqueue_indirect_dma source(%dma_start3A_92 : memref<1000000x64xf32, #tpu.memory_space<hbm>>) target(%dma_start3A_87 : memref<64x64xf32, #tpu.memory_space<vmem>>) offsets(%dma_start3A_89 : memref<64xi32, #tpu.memory_space<vmem>>) semaphore(%arg13 : memref<!tpu.dma_semaphore, #tpu.memory_space<semaphore_mem>>)
      %dma_start3A_93 = arith.constant 4 : i32
      %dma_start3A_94 = arith.constant 4 : i32
      %dma_start3A_95 = arith.constant 0 : i32
      %dma_start3A_96 = arith.constant 0 : i32
      %dma_start3A_97 = tpu.memref_slice %arg9[%dma_start3A_94, %dma_start3A_95, %dma_start3A_96] : memref<20x64x64xf32, #tpu.memory_space<vmem>> -> memref<1x64x64xf32, #tpu.memory_space<vmem>>
      %dma_start3A_98 = tpu.memref_squeeze %dma_start3A_97 : memref<1x64x64xf32, #tpu.memory_space<vmem>> -> memref<64x64xf32, #tpu.memory_space<vmem>>
      %dma_start3A_99 = tpu.memref_slice %arg7[%dma_start3A_93, %mul3A_49] : memref<20x512xi32, #tpu.memory_space<vmem>> -> memref<1x64xi32, #tpu.memory_space<vmem>>
      %dma_start3A_100 = tpu.memref_squeeze %dma_start3A_99 : memref<1x64xi32, #tpu.memory_space<vmem>> -> memref<64xi32, #tpu.memory_space<vmem>>
      %dma_start3A_101 = arith.constant 0 : i32
      %dma_start3A_102 = arith.constant 0 : i32
      %dma_start3A_103 = tpu.memref_slice %arg4[%dma_start3A_101, %dma_start3A_102] : memref<1000000x64xf32, #tpu.memory_space<hbm>> -> memref<1000000x64xf32, #tpu.memory_space<hbm>>
      tpu.enqueue_indirect_dma source(%dma_start3A_103 : memref<1000000x64xf32, #tpu.memory_space<hbm>>) target(%dma_start3A_98 : memref<64x64xf32, #tpu.memory_space<vmem>>) offsets(%dma_start3A_100 : memref<64xi32, #tpu.memory_space<vmem>>) semaphore(%arg13 : memref<!tpu.dma_semaphore, #tpu.memory_space<semaphore_mem>>)
      %dma_start3A_104 = arith.constant 5 : i32
      %dma_start3A_105 = arith.constant 5 : i32
      %dma_start3A_106 = arith.constant 0 : i32
      %dma_start3A_107 = arith.constant 0 : i32
      %dma_start3A_108 = tpu.memref_slice %arg9[%dma_start3A_105, %dma_start3A_106, %dma_start3A_107] : memref<20x64x64xf32, #tpu.memory_space<vmem>> -> memref<1x64x64xf32, #tpu.memory_space<vmem>>
      %dma_start3A_109 = tpu.memref_squeeze %dma_start3A_108 : memref<1x64x64xf32, #tpu.memory_space<vmem>> -> memref<64x64xf32, #tpu.memory_space<vmem>>
      %dma_start3A_110 = tpu.memref_slice %arg7[%dma_start3A_104, %mul3A_49] : memref<20x512xi32, #tpu.memory_space<vmem>> -> memref<1x64xi32, #tpu.memory_space<vmem>>
      %dma_start3A_111 = tpu.memref_squeeze %dma_start3A_110 : memref<1x64xi32, #tpu.memory_space<vmem>> -> memref<64xi32, #tpu.memory_space<vmem>>
      %dma_start3A_112 = arith.constant 0 : i32
      %dma_start3A_113 = arith.constant 0 : i32
      %dma_start3A_114 = tpu.memref_slice %arg4[%dma_start3A_112, %dma_start3A_113] : memref<1000000x64xf32, #tpu.memory_space<hbm>> -> memref<1000000x64xf32, #tpu.memory_space<hbm>>
      tpu.enqueue_indirect_dma source(%dma_start3A_114 : memref<1000000x64xf32, #tpu.memory_space<hbm>>) target(%dma_start3A_109 : memref<64x64xf32, #tpu.memory_space<vmem>>) offsets(%dma_start3A_111 : memref<64xi32, #tpu.memory_space<vmem>>) semaphore(%arg13 : memref<!tpu.dma_semaphore, #tpu.memory_space<semaphore_mem>>)
      %dma_start3A_115 = arith.constant 6 : i32
      %dma_start3A_116 = arith.constant 6 : i32
      %dma_start3A_117 = arith.constant 0 : i32
      %dma_start3A_118 = arith.constant 0 : i32
      %dma_start3A_119 = tpu.memref_slice %arg9[%dma_start3A_116, %dma_start3A_117, %dma_start3A_118] : memref<20x64x64xf32, #tpu.memory_space<vmem>> -> memref<1x64x64xf32, #tpu.memory_space<vmem>>
      %dma_start3A_120 = tpu.memref_squeeze %dma_start3A_119 : memref<1x64x64xf32, #tpu.memory_space<vmem>> -> memref<64x64xf32, #tpu.memory_space<vmem>>
      %dma_start3A_121 = tpu.memref_slice %arg7[%dma_start3A_115, %mul3A_49] : memref<20x512xi32, #tpu.memory_space<vmem>> -> memref<1x64xi32, #tpu.memory_space<vmem>>
      %dma_start3A_122 = tpu.memref_squeeze %dma_start3A_121 : memref<1x64xi32, #tpu.memory_space<vmem>> -> memref<64xi32, #tpu.memory_space<vmem>>
      %dma_start3A_123 = arith.constant 0 : i32
      %dma_start3A_124 = arith.constant 0 : i32
      %dma_start3A_125 = tpu.memref_slice %arg4[%dma_start3A_123, %dma_start3A_124] : memref<1000000x64xf32, #tpu.memory_space<hbm>> -> memref<1000000x64xf32, #tpu.memory_space<hbm>>
      tpu.enqueue_indirect_dma source(%dma_start3A_125 : memref<1000000x64xf32, #tpu.memory_space<hbm>>) target(%dma_start3A_120 : memref<64x64xf32, #tpu.memory_space<vmem>>) offsets(%dma_start3A_122 : memref<64xi32, #tpu.memory_space<vmem>>) semaphore(%arg13 : memref<!tpu.dma_semaphore, #tpu.memory_space<semaphore_mem>>)
      %dma_start3A_126 = arith.constant 7 : i32
      %dma_start3A_127 = arith.constant 7 : i32
      %dma_start3A_128 = arith.constant 0 : i32
      %dma_start3A_129 = arith.constant 0 : i32
      %dma_start3A_130 = tpu.memref_slice %arg9[%dma_start3A_127, %dma_start3A_128, %dma_start3A_129] : memref<20x64x64xf32, #tpu.memory_space<vmem>> -> memref<1x64x64xf32, #tpu.memory_space<vmem>>
      %dma_start3A_131 = tpu.memref_squeeze %dma_start3A_130 : memref<1x64x64xf32, #tpu.memory_space<vmem>> -> memref<64x64xf32, #tpu.memory_space<vmem>>
      %dma_start3A_132 = tpu.memref_slice %arg7[%dma_start3A_126, %mul3A_49] : memref<20x512xi32, #tpu.memory_space<vmem>> -> memref<1x64xi32, #tpu.memory_space<vmem>>
      %dma_start3A_133 = tpu.memref_squeeze %dma_start3A_132 : memref<1x64xi32, #tpu.memory_space<vmem>> -> memref<64xi32, #tpu.memory_space<vmem>>
      %dma_start3A_134 = arith.constant 0 : i32
      %dma_start3A_135 = arith.constant 0 : i32
      %dma_start3A_136 = tpu.memref_slice %arg4[%dma_start3A_134, %dma_start3A_135] : memref<1000000x64xf32, #tpu.memory_space<hbm>> -> memref<1000000x64xf32, #tpu.memory_space<hbm>>
      tpu.enqueue_indirect_dma source(%dma_start3A_136 : memref<1000000x64xf32, #tpu.memory_space<hbm>>) target(%dma_start3A_131 : memref<64x64xf32, #tpu.memory_space<vmem>>) offsets(%dma_start3A_133 : memref<64xi32, #tpu.memory_space<vmem>>) semaphore(%arg13 : memref<!tpu.dma_semaphore, #tpu.memory_space<semaphore_mem>>)
      %dma_start3A_137 = arith.constant 8 : i32
      %dma_start3A_138 = arith.constant 8 : i32
      %dma_start3A_139 = arith.constant 0 : i32
      %dma_start3A_140 = arith.constant 0 : i32
      %dma_start3A_141 = tpu.memref_slice %arg9[%dma_start3A_138, %dma_start3A_139, %dma_start3A_140] : memref<20x64x64xf32, #tpu.memory_space<vmem>> -> memref<1x64x64xf32, #tpu.memory_space<vmem>>
      %dma_start3A_142 = tpu.memref_squeeze %dma_start3A_141 : memref<1x64x64xf32, #tpu.memory_space<vmem>> -> memref<64x64xf32, #tpu.memory_space<vmem>>
      %dma_start3A_143 = tpu.memref_slice %arg7[%dma_start3A_137, %mul3A_49] : memref<20x512xi32, #tpu.memory_space<vmem>> -> memref<1x64xi32, #tpu.memory_space<vmem>>
      %dma_start3A_144 = tpu.memref_squeeze %dma_start3A_143 : memref<1x64xi32, #tpu.memory_space<vmem>> -> memref<64xi32, #tpu.memory_space<vmem>>
      %dma_start3A_145 = arith.constant 0 : i32
      %dma_start3A_146 = arith.constant 0 : i32
      %dma_start3A_147 = tpu.memref_slice %arg4[%dma_start3A_145, %dma_start3A_146] : memref<1000000x64xf32, #tpu.memory_space<hbm>> -> memref<1000000x64xf32, #tpu.memory_space<hbm>>
      tpu.enqueue_indirect_dma source(%dma_start3A_147 : memref<1000000x64xf32, #tpu.memory_space<hbm>>) target(%dma_start3A_142 : memref<64x64xf32, #tpu.memory_space<vmem>>) offsets(%dma_start3A_144 : memref<64xi32, #tpu.memory_space<vmem>>) semaphore(%arg13 : memref<!tpu.dma_semaphore, #tpu.memory_space<semaphore_mem>>)
      %dma_start3A_148 = arith.constant 9 : i32
      %dma_start3A_149 = arith.constant 9 : i32
      %dma_start3A_150 = arith.constant 0 : i32
      %dma_start3A_151 = arith.constant 0 : i32
      %dma_start3A_152 = tpu.memref_slice %arg9[%dma_start3A_149, %dma_start3A_150, %dma_start3A_151] : memref<20x64x64xf32, #tpu.memory_space<vmem>> -> memref<1x64x64xf32, #tpu.memory_space<vmem>>
      %dma_start3A_153 = tpu.memref_squeeze %dma_start3A_152 : memref<1x64x64xf32, #tpu.memory_space<vmem>> -> memref<64x64xf32, #tpu.memory_space<vmem>>
      %dma_start3A_154 = tpu.memref_slice %arg7[%dma_start3A_148, %mul3A_49] : memref<20x512xi32, #tpu.memory_space<vmem>> -> memref<1x64xi32, #tpu.memory_space<vmem>>
      %dma_start3A_155 = tpu.memref_squeeze %dma_start3A_154 : memref<1x64xi32, #tpu.memory_space<vmem>> -> memref<64xi32, #tpu.memory_space<vmem>>
      %dma_start3A_156 = arith.constant 0 : i32
      %dma_start3A_157 = arith.constant 0 : i32
      %dma_start3A_158 = tpu.memref_slice %arg4[%dma_start3A_156, %dma_start3A_157] : memref<1000000x64xf32, #tpu.memory_space<hbm>> -> memref<1000000x64xf32, #tpu.memory_space<hbm>>
      tpu.enqueue_indirect_dma source(%dma_start3A_158 : memref<1000000x64xf32, #tpu.memory_space<hbm>>) target(%dma_start3A_153 : memref<64x64xf32, #tpu.memory_space<vmem>>) offsets(%dma_start3A_155 : memref<64xi32, #tpu.memory_space<vmem>>) semaphore(%arg13 : memref<!tpu.dma_semaphore, #tpu.memory_space<semaphore_mem>>)
      %dma_start3A_159 = arith.constant 10 : i32
      %dma_start3A_160 = arith.constant 10 : i32
      %dma_start3A_161 = arith.constant 0 : i32
      %dma_start3A_162 = arith.constant 0 : i32
      %dma_start3A_163 = tpu.memref_slice %arg9[%dma_start3A_160, %dma_start3A_161, %dma_start3A_162] : memref<20x64x64xf32, #tpu.memory_space<vmem>> -> memref<1x64x64xf32, #tpu.memory_space<vmem>>
      %dma_start3A_164 = tpu.memref_squeeze %dma_start3A_163 : memref<1x64x64xf32, #tpu.memory_space<vmem>> -> memref<64x64xf32, #tpu.memory_space<vmem>>
      %dma_start3A_165 = tpu.memref_slice %arg7[%dma_start3A_159, %mul3A_49] : memref<20x512xi32, #tpu.memory_space<vmem>> -> memref<1x64xi32, #tpu.memory_space<vmem>>
      %dma_start3A_166 = tpu.memref_squeeze %dma_start3A_165 : memref<1x64xi32, #tpu.memory_space<vmem>> -> memref<64xi32, #tpu.memory_space<vmem>>
      %dma_start3A_167 = arith.constant 0 : i32
      %dma_start3A_168 = arith.constant 0 : i32
      %dma_start3A_169 = tpu.memref_slice %arg4[%dma_start3A_167, %dma_start3A_168] : memref<1000000x64xf32, #tpu.memory_space<hbm>> -> memref<1000000x64xf32, #tpu.memory_space<hbm>>
      tpu.enqueue_indirect_dma source(%dma_start3A_169 : memref<1000000x64xf32, #tpu.memory_space<hbm>>) target(%dma_start3A_164 : memref<64x64xf32, #tpu.memory_space<vmem>>) offsets(%dma_start3A_166 : memref<64xi32, #tpu.memory_space<vmem>>) semaphore(%arg13 : memref<!tpu.dma_semaphore, #tpu.memory_space<semaphore_mem>>)
      %dma_start3A_170 = arith.constant 11 : i32
      %dma_start3A_171 = arith.constant 11 : i32
      %dma_start3A_172 = arith.constant 0 : i32
      %dma_start3A_173 = arith.constant 0 : i32
      %dma_start3A_174 = tpu.memref_slice %arg9[%dma_start3A_171, %dma_start3A_172, %dma_start3A_173] : memref<20x64x64xf32, #tpu.memory_space<vmem>> -> memref<1x64x64xf32, #tpu.memory_space<vmem>>
      %dma_start3A_175 = tpu.memref_squeeze %dma_start3A_174 : memref<1x64x64xf32, #tpu.memory_space<vmem>> -> memref<64x64xf32, #tpu.memory_space<vmem>>
      %dma_start3A_176 = tpu.memref_slice %arg7[%dma_start3A_170, %mul3A_49] : memref<20x512xi32, #tpu.memory_space<vmem>> -> memref<1x64xi32, #tpu.memory_space<vmem>>
      %dma_start3A_177 = tpu.memref_squeeze %dma_start3A_176 : memref<1x64xi32, #tpu.memory_space<vmem>> -> memref<64xi32, #tpu.memory_space<vmem>>
      %dma_start3A_178 = arith.constant 0 : i32
      %dma_start3A_179 = arith.constant 0 : i32
      %dma_start3A_180 = tpu.memref_slice %arg4[%dma_start3A_178, %dma_start3A_179] : memref<1000000x64xf32, #tpu.memory_space<hbm>> -> memref<1000000x64xf32, #tpu.memory_space<hbm>>
      tpu.enqueue_indirect_dma source(%dma_start3A_180 : memref<1000000x64xf32, #tpu.memory_space<hbm>>) target(%dma_start3A_175 : memref<64x64xf32, #tpu.memory_space<vmem>>) offsets(%dma_start3A_177 : memref<64xi32, #tpu.memory_space<vmem>>) semaphore(%arg13 : memref<!tpu.dma_semaphore, #tpu.memory_space<semaphore_mem>>)
      %dma_start3A_181 = arith.constant 12 : i32
      %dma_start3A_182 = arith.constant 12 : i32
      %dma_start3A_183 = arith.constant 0 : i32
      %dma_start3A_184 = arith.constant 0 : i32
      %dma_start3A_185 = tpu.memref_slice %arg9[%dma_start3A_182, %dma_start3A_183, %dma_start3A_184] : memref<20x64x64xf32, #tpu.memory_space<vmem>> -> memref<1x64x64xf32, #tpu.memory_space<vmem>>
      %dma_start3A_186 = tpu.memref_squeeze %dma_start3A_185 : memref<1x64x64xf32, #tpu.memory_space<vmem>> -> memref<64x64xf32, #tpu.memory_space<vmem>>
      %dma_start3A_187 = tpu.memref_slice %arg7[%dma_start3A_181, %mul3A_49] : memref<20x512xi32, #tpu.memory_space<vmem>> -> memref<1x64xi32, #tpu.memory_space<vmem>>
      %dma_start3A_188 = tpu.memref_squeeze %dma_start3A_187 : memref<1x64xi32, #tpu.memory_space<vmem>> -> memref<64xi32, #tpu.memory_space<vmem>>
      %dma_start3A_189 = arith.constant 0 : i32
      %dma_start3A_190 = arith.constant 0 : i32
      %dma_start3A_191 = tpu.memref_slice %arg4[%dma_start3A_189, %dma_start3A_190] : memref<1000000x64xf32, #tpu.memory_space<hbm>> -> memref<1000000x64xf32, #tpu.memory_space<hbm>>
      tpu.enqueue_indirect_dma source(%dma_start3A_191 : memref<1000000x64xf32, #tpu.memory_space<hbm>>) target(%dma_start3A_186 : memref<64x64xf32, #tpu.memory_space<vmem>>) offsets(%dma_start3A_188 : memref<64xi32, #tpu.memory_space<vmem>>) semaphore(%arg13 : memref<!tpu.dma_semaphore, #tpu.memory_space<semaphore_mem>>)
      %dma_start3A_192 = arith.constant 13 : i32
      %dma_start3A_193 = arith.constant 13 : i32
      %dma_start3A_194 = arith.constant 0 : i32
      %dma_start3A_195 = arith.constant 0 : i32
      %dma_start3A_196 = tpu.memref_slice %arg9[%dma_start3A_193, %dma_start3A_194, %dma_start3A_195] : memref<20x64x64xf32, #tpu.memory_space<vmem>> -> memref<1x64x64xf32, #tpu.memory_space<vmem>>
      %dma_start3A_197 = tpu.memref_squeeze %dma_start3A_196 : memref<1x64x64xf32, #tpu.memory_space<vmem>> -> memref<64x64xf32, #tpu.memory_space<vmem>>
      %dma_start3A_198 = tpu.memref_slice %arg7[%dma_start3A_192, %mul3A_49] : memref<20x512xi32, #tpu.memory_space<vmem>> -> memref<1x64xi32, #tpu.memory_space<vmem>>
      %dma_start3A_199 = tpu.memref_squeeze %dma_start3A_198 : memref<1x64xi32, #tpu.memory_space<vmem>> -> memref<64xi32, #tpu.memory_space<vmem>>
      %dma_start3A_200 = arith.constant 0 : i32
      %dma_start3A_201 = arith.constant 0 : i32
      %dma_start3A_202 = tpu.memref_slice %arg4[%dma_start3A_200, %dma_start3A_201] : memref<1000000x64xf32, #tpu.memory_space<hbm>> -> memref<1000000x64xf32, #tpu.memory_space<hbm>>
      tpu.enqueue_indirect_dma source(%dma_start3A_202 : memref<1000000x64xf32, #tpu.memory_space<hbm>>) target(%dma_start3A_197 : memref<64x64xf32, #tpu.memory_space<vmem>>) offsets(%dma_start3A_199 : memref<64xi32, #tpu.memory_space<vmem>>) semaphore(%arg13 : memref<!tpu.dma_semaphore, #tpu.memory_space<semaphore_mem>>)
      %dma_start3A_203 = arith.constant 14 : i32
      %dma_start3A_204 = arith.constant 14 : i32
      %dma_start3A_205 = arith.constant 0 : i32
      %dma_start3A_206 = arith.constant 0 : i32
      %dma_start3A_207 = tpu.memref_slice %arg9[%dma_start3A_204, %dma_start3A_205, %dma_start3A_206] : memref<20x64x64xf32, #tpu.memory_space<vmem>> -> memref<1x64x64xf32, #tpu.memory_space<vmem>>
      %dma_start3A_208 = tpu.memref_squeeze %dma_start3A_207 : memref<1x64x64xf32, #tpu.memory_space<vmem>> -> memref<64x64xf32, #tpu.memory_space<vmem>>
      %dma_start3A_209 = tpu.memref_slice %arg7[%dma_start3A_203, %mul3A_49] : memref<20x512xi32, #tpu.memory_space<vmem>> -> memref<1x64xi32, #tpu.memory_space<vmem>>
      %dma_start3A_210 = tpu.memref_squeeze %dma_start3A_209 : memref<1x64xi32, #tpu.memory_space<vmem>> -> memref<64xi32, #tpu.memory_space<vmem>>
      %dma_start3A_211 = arith.constant 0 : i32
      %dma_start3A_212 = arith.constant 0 : i32
      %dma_start3A_213 = tpu.memref_slice %arg4[%dma_start3A_211, %dma_start3A_212] : memref<1000000x64xf32, #tpu.memory_space<hbm>> -> memref<1000000x64xf32, #tpu.memory_space<hbm>>
      tpu.enqueue_indirect_dma source(%dma_start3A_213 : memref<1000000x64xf32, #tpu.memory_space<hbm>>) target(%dma_start3A_208 : memref<64x64xf32, #tpu.memory_space<vmem>>) offsets(%dma_start3A_210 : memref<64xi32, #tpu.memory_space<vmem>>) semaphore(%arg13 : memref<!tpu.dma_semaphore, #tpu.memory_space<semaphore_mem>>)
      %dma_start3A_214 = arith.constant 15 : i32
      %dma_start3A_215 = arith.constant 15 : i32
      %dma_start3A_216 = arith.constant 0 : i32
      %dma_start3A_217 = arith.constant 0 : i32
      %dma_start3A_218 = tpu.memref_slice %arg9[%dma_start3A_215, %dma_start3A_216, %dma_start3A_217] : memref<20x64x64xf32, #tpu.memory_space<vmem>> -> memref<1x64x64xf32, #tpu.memory_space<vmem>>
      %dma_start3A_219 = tpu.memref_squeeze %dma_start3A_218 : memref<1x64x64xf32, #tpu.memory_space<vmem>> -> memref<64x64xf32, #tpu.memory_space<vmem>>
      %dma_start3A_220 = tpu.memref_slice %arg7[%dma_start3A_214, %mul3A_49] : memref<20x512xi32, #tpu.memory_space<vmem>> -> memref<1x64xi32, #tpu.memory_space<vmem>>
      %dma_start3A_221 = tpu.memref_squeeze %dma_start3A_220 : memref<1x64xi32, #tpu.memory_space<vmem>> -> memref<64xi32, #tpu.memory_space<vmem>>
      %dma_start3A_222 = arith.constant 0 : i32
      %dma_start3A_223 = arith.constant 0 : i32
      %dma_start3A_224 = tpu.memref_slice %arg4[%dma_start3A_222, %dma_start3A_223] : memref<1000000x64xf32, #tpu.memory_space<hbm>> -> memref<1000000x64xf32, #tpu.memory_space<hbm>>
      tpu.enqueue_indirect_dma source(%dma_start3A_224 : memref<1000000x64xf32, #tpu.memory_space<hbm>>) target(%dma_start3A_219 : memref<64x64xf32, #tpu.memory_space<vmem>>) offsets(%dma_start3A_221 : memref<64xi32, #tpu.memory_space<vmem>>) semaphore(%arg13 : memref<!tpu.dma_semaphore, #tpu.memory_space<semaphore_mem>>)
      %dma_start3A_225 = arith.constant 16 : i32
      %dma_start3A_226 = arith.constant 16 : i32
      %dma_start3A_227 = arith.constant 0 : i32
      %dma_start3A_228 = arith.constant 0 : i32
      %dma_start3A_229 = tpu.memref_slice %arg9[%dma_start3A_226, %dma_start3A_227, %dma_start3A_228] : memref<20x64x64xf32, #tpu.memory_space<vmem>> -> memref<1x64x64xf32, #tpu.memory_space<vmem>>
      %dma_start3A_230 = tpu.memref_squeeze %dma_start3A_229 : memref<1x64x64xf32, #tpu.memory_space<vmem>> -> memref<64x64xf32, #tpu.memory_space<vmem>>
      %dma_start3A_231 = tpu.memref_slice %arg7[%dma_start3A_225, %mul3A_49] : memref<20x512xi32, #tpu.memory_space<vmem>> -> memref<1x64xi32, #tpu.memory_space<vmem>>
      %dma_start3A_232 = tpu.memref_squeeze %dma_start3A_231 : memref<1x64xi32, #tpu.memory_space<vmem>> -> memref<64xi32, #tpu.memory_space<vmem>>
      %dma_start3A_233 = arith.constant 0 : i32
      %dma_start3A_234 = arith.constant 0 : i32
      %dma_start3A_235 = tpu.memref_slice %arg4[%dma_start3A_233, %dma_start3A_234] : memref<1000000x64xf32, #tpu.memory_space<hbm>> -> memref<1000000x64xf32, #tpu.memory_space<hbm>>
      tpu.enqueue_indirect_dma source(%dma_start3A_235 : memref<1000000x64xf32, #tpu.memory_space<hbm>>) target(%dma_start3A_230 : memref<64x64xf32, #tpu.memory_space<vmem>>) offsets(%dma_start3A_232 : memref<64xi32, #tpu.memory_space<vmem>>) semaphore(%arg13 : memref<!tpu.dma_semaphore, #tpu.memory_space<semaphore_mem>>)
      %dma_start3A_236 = arith.constant 17 : i32
      %dma_start3A_237 = arith.constant 17 : i32
      %dma_start3A_238 = arith.constant 0 : i32
      %dma_start3A_239 = arith.constant 0 : i32
      %dma_start3A_240 = tpu.memref_slice %arg9[%dma_start3A_237, %dma_start3A_238, %dma_start3A_239] : memref<20x64x64xf32, #tpu.memory_space<vmem>> -> memref<1x64x64xf32, #tpu.memory_space<vmem>>
      %dma_start3A_241 = tpu.memref_squeeze %dma_start3A_240 : memref<1x64x64xf32, #tpu.memory_space<vmem>> -> memref<64x64xf32, #tpu.memory_space<vmem>>
      %dma_start3A_242 = tpu.memref_slice %arg7[%dma_start3A_236, %mul3A_49] : memref<20x512xi32, #tpu.memory_space<vmem>> -> memref<1x64xi32, #tpu.memory_space<vmem>>
      %dma_start3A_243 = tpu.memref_squeeze %dma_start3A_242 : memref<1x64xi32, #tpu.memory_space<vmem>> -> memref<64xi32, #tpu.memory_space<vmem>>
      %dma_start3A_244 = arith.constant 0 : i32
      %dma_start3A_245 = arith.constant 0 : i32
      %dma_start3A_246 = tpu.memref_slice %arg4[%dma_start3A_244, %dma_start3A_245] : memref<1000000x64xf32, #tpu.memory_space<hbm>> -> memref<1000000x64xf32, #tpu.memory_space<hbm>>
      tpu.enqueue_indirect_dma source(%dma_start3A_246 : memref<1000000x64xf32, #tpu.memory_space<hbm>>) target(%dma_start3A_241 : memref<64x64xf32, #tpu.memory_space<vmem>>) offsets(%dma_start3A_243 : memref<64xi32, #tpu.memory_space<vmem>>) semaphore(%arg13 : memref<!tpu.dma_semaphore, #tpu.memory_space<semaphore_mem>>)
      %dma_start3A_247 = arith.constant 18 : i32
      %dma_start3A_248 = arith.constant 18 : i32
      %dma_start3A_249 = arith.constant 0 : i32
      %dma_start3A_250 = arith.constant 0 : i32
      %dma_start3A_251 = tpu.memref_slice %arg9[%dma_start3A_248, %dma_start3A_249, %dma_start3A_250] : memref<20x64x64xf32, #tpu.memory_space<vmem>> -> memref<1x64x64xf32, #tpu.memory_space<vmem>>
      %dma_start3A_252 = tpu.memref_squeeze %dma_start3A_251 : memref<1x64x64xf32, #tpu.memory_space<vmem>> -> memref<64x64xf32, #tpu.memory_space<vmem>>
      %dma_start3A_253 = tpu.memref_slice %arg7[%dma_start3A_247, %mul3A_49] : memref<20x512xi32, #tpu.memory_space<vmem>> -> memref<1x64xi32, #tpu.memory_space<vmem>>
      %dma_start3A_254 = tpu.memref_squeeze %dma_start3A_253 : memref<1x64xi32, #tpu.memory_space<vmem>> -> memref<64xi32, #tpu.memory_space<vmem>>
      %dma_start3A_255 = arith.constant 0 : i32
      %dma_start3A_256 = arith.constant 0 : i32
      %dma_start3A_257 = tpu.memref_slice %arg4[%dma_start3A_255, %dma_start3A_256] : memref<1000000x64xf32, #tpu.memory_space<hbm>> -> memref<1000000x64xf32, #tpu.memory_space<hbm>>
      tpu.enqueue_indirect_dma source(%dma_start3A_257 : memref<1000000x64xf32, #tpu.memory_space<hbm>>) target(%dma_start3A_252 : memref<64x64xf32, #tpu.memory_space<vmem>>) offsets(%dma_start3A_254 : memref<64xi32, #tpu.memory_space<vmem>>) semaphore(%arg13 : memref<!tpu.dma_semaphore, #tpu.memory_space<semaphore_mem>>)
      %dma_start3A_258 = arith.constant 19 : i32
      %dma_start3A_259 = arith.constant 19 : i32
      %dma_start3A_260 = arith.constant 0 : i32
      %dma_start3A_261 = arith.constant 0 : i32
      %dma_start3A_262 = tpu.memref_slice %arg9[%dma_start3A_259, %dma_start3A_260, %dma_start3A_261] : memref<20x64x64xf32, #tpu.memory_space<vmem>> -> memref<1x64x64xf32, #tpu.memory_space<vmem>>
      %dma_start3A_263 = tpu.memref_squeeze %dma_start3A_262 : memref<1x64x64xf32, #tpu.memory_space<vmem>> -> memref<64x64xf32, #tpu.memory_space<vmem>>
      %dma_start3A_264 = tpu.memref_slice %arg7[%dma_start3A_258, %mul3A_49] : memref<20x512xi32, #tpu.memory_space<vmem>> -> memref<1x64xi32, #tpu.memory_space<vmem>>
      %dma_start3A_265 = tpu.memref_squeeze %dma_start3A_264 : memref<1x64xi32, #tpu.memory_space<vmem>> -> memref<64xi32, #tpu.memory_space<vmem>>
      %dma_start3A_266 = arith.constant 0 : i32
      %dma_start3A_267 = arith.constant 0 : i32
      %dma_start3A_268 = tpu.memref_slice %arg4[%dma_start3A_266, %dma_start3A_267] : memref<1000000x64xf32, #tpu.memory_space<hbm>> -> memref<1000000x64xf32, #tpu.memory_space<hbm>>
      tpu.enqueue_indirect_dma source(%dma_start3A_268 : memref<1000000x64xf32, #tpu.memory_space<hbm>>) target(%dma_start3A_263 : memref<64x64xf32, #tpu.memory_space<vmem>>) offsets(%dma_start3A_265 : memref<64xi32, #tpu.memory_space<vmem>>) semaphore(%arg13 : memref<!tpu.dma_semaphore, #tpu.memory_space<semaphore_mem>>)
      %dma_start3A_269 = tpu.memref_slice %arg8[%mul3A_49] : memref<512xi32, #tpu.memory_space<vmem>> -> memref<64xi32, #tpu.memory_space<vmem>>
      %dma_start3A_270 = arith.constant 0 : i32
      %dma_start3A_271 = arith.constant 0 : i32
      %dma_start3A_272 = tpu.memref_slice %arg5[%dma_start3A_270, %dma_start3A_271] : memref<1000000x64xf32, #tpu.memory_space<hbm>> -> memref<1000000x64xf32, #tpu.memory_space<hbm>>
      tpu.enqueue_indirect_dma source(%dma_start3A_272 : memref<1000000x64xf32, #tpu.memory_space<hbm>>) target(%arg10 : memref<64x64xf32, #tpu.memory_space<vmem>>) offsets(%dma_start3A_269 : memref<64xi32, #tpu.memory_space<vmem>>) semaphore(%arg13 : memref<!tpu.dma_semaphore, #tpu.memory_space<semaphore_mem>>)
      %dma_wait3A = arith.constant 0 : i32
      %dma_wait3A_273 = arith.constant 0 : i32
      %dma_wait3A_274 = arith.constant 0 : i32
      %dma_wait3A_275 = arith.constant 0 : i32
      %dma_wait3A_276 = tpu.memref_slice %arg9[%dma_wait3A_273, %dma_wait3A_274, %dma_wait3A_275] : memref<20x64x64xf32, #tpu.memory_space<vmem>> -> memref<1x64x64xf32, #tpu.memory_space<vmem>>
      %dma_wait3A_277 = tpu.memref_squeeze %dma_wait3A_276 : memref<1x64x64xf32, #tpu.memory_space<vmem>> -> memref<64x64xf32, #tpu.memory_space<vmem>>
      %dma_wait3A_278 = tpu.memref_slice %arg7[%dma_wait3A, %mul3A_49] : memref<20x512xi32, #tpu.memory_space<vmem>> -> memref<1x64xi32, #tpu.memory_space<vmem>>
      %dma_wait3A_279 = tpu.memref_squeeze %dma_wait3A_278 : memref<1x64xi32, #tpu.memory_space<vmem>> -> memref<64xi32, #tpu.memory_space<vmem>>
      %dma_wait3A_280 = arith.constant 0 : i32
      %dma_wait3A_281 = arith.constant 0 : i32
      %dma_wait3A_282 = tpu.memref_slice %arg4[%dma_wait3A_280, %dma_wait3A_281] : memref<1000000x64xf32, #tpu.memory_space<hbm>> -> memref<1000000x64xf32, #tpu.memory_space<hbm>>
      tpu.wait_indirect_dma semaphore(%arg13 : memref<!tpu.dma_semaphore, #tpu.memory_space<semaphore_mem>>) src(%dma_wait3A_282 : memref<1000000x64xf32, #tpu.memory_space<hbm>>) dst(%dma_wait3A_277 : memref<64x64xf32, #tpu.memory_space<vmem>>)
      %dma_wait3A_283 = arith.constant 1 : i32
      %dma_wait3A_284 = arith.constant 1 : i32
      %dma_wait3A_285 = arith.constant 0 : i32
      %dma_wait3A_286 = arith.constant 0 : i32
      %dma_wait3A_287 = tpu.memref_slice %arg9[%dma_wait3A_284, %dma_wait3A_285, %dma_wait3A_286] : memref<20x64x64xf32, #tpu.memory_space<vmem>> -> memref<1x64x64xf32, #tpu.memory_space<vmem>>
      %dma_wait3A_288 = tpu.memref_squeeze %dma_wait3A_287 : memref<1x64x64xf32, #tpu.memory_space<vmem>> -> memref<64x64xf32, #tpu.memory_space<vmem>>
      %dma_wait3A_289 = tpu.memref_slice %arg7[%dma_wait3A_283, %mul3A_49] : memref<20x512xi32, #tpu.memory_space<vmem>> -> memref<1x64xi32, #tpu.memory_space<vmem>>
      %dma_wait3A_290 = tpu.memref_squeeze %dma_wait3A_289 : memref<1x64xi32, #tpu.memory_space<vmem>> -> memref<64xi32, #tpu.memory_space<vmem>>
      %dma_wait3A_291 = arith.constant 0 : i32
      %dma_wait3A_292 = arith.constant 0 : i32
      %dma_wait3A_293 = tpu.memref_slice %arg4[%dma_wait3A_291, %dma_wait3A_292] : memref<1000000x64xf32, #tpu.memory_space<hbm>> -> memref<1000000x64xf32, #tpu.memory_space<hbm>>
      tpu.wait_indirect_dma semaphore(%arg13 : memref<!tpu.dma_semaphore, #tpu.memory_space<semaphore_mem>>) src(%dma_wait3A_293 : memref<1000000x64xf32, #tpu.memory_space<hbm>>) dst(%dma_wait3A_288 : memref<64x64xf32, #tpu.memory_space<vmem>>)
      %dma_wait3A_294 = arith.constant 2 : i32
      %dma_wait3A_295 = arith.constant 2 : i32
      %dma_wait3A_296 = arith.constant 0 : i32
      %dma_wait3A_297 = arith.constant 0 : i32
      %dma_wait3A_298 = tpu.memref_slice %arg9[%dma_wait3A_295, %dma_wait3A_296, %dma_wait3A_297] : memref<20x64x64xf32, #tpu.memory_space<vmem>> -> memref<1x64x64xf32, #tpu.memory_space<vmem>>
      %dma_wait3A_299 = tpu.memref_squeeze %dma_wait3A_298 : memref<1x64x64xf32, #tpu.memory_space<vmem>> -> memref<64x64xf32, #tpu.memory_space<vmem>>
      %dma_wait3A_300 = tpu.memref_slice %arg7[%dma_wait3A_294, %mul3A_49] : memref<20x512xi32, #tpu.memory_space<vmem>> -> memref<1x64xi32, #tpu.memory_space<vmem>>
      %dma_wait3A_301 = tpu.memref_squeeze %dma_wait3A_300 : memref<1x64xi32, #tpu.memory_space<vmem>> -> memref<64xi32, #tpu.memory_space<vmem>>
      %dma_wait3A_302 = arith.constant 0 : i32
      %dma_wait3A_303 = arith.constant 0 : i32
      %dma_wait3A_304 = tpu.memref_slice %arg4[%dma_wait3A_302, %dma_wait3A_303] : memref<1000000x64xf32, #tpu.memory_space<hbm>> -> memref<1000000x64xf32, #tpu.memory_space<hbm>>
      tpu.wait_indirect_dma semaphore(%arg13 : memref<!tpu.dma_semaphore, #tpu.memory_space<semaphore_mem>>) src(%dma_wait3A_304 : memref<1000000x64xf32, #tpu.memory_space<hbm>>) dst(%dma_wait3A_299 : memref<64x64xf32, #tpu.memory_space<vmem>>)
      %dma_wait3A_305 = arith.constant 3 : i32
      %dma_wait3A_306 = arith.constant 3 : i32
      %dma_wait3A_307 = arith.constant 0 : i32
      %dma_wait3A_308 = arith.constant 0 : i32
      %dma_wait3A_309 = tpu.memref_slice %arg9[%dma_wait3A_306, %dma_wait3A_307, %dma_wait3A_308] : memref<20x64x64xf32, #tpu.memory_space<vmem>> -> memref<1x64x64xf32, #tpu.memory_space<vmem>>
      %dma_wait3A_310 = tpu.memref_squeeze %dma_wait3A_309 : memref<1x64x64xf32, #tpu.memory_space<vmem>> -> memref<64x64xf32, #tpu.memory_space<vmem>>
      %dma_wait3A_311 = tpu.memref_slice %arg7[%dma_wait3A_305, %mul3A_49] : memref<20x512xi32, #tpu.memory_space<vmem>> -> memref<1x64xi32, #tpu.memory_space<vmem>>
      %dma_wait3A_312 = tpu.memref_squeeze %dma_wait3A_311 : memref<1x64xi32, #tpu.memory_space<vmem>> -> memref<64xi32, #tpu.memory_space<vmem>>
      %dma_wait3A_313 = arith.constant 0 : i32
      %dma_wait3A_314 = arith.constant 0 : i32
      %dma_wait3A_315 = tpu.memref_slice %arg4[%dma_wait3A_313, %dma_wait3A_314] : memref<1000000x64xf32, #tpu.memory_space<hbm>> -> memref<1000000x64xf32, #tpu.memory_space<hbm>>
      tpu.wait_indirect_dma semaphore(%arg13 : memref<!tpu.dma_semaphore, #tpu.memory_space<semaphore_mem>>) src(%dma_wait3A_315 : memref<1000000x64xf32, #tpu.memory_space<hbm>>) dst(%dma_wait3A_310 : memref<64x64xf32, #tpu.memory_space<vmem>>)
      %dma_wait3A_316 = arith.constant 4 : i32
      %dma_wait3A_317 = arith.constant 4 : i32
      %dma_wait3A_318 = arith.constant 0 : i32
      %dma_wait3A_319 = arith.constant 0 : i32
      %dma_wait3A_320 = tpu.memref_slice %arg9[%dma_wait3A_317, %dma_wait3A_318, %dma_wait3A_319] : memref<20x64x64xf32, #tpu.memory_space<vmem>> -> memref<1x64x64xf32, #tpu.memory_space<vmem>>
      %dma_wait3A_321 = tpu.memref_squeeze %dma_wait3A_320 : memref<1x64x64xf32, #tpu.memory_space<vmem>> -> memref<64x64xf32, #tpu.memory_space<vmem>>
      %dma_wait3A_322 = tpu.memref_slice %arg7[%dma_wait3A_316, %mul3A_49] : memref<20x512xi32, #tpu.memory_space<vmem>> -> memref<1x64xi32, #tpu.memory_space<vmem>>
      %dma_wait3A_323 = tpu.memref_squeeze %dma_wait3A_322 : memref<1x64xi32, #tpu.memory_space<vmem>> -> memref<64xi32, #tpu.memory_space<vmem>>
      %dma_wait3A_324 = arith.constant 0 : i32
      %dma_wait3A_325 = arith.constant 0 : i32
      %dma_wait3A_326 = tpu.memref_slice %arg4[%dma_wait3A_324, %dma_wait3A_325] : memref<1000000x64xf32, #tpu.memory_space<hbm>> -> memref<1000000x64xf32, #tpu.memory_space<hbm>>
      tpu.wait_indirect_dma semaphore(%arg13 : memref<!tpu.dma_semaphore, #tpu.memory_space<semaphore_mem>>) src(%dma_wait3A_326 : memref<1000000x64xf32, #tpu.memory_space<hbm>>) dst(%dma_wait3A_321 : memref<64x64xf32, #tpu.memory_space<vmem>>)
      %dma_wait3A_327 = arith.constant 5 : i32
      %dma_wait3A_328 = arith.constant 5 : i32
      %dma_wait3A_329 = arith.constant 0 : i32
      %dma_wait3A_330 = arith.constant 0 : i32
      %dma_wait3A_331 = tpu.memref_slice %arg9[%dma_wait3A_328, %dma_wait3A_329, %dma_wait3A_330] : memref<20x64x64xf32, #tpu.memory_space<vmem>> -> memref<1x64x64xf32, #tpu.memory_space<vmem>>
      %dma_wait3A_332 = tpu.memref_squeeze %dma_wait3A_331 : memref<1x64x64xf32, #tpu.memory_space<vmem>> -> memref<64x64xf32, #tpu.memory_space<vmem>>
      %dma_wait3A_333 = tpu.memref_slice %arg7[%dma_wait3A_327, %mul3A_49] : memref<20x512xi32, #tpu.memory_space<vmem>> -> memref<1x64xi32, #tpu.memory_space<vmem>>
      %dma_wait3A_334 = tpu.memref_squeeze %dma_wait3A_333 : memref<1x64xi32, #tpu.memory_space<vmem>> -> memref<64xi32, #tpu.memory_space<vmem>>
      %dma_wait3A_335 = arith.constant 0 : i32
      %dma_wait3A_336 = arith.constant 0 : i32
      %dma_wait3A_337 = tpu.memref_slice %arg4[%dma_wait3A_335, %dma_wait3A_336] : memref<1000000x64xf32, #tpu.memory_space<hbm>> -> memref<1000000x64xf32, #tpu.memory_space<hbm>>
      tpu.wait_indirect_dma semaphore(%arg13 : memref<!tpu.dma_semaphore, #tpu.memory_space<semaphore_mem>>) src(%dma_wait3A_337 : memref<1000000x64xf32, #tpu.memory_space<hbm>>) dst(%dma_wait3A_332 : memref<64x64xf32, #tpu.memory_space<vmem>>)
      %dma_wait3A_338 = arith.constant 6 : i32
      %dma_wait3A_339 = arith.constant 6 : i32
      %dma_wait3A_340 = arith.constant 0 : i32
      %dma_wait3A_341 = arith.constant 0 : i32
      %dma_wait3A_342 = tpu.memref_slice %arg9[%dma_wait3A_339, %dma_wait3A_340, %dma_wait3A_341] : memref<20x64x64xf32, #tpu.memory_space<vmem>> -> memref<1x64x64xf32, #tpu.memory_space<vmem>>
      %dma_wait3A_343 = tpu.memref_squeeze %dma_wait3A_342 : memref<1x64x64xf32, #tpu.memory_space<vmem>> -> memref<64x64xf32, #tpu.memory_space<vmem>>
      %dma_wait3A_344 = tpu.memref_slice %arg7[%dma_wait3A_338, %mul3A_49] : memref<20x512xi32, #tpu.memory_space<vmem>> -> memref<1x64xi32, #tpu.memory_space<vmem>>
      %dma_wait3A_345 = tpu.memref_squeeze %dma_wait3A_344 : memref<1x64xi32, #tpu.memory_space<vmem>> -> memref<64xi32, #tpu.memory_space<vmem>>
      %dma_wait3A_346 = arith.constant 0 : i32
      %dma_wait3A_347 = arith.constant 0 : i32
      %dma_wait3A_348 = tpu.memref_slice %arg4[%dma_wait3A_346, %dma_wait3A_347] : memref<1000000x64xf32, #tpu.memory_space<hbm>> -> memref<1000000x64xf32, #tpu.memory_space<hbm>>
      tpu.wait_indirect_dma semaphore(%arg13 : memref<!tpu.dma_semaphore, #tpu.memory_space<semaphore_mem>>) src(%dma_wait3A_348 : memref<1000000x64xf32, #tpu.memory_space<hbm>>) dst(%dma_wait3A_343 : memref<64x64xf32, #tpu.memory_space<vmem>>)
      %dma_wait3A_349 = arith.constant 7 : i32
      %dma_wait3A_350 = arith.constant 7 : i32
      %dma_wait3A_351 = arith.constant 0 : i32
      %dma_wait3A_352 = arith.constant 0 : i32
      %dma_wait3A_353 = tpu.memref_slice %arg9[%dma_wait3A_350, %dma_wait3A_351, %dma_wait3A_352] : memref<20x64x64xf32, #tpu.memory_space<vmem>> -> memref<1x64x64xf32, #tpu.memory_space<vmem>>
      %dma_wait3A_354 = tpu.memref_squeeze %dma_wait3A_353 : memref<1x64x64xf32, #tpu.memory_space<vmem>> -> memref<64x64xf32, #tpu.memory_space<vmem>>
      %dma_wait3A_355 = tpu.memref_slice %arg7[%dma_wait3A_349, %mul3A_49] : memref<20x512xi32, #tpu.memory_space<vmem>> -> memref<1x64xi32, #tpu.memory_space<vmem>>
      %dma_wait3A_356 = tpu.memref_squeeze %dma_wait3A_355 : memref<1x64xi32, #tpu.memory_space<vmem>> -> memref<64xi32, #tpu.memory_space<vmem>>
      %dma_wait3A_357 = arith.constant 0 : i32
      %dma_wait3A_358 = arith.constant 0 : i32
      %dma_wait3A_359 = tpu.memref_slice %arg4[%dma_wait3A_357, %dma_wait3A_358] : memref<1000000x64xf32, #tpu.memory_space<hbm>> -> memref<1000000x64xf32, #tpu.memory_space<hbm>>
      tpu.wait_indirect_dma semaphore(%arg13 : memref<!tpu.dma_semaphore, #tpu.memory_space<semaphore_mem>>) src(%dma_wait3A_359 : memref<1000000x64xf32, #tpu.memory_space<hbm>>) dst(%dma_wait3A_354 : memref<64x64xf32, #tpu.memory_space<vmem>>)
      %dma_wait3A_360 = arith.constant 8 : i32
      %dma_wait3A_361 = arith.constant 8 : i32
      %dma_wait3A_362 = arith.constant 0 : i32
      %dma_wait3A_363 = arith.constant 0 : i32
      %dma_wait3A_364 = tpu.memref_slice %arg9[%dma_wait3A_361, %dma_wait3A_362, %dma_wait3A_363] : memref<20x64x64xf32, #tpu.memory_space<vmem>> -> memref<1x64x64xf32, #tpu.memory_space<vmem>>
      %dma_wait3A_365 = tpu.memref_squeeze %dma_wait3A_364 : memref<1x64x64xf32, #tpu.memory_space<vmem>> -> memref<64x64xf32, #tpu.memory_space<vmem>>
      %dma_wait3A_366 = tpu.memref_slice %arg7[%dma_wait3A_360, %mul3A_49] : memref<20x512xi32, #tpu.memory_space<vmem>> -> memref<1x64xi32, #tpu.memory_space<vmem>>
      %dma_wait3A_367 = tpu.memref_squeeze %dma_wait3A_366 : memref<1x64xi32, #tpu.memory_space<vmem>> -> memref<64xi32, #tpu.memory_space<vmem>>
      %dma_wait3A_368 = arith.constant 0 : i32
      %dma_wait3A_369 = arith.constant 0 : i32
      %dma_wait3A_370 = tpu.memref_slice %arg4[%dma_wait3A_368, %dma_wait3A_369] : memref<1000000x64xf32, #tpu.memory_space<hbm>> -> memref<1000000x64xf32, #tpu.memory_space<hbm>>
      tpu.wait_indirect_dma semaphore(%arg13 : memref<!tpu.dma_semaphore, #tpu.memory_space<semaphore_mem>>) src(%dma_wait3A_370 : memref<1000000x64xf32, #tpu.memory_space<hbm>>) dst(%dma_wait3A_365 : memref<64x64xf32, #tpu.memory_space<vmem>>)
      %dma_wait3A_371 = arith.constant 9 : i32
      %dma_wait3A_372 = arith.constant 9 : i32
      %dma_wait3A_373 = arith.constant 0 : i32
      %dma_wait3A_374 = arith.constant 0 : i32
      %dma_wait3A_375 = tpu.memref_slice %arg9[%dma_wait3A_372, %dma_wait3A_373, %dma_wait3A_374] : memref<20x64x64xf32, #tpu.memory_space<vmem>> -> memref<1x64x64xf32, #tpu.memory_space<vmem>>
      %dma_wait3A_376 = tpu.memref_squeeze %dma_wait3A_375 : memref<1x64x64xf32, #tpu.memory_space<vmem>> -> memref<64x64xf32, #tpu.memory_space<vmem>>
      %dma_wait3A_377 = tpu.memref_slice %arg7[%dma_wait3A_371, %mul3A_49] : memref<20x512xi32, #tpu.memory_space<vmem>> -> memref<1x64xi32, #tpu.memory_space<vmem>>
      %dma_wait3A_378 = tpu.memref_squeeze %dma_wait3A_377 : memref<1x64xi32, #tpu.memory_space<vmem>> -> memref<64xi32, #tpu.memory_space<vmem>>
      %dma_wait3A_379 = arith.constant 0 : i32
      %dma_wait3A_380 = arith.constant 0 : i32
      %dma_wait3A_381 = tpu.memref_slice %arg4[%dma_wait3A_379, %dma_wait3A_380] : memref<1000000x64xf32, #tpu.memory_space<hbm>> -> memref<1000000x64xf32, #tpu.memory_space<hbm>>
      tpu.wait_indirect_dma semaphore(%arg13 : memref<!tpu.dma_semaphore, #tpu.memory_space<semaphore_mem>>) src(%dma_wait3A_381 : memref<1000000x64xf32, #tpu.memory_space<hbm>>) dst(%dma_wait3A_376 : memref<64x64xf32, #tpu.memory_space<vmem>>)
      %dma_wait3A_382 = arith.constant 10 : i32
      %dma_wait3A_383 = arith.constant 10 : i32
      %dma_wait3A_384 = arith.constant 0 : i32
      %dma_wait3A_385 = arith.constant 0 : i32
      %dma_wait3A_386 = tpu.memref_slice %arg9[%dma_wait3A_383, %dma_wait3A_384, %dma_wait3A_385] : memref<20x64x64xf32, #tpu.memory_space<vmem>> -> memref<1x64x64xf32, #tpu.memory_space<vmem>>
      %dma_wait3A_387 = tpu.memref_squeeze %dma_wait3A_386 : memref<1x64x64xf32, #tpu.memory_space<vmem>> -> memref<64x64xf32, #tpu.memory_space<vmem>>
      %dma_wait3A_388 = tpu.memref_slice %arg7[%dma_wait3A_382, %mul3A_49] : memref<20x512xi32, #tpu.memory_space<vmem>> -> memref<1x64xi32, #tpu.memory_space<vmem>>
      %dma_wait3A_389 = tpu.memref_squeeze %dma_wait3A_388 : memref<1x64xi32, #tpu.memory_space<vmem>> -> memref<64xi32, #tpu.memory_space<vmem>>
      %dma_wait3A_390 = arith.constant 0 : i32
      %dma_wait3A_391 = arith.constant 0 : i32
      %dma_wait3A_392 = tpu.memref_slice %arg4[%dma_wait3A_390, %dma_wait3A_391] : memref<1000000x64xf32, #tpu.memory_space<hbm>> -> memref<1000000x64xf32, #tpu.memory_space<hbm>>
      tpu.wait_indirect_dma semaphore(%arg13 : memref<!tpu.dma_semaphore, #tpu.memory_space<semaphore_mem>>) src(%dma_wait3A_392 : memref<1000000x64xf32, #tpu.memory_space<hbm>>) dst(%dma_wait3A_387 : memref<64x64xf32, #tpu.memory_space<vmem>>)
      %dma_wait3A_393 = arith.constant 11 : i32
      %dma_wait3A_394 = arith.constant 11 : i32
      %dma_wait3A_395 = arith.constant 0 : i32
      %dma_wait3A_396 = arith.constant 0 : i32
      %dma_wait3A_397 = tpu.memref_slice %arg9[%dma_wait3A_394, %dma_wait3A_395, %dma_wait3A_396] : memref<20x64x64xf32, #tpu.memory_space<vmem>> -> memref<1x64x64xf32, #tpu.memory_space<vmem>>
      %dma_wait3A_398 = tpu.memref_squeeze %dma_wait3A_397 : memref<1x64x64xf32, #tpu.memory_space<vmem>> -> memref<64x64xf32, #tpu.memory_space<vmem>>
      %dma_wait3A_399 = tpu.memref_slice %arg7[%dma_wait3A_393, %mul3A_49] : memref<20x512xi32, #tpu.memory_space<vmem>> -> memref<1x64xi32, #tpu.memory_space<vmem>>
      %dma_wait3A_400 = tpu.memref_squeeze %dma_wait3A_399 : memref<1x64xi32, #tpu.memory_space<vmem>> -> memref<64xi32, #tpu.memory_space<vmem>>
      %dma_wait3A_401 = arith.constant 0 : i32
      %dma_wait3A_402 = arith.constant 0 : i32
      %dma_wait3A_403 = tpu.memref_slice %arg4[%dma_wait3A_401, %dma_wait3A_402] : memref<1000000x64xf32, #tpu.memory_space<hbm>> -> memref<1000000x64xf32, #tpu.memory_space<hbm>>
      tpu.wait_indirect_dma semaphore(%arg13 : memref<!tpu.dma_semaphore, #tpu.memory_space<semaphore_mem>>) src(%dma_wait3A_403 : memref<1000000x64xf32, #tpu.memory_space<hbm>>) dst(%dma_wait3A_398 : memref<64x64xf32, #tpu.memory_space<vmem>>)
      %dma_wait3A_404 = arith.constant 12 : i32
      %dma_wait3A_405 = arith.constant 12 : i32
      %dma_wait3A_406 = arith.constant 0 : i32
      %dma_wait3A_407 = arith.constant 0 : i32
      %dma_wait3A_408 = tpu.memref_slice %arg9[%dma_wait3A_405, %dma_wait3A_406, %dma_wait3A_407] : memref<20x64x64xf32, #tpu.memory_space<vmem>> -> memref<1x64x64xf32, #tpu.memory_space<vmem>>
      %dma_wait3A_409 = tpu.memref_squeeze %dma_wait3A_408 : memref<1x64x64xf32, #tpu.memory_space<vmem>> -> memref<64x64xf32, #tpu.memory_space<vmem>>
      %dma_wait3A_410 = tpu.memref_slice %arg7[%dma_wait3A_404, %mul3A_49] : memref<20x512xi32, #tpu.memory_space<vmem>> -> memref<1x64xi32, #tpu.memory_space<vmem>>
      %dma_wait3A_411 = tpu.memref_squeeze %dma_wait3A_410 : memref<1x64xi32, #tpu.memory_space<vmem>> -> memref<64xi32, #tpu.memory_space<vmem>>
      %dma_wait3A_412 = arith.constant 0 : i32
      %dma_wait3A_413 = arith.constant 0 : i32
      %dma_wait3A_414 = tpu.memref_slice %arg4[%dma_wait3A_412, %dma_wait3A_413] : memref<1000000x64xf32, #tpu.memory_space<hbm>> -> memref<1000000x64xf32, #tpu.memory_space<hbm>>
      tpu.wait_indirect_dma semaphore(%arg13 : memref<!tpu.dma_semaphore, #tpu.memory_space<semaphore_mem>>) src(%dma_wait3A_414 : memref<1000000x64xf32, #tpu.memory_space<hbm>>) dst(%dma_wait3A_409 : memref<64x64xf32, #tpu.memory_space<vmem>>)
      %dma_wait3A_415 = arith.constant 13 : i32
      %dma_wait3A_416 = arith.constant 13 : i32
      %dma_wait3A_417 = arith.constant 0 : i32
      %dma_wait3A_418 = arith.constant 0 : i32
      %dma_wait3A_419 = tpu.memref_slice %arg9[%dma_wait3A_416, %dma_wait3A_417, %dma_wait3A_418] : memref<20x64x64xf32, #tpu.memory_space<vmem>> -> memref<1x64x64xf32, #tpu.memory_space<vmem>>
      %dma_wait3A_420 = tpu.memref_squeeze %dma_wait3A_419 : memref<1x64x64xf32, #tpu.memory_space<vmem>> -> memref<64x64xf32, #tpu.memory_space<vmem>>
      %dma_wait3A_421 = tpu.memref_slice %arg7[%dma_wait3A_415, %mul3A_49] : memref<20x512xi32, #tpu.memory_space<vmem>> -> memref<1x64xi32, #tpu.memory_space<vmem>>
      %dma_wait3A_422 = tpu.memref_squeeze %dma_wait3A_421 : memref<1x64xi32, #tpu.memory_space<vmem>> -> memref<64xi32, #tpu.memory_space<vmem>>
      %dma_wait3A_423 = arith.constant 0 : i32
      %dma_wait3A_424 = arith.constant 0 : i32
      %dma_wait3A_425 = tpu.memref_slice %arg4[%dma_wait3A_423, %dma_wait3A_424] : memref<1000000x64xf32, #tpu.memory_space<hbm>> -> memref<1000000x64xf32, #tpu.memory_space<hbm>>
      tpu.wait_indirect_dma semaphore(%arg13 : memref<!tpu.dma_semaphore, #tpu.memory_space<semaphore_mem>>) src(%dma_wait3A_425 : memref<1000000x64xf32, #tpu.memory_space<hbm>>) dst(%dma_wait3A_420 : memref<64x64xf32, #tpu.memory_space<vmem>>)
      %dma_wait3A_426 = arith.constant 14 : i32
      %dma_wait3A_427 = arith.constant 14 : i32
      %dma_wait3A_428 = arith.constant 0 : i32
      %dma_wait3A_429 = arith.constant 0 : i32
      %dma_wait3A_430 = tpu.memref_slice %arg9[%dma_wait3A_427, %dma_wait3A_428, %dma_wait3A_429] : memref<20x64x64xf32, #tpu.memory_space<vmem>> -> memref<1x64x64xf32, #tpu.memory_space<vmem>>
      %dma_wait3A_431 = tpu.memref_squeeze %dma_wait3A_430 : memref<1x64x64xf32, #tpu.memory_space<vmem>> -> memref<64x64xf32, #tpu.memory_space<vmem>>
      %dma_wait3A_432 = tpu.memref_slice %arg7[%dma_wait3A_426, %mul3A_49] : memref<20x512xi32, #tpu.memory_space<vmem>> -> memref<1x64xi32, #tpu.memory_space<vmem>>
      %dma_wait3A_433 = tpu.memref_squeeze %dma_wait3A_432 : memref<1x64xi32, #tpu.memory_space<vmem>> -> memref<64xi32, #tpu.memory_space<vmem>>
      %dma_wait3A_434 = arith.constant 0 : i32
      %dma_wait3A_435 = arith.constant 0 : i32
      %dma_wait3A_436 = tpu.memref_slice %arg4[%dma_wait3A_434, %dma_wait3A_435] : memref<1000000x64xf32, #tpu.memory_space<hbm>> -> memref<1000000x64xf32, #tpu.memory_space<hbm>>
      tpu.wait_indirect_dma semaphore(%arg13 : memref<!tpu.dma_semaphore, #tpu.memory_space<semaphore_mem>>) src(%dma_wait3A_436 : memref<1000000x64xf32, #tpu.memory_space<hbm>>) dst(%dma_wait3A_431 : memref<64x64xf32, #tpu.memory_space<vmem>>)
      %dma_wait3A_437 = arith.constant 15 : i32
      %dma_wait3A_438 = arith.constant 15 : i32
      %dma_wait3A_439 = arith.constant 0 : i32
      %dma_wait3A_440 = arith.constant 0 : i32
      %dma_wait3A_441 = tpu.memref_slice %arg9[%dma_wait3A_438, %dma_wait3A_439, %dma_wait3A_440] : memref<20x64x64xf32, #tpu.memory_space<vmem>> -> memref<1x64x64xf32, #tpu.memory_space<vmem>>
      %dma_wait3A_442 = tpu.memref_squeeze %dma_wait3A_441 : memref<1x64x64xf32, #tpu.memory_space<vmem>> -> memref<64x64xf32, #tpu.memory_space<vmem>>
      %dma_wait3A_443 = tpu.memref_slice %arg7[%dma_wait3A_437, %mul3A_49] : memref<20x512xi32, #tpu.memory_space<vmem>> -> memref<1x64xi32, #tpu.memory_space<vmem>>
      %dma_wait3A_444 = tpu.memref_squeeze %dma_wait3A_443 : memref<1x64xi32, #tpu.memory_space<vmem>> -> memref<64xi32, #tpu.memory_space<vmem>>
      %dma_wait3A_445 = arith.constant 0 : i32
      %dma_wait3A_446 = arith.constant 0 : i32
      %dma_wait3A_447 = tpu.memref_slice %arg4[%dma_wait3A_445, %dma_wait3A_446] : memref<1000000x64xf32, #tpu.memory_space<hbm>> -> memref<1000000x64xf32, #tpu.memory_space<hbm>>
      tpu.wait_indirect_dma semaphore(%arg13 : memref<!tpu.dma_semaphore, #tpu.memory_space<semaphore_mem>>) src(%dma_wait3A_447 : memref<1000000x64xf32, #tpu.memory_space<hbm>>) dst(%dma_wait3A_442 : memref<64x64xf32, #tpu.memory_space<vmem>>)
      %dma_wait3A_448 = arith.constant 16 : i32
      %dma_wait3A_449 = arith.constant 16 : i32
      %dma_wait3A_450 = arith.constant 0 : i32
      %dma_wait3A_451 = arith.constant 0 : i32
      %dma_wait3A_452 = tpu.memref_slice %arg9[%dma_wait3A_449, %dma_wait3A_450, %dma_wait3A_451] : memref<20x64x64xf32, #tpu.memory_space<vmem>> -> memref<1x64x64xf32, #tpu.memory_space<vmem>>
      %dma_wait3A_453 = tpu.memref_squeeze %dma_wait3A_452 : memref<1x64x64xf32, #tpu.memory_space<vmem>> -> memref<64x64xf32, #tpu.memory_space<vmem>>
      %dma_wait3A_454 = tpu.memref_slice %arg7[%dma_wait3A_448, %mul3A_49] : memref<20x512xi32, #tpu.memory_space<vmem>> -> memref<1x64xi32, #tpu.memory_space<vmem>>
      %dma_wait3A_455 = tpu.memref_squeeze %dma_wait3A_454 : memref<1x64xi32, #tpu.memory_space<vmem>> -> memref<64xi32, #tpu.memory_space<vmem>>
      %dma_wait3A_456 = arith.constant 0 : i32
      %dma_wait3A_457 = arith.constant 0 : i32
      %dma_wait3A_458 = tpu.memref_slice %arg4[%dma_wait3A_456, %dma_wait3A_457] : memref<1000000x64xf32, #tpu.memory_space<hbm>> -> memref<1000000x64xf32, #tpu.memory_space<hbm>>
      tpu.wait_indirect_dma semaphore(%arg13 : memref<!tpu.dma_semaphore, #tpu.memory_space<semaphore_mem>>) src(%dma_wait3A_458 : memref<1000000x64xf32, #tpu.memory_space<hbm>>) dst(%dma_wait3A_453 : memref<64x64xf32, #tpu.memory_space<vmem>>)
      %dma_wait3A_459 = arith.constant 17 : i32
      %dma_wait3A_460 = arith.constant 17 : i32
      %dma_wait3A_461 = arith.constant 0 : i32
      %dma_wait3A_462 = arith.constant 0 : i32
      %dma_wait3A_463 = tpu.memref_slice %arg9[%dma_wait3A_460, %dma_wait3A_461, %dma_wait3A_462] : memref<20x64x64xf32, #tpu.memory_space<vmem>> -> memref<1x64x64xf32, #tpu.memory_space<vmem>>
      %dma_wait3A_464 = tpu.memref_squeeze %dma_wait3A_463 : memref<1x64x64xf32, #tpu.memory_space<vmem>> -> memref<64x64xf32, #tpu.memory_space<vmem>>
      %dma_wait3A_465 = tpu.memref_slice %arg7[%dma_wait3A_459, %mul3A_49] : memref<20x512xi32, #tpu.memory_space<vmem>> -> memref<1x64xi32, #tpu.memory_space<vmem>>
      %dma_wait3A_466 = tpu.memref_squeeze %dma_wait3A_465 : memref<1x64xi32, #tpu.memory_space<vmem>> -> memref<64xi32, #tpu.memory_space<vmem>>
      %dma_wait3A_467 = arith.constant 0 : i32
      %dma_wait3A_468 = arith.constant 0 : i32
      %dma_wait3A_469 = tpu.memref_slice %arg4[%dma_wait3A_467, %dma_wait3A_468] : memref<1000000x64xf32, #tpu.memory_space<hbm>> -> memref<1000000x64xf32, #tpu.memory_space<hbm>>
      tpu.wait_indirect_dma semaphore(%arg13 : memref<!tpu.dma_semaphore, #tpu.memory_space<semaphore_mem>>) src(%dma_wait3A_469 : memref<1000000x64xf32, #tpu.memory_space<hbm>>) dst(%dma_wait3A_464 : memref<64x64xf32, #tpu.memory_space<vmem>>)
      %dma_wait3A_470 = arith.constant 18 : i32
      %dma_wait3A_471 = arith.constant 18 : i32
      %dma_wait3A_472 = arith.constant 0 : i32
      %dma_wait3A_473 = arith.constant 0 : i32
      %dma_wait3A_474 = tpu.memref_slice %arg9[%dma_wait3A_471, %dma_wait3A_472, %dma_wait3A_473] : memref<20x64x64xf32, #tpu.memory_space<vmem>> -> memref<1x64x64xf32, #tpu.memory_space<vmem>>
      %dma_wait3A_475 = tpu.memref_squeeze %dma_wait3A_474 : memref<1x64x64xf32, #tpu.memory_space<vmem>> -> memref<64x64xf32, #tpu.memory_space<vmem>>
      %dma_wait3A_476 = tpu.memref_slice %arg7[%dma_wait3A_470, %mul3A_49] : memref<20x512xi32, #tpu.memory_space<vmem>> -> memref<1x64xi32, #tpu.memory_space<vmem>>
      %dma_wait3A_477 = tpu.memref_squeeze %dma_wait3A_476 : memref<1x64xi32, #tpu.memory_space<vmem>> -> memref<64xi32, #tpu.memory_space<vmem>>
      %dma_wait3A_478 = arith.constant 0 : i32
      %dma_wait3A_479 = arith.constant 0 : i32
      %dma_wait3A_480 = tpu.memref_slice %arg4[%dma_wait3A_478, %dma_wait3A_479] : memref<1000000x64xf32, #tpu.memory_space<hbm>> -> memref<1000000x64xf32, #tpu.memory_space<hbm>>
      tpu.wait_indirect_dma semaphore(%arg13 : memref<!tpu.dma_semaphore, #tpu.memory_space<semaphore_mem>>) src(%dma_wait3A_480 : memref<1000000x64xf32, #tpu.memory_space<hbm>>) dst(%dma_wait3A_475 : memref<64x64xf32, #tpu.memory_space<vmem>>)
      %dma_wait3A_481 = arith.constant 19 : i32
      %dma_wait3A_482 = arith.constant 19 : i32
      %dma_wait3A_483 = arith.constant 0 : i32
      %dma_wait3A_484 = arith.constant 0 : i32
      %dma_wait3A_485 = tpu.memref_slice %arg9[%dma_wait3A_482, %dma_wait3A_483, %dma_wait3A_484] : memref<20x64x64xf32, #tpu.memory_space<vmem>> -> memref<1x64x64xf32, #tpu.memory_space<vmem>>
      %dma_wait3A_486 = tpu.memref_squeeze %dma_wait3A_485 : memref<1x64x64xf32, #tpu.memory_space<vmem>> -> memref<64x64xf32, #tpu.memory_space<vmem>>
      %dma_wait3A_487 = tpu.memref_slice %arg7[%dma_wait3A_481, %mul3A_49] : memref<20x512xi32, #tpu.memory_space<vmem>> -> memref<1x64xi32, #tpu.memory_space<vmem>>
      %dma_wait3A_488 = tpu.memref_squeeze %dma_wait3A_487 : memref<1x64xi32, #tpu.memory_space<vmem>> -> memref<64xi32, #tpu.memory_space<vmem>>
      %dma_wait3A_489 = arith.constant 0 : i32
      %dma_wait3A_490 = arith.constant 0 : i32
      %dma_wait3A_491 = tpu.memref_slice %arg4[%dma_wait3A_489, %dma_wait3A_490] : memref<1000000x64xf32, #tpu.memory_space<hbm>> -> memref<1000000x64xf32, #tpu.memory_space<hbm>>
      tpu.wait_indirect_dma semaphore(%arg13 : memref<!tpu.dma_semaphore, #tpu.memory_space<semaphore_mem>>) src(%dma_wait3A_491 : memref<1000000x64xf32, #tpu.memory_space<hbm>>) dst(%dma_wait3A_486 : memref<64x64xf32, #tpu.memory_space<vmem>>)
      %dma_wait3A_492 = tpu.memref_slice %arg8[%mul3A_49] : memref<512xi32, #tpu.memory_space<vmem>> -> memref<64xi32, #tpu.memory_space<vmem>>
      %dma_wait3A_493 = arith.constant 0 : i32
      %dma_wait3A_494 = arith.constant 0 : i32
      %dma_wait3A_495 = tpu.memref_slice %arg5[%dma_wait3A_493, %dma_wait3A_494] : memref<1000000x64xf32, #tpu.memory_space<hbm>> -> memref<1000000x64xf32, #tpu.memory_space<hbm>>
      tpu.wait_indirect_dma semaphore(%arg13 : memref<!tpu.dma_semaphore, #tpu.memory_space<semaphore_mem>>) src(%dma_wait3A_495 : memref<1000000x64xf32, #tpu.memory_space<hbm>>) dst(%arg10 : memref<64x64xf32, #tpu.memory_space<vmem>>)
      %scan3A_496 = arith.constant 0 : i32
      %scan3A_497 = arith.constant 0 : i32
      %scan3A_498 = arith.constant 64 : i32
      %scan3A_499 = arith.addi %scan3A_497, %scan3A_498 : i32
      %scan3A_500 = arith.constant 2 : i32
      scf.for %scan3A_1389 = %scan3A_497 to %scan3A_499 step %scan3A_500  : i32 {
        %broadcast_in_dim3A_1390 = arith.constant 0.000000e+00 : f32
        %broadcast_in_dim3A_1391 = vector.broadcast %broadcast_in_dim3A_1390 : f32 to vector<16xf32>
        %get3A_1392 = arith.constant 0 : i32
        %get3A_1393 = arith.index_cast %get3A_1392 : i32 to index
        %get3A_1394 = arith.index_cast %scan3A_1389 : i32 to index
        %get3A_1395 = arith.constant 0 : index
        %get3A_1396 = tpu.vector_load %arg9[%get3A_1393, %get3A_1394, %get3A_1395] {strides = array<i32>} : memref<20x64x64xf32, #tpu.memory_space<vmem>>, vector<16xf32>,
        %get3A_1397 = arith.constant 1 : i32
        %get3A_1398 = arith.index_cast %get3A_1397 : i32 to index
        %get3A_1399 = arith.index_cast %scan3A_1389 : i32 to index
        %get3A_1400 = arith.constant 0 : index
        %get3A_1401 = tpu.vector_load %arg9[%get3A_1398, %get3A_1399, %get3A_1400] {strides = array<i32>} : memref<20x64x64xf32, #tpu.memory_space<vmem>>, vector<16xf32>,
        %add3A_1402 = arith.addf %get3A_1396, %get3A_1401 : vector<16xf32>
        %get3A_1403 = arith.constant 2 : i32
        %get3A_1404 = arith.index_cast %get3A_1403 : i32 to index
        %get3A_1405 = arith.index_cast %scan3A_1389 : i32 to index
        %get3A_1406 = arith.constant 0 : index
        %get3A_1407 = tpu.vector_load %arg9[%get3A_1404, %get3A_1405, %get3A_1406] {strides = array<i32>} : memref<20x64x64xf32, #tpu.memory_space<vmem>>, vector<16xf32>,
        %add3A_1408 = arith.addf %add3A_1402, %get3A_1407 : vector<16xf32>
        %get3A_1409 = arith.constant 3 : i32
        %get3A_1410 = arith.index_cast %get3A_1409 : i32 to index
        %get3A_1411 = arith.index_cast %scan3A_1389 : i32 to index
        %get3A_1412 = arith.constant 0 : index
        %get3A_1413 = tpu.vector_load %arg9[%get3A_1410, %get3A_1411, %get3A_1412] {strides = array<i32>} : memref<20x64x64xf32, #tpu.memory_space<vmem>>, vector<16xf32>,
        %add3A_1414 = arith.addf %add3A_1408, %get3A_1413 : vector<16xf32>
        %get3A_1415 = arith.constant 4 : i32
        %get3A_1416 = arith.index_cast %get3A_1415 : i32 to index
        %get3A_1417 = arith.index_cast %scan3A_1389 : i32 to index
        %get3A_1418 = arith.constant 0 : index
        %get3A_1419 = tpu.vector_load %arg9[%get3A_1416, %get3A_1417, %get3A_1418] {strides = array<i32>} : memref<20x64x64xf32, #tpu.memory_space<vmem>>, vector<16xf32>,
        %add3A_1420 = arith.addf %add3A_1414, %get3A_1419 : vector<16xf32>
        %get3A_1421 = arith.constant 5 : i32
        %get3A_1422 = arith.index_cast %get3A_1421 : i32 to index
        %get3A_1423 = arith.index_cast %scan3A_1389 : i32 to index
        %get3A_1424 = arith.constant 0 : index
        %get3A_1425 = tpu.vector_load %arg9[%get3A_1422, %get3A_1423, %get3A_1424] {strides = array<i32>} : memref<20x64x64xf32, #tpu.memory_space<vmem>>, vector<16xf32>,
        %add3A_1426 = arith.addf %add3A_1420, %get3A_1425 : vector<16xf32>
        %get3A_1427 = arith.constant 6 : i32
        %get3A_1428 = arith.index_cast %get3A_1427 : i32 to index
        %get3A_1429 = arith.index_cast %scan3A_1389 : i32 to index
        %get3A_1430 = arith.constant 0 : index
        %get3A_1431 = tpu.vector_load %arg9[%get3A_1428, %get3A_1429, %get3A_1430] {strides = array<i32>} : memref<20x64x64xf32, #tpu.memory_space<vmem>>, vector<16xf32>,
        %add3A_1432 = arith.addf %add3A_1426, %get3A_1431 : vector<16xf32>
        %get3A_1433 = arith.constant 7 : i32
        %get3A_1434 = arith.index_cast %get3A_1433 : i32 to index
        %get3A_1435 = arith.index_cast %scan3A_1389 : i32 to index
        %get3A_1436 = arith.constant 0 : index
        %get3A_1437 = tpu.vector_load %arg9[%get3A_1434, %get3A_1435, %get3A_1436] {strides = array<i32>} : memref<20x64x64xf32, #tpu.memory_space<vmem>>, vector<16xf32>,
        %add3A_1438 = arith.addf %add3A_1432, %get3A_1437 : vector<16xf32>
        %get3A_1439 = arith.constant 8 : i32
        %get3A_1440 = arith.index_cast %get3A_1439 : i32 to index
        %get3A_1441 = arith.index_cast %scan3A_1389 : i32 to index
        %get3A_1442 = arith.constant 0 : index
        %get3A_1443 = tpu.vector_load %arg9[%get3A_1440, %get3A_1441, %get3A_1442] {strides = array<i32>} : memref<20x64x64xf32, #tpu.memory_space<vmem>>, vector<16xf32>,
        %add3A_1444 = arith.addf %add3A_1438, %get3A_1443 : vector<16xf32>
        %get3A_1445 = arith.constant 9 : i32
        %get3A_1446 = arith.index_cast %get3A_1445 : i32 to index
        %get3A_1447 = arith.index_cast %scan3A_1389 : i32 to index
        %get3A_1448 = arith.constant 0 : index
        %get3A_1449 = tpu.vector_load %arg9[%get3A_1446, %get3A_1447, %get3A_1448] {strides = array<i32>} : memref<20x64x64xf32, #tpu.memory_space<vmem>>, vector<16xf32>,
        %add3A_1450 = arith.addf %add3A_1444, %get3A_1449 : vector<16xf32>
        %get3A_1451 = arith.constant 10 : i32
        %get3A_1452 = arith.index_cast %get3A_1451 : i32 to index
        %get3A_1453 = arith.index_cast %scan3A_1389 : i32 to index
        %get3A_1454 = arith.constant 0 : index
        %get3A_1455 = tpu.vector_load %arg9[%get3A_1452, %get3A_1453, %get3A_1454] {strides = array<i32>} : memref<20x64x64xf32, #tpu.memory_space<vmem>>, vector<16xf32>,
        %add3A_1456 = arith.addf %add3A_1450, %get3A_1455 : vector<16xf32>
        %get3A_1457 = arith.constant 11 : i32
        %get3A_1458 = arith.index_cast %get3A_1457 : i32 to index
        %get3A_1459 = arith.index_cast %scan3A_1389 : i32 to index
        %get3A_1460 = arith.constant 0 : index
        %get3A_1461 = tpu.vector_load %arg9[%get3A_1458, %get3A_1459, %get3A_1460] {strides = array<i32>} : memref<20x64x64xf32, #tpu.memory_space<vmem>>, vector<16xf32>,
        %add3A_1462 = arith.addf %add3A_1456, %get3A_1461 : vector<16xf32>
        %get3A_1463 = arith.constant 12 : i32
        %get3A_1464 = arith.index_cast %get3A_1463 : i32 to index
        %get3A_1465 = arith.index_cast %scan3A_1389 : i32 to index
        %get3A_1466 = arith.constant 0 : index
        %get3A_1467 = tpu.vector_load %arg9[%get3A_1464, %get3A_1465, %get3A_1466] {strides = array<i32>} : memref<20x64x64xf32, #tpu.memory_space<vmem>>, vector<16xf32>,
        %add3A_1468 = arith.addf %add3A_1462, %get3A_1467 : vector<16xf32>
        %get3A_1469 = arith.constant 13 : i32
        %get3A_1470 = arith.index_cast %get3A_1469 : i32 to index
        %get3A_1471 = arith.index_cast %scan3A_1389 : i32 to index
        %get3A_1472 = arith.constant 0 : index
        %get3A_1473 = tpu.vector_load %arg9[%get3A_1470, %get3A_1471, %get3A_1472] {strides = array<i32>} : memref<20x64x64xf32, #tpu.memory_space<vmem>>, vector<16xf32>,
        %add3A_1474 = arith.addf %add3A_1468, %get3A_1473 : vector<16xf32>
        %get3A_1475 = arith.constant 14 : i32
        %get3A_1476 = arith.index_cast %get3A_1475 : i32 to index
        %get3A_1477 = arith.index_cast %scan3A_1389 : i32 to index
        %get3A_1478 = arith.constant 0 : index
        %get3A_1479 = tpu.vector_load %arg9[%get3A_1476, %get3A_1477, %get3A_1478] {strides = array<i32>} : memref<20x64x64xf32, #tpu.memory_space<vmem>>, vector<16xf32>,
        %add3A_1480 = arith.addf %add3A_1474, %get3A_1479 : vector<16xf32>
        %get3A_1481 = arith.constant 15 : i32
        %get3A_1482 = arith.index_cast %get3A_1481 : i32 to index
        %get3A_1483 = arith.index_cast %scan3A_1389 : i32 to index
        %get3A_1484 = arith.constant 0 : index
        %get3A_1485 = tpu.vector_load %arg9[%get3A_1482, %get3A_1483, %get3A_1484] {strides = array<i32>} : memref<20x64x64xf32, #tpu.memory_space<vmem>>, vector<16xf32>,
        %add3A_1486 = arith.addf %add3A_1480, %get3A_1485 : vector<16xf32>
        %get3A_1487 = arith.constant 16 : i32
        %get3A_1488 = arith.index_cast %get3A_1487 : i32 to index
        %get3A_1489 = arith.index_cast %scan3A_1389 : i32 to index
        %get3A_1490 = arith.constant 0 : index
        %get3A_1491 = tpu.vector_load %arg9[%get3A_1488, %get3A_1489, %get3A_1490] {strides = array<i32>} : memref<20x64x64xf32, #tpu.memory_space<vmem>>, vector<16xf32>,
        %add3A_1492 = arith.addf %add3A_1486, %get3A_1491 : vector<16xf32>
        %get3A_1493 = arith.constant 17 : i32
        %get3A_1494 = arith.index_cast %get3A_1493 : i32 to index
        %get3A_1495 = arith.index_cast %scan3A_1389 : i32 to index
        %get3A_1496 = arith.constant 0 : index
        %get3A_1497 = tpu.vector_load %arg9[%get3A_1494, %get3A_1495, %get3A_1496] {strides = array<i32>} : memref<20x64x64xf32, #tpu.memory_space<vmem>>, vector<16xf32>,
        %add3A_1498 = arith.addf %add3A_1492, %get3A_1497 : vector<16xf32>
        %get3A_1499 = arith.constant 18 : i32
        %get3A_1500 = arith.index_cast %get3A_1499 : i32 to index
        %get3A_1501 = arith.index_cast %scan3A_1389 : i32 to index
        %get3A_1502 = arith.constant 0 : index
        %get3A_1503 = tpu.vector_load %arg9[%get3A_1500, %get3A_1501, %get3A_1502] {strides = array<i32>} : memref<20x64x64xf32, #tpu.memory_space<vmem>>, vector<16xf32>,
        %add3A_1504 = arith.addf %add3A_1498, %get3A_1503 : vector<16xf32>
        %get3A_1505 = arith.constant 19 : i32
        %get3A_1506 = arith.index_cast %get3A_1505 : i32 to index
        %get3A_1507 = arith.index_cast %scan3A_1389 : i32 to index
        %get3A_1508 = arith.constant 0 : index
        %get3A_1509 = tpu.vector_load %arg9[%get3A_1506, %get3A_1507, %get3A_1508] {strides = array<i32>} : memref<20x64x64xf32, #tpu.memory_space<vmem>>, vector<16xf32>,
        %add3A_1510 = arith.addf %add3A_1504, %get3A_1509 : vector<16xf32>
        %get3A_1511 = arith.index_cast %scan3A_1389 : i32 to index
        %get3A_1512 = arith.constant 0 : index
        %get3A_1513 = tpu.vector_load %arg10[%get3A_1511, %get3A_1512] {strides = array<i32>} : memref<64x64xf32, #tpu.memory_space<vmem>>, vector<16xf32>,
        %mul3A_1514 = arith.mulf %add3A_1510, %get3A_1513 : vector<16xf32>
        %add3A_1515 = arith.addf %broadcast_in_dim3A_1391, %mul3A_1514 : vector<16xf32>
        %get3A_1516 = arith.constant 0 : i32
        %get3A_1517 = arith.index_cast %get3A_1516 : i32 to index
        %get3A_1518 = arith.index_cast %scan3A_1389 : i32 to index
        %get3A_1519 = arith.constant 16 : index
        %get3A_1520 = tpu.vector_load %arg9[%get3A_1517, %get3A_1518, %get3A_1519] {strides = array<i32>} : memref<20x64x64xf32, #tpu.memory_space<vmem>>, vector<16xf32>,
        %get3A_1521 = arith.constant 1 : i32
        %get3A_1522 = arith.index_cast %get3A_1521 : i32 to index
        %get3A_1523 = arith.index_cast %scan3A_1389 : i32 to index
        %get3A_1524 = arith.constant 16 : index
        %get3A_1525 = tpu.vector_load %arg9[%get3A_1522, %get3A_1523, %get3A_1524] {strides = array<i32>} : memref<20x64x64xf32, #tpu.memory_space<vmem>>, vector<16xf32>,
        %add3A_1526 = arith.addf %get3A_1520, %get3A_1525 : vector<16xf32>
        %get3A_1527 = arith.constant 2 : i32
        %get3A_1528 = arith.index_cast %get3A_1527 : i32 to index
        %get3A_1529 = arith.index_cast %scan3A_1389 : i32 to index
        %get3A_1530 = arith.constant 16 : index
        %get3A_1531 = tpu.vector_load %arg9[%get3A_1528, %get3A_1529, %get3A_1530] {strides = array<i32>} : memref<20x64x64xf32, #tpu.memory_space<vmem>>, vector<16xf32>,
        %add3A_1532 = arith.addf %add3A_1526, %get3A_1531 : vector<16xf32>
        %get3A_1533 = arith.constant 3 : i32
        %get3A_1534 = arith.index_cast %get3A_1533 : i32 to index
        %get3A_1535 = arith.index_cast %scan3A_1389 : i32 to index
        %get3A_1536 = arith.constant 16 : index
        %get3A_1537 = tpu.vector_load %arg9[%get3A_1534, %get3A_1535, %get3A_1536] {strides = array<i32>} : memref<20x64x64xf32, #tpu.memory_space<vmem>>, vector<16xf32>,
        %add3A_1538 = arith.addf %add3A_1532, %get3A_1537 : vector<16xf32>
        %get3A_1539 = arith.constant 4 : i32
        %get3A_1540 = arith.index_cast %get3A_1539 : i32 to index
        %get3A_1541 = arith.index_cast %scan3A_1389 : i32 to index
        %get3A_1542 = arith.constant 16 : index
        %get3A_1543 = tpu.vector_load %arg9[%get3A_1540, %get3A_1541, %get3A_1542] {strides = array<i32>} : memref<20x64x64xf32, #tpu.memory_space<vmem>>, vector<16xf32>,
        %add3A_1544 = arith.addf %add3A_1538, %get3A_1543 : vector<16xf32>
        %get3A_1545 = arith.constant 5 : i32
        %get3A_1546 = arith.index_cast %get3A_1545 : i32 to index
        %get3A_1547 = arith.index_cast %scan3A_1389 : i32 to index
        %get3A_1548 = arith.constant 16 : index
        %get3A_1549 = tpu.vector_load %arg9[%get3A_1546, %get3A_1547, %get3A_1548] {strides = array<i32>} : memref<20x64x64xf32, #tpu.memory_space<vmem>>, vector<16xf32>,
        %add3A_1550 = arith.addf %add3A_1544, %get3A_1549 : vector<16xf32>
        %get3A_1551 = arith.constant 6 : i32
        %get3A_1552 = arith.index_cast %get3A_1551 : i32 to index
        %get3A_1553 = arith.index_cast %scan3A_1389 : i32 to index
        %get3A_1554 = arith.constant 16 : index
        %get3A_1555 = tpu.vector_load %arg9[%get3A_1552, %get3A_1553, %get3A_1554] {strides = array<i32>} : memref<20x64x64xf32, #tpu.memory_space<vmem>>, vector<16xf32>,
        %add3A_1556 = arith.addf %add3A_1550, %get3A_1555 : vector<16xf32>
        %get3A_1557 = arith.constant 7 : i32
        %get3A_1558 = arith.index_cast %get3A_1557 : i32 to index
        %get3A_1559 = arith.index_cast %scan3A_1389 : i32 to index
        %get3A_1560 = arith.constant 16 : index
        %get3A_1561 = tpu.vector_load %arg9[%get3A_1558, %get3A_1559, %get3A_1560] {strides = array<i32>} : memref<20x64x64xf32, #tpu.memory_space<vmem>>, vector<16xf32>,
        %add3A_1562 = arith.addf %add3A_1556, %get3A_1561 : vector<16xf32>
        %get3A_1563 = arith.constant 8 : i32
        %get3A_1564 = arith.index_cast %get3A_1563 : i32 to index
        %get3A_1565 = arith.index_cast %scan3A_1389 : i32 to index
        %get3A_1566 = arith.constant 16 : index
        %get3A_1567 = tpu.vector_load %arg9[%get3A_1564, %get3A_1565, %get3A_1566] {strides = array<i32>} : memref<20x64x64xf32, #tpu.memory_space<vmem>>, vector<16xf32>,
        %add3A_1568 = arith.addf %add3A_1562, %get3A_1567 : vector<16xf32>
        %get3A_1569 = arith.constant 9 : i32
        %get3A_1570 = arith.index_cast %get3A_1569 : i32 to index
        %get3A_1571 = arith.index_cast %scan3A_1389 : i32 to index
        %get3A_1572 = arith.constant 16 : index
        %get3A_1573 = tpu.vector_load %arg9[%get3A_1570, %get3A_1571, %get3A_1572] {strides = array<i32>} : memref<20x64x64xf32, #tpu.memory_space<vmem>>, vector<16xf32>,
        %add3A_1574 = arith.addf %add3A_1568, %get3A_1573 : vector<16xf32>
        %get3A_1575 = arith.constant 10 : i32
        %get3A_1576 = arith.index_cast %get3A_1575 : i32 to index
        %get3A_1577 = arith.index_cast %scan3A_1389 : i32 to index
        %get3A_1578 = arith.constant 16 : index
        %get3A_1579 = tpu.vector_load %arg9[%get3A_1576, %get3A_1577, %get3A_1578] {strides = array<i32>} : memref<20x64x64xf32, #tpu.memory_space<vmem>>, vector<16xf32>,
        %add3A_1580 = arith.addf %add3A_1574, %get3A_1579 : vector<16xf32>
        %get3A_1581 = arith.constant 11 : i32
        %get3A_1582 = arith.index_cast %get3A_1581 : i32 to index
        %get3A_1583 = arith.index_cast %scan3A_1389 : i32 to index
        %get3A_1584 = arith.constant 16 : index
        %get3A_1585 = tpu.vector_load %arg9[%get3A_1582, %get3A_1583, %get3A_1584] {strides = array<i32>} : memref<20x64x64xf32, #tpu.memory_space<vmem>>, vector<16xf32>,
        %add3A_1586 = arith.addf %add3A_1580, %get3A_1585 : vector<16xf32>
        %get3A_1587 = arith.constant 12 : i32
        %get3A_1588 = arith.index_cast %get3A_1587 : i32 to index
        %get3A_1589 = arith.index_cast %scan3A_1389 : i32 to index
        %get3A_1590 = arith.constant 16 : index
        %get3A_1591 = tpu.vector_load %arg9[%get3A_1588, %get3A_1589, %get3A_1590] {strides = array<i32>} : memref<20x64x64xf32, #tpu.memory_space<vmem>>, vector<16xf32>,
        %add3A_1592 = arith.addf %add3A_1586, %get3A_1591 : vector<16xf32>
        %get3A_1593 = arith.constant 13 : i32
        %get3A_1594 = arith.index_cast %get3A_1593 : i32 to index
        %get3A_1595 = arith.index_cast %scan3A_1389 : i32 to index
        %get3A_1596 = arith.constant 16 : index
        %get3A_1597 = tpu.vector_load %arg9[%get3A_1594, %get3A_1595, %get3A_1596] {strides = array<i32>} : memref<20x64x64xf32, #tpu.memory_space<vmem>>, vector<16xf32>,
        %add3A_1598 = arith.addf %add3A_1592, %get3A_1597 : vector<16xf32>
        %get3A_1599 = arith.constant 14 : i32
        %get3A_1600 = arith.index_cast %get3A_1599 : i32 to index
        %get3A_1601 = arith.index_cast %scan3A_1389 : i32 to index
        %get3A_1602 = arith.constant 16 : index
        %get3A_1603 = tpu.vector_load %arg9[%get3A_1600, %get3A_1601, %get3A_1602] {strides = array<i32>} : memref<20x64x64xf32, #tpu.memory_space<vmem>>, vector<16xf32>,
        %add3A_1604 = arith.addf %add3A_1598, %get3A_1603 : vector<16xf32>
        %get3A_1605 = arith.constant 15 : i32
        %get3A_1606 = arith.index_cast %get3A_1605 : i32 to index
        %get3A_1607 = arith.index_cast %scan3A_1389 : i32 to index
        %get3A_1608 = arith.constant 16 : index
        %get3A_1609 = tpu.vector_load %arg9[%get3A_1606, %get3A_1607, %get3A_1608] {strides = array<i32>} : memref<20x64x64xf32, #tpu.memory_space<vmem>>, vector<16xf32>,
        %add3A_1610 = arith.addf %add3A_1604, %get3A_1609 : vector<16xf32>
        %get3A_1611 = arith.constant 16 : i32
        %get3A_1612 = arith.index_cast %get3A_1611 : i32 to index
        %get3A_1613 = arith.index_cast %scan3A_1389 : i32 to index
        %get3A_1614 = arith.constant 16 : index
        %get3A_1615 = tpu.vector_load %arg9[%get3A_1612, %get3A_1613, %get3A_1614] {strides = array<i32>} : memref<20x64x64xf32, #tpu.memory_space<vmem>>, vector<16xf32>,
        %add3A_1616 = arith.addf %add3A_1610, %get3A_1615 : vector<16xf32>
        %get3A_1617 = arith.constant 17 : i32
        %get3A_1618 = arith.index_cast %get3A_1617 : i32 to index
        %get3A_1619 = arith.index_cast %scan3A_1389 : i32 to index
        %get3A_1620 = arith.constant 16 : index
        %get3A_1621 = tpu.vector_load %arg9[%get3A_1618, %get3A_1619, %get3A_1620] {strides = array<i32>} : memref<20x64x64xf32, #tpu.memory_space<vmem>>, vector<16xf32>,
        %add3A_1622 = arith.addf %add3A_1616, %get3A_1621 : vector<16xf32>
        %get3A_1623 = arith.constant 18 : i32
        %get3A_1624 = arith.index_cast %get3A_1623 : i32 to index
        %get3A_1625 = arith.index_cast %scan3A_1389 : i32 to index
        %get3A_1626 = arith.constant 16 : index
        %get3A_1627 = tpu.vector_load %arg9[%get3A_1624, %get3A_1625, %get3A_1626] {strides = array<i32>} : memref<20x64x64xf32, #tpu.memory_space<vmem>>, vector<16xf32>,
        %add3A_1628 = arith.addf %add3A_1622, %get3A_1627 : vector<16xf32>
        %get3A_1629 = arith.constant 19 : i32
        %get3A_1630 = arith.index_cast %get3A_1629 : i32 to index
        %get3A_1631 = arith.index_cast %scan3A_1389 : i32 to index
        %get3A_1632 = arith.constant 16 : index
        %get3A_1633 = tpu.vector_load %arg9[%get3A_1630, %get3A_1631, %get3A_1632] {strides = array<i32>} : memref<20x64x64xf32, #tpu.memory_space<vmem>>, vector<16xf32>,
        %add3A_1634 = arith.addf %add3A_1628, %get3A_1633 : vector<16xf32>
        %get3A_1635 = arith.index_cast %scan3A_1389 : i32 to index
        %get3A_1636 = arith.constant 16 : index
        %get3A_1637 = tpu.vector_load %arg10[%get3A_1635, %get3A_1636] {strides = array<i32>} : memref<64x64xf32, #tpu.memory_space<vmem>>, vector<16xf32>,
        %mul3A_1638 = arith.mulf %add3A_1634, %get3A_1637 : vector<16xf32>
        %add3A_1639 = arith.addf %add3A_1515, %mul3A_1638 : vector<16xf32>
        %get3A_1640 = arith.constant 0 : i32
        %get3A_1641 = arith.index_cast %get3A_1640 : i32 to index
        %get3A_1642 = arith.index_cast %scan3A_1389 : i32 to index
        %get3A_1643 = arith.constant 32 : index
        %get3A_1644 = tpu.vector_load %arg9[%get3A_1641, %get3A_1642, %get3A_1643] {strides = array<i32>} : memref<20x64x64xf32, #tpu.memory_space<vmem>>, vector<16xf32>,
        %get3A_1645 = arith.constant 1 : i32
        %get3A_1646 = arith.index_cast %get3A_1645 : i32 to index
        %get3A_1647 = arith.index_cast %scan3A_1389 : i32 to index
        %get3A_1648 = arith.constant 32 : index
        %get3A_1649 = tpu.vector_load %arg9[%get3A_1646, %get3A_1647, %get3A_1648] {strides = array<i32>} : memref<20x64x64xf32, #tpu.memory_space<vmem>>, vector<16xf32>,
        %add3A_1650 = arith.addf %get3A_1644, %get3A_1649 : vector<16xf32>
        %get3A_1651 = arith.constant 2 : i32
        %get3A_1652 = arith.index_cast %get3A_1651 : i32 to index
        %get3A_1653 = arith.index_cast %scan3A_1389 : i32 to index
        %get3A_1654 = arith.constant 32 : index
        %get3A_1655 = tpu.vector_load %arg9[%get3A_1652, %get3A_1653, %get3A_1654] {strides = array<i32>} : memref<20x64x64xf32, #tpu.memory_space<vmem>>, vector<16xf32>,
        %add3A_1656 = arith.addf %add3A_1650, %get3A_1655 : vector<16xf32>
        %get3A_1657 = arith.constant 3 : i32
        %get3A_1658 = arith.index_cast %get3A_1657 : i32 to index
        %get3A_1659 = arith.index_cast %scan3A_1389 : i32 to index
        %get3A_1660 = arith.constant 32 : index
        %get3A_1661 = tpu.vector_load %arg9[%get3A_1658, %get3A_1659, %get3A_1660] {strides = array<i32>} : memref<20x64x64xf32, #tpu.memory_space<vmem>>, vector<16xf32>,
        %add3A_1662 = arith.addf %add3A_1656, %get3A_1661 : vector<16xf32>
        %get3A_1663 = arith.constant 4 : i32
        %get3A_1664 = arith.index_cast %get3A_1663 : i32 to index
        %get3A_1665 = arith.index_cast %scan3A_1389 : i32 to index
        %get3A_1666 = arith.constant 32 : index
        %get3A_1667 = tpu.vector_load %arg9[%get3A_1664, %get3A_1665, %get3A_1666] {strides = array<i32>} : memref<20x64x64xf32, #tpu.memory_space<vmem>>, vector<16xf32>,
        %add3A_1668 = arith.addf %add3A_1662, %get3A_1667 : vector<16xf32>
        %get3A_1669 = arith.constant 5 : i32
        %get3A_1670 = arith.index_cast %get3A_1669 : i32 to index
        %get3A_1671 = arith.index_cast %scan3A_1389 : i32 to index
        %get3A_1672 = arith.constant 32 : index
        %get3A_1673 = tpu.vector_load %arg9[%get3A_1670, %get3A_1671, %get3A_1672] {strides = array<i32>} : memref<20x64x64xf32, #tpu.memory_space<vmem>>, vector<16xf32>,
        %add3A_1674 = arith.addf %add3A_1668, %get3A_1673 : vector<16xf32>
        %get3A_1675 = arith.constant 6 : i32
        %get3A_1676 = arith.index_cast %get3A_1675 : i32 to index
        %get3A_1677 = arith.index_cast %scan3A_1389 : i32 to index
        %get3A_1678 = arith.constant 32 : index
        %get3A_1679 = tpu.vector_load %arg9[%get3A_1676, %get3A_1677, %get3A_1678] {strides = array<i32>} : memref<20x64x64xf32, #tpu.memory_space<vmem>>, vector<16xf32>,
        %add3A_1680 = arith.addf %add3A_1674, %get3A_1679 : vector<16xf32>
        %get3A_1681 = arith.constant 7 : i32
        %get3A_1682 = arith.index_cast %get3A_1681 : i32 to index
        %get3A_1683 = arith.index_cast %scan3A_1389 : i32 to index
        %get3A_1684 = arith.constant 32 : index
        %get3A_1685 = tpu.vector_load %arg9[%get3A_1682, %get3A_1683, %get3A_1684] {strides = array<i32>} : memref<20x64x64xf32, #tpu.memory_space<vmem>>, vector<16xf32>,
        %add3A_1686 = arith.addf %add3A_1680, %get3A_1685 : vector<16xf32>
        %get3A_1687 = arith.constant 8 : i32
        %get3A_1688 = arith.index_cast %get3A_1687 : i32 to index
        %get3A_1689 = arith.index_cast %scan3A_1389 : i32 to index
        %get3A_1690 = arith.constant 32 : index
        %get3A_1691 = tpu.vector_load %arg9[%get3A_1688, %get3A_1689, %get3A_1690] {strides = array<i32>} : memref<20x64x64xf32, #tpu.memory_space<vmem>>, vector<16xf32>,
        %add3A_1692 = arith.addf %add3A_1686, %get3A_1691 : vector<16xf32>
        %get3A_1693 = arith.constant 9 : i32
        %get3A_1694 = arith.index_cast %get3A_1693 : i32 to index
        %get3A_1695 = arith.index_cast %scan3A_1389 : i32 to index
        %get3A_1696 = arith.constant 32 : index
        %get3A_1697 = tpu.vector_load %arg9[%get3A_1694, %get3A_1695, %get3A_1696] {strides = array<i32>} : memref<20x64x64xf32, #tpu.memory_space<vmem>>, vector<16xf32>,
        %add3A_1698 = arith.addf %add3A_1692, %get3A_1697 : vector<16xf32>
        %get3A_1699 = arith.constant 10 : i32
        %get3A_1700 = arith.index_cast %get3A_1699 : i32 to index
        %get3A_1701 = arith.index_cast %scan3A_1389 : i32 to index
        %get3A_1702 = arith.constant 32 : index
        %get3A_1703 = tpu.vector_load %arg9[%get3A_1700, %get3A_1701, %get3A_1702] {strides = array<i32>} : memref<20x64x64xf32, #tpu.memory_space<vmem>>, vector<16xf32>,
        %add3A_1704 = arith.addf %add3A_1698, %get3A_1703 : vector<16xf32>
        %get3A_1705 = arith.constant 11 : i32
        %get3A_1706 = arith.index_cast %get3A_1705 : i32 to index
        %get3A_1707 = arith.index_cast %scan3A_1389 : i32 to index
        %get3A_1708 = arith.constant 32 : index
        %get3A_1709 = tpu.vector_load %arg9[%get3A_1706, %get3A_1707, %get3A_1708] {strides = array<i32>} : memref<20x64x64xf32, #tpu.memory_space<vmem>>, vector<16xf32>,
        %add3A_1710 = arith.addf %add3A_1704, %get3A_1709 : vector<16xf32>
        %get3A_1711 = arith.constant 12 : i32
        %get3A_1712 = arith.index_cast %get3A_1711 : i32 to index
        %get3A_1713 = arith.index_cast %scan3A_1389 : i32 to index
        %get3A_1714 = arith.constant 32 : index
        %get3A_1715 = tpu.vector_load %arg9[%get3A_1712, %get3A_1713, %get3A_1714] {strides = array<i32>} : memref<20x64x64xf32, #tpu.memory_space<vmem>>, vector<16xf32>,
        %add3A_1716 = arith.addf %add3A_1710, %get3A_1715 : vector<16xf32>
        %get3A_1717 = arith.constant 13 : i32
        %get3A_1718 = arith.index_cast %get3A_1717 : i32 to index
        %get3A_1719 = arith.index_cast %scan3A_1389 : i32 to index
        %get3A_1720 = arith.constant 32 : index
        %get3A_1721 = tpu.vector_load %arg9[%get3A_1718, %get3A_1719, %get3A_1720] {strides = array<i32>} : memref<20x64x64xf32, #tpu.memory_space<vmem>>, vector<16xf32>,
        %add3A_1722 = arith.addf %add3A_1716, %get3A_1721 : vector<16xf32>
        %get3A_1723 = arith.constant 14 : i32
        %get3A_1724 = arith.index_cast %get3A_1723 : i32 to index
        %get3A_1725 = arith.index_cast %scan3A_1389 : i32 to index
        %get3A_1726 = arith.constant 32 : index
        %get3A_1727 = tpu.vector_load %arg9[%get3A_1724, %get3A_1725, %get3A_1726] {strides = array<i32>} : memref<20x64x64xf32, #tpu.memory_space<vmem>>, vector<16xf32>,
        %add3A_1728 = arith.addf %add3A_1722, %get3A_1727 : vector<16xf32>
        %get3A_1729 = arith.constant 15 : i32
        %get3A_1730 = arith.index_cast %get3A_1729 : i32 to index
        %get3A_1731 = arith.index_cast %scan3A_1389 : i32 to index
        %get3A_1732 = arith.constant 32 : index
        %get3A_1733 = tpu.vector_load %arg9[%get3A_1730, %get3A_1731, %get3A_1732] {strides = array<i32>} : memref<20x64x64xf32, #tpu.memory_space<vmem>>, vector<16xf32>,
        %add3A_1734 = arith.addf %add3A_1728, %get3A_1733 : vector<16xf32>
        %get3A_1735 = arith.constant 16 : i32
        %get3A_1736 = arith.index_cast %get3A_1735 : i32 to index
        %get3A_1737 = arith.index_cast %scan3A_1389 : i32 to index
        %get3A_1738 = arith.constant 32 : index
        %get3A_1739 = tpu.vector_load %arg9[%get3A_1736, %get3A_1737, %get3A_1738] {strides = array<i32>} : memref<20x64x64xf32, #tpu.memory_space<vmem>>, vector<16xf32>,
        %add3A_1740 = arith.addf %add3A_1734, %get3A_1739 : vector<16xf32>
        %get3A_1741 = arith.constant 17 : i32
        %get3A_1742 = arith.index_cast %get3A_1741 : i32 to index
        %get3A_1743 = arith.index_cast %scan3A_1389 : i32 to index
        %get3A_1744 = arith.constant 32 : index
        %get3A_1745 = tpu.vector_load %arg9[%get3A_1742, %get3A_1743, %get3A_1744] {strides = array<i32>} : memref<20x64x64xf32, #tpu.memory_space<vmem>>, vector<16xf32>,
        %add3A_1746 = arith.addf %add3A_1740, %get3A_1745 : vector<16xf32>
        %get3A_1747 = arith.constant 18 : i32
        %get3A_1748 = arith.index_cast %get3A_1747 : i32 to index
        %get3A_1749 = arith.index_cast %scan3A_1389 : i32 to index
        %get3A_1750 = arith.constant 32 : index
        %get3A_1751 = tpu.vector_load %arg9[%get3A_1748, %get3A_1749, %get3A_1750] {strides = array<i32>} : memref<20x64x64xf32, #tpu.memory_space<vmem>>, vector<16xf32>,
        %add3A_1752 = arith.addf %add3A_1746, %get3A_1751 : vector<16xf32>
        %get3A_1753 = arith.constant 19 : i32
        %get3A_1754 = arith.index_cast %get3A_1753 : i32 to index
        %get3A_1755 = arith.index_cast %scan3A_1389 : i32 to index
        %get3A_1756 = arith.constant 32 : index
        %get3A_1757 = tpu.vector_load %arg9[%get3A_1754, %get3A_1755, %get3A_1756] {strides = array<i32>} : memref<20x64x64xf32, #tpu.memory_space<vmem>>, vector<16xf32>,
        %add3A_1758 = arith.addf %add3A_1752, %get3A_1757 : vector<16xf32>
        %get3A_1759 = arith.index_cast %scan3A_1389 : i32 to index
        %get3A_1760 = arith.constant 32 : index
        %get3A_1761 = tpu.vector_load %arg10[%get3A_1759, %get3A_1760] {strides = array<i32>} : memref<64x64xf32, #tpu.memory_space<vmem>>, vector<16xf32>,
        %mul3A_1762 = arith.mulf %add3A_1758, %get3A_1761 : vector<16xf32>
        %add3A_1763 = arith.addf %add3A_1639, %mul3A_1762 : vector<16xf32>
        %get3A_1764 = arith.constant 0 : i32
        %get3A_1765 = arith.index_cast %get3A_1764 : i32 to index
        %get3A_1766 = arith.index_cast %scan3A_1389 : i32 to index
        %get3A_1767 = arith.constant 48 : index
        %get3A_1768 = tpu.vector_load %arg9[%get3A_1765, %get3A_1766, %get3A_1767] {strides = array<i32>} : memref<20x64x64xf32, #tpu.memory_space<vmem>>, vector<16xf32>,
        %get3A_1769 = arith.constant 1 : i32
        %get3A_1770 = arith.index_cast %get3A_1769 : i32 to index
        %get3A_1771 = arith.index_cast %scan3A_1389 : i32 to index
        %get3A_1772 = arith.constant 48 : index
        %get3A_1773 = tpu.vector_load %arg9[%get3A_1770, %get3A_1771, %get3A_1772] {strides = array<i32>} : memref<20x64x64xf32, #tpu.memory_space<vmem>>, vector<16xf32>,
        %add3A_1774 = arith.addf %get3A_1768, %get3A_1773 : vector<16xf32>
        %get3A_1775 = arith.constant 2 : i32
        %get3A_1776 = arith.index_cast %get3A_1775 : i32 to index
        %get3A_1777 = arith.index_cast %scan3A_1389 : i32 to index
        %get3A_1778 = arith.constant 48 : index
        %get3A_1779 = tpu.vector_load %arg9[%get3A_1776, %get3A_1777, %get3A_1778] {strides = array<i32>} : memref<20x64x64xf32, #tpu.memory_space<vmem>>, vector<16xf32>,
        %add3A_1780 = arith.addf %add3A_1774, %get3A_1779 : vector<16xf32>
        %get3A_1781 = arith.constant 3 : i32
        %get3A_1782 = arith.index_cast %get3A_1781 : i32 to index
        %get3A_1783 = arith.index_cast %scan3A_1389 : i32 to index
        %get3A_1784 = arith.constant 48 : index
        %get3A_1785 = tpu.vector_load %arg9[%get3A_1782, %get3A_1783, %get3A_1784] {strides = array<i32>} : memref<20x64x64xf32, #tpu.memory_space<vmem>>, vector<16xf32>,
        %add3A_1786 = arith.addf %add3A_1780, %get3A_1785 : vector<16xf32>
        %get3A_1787 = arith.constant 4 : i32
        %get3A_1788 = arith.index_cast %get3A_1787 : i32 to index
        %get3A_1789 = arith.index_cast %scan3A_1389 : i32 to index
        %get3A_1790 = arith.constant 48 : index
        %get3A_1791 = tpu.vector_load %arg9[%get3A_1788, %get3A_1789, %get3A_1790] {strides = array<i32>} : memref<20x64x64xf32, #tpu.memory_space<vmem>>, vector<16xf32>,
        %add3A_1792 = arith.addf %add3A_1786, %get3A_1791 : vector<16xf32>
        %get3A_1793 = arith.constant 5 : i32
        %get3A_1794 = arith.index_cast %get3A_1793 : i32 to index
        %get3A_1795 = arith.index_cast %scan3A_1389 : i32 to index
        %get3A_1796 = arith.constant 48 : index
        %get3A_1797 = tpu.vector_load %arg9[%get3A_1794, %get3A_1795, %get3A_1796] {strides = array<i32>} : memref<20x64x64xf32, #tpu.memory_space<vmem>>, vector<16xf32>,
        %add3A_1798 = arith.addf %add3A_1792, %get3A_1797 : vector<16xf32>
        %get3A_1799 = arith.constant 6 : i32
        %get3A_1800 = arith.index_cast %get3A_1799 : i32 to index
        %get3A_1801 = arith.index_cast %scan3A_1389 : i32 to index
        %get3A_1802 = arith.constant 48 : index
        %get3A_1803 = tpu.vector_load %arg9[%get3A_1800, %get3A_1801, %get3A_1802] {strides = array<i32>} : memref<20x64x64xf32, #tpu.memory_space<vmem>>, vector<16xf32>,
        %add3A_1804 = arith.addf %add3A_1798, %get3A_1803 : vector<16xf32>
        %get3A_1805 = arith.constant 7 : i32
        %get3A_1806 = arith.index_cast %get3A_1805 : i32 to index
        %get3A_1807 = arith.index_cast %scan3A_1389 : i32 to index
        %get3A_1808 = arith.constant 48 : index
        %get3A_1809 = tpu.vector_load %arg9[%get3A_1806, %get3A_1807, %get3A_1808] {strides = array<i32>} : memref<20x64x64xf32, #tpu.memory_space<vmem>>, vector<16xf32>,
        %add3A_1810 = arith.addf %add3A_1804, %get3A_1809 : vector<16xf32>
        %get3A_1811 = arith.constant 8 : i32
        %get3A_1812 = arith.index_cast %get3A_1811 : i32 to index
        %get3A_1813 = arith.index_cast %scan3A_1389 : i32 to index
        %get3A_1814 = arith.constant 48 : index
        %get3A_1815 = tpu.vector_load %arg9[%get3A_1812, %get3A_1813, %get3A_1814] {strides = array<i32>} : memref<20x64x64xf32, #tpu.memory_space<vmem>>, vector<16xf32>,
        %add3A_1816 = arith.addf %add3A_1810, %get3A_1815 : vector<16xf32>
        %get3A_1817 = arith.constant 9 : i32
        %get3A_1818 = arith.index_cast %get3A_1817 : i32 to index
        %get3A_1819 = arith.index_cast %scan3A_1389 : i32 to index
        %get3A_1820 = arith.constant 48 : index
        %get3A_1821 = tpu.vector_load %arg9[%get3A_1818, %get3A_1819, %get3A_1820] {strides = array<i32>} : memref<20x64x64xf32, #tpu.memory_space<vmem>>, vector<16xf32>,
        %add3A_1822 = arith.addf %add3A_1816, %get3A_1821 : vector<16xf32>
        %get3A_1823 = arith.constant 10 : i32
        %get3A_1824 = arith.index_cast %get3A_1823 : i32 to index
        %get3A_1825 = arith.index_cast %scan3A_1389 : i32 to index
        %get3A_1826 = arith.constant 48 : index
        %get3A_1827 = tpu.vector_load %arg9[%get3A_1824, %get3A_1825, %get3A_1826] {strides = array<i32>} : memref<20x64x64xf32, #tpu.memory_space<vmem>>, vector<16xf32>,
        %add3A_1828 = arith.addf %add3A_1822, %get3A_1827 : vector<16xf32>
        %get3A_1829 = arith.constant 11 : i32
        %get3A_1830 = arith.index_cast %get3A_1829 : i32 to index
        %get3A_1831 = arith.index_cast %scan3A_1389 : i32 to index
        %get3A_1832 = arith.constant 48 : index
        %get3A_1833 = tpu.vector_load %arg9[%get3A_1830, %get3A_1831, %get3A_1832] {strides = array<i32>} : memref<20x64x64xf32, #tpu.memory_space<vmem>>, vector<16xf32>,
        %add3A_1834 = arith.addf %add3A_1828, %get3A_1833 : vector<16xf32>
        %get3A_1835 = arith.constant 12 : i32
        %get3A_1836 = arith.index_cast %get3A_1835 : i32 to index
        %get3A_1837 = arith.index_cast %scan3A_1389 : i32 to index
        %get3A_1838 = arith.constant 48 : index
        %get3A_1839 = tpu.vector_load %arg9[%get3A_1836, %get3A_1837, %get3A_1838] {strides = array<i32>} : memref<20x64x64xf32, #tpu.memory_space<vmem>>, vector<16xf32>,
        %add3A_1840 = arith.addf %add3A_1834, %get3A_1839 : vector<16xf32>
        %get3A_1841 = arith.constant 13 : i32
        %get3A_1842 = arith.index_cast %get3A_1841 : i32 to index
        %get3A_1843 = arith.index_cast %scan3A_1389 : i32 to index
        %get3A_1844 = arith.constant 48 : index
        %get3A_1845 = tpu.vector_load %arg9[%get3A_1842, %get3A_1843, %get3A_1844] {strides = array<i32>} : memref<20x64x64xf32, #tpu.memory_space<vmem>>, vector<16xf32>,
        %add3A_1846 = arith.addf %add3A_1840, %get3A_1845 : vector<16xf32>
        %get3A_1847 = arith.constant 14 : i32
        %get3A_1848 = arith.index_cast %get3A_1847 : i32 to index
        %get3A_1849 = arith.index_cast %scan3A_1389 : i32 to index
        %get3A_1850 = arith.constant 48 : index
        %get3A_1851 = tpu.vector_load %arg9[%get3A_1848, %get3A_1849, %get3A_1850] {strides = array<i32>} : memref<20x64x64xf32, #tpu.memory_space<vmem>>, vector<16xf32>,
        %add3A_1852 = arith.addf %add3A_1846, %get3A_1851 : vector<16xf32>
        %get3A_1853 = arith.constant 15 : i32
        %get3A_1854 = arith.index_cast %get3A_1853 : i32 to index
        %get3A_1855 = arith.index_cast %scan3A_1389 : i32 to index
        %get3A_1856 = arith.constant 48 : index
        %get3A_1857 = tpu.vector_load %arg9[%get3A_1854, %get3A_1855, %get3A_1856] {strides = array<i32>} : memref<20x64x64xf32, #tpu.memory_space<vmem>>, vector<16xf32>,
        %add3A_1858 = arith.addf %add3A_1852, %get3A_1857 : vector<16xf32>
        %get3A_1859 = arith.constant 16 : i32
        %get3A_1860 = arith.index_cast %get3A_1859 : i32 to index
        %get3A_1861 = arith.index_cast %scan3A_1389 : i32 to index
        %get3A_1862 = arith.constant 48 : index
        %get3A_1863 = tpu.vector_load %arg9[%get3A_1860, %get3A_1861, %get3A_1862] {strides = array<i32>} : memref<20x64x64xf32, #tpu.memory_space<vmem>>, vector<16xf32>,
        %add3A_1864 = arith.addf %add3A_1858, %get3A_1863 : vector<16xf32>
        %get3A_1865 = arith.constant 17 : i32
        %get3A_1866 = arith.index_cast %get3A_1865 : i32 to index
        %get3A_1867 = arith.index_cast %scan3A_1389 : i32 to index
        %get3A_1868 = arith.constant 48 : index
        %get3A_1869 = tpu.vector_load %arg9[%get3A_1866, %get3A_1867, %get3A_1868] {strides = array<i32>} : memref<20x64x64xf32, #tpu.memory_space<vmem>>, vector<16xf32>,
        %add3A_1870 = arith.addf %add3A_1864, %get3A_1869 : vector<16xf32>
        %get3A_1871 = arith.constant 18 : i32
        %get3A_1872 = arith.index_cast %get3A_1871 : i32 to index
        %get3A_1873 = arith.index_cast %scan3A_1389 : i32 to index
        %get3A_1874 = arith.constant 48 : index
        %get3A_1875 = tpu.vector_load %arg9[%get3A_1872, %get3A_1873, %get3A_1874] {strides = array<i32>} : memref<20x64x64xf32, #tpu.memory_space<vmem>>, vector<16xf32>,
        %add3A_1876 = arith.addf %add3A_1870, %get3A_1875 : vector<16xf32>
        %get3A_1877 = arith.constant 19 : i32
        %get3A_1878 = arith.index_cast %get3A_1877 : i32 to index
        %get3A_1879 = arith.index_cast %scan3A_1389 : i32 to index
        %get3A_1880 = arith.constant 48 : index
        %get3A_1881 = tpu.vector_load %arg9[%get3A_1878, %get3A_1879, %get3A_1880] {strides = array<i32>} : memref<20x64x64xf32, #tpu.memory_space<vmem>>, vector<16xf32>,
        %add3A_1882 = arith.addf %add3A_1876, %get3A_1881 : vector<16xf32>
        %get3A_1883 = arith.index_cast %scan3A_1389 : i32 to index
        %get3A_1884 = arith.constant 48 : index
        %get3A_1885 = tpu.vector_load %arg10[%get3A_1883, %get3A_1884] {strides = array<i32>} : memref<64x64xf32, #tpu.memory_space<vmem>>, vector<16xf32>,
        %mul3A_1886 = arith.mulf %add3A_1882, %get3A_1885 : vector<16xf32>
        %add3A_1887 = arith.addf %add3A_1763, %mul3A_1886 : vector<16xf32>
        %mul3A_1888 = arith.constant 5.000000e-02 : f32
        %mul3A_1889 = vector.broadcast %mul3A_1888 : f32 to vector<16xf32>
        %mul3A_1890 = arith.mulf %add3A_1887, %mul3A_1889 : vector<16xf32>
        %swap3A_1891 = arith.index_cast %scan3A_1389 : i32 to index
        %swap3A_1892 = arith.constant 0 : index
        %swap3A_1893 = tpu.vector_load %arg11[%swap3A_1891, %swap3A_1892] {strides = array<i32>} : memref<64x16xf32, #tpu.memory_space<vmem>>, vector<16xf32>,
        tpu.vector_store %arg11[%swap3A_1891, %swap3A_1892], %mul3A_1890 {strides = array<i32>} : memref<64x16xf32, #tpu.memory_space<vmem>>, vector<16xf32>,
        %scan3A_1894 = arith.constant 1 : i32
        %scan3A_1895 = arith.addi %scan3A_1389, %scan3A_1894 : i32
        %broadcast_in_dim3A_1896 = arith.constant 0.000000e+00 : f32
        %broadcast_in_dim3A_1897 = vector.broadcast %broadcast_in_dim3A_1896 : f32 to vector<16xf32>
        %get3A_1898 = arith.constant 0 : i32
        %get3A_1899 = arith.index_cast %get3A_1898 : i32 to index
        %get3A_1900 = arith.index_cast %scan3A_1895 : i32 to index
        %get3A_1901 = arith.constant 0 : index
        %get3A_1902 = tpu.vector_load %arg9[%get3A_1899, %get3A_1900, %get3A_1901] {strides = array<i32>} : memref<20x64x64xf32, #tpu.memory_space<vmem>>, vector<16xf32>,
        %get3A_1903 = arith.constant 1 : i32
        %get3A_1904 = arith.index_cast %get3A_1903 : i32 to index
        %get3A_1905 = arith.index_cast %scan3A_1895 : i32 to index
        %get3A_1906 = arith.constant 0 : index
        %get3A_1907 = tpu.vector_load %arg9[%get3A_1904, %get3A_1905, %get3A_1906] {strides = array<i32>} : memref<20x64x64xf32, #tpu.memory_space<vmem>>, vector<16xf32>,
        %add3A_1908 = arith.addf %get3A_1902, %get3A_1907 : vector<16xf32>
        %get3A_1909 = arith.constant 2 : i32
        %get3A_1910 = arith.index_cast %get3A_1909 : i32 to index
        %get3A_1911 = arith.index_cast %scan3A_1895 : i32 to index
        %get3A_1912 = arith.constant 0 : index
        %get3A_1913 = tpu.vector_load %arg9[%get3A_1910, %get3A_1911, %get3A_1912] {strides = array<i32>} : memref<20x64x64xf32, #tpu.memory_space<vmem>>, vector<16xf32>,
        %add3A_1914 = arith.addf %add3A_1908, %get3A_1913 : vector<16xf32>
        %get3A_1915 = arith.constant 3 : i32
        %get3A_1916 = arith.index_cast %get3A_1915 : i32 to index
        %get3A_1917 = arith.index_cast %scan3A_1895 : i32 to index
        %get3A_1918 = arith.constant 0 : index
        %get3A_1919 = tpu.vector_load %arg9[%get3A_1916, %get3A_1917, %get3A_1918] {strides = array<i32>} : memref<20x64x64xf32, #tpu.memory_space<vmem>>, vector<16xf32>,
        %add3A_1920 = arith.addf %add3A_1914, %get3A_1919 : vector<16xf32>
        %get3A_1921 = arith.constant 4 : i32
        %get3A_1922 = arith.index_cast %get3A_1921 : i32 to index
        %get3A_1923 = arith.index_cast %scan3A_1895 : i32 to index
        %get3A_1924 = arith.constant 0 : index
        %get3A_1925 = tpu.vector_load %arg9[%get3A_1922, %get3A_1923, %get3A_1924] {strides = array<i32>} : memref<20x64x64xf32, #tpu.memory_space<vmem>>, vector<16xf32>,
        %add3A_1926 = arith.addf %add3A_1920, %get3A_1925 : vector<16xf32>
        %get3A_1927 = arith.constant 5 : i32
        %get3A_1928 = arith.index_cast %get3A_1927 : i32 to index
        %get3A_1929 = arith.index_cast %scan3A_1895 : i32 to index
        %get3A_1930 = arith.constant 0 : index
        %get3A_1931 = tpu.vector_load %arg9[%get3A_1928, %get3A_1929, %get3A_1930] {strides = array<i32>} : memref<20x64x64xf32, #tpu.memory_space<vmem>>, vector<16xf32>,
        %add3A_1932 = arith.addf %add3A_1926, %get3A_1931 : vector<16xf32>
        %get3A_1933 = arith.constant 6 : i32
        %get3A_1934 = arith.index_cast %get3A_1933 : i32 to index
        %get3A_1935 = arith.index_cast %scan3A_1895 : i32 to index
        %get3A_1936 = arith.constant 0 : index
        %get3A_1937 = tpu.vector_load %arg9[%get3A_1934, %get3A_1935, %get3A_1936] {strides = array<i32>} : memref<20x64x64xf32, #tpu.memory_space<vmem>>, vector<16xf32>,
        %add3A_1938 = arith.addf %add3A_1932, %get3A_1937 : vector<16xf32>
        %get3A_1939 = arith.constant 7 : i32
        %get3A_1940 = arith.index_cast %get3A_1939 : i32 to index
        %get3A_1941 = arith.index_cast %scan3A_1895 : i32 to index
        %get3A_1942 = arith.constant 0 : index
        %get3A_1943 = tpu.vector_load %arg9[%get3A_1940, %get3A_1941, %get3A_1942] {strides = array<i32>} : memref<20x64x64xf32, #tpu.memory_space<vmem>>, vector<16xf32>,
        %add3A_1944 = arith.addf %add3A_1938, %get3A_1943 : vector<16xf32>
        %get3A_1945 = arith.constant 8 : i32
        %get3A_1946 = arith.index_cast %get3A_1945 : i32 to index
        %get3A_1947 = arith.index_cast %scan3A_1895 : i32 to index
        %get3A_1948 = arith.constant 0 : index
        %get3A_1949 = tpu.vector_load %arg9[%get3A_1946, %get3A_1947, %get3A_1948] {strides = array<i32>} : memref<20x64x64xf32, #tpu.memory_space<vmem>>, vector<16xf32>,
        %add3A_1950 = arith.addf %add3A_1944, %get3A_1949 : vector<16xf32>
        %get3A_1951 = arith.constant 9 : i32
        %get3A_1952 = arith.index_cast %get3A_1951 : i32 to index
        %get3A_1953 = arith.index_cast %scan3A_1895 : i32 to index
        %get3A_1954 = arith.constant 0 : index
        %get3A_1955 = tpu.vector_load %arg9[%get3A_1952, %get3A_1953, %get3A_1954] {strides = array<i32>} : memref<20x64x64xf32, #tpu.memory_space<vmem>>, vector<16xf32>,
        %add3A_1956 = arith.addf %add3A_1950, %get3A_1955 : vector<16xf32>
        %get3A_1957 = arith.constant 10 : i32
        %get3A_1958 = arith.index_cast %get3A_1957 : i32 to index
        %get3A_1959 = arith.index_cast %scan3A_1895 : i32 to index
        %get3A_1960 = arith.constant 0 : index
        %get3A_1961 = tpu.vector_load %arg9[%get3A_1958, %get3A_1959, %get3A_1960] {strides = array<i32>} : memref<20x64x64xf32, #tpu.memory_space<vmem>>, vector<16xf32>,
        %add3A_1962 = arith.addf %add3A_1956, %get3A_1961 : vector<16xf32>
        %get3A_1963 = arith.constant 11 : i32
        %get3A_1964 = arith.index_cast %get3A_1963 : i32 to index
        %get3A_1965 = arith.index_cast %scan3A_1895 : i32 to index
        %get3A_1966 = arith.constant 0 : index
        %get3A_1967 = tpu.vector_load %arg9[%get3A_1964, %get3A_1965, %get3A_1966] {strides = array<i32>} : memref<20x64x64xf32, #tpu.memory_space<vmem>>, vector<16xf32>,
        %add3A_1968 = arith.addf %add3A_1962, %get3A_1967 : vector<16xf32>
        %get3A_1969 = arith.constant 12 : i32
        %get3A_1970 = arith.index_cast %get3A_1969 : i32 to index
        %get3A_1971 = arith.index_cast %scan3A_1895 : i32 to index
        %get3A_1972 = arith.constant 0 : index
        %get3A_1973 = tpu.vector_load %arg9[%get3A_1970, %get3A_1971, %get3A_1972] {strides = array<i32>} : memref<20x64x64xf32, #tpu.memory_space<vmem>>, vector<16xf32>,
        %add3A_1974 = arith.addf %add3A_1968, %get3A_1973 : vector<16xf32>
        %get3A_1975 = arith.constant 13 : i32
        %get3A_1976 = arith.index_cast %get3A_1975 : i32 to index
        %get3A_1977 = arith.index_cast %scan3A_1895 : i32 to index
        %get3A_1978 = arith.constant 0 : index
        %get3A_1979 = tpu.vector_load %arg9[%get3A_1976, %get3A_1977, %get3A_1978] {strides = array<i32>} : memref<20x64x64xf32, #tpu.memory_space<vmem>>, vector<16xf32>,
        %add3A_1980 = arith.addf %add3A_1974, %get3A_1979 : vector<16xf32>
        %get3A_1981 = arith.constant 14 : i32
        %get3A_1982 = arith.index_cast %get3A_1981 : i32 to index
        %get3A_1983 = arith.index_cast %scan3A_1895 : i32 to index
        %get3A_1984 = arith.constant 0 : index
        %get3A_1985 = tpu.vector_load %arg9[%get3A_1982, %get3A_1983, %get3A_1984] {strides = array<i32>} : memref<20x64x64xf32, #tpu.memory_space<vmem>>, vector<16xf32>,
        %add3A_1986 = arith.addf %add3A_1980, %get3A_1985 : vector<16xf32>
        %get3A_1987 = arith.constant 15 : i32
        %get3A_1988 = arith.index_cast %get3A_1987 : i32 to index
        %get3A_1989 = arith.index_cast %scan3A_1895 : i32 to index
        %get3A_1990 = arith.constant 0 : index
        %get3A_1991 = tpu.vector_load %arg9[%get3A_1988, %get3A_1989, %get3A_1990] {strides = array<i32>} : memref<20x64x64xf32, #tpu.memory_space<vmem>>, vector<16xf32>,
        %add3A_1992 = arith.addf %add3A_1986, %get3A_1991 : vector<16xf32>
        %get3A_1993 = arith.constant 16 : i32
        %get3A_1994 = arith.index_cast %get3A_1993 : i32 to index
        %get3A_1995 = arith.index_cast %scan3A_1895 : i32 to index
        %get3A_1996 = arith.constant 0 : index
        %get3A_1997 = tpu.vector_load %arg9[%get3A_1994, %get3A_1995, %get3A_1996] {strides = array<i32>} : memref<20x64x64xf32, #tpu.memory_space<vmem>>, vector<16xf32>,
        %add3A_1998 = arith.addf %add3A_1992, %get3A_1997 : vector<16xf32>
        %get3A_1999 = arith.constant 17 : i32
        %get3A_2000 = arith.index_cast %get3A_1999 : i32 to index
        %get3A_2001 = arith.index_cast %scan3A_1895 : i32 to index
        %get3A_2002 = arith.constant 0 : index
        %get3A_2003 = tpu.vector_load %arg9[%get3A_2000, %get3A_2001, %get3A_2002] {strides = array<i32>} : memref<20x64x64xf32, #tpu.memory_space<vmem>>, vector<16xf32>,
        %add3A_2004 = arith.addf %add3A_1998, %get3A_2003 : vector<16xf32>
        %get3A_2005 = arith.constant 18 : i32
        %get3A_2006 = arith.index_cast %get3A_2005 : i32 to index
        %get3A_2007 = arith.index_cast %scan3A_1895 : i32 to index
        %get3A_2008 = arith.constant 0 : index
        %get3A_2009 = tpu.vector_load %arg9[%get3A_2006, %get3A_2007, %get3A_2008] {strides = array<i32>} : memref<20x64x64xf32, #tpu.memory_space<vmem>>, vector<16xf32>,
        %add3A_2010 = arith.addf %add3A_2004, %get3A_2009 : vector<16xf32>
        %get3A_2011 = arith.constant 19 : i32
        %get3A_2012 = arith.index_cast %get3A_2011 : i32 to index
        %get3A_2013 = arith.index_cast %scan3A_1895 : i32 to index
        %get3A_2014 = arith.constant 0 : index
        %get3A_2015 = tpu.vector_load %arg9[%get3A_2012, %get3A_2013, %get3A_2014] {strides = array<i32>} : memref<20x64x64xf32, #tpu.memory_space<vmem>>, vector<16xf32>,
        %add3A_2016 = arith.addf %add3A_2010, %get3A_2015 : vector<16xf32>
        %get3A_2017 = arith.index_cast %scan3A_1895 : i32 to index
        %get3A_2018 = arith.constant 0 : index
        %get3A_2019 = tpu.vector_load %arg10[%get3A_2017, %get3A_2018] {strides = array<i32>} : memref<64x64xf32, #tpu.memory_space<vmem>>, vector<16xf32>,
        %mul3A_2020 = arith.mulf %add3A_2016, %get3A_2019 : vector<16xf32>
        %add3A_2021 = arith.addf %broadcast_in_dim3A_1897, %mul3A_2020 : vector<16xf32>
        %get3A_2022 = arith.constant 0 : i32
        %get3A_2023 = arith.index_cast %get3A_2022 : i32 to index
        %get3A_2024 = arith.index_cast %scan3A_1895 : i32 to index
        %get3A_2025 = arith.constant 16 : index
        %get3A_2026 = tpu.vector_load %arg9[%get3A_2023, %get3A_2024, %get3A_2025] {strides = array<i32>} : memref<20x64x64xf32, #tpu.memory_space<vmem>>, vector<16xf32>,
        %get3A_2027 = arith.constant 1 : i32
        %get3A_2028 = arith.index_cast %get3A_2027 : i32 to index
        %get3A_2029 = arith.index_cast %scan3A_1895 : i32 to index
        %get3A_2030 = arith.constant 16 : index
        %get3A_2031 = tpu.vector_load %arg9[%get3A_2028, %get3A_2029, %get3A_2030] {strides = array<i32>} : memref<20x64x64xf32, #tpu.memory_space<vmem>>, vector<16xf32>,
        %add3A_2032 = arith.addf %get3A_2026, %get3A_2031 : vector<16xf32>
        %get3A_2033 = arith.constant 2 : i32
        %get3A_2034 = arith.index_cast %get3A_2033 : i32 to index
        %get3A_2035 = arith.index_cast %scan3A_1895 : i32 to index
        %get3A_2036 = arith.constant 16 : index
        %get3A_2037 = tpu.vector_load %arg9[%get3A_2034, %get3A_2035, %get3A_2036] {strides = array<i32>} : memref<20x64x64xf32, #tpu.memory_space<vmem>>, vector<16xf32>,
        %add3A_2038 = arith.addf %add3A_2032, %get3A_2037 : vector<16xf32>
        %get3A_2039 = arith.constant 3 : i32
        %get3A_2040 = arith.index_cast %get3A_2039 : i32 to index
        %get3A_2041 = arith.index_cast %scan3A_1895 : i32 to index
        %get3A_2042 = arith.constant 16 : index
        %get3A_2043 = tpu.vector_load %arg9[%get3A_2040, %get3A_2041, %get3A_2042] {strides = array<i32>} : memref<20x64x64xf32, #tpu.memory_space<vmem>>, vector<16xf32>,
        %add3A_2044 = arith.addf %add3A_2038, %get3A_2043 : vector<16xf32>
        %get3A_2045 = arith.constant 4 : i32
        %get3A_2046 = arith.index_cast %get3A_2045 : i32 to index
        %get3A_2047 = arith.index_cast %scan3A_1895 : i32 to index
        %get3A_2048 = arith.constant 16 : index
        %get3A_2049 = tpu.vector_load %arg9[%get3A_2046, %get3A_2047, %get3A_2048] {strides = array<i32>} : memref<20x64x64xf32, #tpu.memory_space<vmem>>, vector<16xf32>,
        %add3A_2050 = arith.addf %add3A_2044, %get3A_2049 : vector<16xf32>
        %get3A_2051 = arith.constant 5 : i32
        %get3A_2052 = arith.index_cast %get3A_2051 : i32 to index
        %get3A_2053 = arith.index_cast %scan3A_1895 : i32 to index
        %get3A_2054 = arith.constant 16 : index
        %get3A_2055 = tpu.vector_load %arg9[%get3A_2052, %get3A_2053, %get3A_2054] {strides = array<i32>} : memref<20x64x64xf32, #tpu.memory_space<vmem>>, vector<16xf32>,
        %add3A_2056 = arith.addf %add3A_2050, %get3A_2055 : vector<16xf32>
        %get3A_2057 = arith.constant 6 : i32
        %get3A_2058 = arith.index_cast %get3A_2057 : i32 to index
        %get3A_2059 = arith.index_cast %scan3A_1895 : i32 to index
        %get3A_2060 = arith.constant 16 : index
        %get3A_2061 = tpu.vector_load %arg9[%get3A_2058, %get3A_2059, %get3A_2060] {strides = array<i32>} : memref<20x64x64xf32, #tpu.memory_space<vmem>>, vector<16xf32>,
        %add3A_2062 = arith.addf %add3A_2056, %get3A_2061 : vector<16xf32>
        %get3A_2063 = arith.constant 7 : i32
        %get3A_2064 = arith.index_cast %get3A_2063 : i32 to index
        %get3A_2065 = arith.index_cast %scan3A_1895 : i32 to index
        %get3A_2066 = arith.constant 16 : index
        %get3A_2067 = tpu.vector_load %arg9[%get3A_2064, %get3A_2065, %get3A_2066] {strides = array<i32>} : memref<20x64x64xf32, #tpu.memory_space<vmem>>, vector<16xf32>,
        %add3A_2068 = arith.addf %add3A_2062, %get3A_2067 : vector<16xf32>
        %get3A_2069 = arith.constant 8 : i32
        %get3A_2070 = arith.index_cast %get3A_2069 : i32 to index
        %get3A_2071 = arith.index_cast %scan3A_1895 : i32 to index
        %get3A_2072 = arith.constant 16 : index
        %get3A_2073 = tpu.vector_load %arg9[%get3A_2070, %get3A_2071, %get3A_2072] {strides = array<i32>} : memref<20x64x64xf32, #tpu.memory_space<vmem>>, vector<16xf32>,
        %add3A_2074 = arith.addf %add3A_2068, %get3A_2073 : vector<16xf32>
        %get3A_2075 = arith.constant 9 : i32
        %get3A_2076 = arith.index_cast %get3A_2075 : i32 to index
        %get3A_2077 = arith.index_cast %scan3A_1895 : i32 to index
        %get3A_2078 = arith.constant 16 : index
        %get3A_2079 = tpu.vector_load %arg9[%get3A_2076, %get3A_2077, %get3A_2078] {strides = array<i32>} : memref<20x64x64xf32, #tpu.memory_space<vmem>>, vector<16xf32>,
        %add3A_2080 = arith.addf %add3A_2074, %get3A_2079 : vector<16xf32>
        %get3A_2081 = arith.constant 10 : i32
        %get3A_2082 = arith.index_cast %get3A_2081 : i32 to index
        %get3A_2083 = arith.index_cast %scan3A_1895 : i32 to index
        %get3A_2084 = arith.constant 16 : index
        %get3A_2085 = tpu.vector_load %arg9[%get3A_2082, %get3A_2083, %get3A_2084] {strides = array<i32>} : memref<20x64x64xf32, #tpu.memory_space<vmem>>, vector<16xf32>,
        %add3A_2086 = arith.addf %add3A_2080, %get3A_2085 : vector<16xf32>
        %get3A_2087 = arith.constant 11 : i32
        %get3A_2088 = arith.index_cast %get3A_2087 : i32 to index
        %get3A_2089 = arith.index_cast %scan3A_1895 : i32 to index
        %get3A_2090 = arith.constant 16 : index
        %get3A_2091 = tpu.vector_load %arg9[%get3A_2088, %get3A_2089, %get3A_2090] {strides = array<i32>} : memref<20x64x64xf32, #tpu.memory_space<vmem>>, vector<16xf32>,
        %add3A_2092 = arith.addf %add3A_2086, %get3A_2091 : vector<16xf32>
        %get3A_2093 = arith.constant 12 : i32
        %get3A_2094 = arith.index_cast %get3A_2093 : i32 to index
        %get3A_2095 = arith.index_cast %scan3A_1895 : i32 to index
        %get3A_2096 = arith.constant 16 : index
        %get3A_2097 = tpu.vector_load %arg9[%get3A_2094, %get3A_2095, %get3A_2096] {strides = array<i32>} : memref<20x64x64xf32, #tpu.memory_space<vmem>>, vector<16xf32>,
        %add3A_2098 = arith.addf %add3A_2092, %get3A_2097 : vector<16xf32>
        %get3A_2099 = arith.constant 13 : i32
        %get3A_2100 = arith.index_cast %get3A_2099 : i32 to index
        %get3A_2101 = arith.index_cast %scan3A_1895 : i32 to index
        %get3A_2102 = arith.constant 16 : index
        %get3A_2103 = tpu.vector_load %arg9[%get3A_2100, %get3A_2101, %get3A_2102] {strides = array<i32>} : memref<20x64x64xf32, #tpu.memory_space<vmem>>, vector<16xf32>,
        %add3A_2104 = arith.addf %add3A_2098, %get3A_2103 : vector<16xf32>
        %get3A_2105 = arith.constant 14 : i32
        %get3A_2106 = arith.index_cast %get3A_2105 : i32 to index
        %get3A_2107 = arith.index_cast %scan3A_1895 : i32 to index
        %get3A_2108 = arith.constant 16 : index
        %get3A_2109 = tpu.vector_load %arg9[%get3A_2106, %get3A_2107, %get3A_2108] {strides = array<i32>} : memref<20x64x64xf32, #tpu.memory_space<vmem>>, vector<16xf32>,
        %add3A_2110 = arith.addf %add3A_2104, %get3A_2109 : vector<16xf32>
        %get3A_2111 = arith.constant 15 : i32
        %get3A_2112 = arith.index_cast %get3A_2111 : i32 to index
        %get3A_2113 = arith.index_cast %scan3A_1895 : i32 to index
        %get3A_2114 = arith.constant 16 : index
        %get3A_2115 = tpu.vector_load %arg9[%get3A_2112, %get3A_2113, %get3A_2114] {strides = array<i32>} : memref<20x64x64xf32, #tpu.memory_space<vmem>>, vector<16xf32>,
        %add3A_2116 = arith.addf %add3A_2110, %get3A_2115 : vector<16xf32>
        %get3A_2117 = arith.constant 16 : i32
        %get3A_2118 = arith.index_cast %get3A_2117 : i32 to index
        %get3A_2119 = arith.index_cast %scan3A_1895 : i32 to index
        %get3A_2120 = arith.constant 16 : index
        %get3A_2121 = tpu.vector_load %arg9[%get3A_2118, %get3A_2119, %get3A_2120] {strides = array<i32>} : memref<20x64x64xf32, #tpu.memory_space<vmem>>, vector<16xf32>,
        %add3A_2122 = arith.addf %add3A_2116, %get3A_2121 : vector<16xf32>
        %get3A_2123 = arith.constant 17 : i32
        %get3A_2124 = arith.index_cast %get3A_2123 : i32 to index
        %get3A_2125 = arith.index_cast %scan3A_1895 : i32 to index
        %get3A_2126 = arith.constant 16 : index
        %get3A_2127 = tpu.vector_load %arg9[%get3A_2124, %get3A_2125, %get3A_2126] {strides = array<i32>} : memref<20x64x64xf32, #tpu.memory_space<vmem>>, vector<16xf32>,
        %add3A_2128 = arith.addf %add3A_2122, %get3A_2127 : vector<16xf32>
        %get3A_2129 = arith.constant 18 : i32
        %get3A_2130 = arith.index_cast %get3A_2129 : i32 to index
        %get3A_2131 = arith.index_cast %scan3A_1895 : i32 to index
        %get3A_2132 = arith.constant 16 : index
        %get3A_2133 = tpu.vector_load %arg9[%get3A_2130, %get3A_2131, %get3A_2132] {strides = array<i32>} : memref<20x64x64xf32, #tpu.memory_space<vmem>>, vector<16xf32>,
        %add3A_2134 = arith.addf %add3A_2128, %get3A_2133 : vector<16xf32>
        %get3A_2135 = arith.constant 19 : i32
        %get3A_2136 = arith.index_cast %get3A_2135 : i32 to index
        %get3A_2137 = arith.index_cast %scan3A_1895 : i32 to index
        %get3A_2138 = arith.constant 16 : index
        %get3A_2139 = tpu.vector_load %arg9[%get3A_2136, %get3A_2137, %get3A_2138] {strides = array<i32>} : memref<20x64x64xf32, #tpu.memory_space<vmem>>, vector<16xf32>,
        %add3A_2140 = arith.addf %add3A_2134, %get3A_2139 : vector<16xf32>
        %get3A_2141 = arith.index_cast %scan3A_1895 : i32 to index
        %get3A_2142 = arith.constant 16 : index
        %get3A_2143 = tpu.vector_load %arg10[%get3A_2141, %get3A_2142] {strides = array<i32>} : memref<64x64xf32, #tpu.memory_space<vmem>>, vector<16xf32>,
        %mul3A_2144 = arith.mulf %add3A_2140, %get3A_2143 : vector<16xf32>
        %add3A_2145 = arith.addf %add3A_2021, %mul3A_2144 : vector<16xf32>
        %get3A_2146 = arith.constant 0 : i32
        %get3A_2147 = arith.index_cast %get3A_2146 : i32 to index
        %get3A_2148 = arith.index_cast %scan3A_1895 : i32 to index
        %get3A_2149 = arith.constant 32 : index
        %get3A_2150 = tpu.vector_load %arg9[%get3A_2147, %get3A_2148, %get3A_2149] {strides = array<i32>} : memref<20x64x64xf32, #tpu.memory_space<vmem>>, vector<16xf32>,
        %get3A_2151 = arith.constant 1 : i32
        %get3A_2152 = arith.index_cast %get3A_2151 : i32 to index
        %get3A_2153 = arith.index_cast %scan3A_1895 : i32 to index
        %get3A_2154 = arith.constant 32 : index
        %get3A_2155 = tpu.vector_load %arg9[%get3A_2152, %get3A_2153, %get3A_2154] {strides = array<i32>} : memref<20x64x64xf32, #tpu.memory_space<vmem>>, vector<16xf32>,
        %add3A_2156 = arith.addf %get3A_2150, %get3A_2155 : vector<16xf32>
        %get3A_2157 = arith.constant 2 : i32
        %get3A_2158 = arith.index_cast %get3A_2157 : i32 to index
        %get3A_2159 = arith.index_cast %scan3A_1895 : i32 to index
        %get3A_2160 = arith.constant 32 : index
        %get3A_2161 = tpu.vector_load %arg9[%get3A_2158, %get3A_2159, %get3A_2160] {strides = array<i32>} : memref<20x64x64xf32, #tpu.memory_space<vmem>>, vector<16xf32>,
        %add3A_2162 = arith.addf %add3A_2156, %get3A_2161 : vector<16xf32>
        %get3A_2163 = arith.constant 3 : i32
        %get3A_2164 = arith.index_cast %get3A_2163 : i32 to index
        %get3A_2165 = arith.index_cast %scan3A_1895 : i32 to index
        %get3A_2166 = arith.constant 32 : index
        %get3A_2167 = tpu.vector_load %arg9[%get3A_2164, %get3A_2165, %get3A_2166] {strides = array<i32>} : memref<20x64x64xf32, #tpu.memory_space<vmem>>, vector<16xf32>,
        %add3A_2168 = arith.addf %add3A_2162, %get3A_2167 : vector<16xf32>
        %get3A_2169 = arith.constant 4 : i32
        %get3A_2170 = arith.index_cast %get3A_2169 : i32 to index
        %get3A_2171 = arith.index_cast %scan3A_1895 : i32 to index
        %get3A_2172 = arith.constant 32 : index
        %get3A_2173 = tpu.vector_load %arg9[%get3A_2170, %get3A_2171, %get3A_2172] {strides = array<i32>} : memref<20x64x64xf32, #tpu.memory_space<vmem>>, vector<16xf32>,
        %add3A_2174 = arith.addf %add3A_2168, %get3A_2173 : vector<16xf32>
        %get3A_2175 = arith.constant 5 : i32
        %get3A_2176 = arith.index_cast %get3A_2175 : i32 to index
        %get3A_2177 = arith.index_cast %scan3A_1895 : i32 to index
        %get3A_2178 = arith.constant 32 : index
        %get3A_2179 = tpu.vector_load %arg9[%get3A_2176, %get3A_2177, %get3A_2178] {strides = array<i32>} : memref<20x64x64xf32, #tpu.memory_space<vmem>>, vector<16xf32>,
        %add3A_2180 = arith.addf %add3A_2174, %get3A_2179 : vector<16xf32>
        %get3A_2181 = arith.constant 6 : i32
        %get3A_2182 = arith.index_cast %get3A_2181 : i32 to index
        %get3A_2183 = arith.index_cast %scan3A_1895 : i32 to index
        %get3A_2184 = arith.constant 32 : index
        %get3A_2185 = tpu.vector_load %arg9[%get3A_2182, %get3A_2183, %get3A_2184] {strides = array<i32>} : memref<20x64x64xf32, #tpu.memory_space<vmem>>, vector<16xf32>,
        %add3A_2186 = arith.addf %add3A_2180, %get3A_2185 : vector<16xf32>
        %get3A_2187 = arith.constant 7 : i32
        %get3A_2188 = arith.index_cast %get3A_2187 : i32 to index
        %get3A_2189 = arith.index_cast %scan3A_1895 : i32 to index
        %get3A_2190 = arith.constant 32 : index
        %get3A_2191 = tpu.vector_load %arg9[%get3A_2188, %get3A_2189, %get3A_2190] {strides = array<i32>} : memref<20x64x64xf32, #tpu.memory_space<vmem>>, vector<16xf32>,
        %add3A_2192 = arith.addf %add3A_2186, %get3A_2191 : vector<16xf32>
        %get3A_2193 = arith.constant 8 : i32
        %get3A_2194 = arith.index_cast %get3A_2193 : i32 to index
        %get3A_2195 = arith.index_cast %scan3A_1895 : i32 to index
        %get3A_2196 = arith.constant 32 : index
        %get3A_2197 = tpu.vector_load %arg9[%get3A_2194, %get3A_2195, %get3A_2196] {strides = array<i32>} : memref<20x64x64xf32, #tpu.memory_space<vmem>>, vector<16xf32>,
        %add3A_2198 = arith.addf %add3A_2192, %get3A_2197 : vector<16xf32>
        %get3A_2199 = arith.constant 9 : i32
        %get3A_2200 = arith.index_cast %get3A_2199 : i32 to index
        %get3A_2201 = arith.index_cast %scan3A_1895 : i32 to index
        %get3A_2202 = arith.constant 32 : index
        %get3A_2203 = tpu.vector_load %arg9[%get3A_2200, %get3A_2201, %get3A_2202] {strides = array<i32>} : memref<20x64x64xf32, #tpu.memory_space<vmem>>, vector<16xf32>,
        %add3A_2204 = arith.addf %add3A_2198, %get3A_2203 : vector<16xf32>
        %get3A_2205 = arith.constant 10 : i32
        %get3A_2206 = arith.index_cast %get3A_2205 : i32 to index
        %get3A_2207 = arith.index_cast %scan3A_1895 : i32 to index
        %get3A_2208 = arith.constant 32 : index
        %get3A_2209 = tpu.vector_load %arg9[%get3A_2206, %get3A_2207, %get3A_2208] {strides = array<i32>} : memref<20x64x64xf32, #tpu.memory_space<vmem>>, vector<16xf32>,
        %add3A_2210 = arith.addf %add3A_2204, %get3A_2209 : vector<16xf32>
        %get3A_2211 = arith.constant 11 : i32
        %get3A_2212 = arith.index_cast %get3A_2211 : i32 to index
        %get3A_2213 = arith.index_cast %scan3A_1895 : i32 to index
        %get3A_2214 = arith.constant 32 : index
        %get3A_2215 = tpu.vector_load %arg9[%get3A_2212, %get3A_2213, %get3A_2214] {strides = array<i32>} : memref<20x64x64xf32, #tpu.memory_space<vmem>>, vector<16xf32>,
        %add3A_2216 = arith.addf %add3A_2210, %get3A_2215 : vector<16xf32>
        %get3A_2217 = arith.constant 12 : i32
        %get3A_2218 = arith.index_cast %get3A_2217 : i32 to index
        %get3A_2219 = arith.index_cast %scan3A_1895 : i32 to index
        %get3A_2220 = arith.constant 32 : index
        %get3A_2221 = tpu.vector_load %arg9[%get3A_2218, %get3A_2219, %get3A_2220] {strides = array<i32>} : memref<20x64x64xf32, #tpu.memory_space<vmem>>, vector<16xf32>,
        %add3A_2222 = arith.addf %add3A_2216, %get3A_2221 : vector<16xf32>
        %get3A_2223 = arith.constant 13 : i32
        %get3A_2224 = arith.index_cast %get3A_2223 : i32 to index
        %get3A_2225 = arith.index_cast %scan3A_1895 : i32 to index
        %get3A_2226 = arith.constant 32 : index
        %get3A_2227 = tpu.vector_load %arg9[%get3A_2224, %get3A_2225, %get3A_2226] {strides = array<i32>} : memref<20x64x64xf32, #tpu.memory_space<vmem>>, vector<16xf32>,
        %add3A_2228 = arith.addf %add3A_2222, %get3A_2227 : vector<16xf32>
        %get3A_2229 = arith.constant 14 : i32
        %get3A_2230 = arith.index_cast %get3A_2229 : i32 to index
        %get3A_2231 = arith.index_cast %scan3A_1895 : i32 to index
        %get3A_2232 = arith.constant 32 : index
        %get3A_2233 = tpu.vector_load %arg9[%get3A_2230, %get3A_2231, %get3A_2232] {strides = array<i32>} : memref<20x64x64xf32, #tpu.memory_space<vmem>>, vector<16xf32>,
        %add3A_2234 = arith.addf %add3A_2228, %get3A_2233 : vector<16xf32>
        %get3A_2235 = arith.constant 15 : i32
        %get3A_2236 = arith.index_cast %get3A_2235 : i32 to index
        %get3A_2237 = arith.index_cast %scan3A_1895 : i32 to index
        %get3A_2238 = arith.constant 32 : index
        %get3A_2239 = tpu.vector_load %arg9[%get3A_2236, %get3A_2237, %get3A_2238] {strides = array<i32>} : memref<20x64x64xf32, #tpu.memory_space<vmem>>, vector<16xf32>,
        %add3A_2240 = arith.addf %add3A_2234, %get3A_2239 : vector<16xf32>
        %get3A_2241 = arith.constant 16 : i32
        %get3A_2242 = arith.index_cast %get3A_2241 : i32 to index
        %get3A_2243 = arith.index_cast %scan3A_1895 : i32 to index
        %get3A_2244 = arith.constant 32 : index
        %get3A_2245 = tpu.vector_load %arg9[%get3A_2242, %get3A_2243, %get3A_2244] {strides = array<i32>} : memref<20x64x64xf32, #tpu.memory_space<vmem>>, vector<16xf32>,
        %add3A_2246 = arith.addf %add3A_2240, %get3A_2245 : vector<16xf32>
        %get3A_2247 = arith.constant 17 : i32
        %get3A_2248 = arith.index_cast %get3A_2247 : i32 to index
        %get3A_2249 = arith.index_cast %scan3A_1895 : i32 to index
        %get3A_2250 = arith.constant 32 : index
        %get3A_2251 = tpu.vector_load %arg9[%get3A_2248, %get3A_2249, %get3A_2250] {strides = array<i32>} : memref<20x64x64xf32, #tpu.memory_space<vmem>>, vector<16xf32>,
        %add3A_2252 = arith.addf %add3A_2246, %get3A_2251 : vector<16xf32>
        %get3A_2253 = arith.constant 18 : i32
        %get3A_2254 = arith.index_cast %get3A_2253 : i32 to index
        %get3A_2255 = arith.index_cast %scan3A_1895 : i32 to index
        %get3A_2256 = arith.constant 32 : index
        %get3A_2257 = tpu.vector_load %arg9[%get3A_2254, %get3A_2255, %get3A_2256] {strides = array<i32>} : memref<20x64x64xf32, #tpu.memory_space<vmem>>, vector<16xf32>,
        %add3A_2258 = arith.addf %add3A_2252, %get3A_2257 : vector<16xf32>
        %get3A_2259 = arith.constant 19 : i32
        %get3A_2260 = arith.index_cast %get3A_2259 : i32 to index
        %get3A_2261 = arith.index_cast %scan3A_1895 : i32 to index
        %get3A_2262 = arith.constant 32 : index
        %get3A_2263 = tpu.vector_load %arg9[%get3A_2260, %get3A_2261, %get3A_2262] {strides = array<i32>} : memref<20x64x64xf32, #tpu.memory_space<vmem>>, vector<16xf32>,
        %add3A_2264 = arith.addf %add3A_2258, %get3A_2263 : vector<16xf32>
        %get3A_2265 = arith.index_cast %scan3A_1895 : i32 to index
        %get3A_2266 = arith.constant 32 : index
        %get3A_2267 = tpu.vector_load %arg10[%get3A_2265, %get3A_2266] {strides = array<i32>} : memref<64x64xf32, #tpu.memory_space<vmem>>, vector<16xf32>,
        %mul3A_2268 = arith.mulf %add3A_2264, %get3A_2267 : vector<16xf32>
        %add3A_2269 = arith.addf %add3A_2145, %mul3A_2268 : vector<16xf32>
        %get3A_2270 = arith.constant 0 : i32
        %get3A_2271 = arith.index_cast %get3A_2270 : i32 to index
        %get3A_2272 = arith.index_cast %scan3A_1895 : i32 to index
        %get3A_2273 = arith.constant 48 : index
        %get3A_2274 = tpu.vector_load %arg9[%get3A_2271, %get3A_2272, %get3A_2273] {strides = array<i32>} : memref<20x64x64xf32, #tpu.memory_space<vmem>>, vector<16xf32>,
        %get3A_2275 = arith.constant 1 : i32
        %get3A_2276 = arith.index_cast %get3A_2275 : i32 to index
        %get3A_2277 = arith.index_cast %scan3A_1895 : i32 to index
        %get3A_2278 = arith.constant 48 : index
        %get3A_2279 = tpu.vector_load %arg9[%get3A_2276, %get3A_2277, %get3A_2278] {strides = array<i32>} : memref<20x64x64xf32, #tpu.memory_space<vmem>>, vector<16xf32>,
        %add3A_2280 = arith.addf %get3A_2274, %get3A_2279 : vector<16xf32>
        %get3A_2281 = arith.constant 2 : i32
        %get3A_2282 = arith.index_cast %get3A_2281 : i32 to index
        %get3A_2283 = arith.index_cast %scan3A_1895 : i32 to index
        %get3A_2284 = arith.constant 48 : index
        %get3A_2285 = tpu.vector_load %arg9[%get3A_2282, %get3A_2283, %get3A_2284] {strides = array<i32>} : memref<20x64x64xf32, #tpu.memory_space<vmem>>, vector<16xf32>,
        %add3A_2286 = arith.addf %add3A_2280, %get3A_2285 : vector<16xf32>
        %get3A_2287 = arith.constant 3 : i32
        %get3A_2288 = arith.index_cast %get3A_2287 : i32 to index
        %get3A_2289 = arith.index_cast %scan3A_1895 : i32 to index
        %get3A_2290 = arith.constant 48 : index
        %get3A_2291 = tpu.vector_load %arg9[%get3A_2288, %get3A_2289, %get3A_2290] {strides = array<i32>} : memref<20x64x64xf32, #tpu.memory_space<vmem>>, vector<16xf32>,
        %add3A_2292 = arith.addf %add3A_2286, %get3A_2291 : vector<16xf32>
        %get3A_2293 = arith.constant 4 : i32
        %get3A_2294 = arith.index_cast %get3A_2293 : i32 to index
        %get3A_2295 = arith.index_cast %scan3A_1895 : i32 to index
        %get3A_2296 = arith.constant 48 : index
        %get3A_2297 = tpu.vector_load %arg9[%get3A_2294, %get3A_2295, %get3A_2296] {strides = array<i32>} : memref<20x64x64xf32, #tpu.memory_space<vmem>>, vector<16xf32>,
        %add3A_2298 = arith.addf %add3A_2292, %get3A_2297 : vector<16xf32>
        %get3A_2299 = arith.constant 5 : i32
        %get3A_2300 = arith.index_cast %get3A_2299 : i32 to index
        %get3A_2301 = arith.index_cast %scan3A_1895 : i32 to index
        %get3A_2302 = arith.constant 48 : index
        %get3A_2303 = tpu.vector_load %arg9[%get3A_2300, %get3A_2301, %get3A_2302] {strides = array<i32>} : memref<20x64x64xf32, #tpu.memory_space<vmem>>, vector<16xf32>,
        %add3A_2304 = arith.addf %add3A_2298, %get3A_2303 : vector<16xf32>
        %get3A_2305 = arith.constant 6 : i32
        %get3A_2306 = arith.index_cast %get3A_2305 : i32 to index
        %get3A_2307 = arith.index_cast %scan3A_1895 : i32 to index
        %get3A_2308 = arith.constant 48 : index
        %get3A_2309 = tpu.vector_load %arg9[%get3A_2306, %get3A_2307, %get3A_2308] {strides = array<i32>} : memref<20x64x64xf32, #tpu.memory_space<vmem>>, vector<16xf32>,
        %add3A_2310 = arith.addf %add3A_2304, %get3A_2309 : vector<16xf32>
        %get3A_2311 = arith.constant 7 : i32
        %get3A_2312 = arith.index_cast %get3A_2311 : i32 to index
        %get3A_2313 = arith.index_cast %scan3A_1895 : i32 to index
        %get3A_2314 = arith.constant 48 : index
        %get3A_2315 = tpu.vector_load %arg9[%get3A_2312, %get3A_2313, %get3A_2314] {strides = array<i32>} : memref<20x64x64xf32, #tpu.memory_space<vmem>>, vector<16xf32>,
        %add3A_2316 = arith.addf %add3A_2310, %get3A_2315 : vector<16xf32>
        %get3A_2317 = arith.constant 8 : i32
        %get3A_2318 = arith.index_cast %get3A_2317 : i32 to index
        %get3A_2319 = arith.index_cast %scan3A_1895 : i32 to index
        %get3A_2320 = arith.constant 48 : index
        %get3A_2321 = tpu.vector_load %arg9[%get3A_2318, %get3A_2319, %get3A_2320] {strides = array<i32>} : memref<20x64x64xf32, #tpu.memory_space<vmem>>, vector<16xf32>,
        %add3A_2322 = arith.addf %add3A_2316, %get3A_2321 : vector<16xf32>
        %get3A_2323 = arith.constant 9 : i32
        %get3A_2324 = arith.index_cast %get3A_2323 : i32 to index
        %get3A_2325 = arith.index_cast %scan3A_1895 : i32 to index
        %get3A_2326 = arith.constant 48 : index
        %get3A_2327 = tpu.vector_load %arg9[%get3A_2324, %get3A_2325, %get3A_2326] {strides = array<i32>} : memref<20x64x64xf32, #tpu.memory_space<vmem>>, vector<16xf32>,
        %add3A_2328 = arith.addf %add3A_2322, %get3A_2327 : vector<16xf32>
        %get3A_2329 = arith.constant 10 : i32
        %get3A_2330 = arith.index_cast %get3A_2329 : i32 to index
        %get3A_2331 = arith.index_cast %scan3A_1895 : i32 to index
        %get3A_2332 = arith.constant 48 : index
        %get3A_2333 = tpu.vector_load %arg9[%get3A_2330, %get3A_2331, %get3A_2332] {strides = array<i32>} : memref<20x64x64xf32, #tpu.memory_space<vmem>>, vector<16xf32>,
        %add3A_2334 = arith.addf %add3A_2328, %get3A_2333 : vector<16xf32>
        %get3A_2335 = arith.constant 11 : i32
        %get3A_2336 = arith.index_cast %get3A_2335 : i32 to index
        %get3A_2337 = arith.index_cast %scan3A_1895 : i32 to index
        %get3A_2338 = arith.constant 48 : index
        %get3A_2339 = tpu.vector_load %arg9[%get3A_2336, %get3A_2337, %get3A_2338] {strides = array<i32>} : memref<20x64x64xf32, #tpu.memory_space<vmem>>, vector<16xf32>,
        %add3A_2340 = arith.addf %add3A_2334, %get3A_2339 : vector<16xf32>
        %get3A_2341 = arith.constant 12 : i32
        %get3A_2342 = arith.index_cast %get3A_2341 : i32 to index
        %get3A_2343 = arith.index_cast %scan3A_1895 : i32 to index
        %get3A_2344 = arith.constant 48 : index
        %get3A_2345 = tpu.vector_load %arg9[%get3A_2342, %get3A_2343, %get3A_2344] {strides = array<i32>} : memref<20x64x64xf32, #tpu.memory_space<vmem>>, vector<16xf32>,
        %add3A_2346 = arith.addf %add3A_2340, %get3A_2345 : vector<16xf32>
        %get3A_2347 = arith.constant 13 : i32
        %get3A_2348 = arith.index_cast %get3A_2347 : i32 to index
        %get3A_2349 = arith.index_cast %scan3A_1895 : i32 to index
        %get3A_2350 = arith.constant 48 : index
        %get3A_2351 = tpu.vector_load %arg9[%get3A_2348, %get3A_2349, %get3A_2350] {strides = array<i32>} : memref<20x64x64xf32, #tpu.memory_space<vmem>>, vector<16xf32>,
        %add3A_2352 = arith.addf %add3A_2346, %get3A_2351 : vector<16xf32>
        %get3A_2353 = arith.constant 14 : i32
        %get3A_2354 = arith.index_cast %get3A_2353 : i32 to index
        %get3A_2355 = arith.index_cast %scan3A_1895 : i32 to index
        %get3A_2356 = arith.constant 48 : index
        %get3A_2357 = tpu.vector_load %arg9[%get3A_2354, %get3A_2355, %get3A_2356] {strides = array<i32>} : memref<20x64x64xf32, #tpu.memory_space<vmem>>, vector<16xf32>,
        %add3A_2358 = arith.addf %add3A_2352, %get3A_2357 : vector<16xf32>
        %get3A_2359 = arith.constant 15 : i32
        %get3A_2360 = arith.index_cast %get3A_2359 : i32 to index
        %get3A_2361 = arith.index_cast %scan3A_1895 : i32 to index
        %get3A_2362 = arith.constant 48 : index
        %get3A_2363 = tpu.vector_load %arg9[%get3A_2360, %get3A_2361, %get3A_2362] {strides = array<i32>} : memref<20x64x64xf32, #tpu.memory_space<vmem>>, vector<16xf32>,
        %add3A_2364 = arith.addf %add3A_2358, %get3A_2363 : vector<16xf32>
        %get3A_2365 = arith.constant 16 : i32
        %get3A_2366 = arith.index_cast %get3A_2365 : i32 to index
        %get3A_2367 = arith.index_cast %scan3A_1895 : i32 to index
        %get3A_2368 = arith.constant 48 : index
        %get3A_2369 = tpu.vector_load %arg9[%get3A_2366, %get3A_2367, %get3A_2368] {strides = array<i32>} : memref<20x64x64xf32, #tpu.memory_space<vmem>>, vector<16xf32>,
        %add3A_2370 = arith.addf %add3A_2364, %get3A_2369 : vector<16xf32>
        %get3A_2371 = arith.constant 17 : i32
        %get3A_2372 = arith.index_cast %get3A_2371 : i32 to index
        %get3A_2373 = arith.index_cast %scan3A_1895 : i32 to index
        %get3A_2374 = arith.constant 48 : index
        %get3A_2375 = tpu.vector_load %arg9[%get3A_2372, %get3A_2373, %get3A_2374] {strides = array<i32>} : memref<20x64x64xf32, #tpu.memory_space<vmem>>, vector<16xf32>,
        %add3A_2376 = arith.addf %add3A_2370, %get3A_2375 : vector<16xf32>
        %get3A_2377 = arith.constant 18 : i32
        %get3A_2378 = arith.index_cast %get3A_2377 : i32 to index
        %get3A_2379 = arith.index_cast %scan3A_1895 : i32 to index
        %get3A_2380 = arith.constant 48 : index
        %get3A_2381 = tpu.vector_load %arg9[%get3A_2378, %get3A_2379, %get3A_2380] {strides = array<i32>} : memref<20x64x64xf32, #tpu.memory_space<vmem>>, vector<16xf32>,
        %add3A_2382 = arith.addf %add3A_2376, %get3A_2381 : vector<16xf32>
        %get3A_2383 = arith.constant 19 : i32
        %get3A_2384 = arith.index_cast %get3A_2383 : i32 to index
        %get3A_2385 = arith.index_cast %scan3A_1895 : i32 to index
        %get3A_2386 = arith.constant 48 : index
        %get3A_2387 = tpu.vector_load %arg9[%get3A_2384, %get3A_2385, %get3A_2386] {strides = array<i32>} : memref<20x64x64xf32, #tpu.memory_space<vmem>>, vector<16xf32>,
        %add3A_2388 = arith.addf %add3A_2382, %get3A_2387 : vector<16xf32>
        %get3A_2389 = arith.index_cast %scan3A_1895 : i32 to index
        %get3A_2390 = arith.constant 48 : index
        %get3A_2391 = tpu.vector_load %arg10[%get3A_2389, %get3A_2390] {strides = array<i32>} : memref<64x64xf32, #tpu.memory_space<vmem>>, vector<16xf32>,
        %mul3A_2392 = arith.mulf %add3A_2388, %get3A_2391 : vector<16xf32>
        %add3A_2393 = arith.addf %add3A_2269, %mul3A_2392 : vector<16xf32>
        %mul3A_2394 = arith.constant 5.000000e-02 : f32
        %mul3A_2395 = vector.broadcast %mul3A_2394 : f32 to vector<16xf32>
        %mul3A_2396 = arith.mulf %add3A_2393, %mul3A_2395 : vector<16xf32>
        %swap3A_2397 = arith.index_cast %scan3A_1895 : i32 to index
        %swap3A_2398 = arith.constant 0 : index
        %swap3A_2399 = tpu.vector_load %arg11[%swap3A_2397, %swap3A_2398] {strides = array<i32>} : memref<64x16xf32, #tpu.memory_space<vmem>>, vector<16xf32>,
        tpu.vector_store %arg11[%swap3A_2397, %swap3A_2398], %mul3A_2396 {strides = array<i32>} : memref<64x16xf32, #tpu.memory_space<vmem>>, vector<16xf32>,
      }
      %scan3A_501 = arith.constant 64 : i32
      %broadcast_in_dim3A = arith.constant 0.000000e+00 : f32
      %broadcast_in_dim3A_502 = vector.broadcast %broadcast_in_dim3A : f32 to vector<16xf32>
      %get3A = arith.constant 0 : i32
      %get3A_503 = arith.index_cast %get3A : i32 to index
      %get3A_504 = arith.constant 0 : index
      %get3A_505 = tpu.vector_load %arg11[%get3A_503, %get3A_504] {strides = array<i32>} : memref<64x16xf32, #tpu.memory_space<vmem>>, vector<16xf32>,
      %reduce_sum3A = arith.constant true
      %reduce_sum3A_506 = vector.broadcast %reduce_sum3A : i1 to vector<16xi1>
      %reduce_sum3A_507 = tpu.scan <sum>, %get3A_505 masked %reduce_sum3A_506 : vector<16xf32>, vector<16xi1> -> vector<16xf32>
      %reduce_sum3A_508 = vector.extract %reduce_sum3A_507[15] : f32 from vector<16xf32>
      %eq3A = arith.constant 0 : i32
      %eq3A_509 = vector.broadcast %eq3A : i32 to vector<16xi32>
      %eq3A_510 = arith.cmpi eq, %iota3A, %eq3A_509 : vector<16xi32>
      %broadcast_in_dim3A_511 = vector.broadcast %reduce_sum3A_508 : f32 to vector<16xf32>
      %select_n3A = arith.select %eq3A_510, %broadcast_in_dim3A_511, %broadcast_in_dim3A_502 : vector<16xi1>, vector<16xf32>
      %get3A_512 = arith.constant 1 : i32
      %get3A_513 = arith.index_cast %get3A_512 : i32 to index
      %get3A_514 = arith.constant 0 : index
      %get3A_515 = tpu.vector_load %arg11[%get3A_513, %get3A_514] {strides = array<i32>} : memref<64x16xf32, #tpu.memory_space<vmem>>, vector<16xf32>,
      %reduce_sum3A_516 = arith.constant true
      %reduce_sum3A_517 = vector.broadcast %reduce_sum3A_516 : i1 to vector<16xi1>
      %reduce_sum3A_518 = tpu.scan <sum>, %get3A_515 masked %reduce_sum3A_517 : vector<16xf32>, vector<16xi1> -> vector<16xf32>
      %reduce_sum3A_519 = vector.extract %reduce_sum3A_518[15] : f32 from vector<16xf32>
      %eq3A_520 = arith.constant 1 : i32
      %eq3A_521 = vector.broadcast %eq3A_520 : i32 to vector<16xi32>
      %eq3A_522 = arith.cmpi eq, %iota3A, %eq3A_521 : vector<16xi32>
      %broadcast_in_dim3A_523 = vector.broadcast %reduce_sum3A_519 : f32 to vector<16xf32>
      %select_n3A_524 = arith.select %eq3A_522, %broadcast_in_dim3A_523, %select_n3A : vector<16xi1>, vector<16xf32>
      %get3A_525 = arith.constant 2 : i32
      %get3A_526 = arith.index_cast %get3A_525 : i32 to index
      %get3A_527 = arith.constant 0 : index
      %get3A_528 = tpu.vector_load %arg11[%get3A_526, %get3A_527] {strides = array<i32>} : memref<64x16xf32, #tpu.memory_space<vmem>>, vector<16xf32>,
      %reduce_sum3A_529 = arith.constant true
      %reduce_sum3A_530 = vector.broadcast %reduce_sum3A_529 : i1 to vector<16xi1>
      %reduce_sum3A_531 = tpu.scan <sum>, %get3A_528 masked %reduce_sum3A_530 : vector<16xf32>, vector<16xi1> -> vector<16xf32>
      %reduce_sum3A_532 = vector.extract %reduce_sum3A_531[15] : f32 from vector<16xf32>
      %eq3A_533 = arith.constant 2 : i32
      %eq3A_534 = vector.broadcast %eq3A_533 : i32 to vector<16xi32>
      %eq3A_535 = arith.cmpi eq, %iota3A, %eq3A_534 : vector<16xi32>
      %broadcast_in_dim3A_536 = vector.broadcast %reduce_sum3A_532 : f32 to vector<16xf32>
      %select_n3A_537 = arith.select %eq3A_535, %broadcast_in_dim3A_536, %select_n3A_524 : vector<16xi1>, vector<16xf32>
      %get3A_538 = arith.constant 3 : i32
      %get3A_539 = arith.index_cast %get3A_538 : i32 to index
      %get3A_540 = arith.constant 0 : index
      %get3A_541 = tpu.vector_load %arg11[%get3A_539, %get3A_540] {strides = array<i32>} : memref<64x16xf32, #tpu.memory_space<vmem>>, vector<16xf32>,
      %reduce_sum3A_542 = arith.constant true
      %reduce_sum3A_543 = vector.broadcast %reduce_sum3A_542 : i1 to vector<16xi1>
      %reduce_sum3A_544 = tpu.scan <sum>, %get3A_541 masked %reduce_sum3A_543 : vector<16xf32>, vector<16xi1> -> vector<16xf32>
      %reduce_sum3A_545 = vector.extract %reduce_sum3A_544[15] : f32 from vector<16xf32>
      %eq3A_546 = arith.constant 3 : i32
      %eq3A_547 = vector.broadcast %eq3A_546 : i32 to vector<16xi32>
      %eq3A_548 = arith.cmpi eq, %iota3A, %eq3A_547 : vector<16xi32>
      %broadcast_in_dim3A_549 = vector.broadcast %reduce_sum3A_545 : f32 to vector<16xf32>
      %select_n3A_550 = arith.select %eq3A_548, %broadcast_in_dim3A_549, %select_n3A_537 : vector<16xi1>, vector<16xf32>
      %get3A_551 = arith.constant 4 : i32
      %get3A_552 = arith.index_cast %get3A_551 : i32 to index
      %get3A_553 = arith.constant 0 : index
      %get3A_554 = tpu.vector_load %arg11[%get3A_552, %get3A_553] {strides = array<i32>} : memref<64x16xf32, #tpu.memory_space<vmem>>, vector<16xf32>,
      %reduce_sum3A_555 = arith.constant true
      %reduce_sum3A_556 = vector.broadcast %reduce_sum3A_555 : i1 to vector<16xi1>
      %reduce_sum3A_557 = tpu.scan <sum>, %get3A_554 masked %reduce_sum3A_556 : vector<16xf32>, vector<16xi1> -> vector<16xf32>
      %reduce_sum3A_558 = vector.extract %reduce_sum3A_557[15] : f32 from vector<16xf32>
      %eq3A_559 = arith.constant 4 : i32
      %eq3A_560 = vector.broadcast %eq3A_559 : i32 to vector<16xi32>
      %eq3A_561 = arith.cmpi eq, %iota3A, %eq3A_560 : vector<16xi32>
      %broadcast_in_dim3A_562 = vector.broadcast %reduce_sum3A_558 : f32 to vector<16xf32>
      %select_n3A_563 = arith.select %eq3A_561, %broadcast_in_dim3A_562, %select_n3A_550 : vector<16xi1>, vector<16xf32>
      %get3A_564 = arith.constant 5 : i32
      %get3A_565 = arith.index_cast %get3A_564 : i32 to index
      %get3A_566 = arith.constant 0 : index
      %get3A_567 = tpu.vector_load %arg11[%get3A_565, %get3A_566] {strides = array<i32>} : memref<64x16xf32, #tpu.memory_space<vmem>>, vector<16xf32>,
      %reduce_sum3A_568 = arith.constant true
      %reduce_sum3A_569 = vector.broadcast %reduce_sum3A_568 : i1 to vector<16xi1>
      %reduce_sum3A_570 = tpu.scan <sum>, %get3A_567 masked %reduce_sum3A_569 : vector<16xf32>, vector<16xi1> -> vector<16xf32>
      %reduce_sum3A_571 = vector.extract %reduce_sum3A_570[15] : f32 from vector<16xf32>
      %eq3A_572 = arith.constant 5 : i32
      %eq3A_573 = vector.broadcast %eq3A_572 : i32 to vector<16xi32>
      %eq3A_574 = arith.cmpi eq, %iota3A, %eq3A_573 : vector<16xi32>
      %broadcast_in_dim3A_575 = vector.broadcast %reduce_sum3A_571 : f32 to vector<16xf32>
      %select_n3A_576 = arith.select %eq3A_574, %broadcast_in_dim3A_575, %select_n3A_563 : vector<16xi1>, vector<16xf32>
      %get3A_577 = arith.constant 6 : i32
      %get3A_578 = arith.index_cast %get3A_577 : i32 to index
      %get3A_579 = arith.constant 0 : index
      %get3A_580 = tpu.vector_load %arg11[%get3A_578, %get3A_579] {strides = array<i32>} : memref<64x16xf32, #tpu.memory_space<vmem>>, vector<16xf32>,
      %reduce_sum3A_581 = arith.constant true
      %reduce_sum3A_582 = vector.broadcast %reduce_sum3A_581 : i1 to vector<16xi1>
      %reduce_sum3A_583 = tpu.scan <sum>, %get3A_580 masked %reduce_sum3A_582 : vector<16xf32>, vector<16xi1> -> vector<16xf32>
      %reduce_sum3A_584 = vector.extract %reduce_sum3A_583[15] : f32 from vector<16xf32>
      %eq3A_585 = arith.constant 6 : i32
      %eq3A_586 = vector.broadcast %eq3A_585 : i32 to vector<16xi32>
      %eq3A_587 = arith.cmpi eq, %iota3A, %eq3A_586 : vector<16xi32>
      %broadcast_in_dim3A_588 = vector.broadcast %reduce_sum3A_584 : f32 to vector<16xf32>
      %select_n3A_589 = arith.select %eq3A_587, %broadcast_in_dim3A_588, %select_n3A_576 : vector<16xi1>, vector<16xf32>
      %get3A_590 = arith.constant 7 : i32
      %get3A_591 = arith.index_cast %get3A_590 : i32 to index
      %get3A_592 = arith.constant 0 : index
      %get3A_593 = tpu.vector_load %arg11[%get3A_591, %get3A_592] {strides = array<i32>} : memref<64x16xf32, #tpu.memory_space<vmem>>, vector<16xf32>,
      %reduce_sum3A_594 = arith.constant true
      %reduce_sum3A_595 = vector.broadcast %reduce_sum3A_594 : i1 to vector<16xi1>
      %reduce_sum3A_596 = tpu.scan <sum>, %get3A_593 masked %reduce_sum3A_595 : vector<16xf32>, vector<16xi1> -> vector<16xf32>
      %reduce_sum3A_597 = vector.extract %reduce_sum3A_596[15] : f32 from vector<16xf32>
      %eq3A_598 = arith.constant 7 : i32
      %eq3A_599 = vector.broadcast %eq3A_598 : i32 to vector<16xi32>
      %eq3A_600 = arith.cmpi eq, %iota3A, %eq3A_599 : vector<16xi32>
      %broadcast_in_dim3A_601 = vector.broadcast %reduce_sum3A_597 : f32 to vector<16xf32>
      %select_n3A_602 = arith.select %eq3A_600, %broadcast_in_dim3A_601, %select_n3A_589 : vector<16xi1>, vector<16xf32>
      %get3A_603 = arith.constant 8 : i32
      %get3A_604 = arith.index_cast %get3A_603 : i32 to index
      %get3A_605 = arith.constant 0 : index
      %get3A_606 = tpu.vector_load %arg11[%get3A_604, %get3A_605] {strides = array<i32>} : memref<64x16xf32, #tpu.memory_space<vmem>>, vector<16xf32>,
      %reduce_sum3A_607 = arith.constant true
      %reduce_sum3A_608 = vector.broadcast %reduce_sum3A_607 : i1 to vector<16xi1>
      %reduce_sum3A_609 = tpu.scan <sum>, %get3A_606 masked %reduce_sum3A_608 : vector<16xf32>, vector<16xi1> -> vector<16xf32>
      %reduce_sum3A_610 = vector.extract %reduce_sum3A_609[15] : f32 from vector<16xf32>
      %eq3A_611 = arith.constant 8 : i32
      %eq3A_612 = vector.broadcast %eq3A_611 : i32 to vector<16xi32>
      %eq3A_613 = arith.cmpi eq, %iota3A, %eq3A_612 : vector<16xi32>
      %broadcast_in_dim3A_614 = vector.broadcast %reduce_sum3A_610 : f32 to vector<16xf32>
      %select_n3A_615 = arith.select %eq3A_613, %broadcast_in_dim3A_614, %select_n3A_602 : vector<16xi1>, vector<16xf32>
      %get3A_616 = arith.constant 9 : i32
      %get3A_617 = arith.index_cast %get3A_616 : i32 to index
      %get3A_618 = arith.constant 0 : index
      %get3A_619 = tpu.vector_load %arg11[%get3A_617, %get3A_618] {strides = array<i32>} : memref<64x16xf32, #tpu.memory_space<vmem>>, vector<16xf32>,
      %reduce_sum3A_620 = arith.constant true
      %reduce_sum3A_621 = vector.broadcast %reduce_sum3A_620 : i1 to vector<16xi1>
      %reduce_sum3A_622 = tpu.scan <sum>, %get3A_619 masked %reduce_sum3A_621 : vector<16xf32>, vector<16xi1> -> vector<16xf32>
      %reduce_sum3A_623 = vector.extract %reduce_sum3A_622[15] : f32 from vector<16xf32>
      %eq3A_624 = arith.constant 9 : i32
      %eq3A_625 = vector.broadcast %eq3A_624 : i32 to vector<16xi32>
      %eq3A_626 = arith.cmpi eq, %iota3A, %eq3A_625 : vector<16xi32>
      %broadcast_in_dim3A_627 = vector.broadcast %reduce_sum3A_623 : f32 to vector<16xf32>
      %select_n3A_628 = arith.select %eq3A_626, %broadcast_in_dim3A_627, %select_n3A_615 : vector<16xi1>, vector<16xf32>
      %get3A_629 = arith.constant 10 : i32
      %get3A_630 = arith.index_cast %get3A_629 : i32 to index
      %get3A_631 = arith.constant 0 : index
      %get3A_632 = tpu.vector_load %arg11[%get3A_630, %get3A_631] {strides = array<i32>} : memref<64x16xf32, #tpu.memory_space<vmem>>, vector<16xf32>,
      %reduce_sum3A_633 = arith.constant true
      %reduce_sum3A_634 = vector.broadcast %reduce_sum3A_633 : i1 to vector<16xi1>
      %reduce_sum3A_635 = tpu.scan <sum>, %get3A_632 masked %reduce_sum3A_634 : vector<16xf32>, vector<16xi1> -> vector<16xf32>
      %reduce_sum3A_636 = vector.extract %reduce_sum3A_635[15] : f32 from vector<16xf32>
      %eq3A_637 = arith.constant 10 : i32
      %eq3A_638 = vector.broadcast %eq3A_637 : i32 to vector<16xi32>
      %eq3A_639 = arith.cmpi eq, %iota3A, %eq3A_638 : vector<16xi32>
      %broadcast_in_dim3A_640 = vector.broadcast %reduce_sum3A_636 : f32 to vector<16xf32>
      %select_n3A_641 = arith.select %eq3A_639, %broadcast_in_dim3A_640, %select_n3A_628 : vector<16xi1>, vector<16xf32>
      %get3A_642 = arith.constant 11 : i32
      %get3A_643 = arith.index_cast %get3A_642 : i32 to index
      %get3A_644 = arith.constant 0 : index
      %get3A_645 = tpu.vector_load %arg11[%get3A_643, %get3A_644] {strides = array<i32>} : memref<64x16xf32, #tpu.memory_space<vmem>>, vector<16xf32>,
      %reduce_sum3A_646 = arith.constant true
      %reduce_sum3A_647 = vector.broadcast %reduce_sum3A_646 : i1 to vector<16xi1>
      %reduce_sum3A_648 = tpu.scan <sum>, %get3A_645 masked %reduce_sum3A_647 : vector<16xf32>, vector<16xi1> -> vector<16xf32>
      %reduce_sum3A_649 = vector.extract %reduce_sum3A_648[15] : f32 from vector<16xf32>
      %eq3A_650 = arith.constant 11 : i32
      %eq3A_651 = vector.broadcast %eq3A_650 : i32 to vector<16xi32>
      %eq3A_652 = arith.cmpi eq, %iota3A, %eq3A_651 : vector<16xi32>
      %broadcast_in_dim3A_653 = vector.broadcast %reduce_sum3A_649 : f32 to vector<16xf32>
      %select_n3A_654 = arith.select %eq3A_652, %broadcast_in_dim3A_653, %select_n3A_641 : vector<16xi1>, vector<16xf32>
      %get3A_655 = arith.constant 12 : i32
      %get3A_656 = arith.index_cast %get3A_655 : i32 to index
      %get3A_657 = arith.constant 0 : index
      %get3A_658 = tpu.vector_load %arg11[%get3A_656, %get3A_657] {strides = array<i32>} : memref<64x16xf32, #tpu.memory_space<vmem>>, vector<16xf32>,
      %reduce_sum3A_659 = arith.constant true
      %reduce_sum3A_660 = vector.broadcast %reduce_sum3A_659 : i1 to vector<16xi1>
      %reduce_sum3A_661 = tpu.scan <sum>, %get3A_658 masked %reduce_sum3A_660 : vector<16xf32>, vector<16xi1> -> vector<16xf32>
      %reduce_sum3A_662 = vector.extract %reduce_sum3A_661[15] : f32 from vector<16xf32>
      %eq3A_663 = arith.constant 12 : i32
      %eq3A_664 = vector.broadcast %eq3A_663 : i32 to vector<16xi32>
      %eq3A_665 = arith.cmpi eq, %iota3A, %eq3A_664 : vector<16xi32>
      %broadcast_in_dim3A_666 = vector.broadcast %reduce_sum3A_662 : f32 to vector<16xf32>
      %select_n3A_667 = arith.select %eq3A_665, %broadcast_in_dim3A_666, %select_n3A_654 : vector<16xi1>, vector<16xf32>
      %get3A_668 = arith.constant 13 : i32
      %get3A_669 = arith.index_cast %get3A_668 : i32 to index
      %get3A_670 = arith.constant 0 : index
      %get3A_671 = tpu.vector_load %arg11[%get3A_669, %get3A_670] {strides = array<i32>} : memref<64x16xf32, #tpu.memory_space<vmem>>, vector<16xf32>,
      %reduce_sum3A_672 = arith.constant true
      %reduce_sum3A_673 = vector.broadcast %reduce_sum3A_672 : i1 to vector<16xi1>
      %reduce_sum3A_674 = tpu.scan <sum>, %get3A_671 masked %reduce_sum3A_673 : vector<16xf32>, vector<16xi1> -> vector<16xf32>
      %reduce_sum3A_675 = vector.extract %reduce_sum3A_674[15] : f32 from vector<16xf32>
      %eq3A_676 = arith.constant 13 : i32
      %eq3A_677 = vector.broadcast %eq3A_676 : i32 to vector<16xi32>
      %eq3A_678 = arith.cmpi eq, %iota3A, %eq3A_677 : vector<16xi32>
      %broadcast_in_dim3A_679 = vector.broadcast %reduce_sum3A_675 : f32 to vector<16xf32>
      %select_n3A_680 = arith.select %eq3A_678, %broadcast_in_dim3A_679, %select_n3A_667 : vector<16xi1>, vector<16xf32>
      %get3A_681 = arith.constant 14 : i32
      %get3A_682 = arith.index_cast %get3A_681 : i32 to index
      %get3A_683 = arith.constant 0 : index
      %get3A_684 = tpu.vector_load %arg11[%get3A_682, %get3A_683] {strides = array<i32>} : memref<64x16xf32, #tpu.memory_space<vmem>>, vector<16xf32>,
      %reduce_sum3A_685 = arith.constant true
      %reduce_sum3A_686 = vector.broadcast %reduce_sum3A_685 : i1 to vector<16xi1>
      %reduce_sum3A_687 = tpu.scan <sum>, %get3A_684 masked %reduce_sum3A_686 : vector<16xf32>, vector<16xi1> -> vector<16xf32>
      %reduce_sum3A_688 = vector.extract %reduce_sum3A_687[15] : f32 from vector<16xf32>
      %eq3A_689 = arith.constant 14 : i32
      %eq3A_690 = vector.broadcast %eq3A_689 : i32 to vector<16xi32>
      %eq3A_691 = arith.cmpi eq, %iota3A, %eq3A_690 : vector<16xi32>
      %broadcast_in_dim3A_692 = vector.broadcast %reduce_sum3A_688 : f32 to vector<16xf32>
      %select_n3A_693 = arith.select %eq3A_691, %broadcast_in_dim3A_692, %select_n3A_680 : vector<16xi1>, vector<16xf32>
      %get3A_694 = arith.constant 15 : i32
      %get3A_695 = arith.index_cast %get3A_694 : i32 to index
      %get3A_696 = arith.constant 0 : index
      %get3A_697 = tpu.vector_load %arg11[%get3A_695, %get3A_696] {strides = array<i32>} : memref<64x16xf32, #tpu.memory_space<vmem>>, vector<16xf32>,
      %reduce_sum3A_698 = arith.constant true
      %reduce_sum3A_699 = vector.broadcast %reduce_sum3A_698 : i1 to vector<16xi1>
      %reduce_sum3A_700 = tpu.scan <sum>, %get3A_697 masked %reduce_sum3A_699 : vector<16xf32>, vector<16xi1> -> vector<16xf32>
      %reduce_sum3A_701 = vector.extract %reduce_sum3A_700[15] : f32 from vector<16xf32>
      %eq3A_702 = arith.constant 15 : i32
      %eq3A_703 = vector.broadcast %eq3A_702 : i32 to vector<16xi32>
      %eq3A_704 = arith.cmpi eq, %iota3A, %eq3A_703 : vector<16xi32>
      %broadcast_in_dim3A_705 = vector.broadcast %reduce_sum3A_701 : f32 to vector<16xf32>
      %select_n3A_706 = arith.select %eq3A_704, %broadcast_in_dim3A_705, %select_n3A_693 : vector<16xi1>, vector<16xf32>
      %neg3A = arith.constant 0.000000e+00 : f32
      %neg3A_707 = vector.broadcast %neg3A : f32 to vector<16xf32>
      %neg3A_708 = arith.subf %neg3A_707, %select_n3A_706 : vector<16xf32>
      %exp3A = math.exp %neg3A_708 : vector<16xf32>
      %add3A_709 = arith.constant 1.000000e+00 : f32
      %add3A_710 = vector.broadcast %add3A_709 : f32 to vector<16xf32>
      %add3A_711 = arith.addf %add3A_710, %exp3A : vector<16xf32>
      %div3A = arith.constant 1.000000e+00 : f32
      %div3A_712 = vector.broadcast %div3A : f32 to vector<16xf32>
      %div3A_713 = arith.divf %div3A_712, %add3A_711 : vector<16xf32>
      %add3A_714 = arith.constant 0 : i32
      %add3A_715 = arith.addi %mul3A_49, %add3A_714 : i32
      %swap3A = arith.index_cast %add3A_715 : i32 to index
      %swap3A_716 = tpu.vector_load %arg12[%swap3A] {strides = array<i32>} : memref<512xf32, #tpu.memory_space<vmem>>, vector<16xf32>,
      tpu.vector_store %arg12[%swap3A], %div3A_713 {strides = array<i32>} : memref<512xf32, #tpu.memory_space<vmem>>, vector<16xf32>,
      %broadcast_in_dim3A_717 = arith.constant 0.000000e+00 : f32
      %broadcast_in_dim3A_718 = vector.broadcast %broadcast_in_dim3A_717 : f32 to vector<16xf32>
      %get3A_719 = arith.constant 16 : i32
      %get3A_720 = arith.index_cast %get3A_719 : i32 to index
      %get3A_721 = arith.constant 0 : index
      %get3A_722 = tpu.vector_load %arg11[%get3A_720, %get3A_721] {strides = array<i32>} : memref<64x16xf32, #tpu.memory_space<vmem>>, vector<16xf32>,
      %reduce_sum3A_723 = arith.constant true
      %reduce_sum3A_724 = vector.broadcast %reduce_sum3A_723 : i1 to vector<16xi1>
      %reduce_sum3A_725 = tpu.scan <sum>, %get3A_722 masked %reduce_sum3A_724 : vector<16xf32>, vector<16xi1> -> vector<16xf32>
      %reduce_sum3A_726 = vector.extract %reduce_sum3A_725[15] : f32 from vector<16xf32>
      %eq3A_727 = arith.constant 0 : i32
      %eq3A_728 = vector.broadcast %eq3A_727 : i32 to vector<16xi32>
      %eq3A_729 = arith.cmpi eq, %iota3A, %eq3A_728 : vector<16xi32>
      %broadcast_in_dim3A_730 = vector.broadcast %reduce_sum3A_726 : f32 to vector<16xf32>
      %select_n3A_731 = arith.select %eq3A_729, %broadcast_in_dim3A_730, %broadcast_in_dim3A_718 : vector<16xi1>, vector<16xf32>
      %get3A_732 = arith.constant 17 : i32
      %get3A_733 = arith.index_cast %get3A_732 : i32 to index
      %get3A_734 = arith.constant 0 : index
      %get3A_735 = tpu.vector_load %arg11[%get3A_733, %get3A_734] {strides = array<i32>} : memref<64x16xf32, #tpu.memory_space<vmem>>, vector<16xf32>,
      %reduce_sum3A_736 = arith.constant true
      %reduce_sum3A_737 = vector.broadcast %reduce_sum3A_736 : i1 to vector<16xi1>
      %reduce_sum3A_738 = tpu.scan <sum>, %get3A_735 masked %reduce_sum3A_737 : vector<16xf32>, vector<16xi1> -> vector<16xf32>
      %reduce_sum3A_739 = vector.extract %reduce_sum3A_738[15] : f32 from vector<16xf32>
      %eq3A_740 = arith.constant 1 : i32
      %eq3A_741 = vector.broadcast %eq3A_740 : i32 to vector<16xi32>
      %eq3A_742 = arith.cmpi eq, %iota3A, %eq3A_741 : vector<16xi32>
      %broadcast_in_dim3A_743 = vector.broadcast %reduce_sum3A_739 : f32 to vector<16xf32>
      %select_n3A_744 = arith.select %eq3A_742, %broadcast_in_dim3A_743, %select_n3A_731 : vector<16xi1>, vector<16xf32>
      %get3A_745 = arith.constant 18 : i32
      %get3A_746 = arith.index_cast %get3A_745 : i32 to index
      %get3A_747 = arith.constant 0 : index
      %get3A_748 = tpu.vector_load %arg11[%get3A_746, %get3A_747] {strides = array<i32>} : memref<64x16xf32, #tpu.memory_space<vmem>>, vector<16xf32>,
      %reduce_sum3A_749 = arith.constant true
      %reduce_sum3A_750 = vector.broadcast %reduce_sum3A_749 : i1 to vector<16xi1>
      %reduce_sum3A_751 = tpu.scan <sum>, %get3A_748 masked %reduce_sum3A_750 : vector<16xf32>, vector<16xi1> -> vector<16xf32>
      %reduce_sum3A_752 = vector.extract %reduce_sum3A_751[15] : f32 from vector<16xf32>
      %eq3A_753 = arith.constant 2 : i32
      %eq3A_754 = vector.broadcast %eq3A_753 : i32 to vector<16xi32>
      %eq3A_755 = arith.cmpi eq, %iota3A, %eq3A_754 : vector<16xi32>
      %broadcast_in_dim3A_756 = vector.broadcast %reduce_sum3A_752 : f32 to vector<16xf32>
      %select_n3A_757 = arith.select %eq3A_755, %broadcast_in_dim3A_756, %select_n3A_744 : vector<16xi1>, vector<16xf32>
      %get3A_758 = arith.constant 19 : i32
      %get3A_759 = arith.index_cast %get3A_758 : i32 to index
      %get3A_760 = arith.constant 0 : index
      %get3A_761 = tpu.vector_load %arg11[%get3A_759, %get3A_760] {strides = array<i32>} : memref<64x16xf32, #tpu.memory_space<vmem>>, vector<16xf32>,
      %reduce_sum3A_762 = arith.constant true
      %reduce_sum3A_763 = vector.broadcast %reduce_sum3A_762 : i1 to vector<16xi1>
      %reduce_sum3A_764 = tpu.scan <sum>, %get3A_761 masked %reduce_sum3A_763 : vector<16xf32>, vector<16xi1> -> vector<16xf32>
      %reduce_sum3A_765 = vector.extract %reduce_sum3A_764[15] : f32 from vector<16xf32>
      %eq3A_766 = arith.constant 3 : i32
      %eq3A_767 = vector.broadcast %eq3A_766 : i32 to vector<16xi32>
      %eq3A_768 = arith.cmpi eq, %iota3A, %eq3A_767 : vector<16xi32>
      %broadcast_in_dim3A_769 = vector.broadcast %reduce_sum3A_765 : f32 to vector<16xf32>
      %select_n3A_770 = arith.select %eq3A_768, %broadcast_in_dim3A_769, %select_n3A_757 : vector<16xi1>, vector<16xf32>
      %get3A_771 = arith.constant 20 : i32
      %get3A_772 = arith.index_cast %get3A_771 : i32 to index
      %get3A_773 = arith.constant 0 : index
      %get3A_774 = tpu.vector_load %arg11[%get3A_772, %get3A_773] {strides = array<i32>} : memref<64x16xf32, #tpu.memory_space<vmem>>, vector<16xf32>,
      %reduce_sum3A_775 = arith.constant true
      %reduce_sum3A_776 = vector.broadcast %reduce_sum3A_775 : i1 to vector<16xi1>
      %reduce_sum3A_777 = tpu.scan <sum>, %get3A_774 masked %reduce_sum3A_776 : vector<16xf32>, vector<16xi1> -> vector<16xf32>
      %reduce_sum3A_778 = vector.extract %reduce_sum3A_777[15] : f32 from vector<16xf32>
      %eq3A_779 = arith.constant 4 : i32
      %eq3A_780 = vector.broadcast %eq3A_779 : i32 to vector<16xi32>
      %eq3A_781 = arith.cmpi eq, %iota3A, %eq3A_780 : vector<16xi32>
      %broadcast_in_dim3A_782 = vector.broadcast %reduce_sum3A_778 : f32 to vector<16xf32>
      %select_n3A_783 = arith.select %eq3A_781, %broadcast_in_dim3A_782, %select_n3A_770 : vector<16xi1>, vector<16xf32>
      %get3A_784 = arith.constant 21 : i32
      %get3A_785 = arith.index_cast %get3A_784 : i32 to index
      %get3A_786 = arith.constant 0 : index
      %get3A_787 = tpu.vector_load %arg11[%get3A_785, %get3A_786] {strides = array<i32>} : memref<64x16xf32, #tpu.memory_space<vmem>>, vector<16xf32>,
      %reduce_sum3A_788 = arith.constant true
      %reduce_sum3A_789 = vector.broadcast %reduce_sum3A_788 : i1 to vector<16xi1>
      %reduce_sum3A_790 = tpu.scan <sum>, %get3A_787 masked %reduce_sum3A_789 : vector<16xf32>, vector<16xi1> -> vector<16xf32>
      %reduce_sum3A_791 = vector.extract %reduce_sum3A_790[15] : f32 from vector<16xf32>
      %eq3A_792 = arith.constant 5 : i32
      %eq3A_793 = vector.broadcast %eq3A_792 : i32 to vector<16xi32>
      %eq3A_794 = arith.cmpi eq, %iota3A, %eq3A_793 : vector<16xi32>
      %broadcast_in_dim3A_795 = vector.broadcast %reduce_sum3A_791 : f32 to vector<16xf32>
      %select_n3A_796 = arith.select %eq3A_794, %broadcast_in_dim3A_795, %select_n3A_783 : vector<16xi1>, vector<16xf32>
      %get3A_797 = arith.constant 22 : i32
      %get3A_798 = arith.index_cast %get3A_797 : i32 to index
      %get3A_799 = arith.constant 0 : index
      %get3A_800 = tpu.vector_load %arg11[%get3A_798, %get3A_799] {strides = array<i32>} : memref<64x16xf32, #tpu.memory_space<vmem>>, vector<16xf32>,
      %reduce_sum3A_801 = arith.constant true
      %reduce_sum3A_802 = vector.broadcast %reduce_sum3A_801 : i1 to vector<16xi1>
      %reduce_sum3A_803 = tpu.scan <sum>, %get3A_800 masked %reduce_sum3A_802 : vector<16xf32>, vector<16xi1> -> vector<16xf32>
      %reduce_sum3A_804 = vector.extract %reduce_sum3A_803[15] : f32 from vector<16xf32>
      %eq3A_805 = arith.constant 6 : i32
      %eq3A_806 = vector.broadcast %eq3A_805 : i32 to vector<16xi32>
      %eq3A_807 = arith.cmpi eq, %iota3A, %eq3A_806 : vector<16xi32>
      %broadcast_in_dim3A_808 = vector.broadcast %reduce_sum3A_804 : f32 to vector<16xf32>
      %select_n3A_809 = arith.select %eq3A_807, %broadcast_in_dim3A_808, %select_n3A_796 : vector<16xi1>, vector<16xf32>
      %get3A_810 = arith.constant 23 : i32
      %get3A_811 = arith.index_cast %get3A_810 : i32 to index
      %get3A_812 = arith.constant 0 : index
      %get3A_813 = tpu.vector_load %arg11[%get3A_811, %get3A_812] {strides = array<i32>} : memref<64x16xf32, #tpu.memory_space<vmem>>, vector<16xf32>,
      %reduce_sum3A_814 = arith.constant true
      %reduce_sum3A_815 = vector.broadcast %reduce_sum3A_814 : i1 to vector<16xi1>
      %reduce_sum3A_816 = tpu.scan <sum>, %get3A_813 masked %reduce_sum3A_815 : vector<16xf32>, vector<16xi1> -> vector<16xf32>
      %reduce_sum3A_817 = vector.extract %reduce_sum3A_816[15] : f32 from vector<16xf32>
      %eq3A_818 = arith.constant 7 : i32
      %eq3A_819 = vector.broadcast %eq3A_818 : i32 to vector<16xi32>
      %eq3A_820 = arith.cmpi eq, %iota3A, %eq3A_819 : vector<16xi32>
      %broadcast_in_dim3A_821 = vector.broadcast %reduce_sum3A_817 : f32 to vector<16xf32>
      %select_n3A_822 = arith.select %eq3A_820, %broadcast_in_dim3A_821, %select_n3A_809 : vector<16xi1>, vector<16xf32>
      %get3A_823 = arith.constant 24 : i32
      %get3A_824 = arith.index_cast %get3A_823 : i32 to index
      %get3A_825 = arith.constant 0 : index
      %get3A_826 = tpu.vector_load %arg11[%get3A_824, %get3A_825] {strides = array<i32>} : memref<64x16xf32, #tpu.memory_space<vmem>>, vector<16xf32>,
      %reduce_sum3A_827 = arith.constant true
      %reduce_sum3A_828 = vector.broadcast %reduce_sum3A_827 : i1 to vector<16xi1>
      %reduce_sum3A_829 = tpu.scan <sum>, %get3A_826 masked %reduce_sum3A_828 : vector<16xf32>, vector<16xi1> -> vector<16xf32>
      %reduce_sum3A_830 = vector.extract %reduce_sum3A_829[15] : f32 from vector<16xf32>
      %eq3A_831 = arith.constant 8 : i32
      %eq3A_832 = vector.broadcast %eq3A_831 : i32 to vector<16xi32>
      %eq3A_833 = arith.cmpi eq, %iota3A, %eq3A_832 : vector<16xi32>
      %broadcast_in_dim3A_834 = vector.broadcast %reduce_sum3A_830 : f32 to vector<16xf32>
      %select_n3A_835 = arith.select %eq3A_833, %broadcast_in_dim3A_834, %select_n3A_822 : vector<16xi1>, vector<16xf32>
      %get3A_836 = arith.constant 25 : i32
      %get3A_837 = arith.index_cast %get3A_836 : i32 to index
      %get3A_838 = arith.constant 0 : index
      %get3A_839 = tpu.vector_load %arg11[%get3A_837, %get3A_838] {strides = array<i32>} : memref<64x16xf32, #tpu.memory_space<vmem>>, vector<16xf32>,
      %reduce_sum3A_840 = arith.constant true
      %reduce_sum3A_841 = vector.broadcast %reduce_sum3A_840 : i1 to vector<16xi1>
      %reduce_sum3A_842 = tpu.scan <sum>, %get3A_839 masked %reduce_sum3A_841 : vector<16xf32>, vector<16xi1> -> vector<16xf32>
      %reduce_sum3A_843 = vector.extract %reduce_sum3A_842[15] : f32 from vector<16xf32>
      %eq3A_844 = arith.constant 9 : i32
      %eq3A_845 = vector.broadcast %eq3A_844 : i32 to vector<16xi32>
      %eq3A_846 = arith.cmpi eq, %iota3A, %eq3A_845 : vector<16xi32>
      %broadcast_in_dim3A_847 = vector.broadcast %reduce_sum3A_843 : f32 to vector<16xf32>
      %select_n3A_848 = arith.select %eq3A_846, %broadcast_in_dim3A_847, %select_n3A_835 : vector<16xi1>, vector<16xf32>
      %get3A_849 = arith.constant 26 : i32
      %get3A_850 = arith.index_cast %get3A_849 : i32 to index
      %get3A_851 = arith.constant 0 : index
      %get3A_852 = tpu.vector_load %arg11[%get3A_850, %get3A_851] {strides = array<i32>} : memref<64x16xf32, #tpu.memory_space<vmem>>, vector<16xf32>,
      %reduce_sum3A_853 = arith.constant true
      %reduce_sum3A_854 = vector.broadcast %reduce_sum3A_853 : i1 to vector<16xi1>
      %reduce_sum3A_855 = tpu.scan <sum>, %get3A_852 masked %reduce_sum3A_854 : vector<16xf32>, vector<16xi1> -> vector<16xf32>
      %reduce_sum3A_856 = vector.extract %reduce_sum3A_855[15] : f32 from vector<16xf32>
      %eq3A_857 = arith.constant 10 : i32
      %eq3A_858 = vector.broadcast %eq3A_857 : i32 to vector<16xi32>
      %eq3A_859 = arith.cmpi eq, %iota3A, %eq3A_858 : vector<16xi32>
      %broadcast_in_dim3A_860 = vector.broadcast %reduce_sum3A_856 : f32 to vector<16xf32>
      %select_n3A_861 = arith.select %eq3A_859, %broadcast_in_dim3A_860, %select_n3A_848 : vector<16xi1>, vector<16xf32>
      %get3A_862 = arith.constant 27 : i32
      %get3A_863 = arith.index_cast %get3A_862 : i32 to index
      %get3A_864 = arith.constant 0 : index
      %get3A_865 = tpu.vector_load %arg11[%get3A_863, %get3A_864] {strides = array<i32>} : memref<64x16xf32, #tpu.memory_space<vmem>>, vector<16xf32>,
      %reduce_sum3A_866 = arith.constant true
      %reduce_sum3A_867 = vector.broadcast %reduce_sum3A_866 : i1 to vector<16xi1>
      %reduce_sum3A_868 = tpu.scan <sum>, %get3A_865 masked %reduce_sum3A_867 : vector<16xf32>, vector<16xi1> -> vector<16xf32>
      %reduce_sum3A_869 = vector.extract %reduce_sum3A_868[15] : f32 from vector<16xf32>
      %eq3A_870 = arith.constant 11 : i32
      %eq3A_871 = vector.broadcast %eq3A_870 : i32 to vector<16xi32>
      %eq3A_872 = arith.cmpi eq, %iota3A, %eq3A_871 : vector<16xi32>
      %broadcast_in_dim3A_873 = vector.broadcast %reduce_sum3A_869 : f32 to vector<16xf32>
      %select_n3A_874 = arith.select %eq3A_872, %broadcast_in_dim3A_873, %select_n3A_861 : vector<16xi1>, vector<16xf32>
      %get3A_875 = arith.constant 28 : i32
      %get3A_876 = arith.index_cast %get3A_875 : i32 to index
      %get3A_877 = arith.constant 0 : index
      %get3A_878 = tpu.vector_load %arg11[%get3A_876, %get3A_877] {strides = array<i32>} : memref<64x16xf32, #tpu.memory_space<vmem>>, vector<16xf32>,
      %reduce_sum3A_879 = arith.constant true
      %reduce_sum3A_880 = vector.broadcast %reduce_sum3A_879 : i1 to vector<16xi1>
      %reduce_sum3A_881 = tpu.scan <sum>, %get3A_878 masked %reduce_sum3A_880 : vector<16xf32>, vector<16xi1> -> vector<16xf32>
      %reduce_sum3A_882 = vector.extract %reduce_sum3A_881[15] : f32 from vector<16xf32>
      %eq3A_883 = arith.constant 12 : i32
      %eq3A_884 = vector.broadcast %eq3A_883 : i32 to vector<16xi32>
      %eq3A_885 = arith.cmpi eq, %iota3A, %eq3A_884 : vector<16xi32>
      %broadcast_in_dim3A_886 = vector.broadcast %reduce_sum3A_882 : f32 to vector<16xf32>
      %select_n3A_887 = arith.select %eq3A_885, %broadcast_in_dim3A_886, %select_n3A_874 : vector<16xi1>, vector<16xf32>
      %get3A_888 = arith.constant 29 : i32
      %get3A_889 = arith.index_cast %get3A_888 : i32 to index
      %get3A_890 = arith.constant 0 : index
      %get3A_891 = tpu.vector_load %arg11[%get3A_889, %get3A_890] {strides = array<i32>} : memref<64x16xf32, #tpu.memory_space<vmem>>, vector<16xf32>,
      %reduce_sum3A_892 = arith.constant true
      %reduce_sum3A_893 = vector.broadcast %reduce_sum3A_892 : i1 to vector<16xi1>
      %reduce_sum3A_894 = tpu.scan <sum>, %get3A_891 masked %reduce_sum3A_893 : vector<16xf32>, vector<16xi1> -> vector<16xf32>
      %reduce_sum3A_895 = vector.extract %reduce_sum3A_894[15] : f32 from vector<16xf32>
      %eq3A_896 = arith.constant 13 : i32
      %eq3A_897 = vector.broadcast %eq3A_896 : i32 to vector<16xi32>
      %eq3A_898 = arith.cmpi eq, %iota3A, %eq3A_897 : vector<16xi32>
      %broadcast_in_dim3A_899 = vector.broadcast %reduce_sum3A_895 : f32 to vector<16xf32>
      %select_n3A_900 = arith.select %eq3A_898, %broadcast_in_dim3A_899, %select_n3A_887 : vector<16xi1>, vector<16xf32>
      %get3A_901 = arith.constant 30 : i32
      %get3A_902 = arith.index_cast %get3A_901 : i32 to index
      %get3A_903 = arith.constant 0 : index
      %get3A_904 = tpu.vector_load %arg11[%get3A_902, %get3A_903] {strides = array<i32>} : memref<64x16xf32, #tpu.memory_space<vmem>>, vector<16xf32>,
      %reduce_sum3A_905 = arith.constant true
      %reduce_sum3A_906 = vector.broadcast %reduce_sum3A_905 : i1 to vector<16xi1>
      %reduce_sum3A_907 = tpu.scan <sum>, %get3A_904 masked %reduce_sum3A_906 : vector<16xf32>, vector<16xi1> -> vector<16xf32>
      %reduce_sum3A_908 = vector.extract %reduce_sum3A_907[15] : f32 from vector<16xf32>
      %eq3A_909 = arith.constant 14 : i32
      %eq3A_910 = vector.broadcast %eq3A_909 : i32 to vector<16xi32>
      %eq3A_911 = arith.cmpi eq, %iota3A, %eq3A_910 : vector<16xi32>
      %broadcast_in_dim3A_912 = vector.broadcast %reduce_sum3A_908 : f32 to vector<16xf32>
      %select_n3A_913 = arith.select %eq3A_911, %broadcast_in_dim3A_912, %select_n3A_900 : vector<16xi1>, vector<16xf32>
      %get3A_914 = arith.constant 31 : i32
      %get3A_915 = arith.index_cast %get3A_914 : i32 to index
      %get3A_916 = arith.constant 0 : index
      %get3A_917 = tpu.vector_load %arg11[%get3A_915, %get3A_916] {strides = array<i32>} : memref<64x16xf32, #tpu.memory_space<vmem>>, vector<16xf32>,
      %reduce_sum3A_918 = arith.constant true
      %reduce_sum3A_919 = vector.broadcast %reduce_sum3A_918 : i1 to vector<16xi1>
      %reduce_sum3A_920 = tpu.scan <sum>, %get3A_917 masked %reduce_sum3A_919 : vector<16xf32>, vector<16xi1> -> vector<16xf32>
      %reduce_sum3A_921 = vector.extract %reduce_sum3A_920[15] : f32 from vector<16xf32>
      %eq3A_922 = arith.constant 15 : i32
      %eq3A_923 = vector.broadcast %eq3A_922 : i32 to vector<16xi32>
      %eq3A_924 = arith.cmpi eq, %iota3A, %eq3A_923 : vector<16xi32>
      %broadcast_in_dim3A_925 = vector.broadcast %reduce_sum3A_921 : f32 to vector<16xf32>
      %select_n3A_926 = arith.select %eq3A_924, %broadcast_in_dim3A_925, %select_n3A_913 : vector<16xi1>, vector<16xf32>
      %neg3A_927 = arith.constant 0.000000e+00 : f32
      %neg3A_928 = vector.broadcast %neg3A_927 : f32 to vector<16xf32>
      %neg3A_929 = arith.subf %neg3A_928, %select_n3A_926 : vector<16xf32>
      %exp3A_930 = math.exp %neg3A_929 : vector<16xf32>
      %add3A_931 = arith.constant 1.000000e+00 : f32
      %add3A_932 = vector.broadcast %add3A_931 : f32 to vector<16xf32>
      %add3A_933 = arith.addf %add3A_932, %exp3A_930 : vector<16xf32>
      %div3A_934 = arith.constant 1.000000e+00 : f32
      %div3A_935 = vector.broadcast %div3A_934 : f32 to vector<16xf32>
      %div3A_936 = arith.divf %div3A_935, %add3A_933 : vector<16xf32>
      %add3A_937 = arith.constant 16 : i32
      %add3A_938 = arith.addi %mul3A_49, %add3A_937 : i32
      %swap3A_939 = arith.index_cast %add3A_938 : i32 to index
      %swap3A_940 = tpu.vector_load %arg12[%swap3A_939] {strides = array<i32>} : memref<512xf32, #tpu.memory_space<vmem>>, vector<16xf32>,
      tpu.vector_store %arg12[%swap3A_939], %div3A_936 {strides = array<i32>} : memref<512xf32, #tpu.memory_space<vmem>>, vector<16xf32>,
      %broadcast_in_dim3A_941 = arith.constant 0.000000e+00 : f32
      %broadcast_in_dim3A_942 = vector.broadcast %broadcast_in_dim3A_941 : f32 to vector<16xf32>
      %get3A_943 = arith.constant 32 : i32
      %get3A_944 = arith.index_cast %get3A_943 : i32 to index
      %get3A_945 = arith.constant 0 : index
      %get3A_946 = tpu.vector_load %arg11[%get3A_944, %get3A_945] {strides = array<i32>} : memref<64x16xf32, #tpu.memory_space<vmem>>, vector<16xf32>,
      %reduce_sum3A_947 = arith.constant true
      %reduce_sum3A_948 = vector.broadcast %reduce_sum3A_947 : i1 to vector<16xi1>
      %reduce_sum3A_949 = tpu.scan <sum>, %get3A_946 masked %reduce_sum3A_948 : vector<16xf32>, vector<16xi1> -> vector<16xf32>
      %reduce_sum3A_950 = vector.extract %reduce_sum3A_949[15] : f32 from vector<16xf32>
      %eq3A_951 = arith.constant 0 : i32
      %eq3A_952 = vector.broadcast %eq3A_951 : i32 to vector<16xi32>
      %eq3A_953 = arith.cmpi eq, %iota3A, %eq3A_952 : vector<16xi32>
      %broadcast_in_dim3A_954 = vector.broadcast %reduce_sum3A_950 : f32 to vector<16xf32>
      %select_n3A_955 = arith.select %eq3A_953, %broadcast_in_dim3A_954, %broadcast_in_dim3A_942 : vector<16xi1>, vector<16xf32>
      %get3A_956 = arith.constant 33 : i32
      %get3A_957 = arith.index_cast %get3A_956 : i32 to index
      %get3A_958 = arith.constant 0 : index
      %get3A_959 = tpu.vector_load %arg11[%get3A_957, %get3A_958] {strides = array<i32>} : memref<64x16xf32, #tpu.memory_space<vmem>>, vector<16xf32>,
      %reduce_sum3A_960 = arith.constant true
      %reduce_sum3A_961 = vector.broadcast %reduce_sum3A_960 : i1 to vector<16xi1>
      %reduce_sum3A_962 = tpu.scan <sum>, %get3A_959 masked %reduce_sum3A_961 : vector<16xf32>, vector<16xi1> -> vector<16xf32>
      %reduce_sum3A_963 = vector.extract %reduce_sum3A_962[15] : f32 from vector<16xf32>
      %eq3A_964 = arith.constant 1 : i32
      %eq3A_965 = vector.broadcast %eq3A_964 : i32 to vector<16xi32>
      %eq3A_966 = arith.cmpi eq, %iota3A, %eq3A_965 : vector<16xi32>
      %broadcast_in_dim3A_967 = vector.broadcast %reduce_sum3A_963 : f32 to vector<16xf32>
      %select_n3A_968 = arith.select %eq3A_966, %broadcast_in_dim3A_967, %select_n3A_955 : vector<16xi1>, vector<16xf32>
      %get3A_969 = arith.constant 34 : i32
      %get3A_970 = arith.index_cast %get3A_969 : i32 to index
      %get3A_971 = arith.constant 0 : index
      %get3A_972 = tpu.vector_load %arg11[%get3A_970, %get3A_971] {strides = array<i32>} : memref<64x16xf32, #tpu.memory_space<vmem>>, vector<16xf32>,
      %reduce_sum3A_973 = arith.constant true
      %reduce_sum3A_974 = vector.broadcast %reduce_sum3A_973 : i1 to vector<16xi1>
      %reduce_sum3A_975 = tpu.scan <sum>, %get3A_972 masked %reduce_sum3A_974 : vector<16xf32>, vector<16xi1> -> vector<16xf32>
      %reduce_sum3A_976 = vector.extract %reduce_sum3A_975[15] : f32 from vector<16xf32>
      %eq3A_977 = arith.constant 2 : i32
      %eq3A_978 = vector.broadcast %eq3A_977 : i32 to vector<16xi32>
      %eq3A_979 = arith.cmpi eq, %iota3A, %eq3A_978 : vector<16xi32>
      %broadcast_in_dim3A_980 = vector.broadcast %reduce_sum3A_976 : f32 to vector<16xf32>
      %select_n3A_981 = arith.select %eq3A_979, %broadcast_in_dim3A_980, %select_n3A_968 : vector<16xi1>, vector<16xf32>
      %get3A_982 = arith.constant 35 : i32
      %get3A_983 = arith.index_cast %get3A_982 : i32 to index
      %get3A_984 = arith.constant 0 : index
      %get3A_985 = tpu.vector_load %arg11[%get3A_983, %get3A_984] {strides = array<i32>} : memref<64x16xf32, #tpu.memory_space<vmem>>, vector<16xf32>,
      %reduce_sum3A_986 = arith.constant true
      %reduce_sum3A_987 = vector.broadcast %reduce_sum3A_986 : i1 to vector<16xi1>
      %reduce_sum3A_988 = tpu.scan <sum>, %get3A_985 masked %reduce_sum3A_987 : vector<16xf32>, vector<16xi1> -> vector<16xf32>
      %reduce_sum3A_989 = vector.extract %reduce_sum3A_988[15] : f32 from vector<16xf32>
      %eq3A_990 = arith.constant 3 : i32
      %eq3A_991 = vector.broadcast %eq3A_990 : i32 to vector<16xi32>
      %eq3A_992 = arith.cmpi eq, %iota3A, %eq3A_991 : vector<16xi32>
      %broadcast_in_dim3A_993 = vector.broadcast %reduce_sum3A_989 : f32 to vector<16xf32>
      %select_n3A_994 = arith.select %eq3A_992, %broadcast_in_dim3A_993, %select_n3A_981 : vector<16xi1>, vector<16xf32>
      %get3A_995 = arith.constant 36 : i32
      %get3A_996 = arith.index_cast %get3A_995 : i32 to index
      %get3A_997 = arith.constant 0 : index
      %get3A_998 = tpu.vector_load %arg11[%get3A_996, %get3A_997] {strides = array<i32>} : memref<64x16xf32, #tpu.memory_space<vmem>>, vector<16xf32>,
      %reduce_sum3A_999 = arith.constant true
      %reduce_sum3A_1000 = vector.broadcast %reduce_sum3A_999 : i1 to vector<16xi1>
      %reduce_sum3A_1001 = tpu.scan <sum>, %get3A_998 masked %reduce_sum3A_1000 : vector<16xf32>, vector<16xi1> -> vector<16xf32>
      %reduce_sum3A_1002 = vector.extract %reduce_sum3A_1001[15] : f32 from vector<16xf32>
      %eq3A_1003 = arith.constant 4 : i32
      %eq3A_1004 = vector.broadcast %eq3A_1003 : i32 to vector<16xi32>
      %eq3A_1005 = arith.cmpi eq, %iota3A, %eq3A_1004 : vector<16xi32>
      %broadcast_in_dim3A_1006 = vector.broadcast %reduce_sum3A_1002 : f32 to vector<16xf32>
      %select_n3A_1007 = arith.select %eq3A_1005, %broadcast_in_dim3A_1006, %select_n3A_994 : vector<16xi1>, vector<16xf32>
      %get3A_1008 = arith.constant 37 : i32
      %get3A_1009 = arith.index_cast %get3A_1008 : i32 to index
      %get3A_1010 = arith.constant 0 : index
      %get3A_1011 = tpu.vector_load %arg11[%get3A_1009, %get3A_1010] {strides = array<i32>} : memref<64x16xf32, #tpu.memory_space<vmem>>, vector<16xf32>,
      %reduce_sum3A_1012 = arith.constant true
      %reduce_sum3A_1013 = vector.broadcast %reduce_sum3A_1012 : i1 to vector<16xi1>
      %reduce_sum3A_1014 = tpu.scan <sum>, %get3A_1011 masked %reduce_sum3A_1013 : vector<16xf32>, vector<16xi1> -> vector<16xf32>
      %reduce_sum3A_1015 = vector.extract %reduce_sum3A_1014[15] : f32 from vector<16xf32>
      %eq3A_1016 = arith.constant 5 : i32
      %eq3A_1017 = vector.broadcast %eq3A_1016 : i32 to vector<16xi32>
      %eq3A_1018 = arith.cmpi eq, %iota3A, %eq3A_1017 : vector<16xi32>
      %broadcast_in_dim3A_1019 = vector.broadcast %reduce_sum3A_1015 : f32 to vector<16xf32>
      %select_n3A_1020 = arith.select %eq3A_1018, %broadcast_in_dim3A_1019, %select_n3A_1007 : vector<16xi1>, vector<16xf32>
      %get3A_1021 = arith.constant 38 : i32
      %get3A_1022 = arith.index_cast %get3A_1021 : i32 to index
      %get3A_1023 = arith.constant 0 : index
      %get3A_1024 = tpu.vector_load %arg11[%get3A_1022, %get3A_1023] {strides = array<i32>} : memref<64x16xf32, #tpu.memory_space<vmem>>, vector<16xf32>,
      %reduce_sum3A_1025 = arith.constant true
      %reduce_sum3A_1026 = vector.broadcast %reduce_sum3A_1025 : i1 to vector<16xi1>
      %reduce_sum3A_1027 = tpu.scan <sum>, %get3A_1024 masked %reduce_sum3A_1026 : vector<16xf32>, vector<16xi1> -> vector<16xf32>
      %reduce_sum3A_1028 = vector.extract %reduce_sum3A_1027[15] : f32 from vector<16xf32>
      %eq3A_1029 = arith.constant 6 : i32
      %eq3A_1030 = vector.broadcast %eq3A_1029 : i32 to vector<16xi32>
      %eq3A_1031 = arith.cmpi eq, %iota3A, %eq3A_1030 : vector<16xi32>
      %broadcast_in_dim3A_1032 = vector.broadcast %reduce_sum3A_1028 : f32 to vector<16xf32>
      %select_n3A_1033 = arith.select %eq3A_1031, %broadcast_in_dim3A_1032, %select_n3A_1020 : vector<16xi1>, vector<16xf32>
      %get3A_1034 = arith.constant 39 : i32
      %get3A_1035 = arith.index_cast %get3A_1034 : i32 to index
      %get3A_1036 = arith.constant 0 : index
      %get3A_1037 = tpu.vector_load %arg11[%get3A_1035, %get3A_1036] {strides = array<i32>} : memref<64x16xf32, #tpu.memory_space<vmem>>, vector<16xf32>,
      %reduce_sum3A_1038 = arith.constant true
      %reduce_sum3A_1039 = vector.broadcast %reduce_sum3A_1038 : i1 to vector<16xi1>
      %reduce_sum3A_1040 = tpu.scan <sum>, %get3A_1037 masked %reduce_sum3A_1039 : vector<16xf32>, vector<16xi1> -> vector<16xf32>
      %reduce_sum3A_1041 = vector.extract %reduce_sum3A_1040[15] : f32 from vector<16xf32>
      %eq3A_1042 = arith.constant 7 : i32
      %eq3A_1043 = vector.broadcast %eq3A_1042 : i32 to vector<16xi32>
      %eq3A_1044 = arith.cmpi eq, %iota3A, %eq3A_1043 : vector<16xi32>
      %broadcast_in_dim3A_1045 = vector.broadcast %reduce_sum3A_1041 : f32 to vector<16xf32>
      %select_n3A_1046 = arith.select %eq3A_1044, %broadcast_in_dim3A_1045, %select_n3A_1033 : vector<16xi1>, vector<16xf32>
      %get3A_1047 = arith.constant 40 : i32
      %get3A_1048 = arith.index_cast %get3A_1047 : i32 to index
      %get3A_1049 = arith.constant 0 : index
      %get3A_1050 = tpu.vector_load %arg11[%get3A_1048, %get3A_1049] {strides = array<i32>} : memref<64x16xf32, #tpu.memory_space<vmem>>, vector<16xf32>,
      %reduce_sum3A_1051 = arith.constant true
      %reduce_sum3A_1052 = vector.broadcast %reduce_sum3A_1051 : i1 to vector<16xi1>
      %reduce_sum3A_1053 = tpu.scan <sum>, %get3A_1050 masked %reduce_sum3A_1052 : vector<16xf32>, vector<16xi1> -> vector<16xf32>
      %reduce_sum3A_1054 = vector.extract %reduce_sum3A_1053[15] : f32 from vector<16xf32>
      %eq3A_1055 = arith.constant 8 : i32
      %eq3A_1056 = vector.broadcast %eq3A_1055 : i32 to vector<16xi32>
      %eq3A_1057 = arith.cmpi eq, %iota3A, %eq3A_1056 : vector<16xi32>
      %broadcast_in_dim3A_1058 = vector.broadcast %reduce_sum3A_1054 : f32 to vector<16xf32>
      %select_n3A_1059 = arith.select %eq3A_1057, %broadcast_in_dim3A_1058, %select_n3A_1046 : vector<16xi1>, vector<16xf32>
      %get3A_1060 = arith.constant 41 : i32
      %get3A_1061 = arith.index_cast %get3A_1060 : i32 to index
      %get3A_1062 = arith.constant 0 : index
      %get3A_1063 = tpu.vector_load %arg11[%get3A_1061, %get3A_1062] {strides = array<i32>} : memref<64x16xf32, #tpu.memory_space<vmem>>, vector<16xf32>,
      %reduce_sum3A_1064 = arith.constant true
      %reduce_sum3A_1065 = vector.broadcast %reduce_sum3A_1064 : i1 to vector<16xi1>
      %reduce_sum3A_1066 = tpu.scan <sum>, %get3A_1063 masked %reduce_sum3A_1065 : vector<16xf32>, vector<16xi1> -> vector<16xf32>
      %reduce_sum3A_1067 = vector.extract %reduce_sum3A_1066[15] : f32 from vector<16xf32>
      %eq3A_1068 = arith.constant 9 : i32
      %eq3A_1069 = vector.broadcast %eq3A_1068 : i32 to vector<16xi32>
      %eq3A_1070 = arith.cmpi eq, %iota3A, %eq3A_1069 : vector<16xi32>
      %broadcast_in_dim3A_1071 = vector.broadcast %reduce_sum3A_1067 : f32 to vector<16xf32>
      %select_n3A_1072 = arith.select %eq3A_1070, %broadcast_in_dim3A_1071, %select_n3A_1059 : vector<16xi1>, vector<16xf32>
      %get3A_1073 = arith.constant 42 : i32
      %get3A_1074 = arith.index_cast %get3A_1073 : i32 to index
      %get3A_1075 = arith.constant 0 : index
      %get3A_1076 = tpu.vector_load %arg11[%get3A_1074, %get3A_1075] {strides = array<i32>} : memref<64x16xf32, #tpu.memory_space<vmem>>, vector<16xf32>,
      %reduce_sum3A_1077 = arith.constant true
      %reduce_sum3A_1078 = vector.broadcast %reduce_sum3A_1077 : i1 to vector<16xi1>
      %reduce_sum3A_1079 = tpu.scan <sum>, %get3A_1076 masked %reduce_sum3A_1078 : vector<16xf32>, vector<16xi1> -> vector<16xf32>
      %reduce_sum3A_1080 = vector.extract %reduce_sum3A_1079[15] : f32 from vector<16xf32>
      %eq3A_1081 = arith.constant 10 : i32
      %eq3A_1082 = vector.broadcast %eq3A_1081 : i32 to vector<16xi32>
      %eq3A_1083 = arith.cmpi eq, %iota3A, %eq3A_1082 : vector<16xi32>
      %broadcast_in_dim3A_1084 = vector.broadcast %reduce_sum3A_1080 : f32 to vector<16xf32>
      %select_n3A_1085 = arith.select %eq3A_1083, %broadcast_in_dim3A_1084, %select_n3A_1072 : vector<16xi1>, vector<16xf32>
      %get3A_1086 = arith.constant 43 : i32
      %get3A_1087 = arith.index_cast %get3A_1086 : i32 to index
      %get3A_1088 = arith.constant 0 : index
      %get3A_1089 = tpu.vector_load %arg11[%get3A_1087, %get3A_1088] {strides = array<i32>} : memref<64x16xf32, #tpu.memory_space<vmem>>, vector<16xf32>,
      %reduce_sum3A_1090 = arith.constant true
      %reduce_sum3A_1091 = vector.broadcast %reduce_sum3A_1090 : i1 to vector<16xi1>
      %reduce_sum3A_1092 = tpu.scan <sum>, %get3A_1089 masked %reduce_sum3A_1091 : vector<16xf32>, vector<16xi1> -> vector<16xf32>
      %reduce_sum3A_1093 = vector.extract %reduce_sum3A_1092[15] : f32 from vector<16xf32>
      %eq3A_1094 = arith.constant 11 : i32
      %eq3A_1095 = vector.broadcast %eq3A_1094 : i32 to vector<16xi32>
      %eq3A_1096 = arith.cmpi eq, %iota3A, %eq3A_1095 : vector<16xi32>
      %broadcast_in_dim3A_1097 = vector.broadcast %reduce_sum3A_1093 : f32 to vector<16xf32>
      %select_n3A_1098 = arith.select %eq3A_1096, %broadcast_in_dim3A_1097, %select_n3A_1085 : vector<16xi1>, vector<16xf32>
      %get3A_1099 = arith.constant 44 : i32
      %get3A_1100 = arith.index_cast %get3A_1099 : i32 to index
      %get3A_1101 = arith.constant 0 : index
      %get3A_1102 = tpu.vector_load %arg11[%get3A_1100, %get3A_1101] {strides = array<i32>} : memref<64x16xf32, #tpu.memory_space<vmem>>, vector<16xf32>,
      %reduce_sum3A_1103 = arith.constant true
      %reduce_sum3A_1104 = vector.broadcast %reduce_sum3A_1103 : i1 to vector<16xi1>
      %reduce_sum3A_1105 = tpu.scan <sum>, %get3A_1102 masked %reduce_sum3A_1104 : vector<16xf32>, vector<16xi1> -> vector<16xf32>
      %reduce_sum3A_1106 = vector.extract %reduce_sum3A_1105[15] : f32 from vector<16xf32>
      %eq3A_1107 = arith.constant 12 : i32
      %eq3A_1108 = vector.broadcast %eq3A_1107 : i32 to vector<16xi32>
      %eq3A_1109 = arith.cmpi eq, %iota3A, %eq3A_1108 : vector<16xi32>
      %broadcast_in_dim3A_1110 = vector.broadcast %reduce_sum3A_1106 : f32 to vector<16xf32>
      %select_n3A_1111 = arith.select %eq3A_1109, %broadcast_in_dim3A_1110, %select_n3A_1098 : vector<16xi1>, vector<16xf32>
      %get3A_1112 = arith.constant 45 : i32
      %get3A_1113 = arith.index_cast %get3A_1112 : i32 to index
      %get3A_1114 = arith.constant 0 : index
      %get3A_1115 = tpu.vector_load %arg11[%get3A_1113, %get3A_1114] {strides = array<i32>} : memref<64x16xf32, #tpu.memory_space<vmem>>, vector<16xf32>,
      %reduce_sum3A_1116 = arith.constant true
      %reduce_sum3A_1117 = vector.broadcast %reduce_sum3A_1116 : i1 to vector<16xi1>
      %reduce_sum3A_1118 = tpu.scan <sum>, %get3A_1115 masked %reduce_sum3A_1117 : vector<16xf32>, vector<16xi1> -> vector<16xf32>
      %reduce_sum3A_1119 = vector.extract %reduce_sum3A_1118[15] : f32 from vector<16xf32>
      %eq3A_1120 = arith.constant 13 : i32
      %eq3A_1121 = vector.broadcast %eq3A_1120 : i32 to vector<16xi32>
      %eq3A_1122 = arith.cmpi eq, %iota3A, %eq3A_1121 : vector<16xi32>
      %broadcast_in_dim3A_1123 = vector.broadcast %reduce_sum3A_1119 : f32 to vector<16xf32>
      %select_n3A_1124 = arith.select %eq3A_1122, %broadcast_in_dim3A_1123, %select_n3A_1111 : vector<16xi1>, vector<16xf32>
      %get3A_1125 = arith.constant 46 : i32
      %get3A_1126 = arith.index_cast %get3A_1125 : i32 to index
      %get3A_1127 = arith.constant 0 : index
      %get3A_1128 = tpu.vector_load %arg11[%get3A_1126, %get3A_1127] {strides = array<i32>} : memref<64x16xf32, #tpu.memory_space<vmem>>, vector<16xf32>,
      %reduce_sum3A_1129 = arith.constant true
      %reduce_sum3A_1130 = vector.broadcast %reduce_sum3A_1129 : i1 to vector<16xi1>
      %reduce_sum3A_1131 = tpu.scan <sum>, %get3A_1128 masked %reduce_sum3A_1130 : vector<16xf32>, vector<16xi1> -> vector<16xf32>
      %reduce_sum3A_1132 = vector.extract %reduce_sum3A_1131[15] : f32 from vector<16xf32>
      %eq3A_1133 = arith.constant 14 : i32
      %eq3A_1134 = vector.broadcast %eq3A_1133 : i32 to vector<16xi32>
      %eq3A_1135 = arith.cmpi eq, %iota3A, %eq3A_1134 : vector<16xi32>
      %broadcast_in_dim3A_1136 = vector.broadcast %reduce_sum3A_1132 : f32 to vector<16xf32>
      %select_n3A_1137 = arith.select %eq3A_1135, %broadcast_in_dim3A_1136, %select_n3A_1124 : vector<16xi1>, vector<16xf32>
      %get3A_1138 = arith.constant 47 : i32
      %get3A_1139 = arith.index_cast %get3A_1138 : i32 to index
      %get3A_1140 = arith.constant 0 : index
      %get3A_1141 = tpu.vector_load %arg11[%get3A_1139, %get3A_1140] {strides = array<i32>} : memref<64x16xf32, #tpu.memory_space<vmem>>, vector<16xf32>,
      %reduce_sum3A_1142 = arith.constant true
      %reduce_sum3A_1143 = vector.broadcast %reduce_sum3A_1142 : i1 to vector<16xi1>
      %reduce_sum3A_1144 = tpu.scan <sum>, %get3A_1141 masked %reduce_sum3A_1143 : vector<16xf32>, vector<16xi1> -> vector<16xf32>
      %reduce_sum3A_1145 = vector.extract %reduce_sum3A_1144[15] : f32 from vector<16xf32>
      %eq3A_1146 = arith.constant 15 : i32
      %eq3A_1147 = vector.broadcast %eq3A_1146 : i32 to vector<16xi32>
      %eq3A_1148 = arith.cmpi eq, %iota3A, %eq3A_1147 : vector<16xi32>
      %broadcast_in_dim3A_1149 = vector.broadcast %reduce_sum3A_1145 : f32 to vector<16xf32>
      %select_n3A_1150 = arith.select %eq3A_1148, %broadcast_in_dim3A_1149, %select_n3A_1137 : vector<16xi1>, vector<16xf32>
      %neg3A_1151 = arith.constant 0.000000e+00 : f32
      %neg3A_1152 = vector.broadcast %neg3A_1151 : f32 to vector<16xf32>
      %neg3A_1153 = arith.subf %neg3A_1152, %select_n3A_1150 : vector<16xf32>
      %exp3A_1154 = math.exp %neg3A_1153 : vector<16xf32>
      %add3A_1155 = arith.constant 1.000000e+00 : f32
      %add3A_1156 = vector.broadcast %add3A_1155 : f32 to vector<16xf32>
      %add3A_1157 = arith.addf %add3A_1156, %exp3A_1154 : vector<16xf32>
      %div3A_1158 = arith.constant 1.000000e+00 : f32
      %div3A_1159 = vector.broadcast %div3A_1158 : f32 to vector<16xf32>
      %div3A_1160 = arith.divf %div3A_1159, %add3A_1157 : vector<16xf32>
      %add3A_1161 = arith.constant 32 : i32
      %add3A_1162 = arith.addi %mul3A_49, %add3A_1161 : i32
      %swap3A_1163 = arith.index_cast %add3A_1162 : i32 to index
      %swap3A_1164 = tpu.vector_load %arg12[%swap3A_1163] {strides = array<i32>} : memref<512xf32, #tpu.memory_space<vmem>>, vector<16xf32>,
      tpu.vector_store %arg12[%swap3A_1163], %div3A_1160 {strides = array<i32>} : memref<512xf32, #tpu.memory_space<vmem>>, vector<16xf32>,
      %broadcast_in_dim3A_1165 = arith.constant 0.000000e+00 : f32
      %broadcast_in_dim3A_1166 = vector.broadcast %broadcast_in_dim3A_1165 : f32 to vector<16xf32>
      %get3A_1167 = arith.constant 48 : i32
      %get3A_1168 = arith.index_cast %get3A_1167 : i32 to index
      %get3A_1169 = arith.constant 0 : index
      %get3A_1170 = tpu.vector_load %arg11[%get3A_1168, %get3A_1169] {strides = array<i32>} : memref<64x16xf32, #tpu.memory_space<vmem>>, vector<16xf32>,
      %reduce_sum3A_1171 = arith.constant true
      %reduce_sum3A_1172 = vector.broadcast %reduce_sum3A_1171 : i1 to vector<16xi1>
      %reduce_sum3A_1173 = tpu.scan <sum>, %get3A_1170 masked %reduce_sum3A_1172 : vector<16xf32>, vector<16xi1> -> vector<16xf32>
      %reduce_sum3A_1174 = vector.extract %reduce_sum3A_1173[15] : f32 from vector<16xf32>
      %eq3A_1175 = arith.constant 0 : i32
      %eq3A_1176 = vector.broadcast %eq3A_1175 : i32 to vector<16xi32>
      %eq3A_1177 = arith.cmpi eq, %iota3A, %eq3A_1176 : vector<16xi32>
      %broadcast_in_dim3A_1178 = vector.broadcast %reduce_sum3A_1174 : f32 to vector<16xf32>
      %select_n3A_1179 = arith.select %eq3A_1177, %broadcast_in_dim3A_1178, %broadcast_in_dim3A_1166 : vector<16xi1>, vector<16xf32>
      %get3A_1180 = arith.constant 49 : i32
      %get3A_1181 = arith.index_cast %get3A_1180 : i32 to index
      %get3A_1182 = arith.constant 0 : index
      %get3A_1183 = tpu.vector_load %arg11[%get3A_1181, %get3A_1182] {strides = array<i32>} : memref<64x16xf32, #tpu.memory_space<vmem>>, vector<16xf32>,
      %reduce_sum3A_1184 = arith.constant true
      %reduce_sum3A_1185 = vector.broadcast %reduce_sum3A_1184 : i1 to vector<16xi1>
      %reduce_sum3A_1186 = tpu.scan <sum>, %get3A_1183 masked %reduce_sum3A_1185 : vector<16xf32>, vector<16xi1> -> vector<16xf32>
      %reduce_sum3A_1187 = vector.extract %reduce_sum3A_1186[15] : f32 from vector<16xf32>
      %eq3A_1188 = arith.constant 1 : i32
      %eq3A_1189 = vector.broadcast %eq3A_1188 : i32 to vector<16xi32>
      %eq3A_1190 = arith.cmpi eq, %iota3A, %eq3A_1189 : vector<16xi32>
      %broadcast_in_dim3A_1191 = vector.broadcast %reduce_sum3A_1187 : f32 to vector<16xf32>
      %select_n3A_1192 = arith.select %eq3A_1190, %broadcast_in_dim3A_1191, %select_n3A_1179 : vector<16xi1>, vector<16xf32>
      %get3A_1193 = arith.constant 50 : i32
      %get3A_1194 = arith.index_cast %get3A_1193 : i32 to index
      %get3A_1195 = arith.constant 0 : index
      %get3A_1196 = tpu.vector_load %arg11[%get3A_1194, %get3A_1195] {strides = array<i32>} : memref<64x16xf32, #tpu.memory_space<vmem>>, vector<16xf32>,
      %reduce_sum3A_1197 = arith.constant true
      %reduce_sum3A_1198 = vector.broadcast %reduce_sum3A_1197 : i1 to vector<16xi1>
      %reduce_sum3A_1199 = tpu.scan <sum>, %get3A_1196 masked %reduce_sum3A_1198 : vector<16xf32>, vector<16xi1> -> vector<16xf32>
      %reduce_sum3A_1200 = vector.extract %reduce_sum3A_1199[15] : f32 from vector<16xf32>
      %eq3A_1201 = arith.constant 2 : i32
      %eq3A_1202 = vector.broadcast %eq3A_1201 : i32 to vector<16xi32>
      %eq3A_1203 = arith.cmpi eq, %iota3A, %eq3A_1202 : vector<16xi32>
      %broadcast_in_dim3A_1204 = vector.broadcast %reduce_sum3A_1200 : f32 to vector<16xf32>
      %select_n3A_1205 = arith.select %eq3A_1203, %broadcast_in_dim3A_1204, %select_n3A_1192 : vector<16xi1>, vector<16xf32>
      %get3A_1206 = arith.constant 51 : i32
      %get3A_1207 = arith.index_cast %get3A_1206 : i32 to index
      %get3A_1208 = arith.constant 0 : index
      %get3A_1209 = tpu.vector_load %arg11[%get3A_1207, %get3A_1208] {strides = array<i32>} : memref<64x16xf32, #tpu.memory_space<vmem>>, vector<16xf32>,
      %reduce_sum3A_1210 = arith.constant true
      %reduce_sum3A_1211 = vector.broadcast %reduce_sum3A_1210 : i1 to vector<16xi1>
      %reduce_sum3A_1212 = tpu.scan <sum>, %get3A_1209 masked %reduce_sum3A_1211 : vector<16xf32>, vector<16xi1> -> vector<16xf32>
      %reduce_sum3A_1213 = vector.extract %reduce_sum3A_1212[15] : f32 from vector<16xf32>
      %eq3A_1214 = arith.constant 3 : i32
      %eq3A_1215 = vector.broadcast %eq3A_1214 : i32 to vector<16xi32>
      %eq3A_1216 = arith.cmpi eq, %iota3A, %eq3A_1215 : vector<16xi32>
      %broadcast_in_dim3A_1217 = vector.broadcast %reduce_sum3A_1213 : f32 to vector<16xf32>
      %select_n3A_1218 = arith.select %eq3A_1216, %broadcast_in_dim3A_1217, %select_n3A_1205 : vector<16xi1>, vector<16xf32>
      %get3A_1219 = arith.constant 52 : i32
      %get3A_1220 = arith.index_cast %get3A_1219 : i32 to index
      %get3A_1221 = arith.constant 0 : index
      %get3A_1222 = tpu.vector_load %arg11[%get3A_1220, %get3A_1221] {strides = array<i32>} : memref<64x16xf32, #tpu.memory_space<vmem>>, vector<16xf32>,
      %reduce_sum3A_1223 = arith.constant true
      %reduce_sum3A_1224 = vector.broadcast %reduce_sum3A_1223 : i1 to vector<16xi1>
      %reduce_sum3A_1225 = tpu.scan <sum>, %get3A_1222 masked %reduce_sum3A_1224 : vector<16xf32>, vector<16xi1> -> vector<16xf32>
      %reduce_sum3A_1226 = vector.extract %reduce_sum3A_1225[15] : f32 from vector<16xf32>
      %eq3A_1227 = arith.constant 4 : i32
      %eq3A_1228 = vector.broadcast %eq3A_1227 : i32 to vector<16xi32>
      %eq3A_1229 = arith.cmpi eq, %iota3A, %eq3A_1228 : vector<16xi32>
      %broadcast_in_dim3A_1230 = vector.broadcast %reduce_sum3A_1226 : f32 to vector<16xf32>
      %select_n3A_1231 = arith.select %eq3A_1229, %broadcast_in_dim3A_1230, %select_n3A_1218 : vector<16xi1>, vector<16xf32>
      %get3A_1232 = arith.constant 53 : i32
      %get3A_1233 = arith.index_cast %get3A_1232 : i32 to index
      %get3A_1234 = arith.constant 0 : index
      %get3A_1235 = tpu.vector_load %arg11[%get3A_1233, %get3A_1234] {strides = array<i32>} : memref<64x16xf32, #tpu.memory_space<vmem>>, vector<16xf32>,
      %reduce_sum3A_1236 = arith.constant true
      %reduce_sum3A_1237 = vector.broadcast %reduce_sum3A_1236 : i1 to vector<16xi1>
      %reduce_sum3A_1238 = tpu.scan <sum>, %get3A_1235 masked %reduce_sum3A_1237 : vector<16xf32>, vector<16xi1> -> vector<16xf32>
      %reduce_sum3A_1239 = vector.extract %reduce_sum3A_1238[15] : f32 from vector<16xf32>
      %eq3A_1240 = arith.constant 5 : i32
      %eq3A_1241 = vector.broadcast %eq3A_1240 : i32 to vector<16xi32>
      %eq3A_1242 = arith.cmpi eq, %iota3A, %eq3A_1241 : vector<16xi32>
      %broadcast_in_dim3A_1243 = vector.broadcast %reduce_sum3A_1239 : f32 to vector<16xf32>
      %select_n3A_1244 = arith.select %eq3A_1242, %broadcast_in_dim3A_1243, %select_n3A_1231 : vector<16xi1>, vector<16xf32>
      %get3A_1245 = arith.constant 54 : i32
      %get3A_1246 = arith.index_cast %get3A_1245 : i32 to index
      %get3A_1247 = arith.constant 0 : index
      %get3A_1248 = tpu.vector_load %arg11[%get3A_1246, %get3A_1247] {strides = array<i32>} : memref<64x16xf32, #tpu.memory_space<vmem>>, vector<16xf32>,
      %reduce_sum3A_1249 = arith.constant true
      %reduce_sum3A_1250 = vector.broadcast %reduce_sum3A_1249 : i1 to vector<16xi1>
      %reduce_sum3A_1251 = tpu.scan <sum>, %get3A_1248 masked %reduce_sum3A_1250 : vector<16xf32>, vector<16xi1> -> vector<16xf32>
      %reduce_sum3A_1252 = vector.extract %reduce_sum3A_1251[15] : f32 from vector<16xf32>
      %eq3A_1253 = arith.constant 6 : i32
      %eq3A_1254 = vector.broadcast %eq3A_1253 : i32 to vector<16xi32>
      %eq3A_1255 = arith.cmpi eq, %iota3A, %eq3A_1254 : vector<16xi32>
      %broadcast_in_dim3A_1256 = vector.broadcast %reduce_sum3A_1252 : f32 to vector<16xf32>
      %select_n3A_1257 = arith.select %eq3A_1255, %broadcast_in_dim3A_1256, %select_n3A_1244 : vector<16xi1>, vector<16xf32>
      %get3A_1258 = arith.constant 55 : i32
      %get3A_1259 = arith.index_cast %get3A_1258 : i32 to index
      %get3A_1260 = arith.constant 0 : index
      %get3A_1261 = tpu.vector_load %arg11[%get3A_1259, %get3A_1260] {strides = array<i32>} : memref<64x16xf32, #tpu.memory_space<vmem>>, vector<16xf32>,
      %reduce_sum3A_1262 = arith.constant true
      %reduce_sum3A_1263 = vector.broadcast %reduce_sum3A_1262 : i1 to vector<16xi1>
      %reduce_sum3A_1264 = tpu.scan <sum>, %get3A_1261 masked %reduce_sum3A_1263 : vector<16xf32>, vector<16xi1> -> vector<16xf32>
      %reduce_sum3A_1265 = vector.extract %reduce_sum3A_1264[15] : f32 from vector<16xf32>
      %eq3A_1266 = arith.constant 7 : i32
      %eq3A_1267 = vector.broadcast %eq3A_1266 : i32 to vector<16xi32>
      %eq3A_1268 = arith.cmpi eq, %iota3A, %eq3A_1267 : vector<16xi32>
      %broadcast_in_dim3A_1269 = vector.broadcast %reduce_sum3A_1265 : f32 to vector<16xf32>
      %select_n3A_1270 = arith.select %eq3A_1268, %broadcast_in_dim3A_1269, %select_n3A_1257 : vector<16xi1>, vector<16xf32>
      %get3A_1271 = arith.constant 56 : i32
      %get3A_1272 = arith.index_cast %get3A_1271 : i32 to index
      %get3A_1273 = arith.constant 0 : index
      %get3A_1274 = tpu.vector_load %arg11[%get3A_1272, %get3A_1273] {strides = array<i32>} : memref<64x16xf32, #tpu.memory_space<vmem>>, vector<16xf32>,
      %reduce_sum3A_1275 = arith.constant true
      %reduce_sum3A_1276 = vector.broadcast %reduce_sum3A_1275 : i1 to vector<16xi1>
      %reduce_sum3A_1277 = tpu.scan <sum>, %get3A_1274 masked %reduce_sum3A_1276 : vector<16xf32>, vector<16xi1> -> vector<16xf32>
      %reduce_sum3A_1278 = vector.extract %reduce_sum3A_1277[15] : f32 from vector<16xf32>
      %eq3A_1279 = arith.constant 8 : i32
      %eq3A_1280 = vector.broadcast %eq3A_1279 : i32 to vector<16xi32>
      %eq3A_1281 = arith.cmpi eq, %iota3A, %eq3A_1280 : vector<16xi32>
      %broadcast_in_dim3A_1282 = vector.broadcast %reduce_sum3A_1278 : f32 to vector<16xf32>
      %select_n3A_1283 = arith.select %eq3A_1281, %broadcast_in_dim3A_1282, %select_n3A_1270 : vector<16xi1>, vector<16xf32>
      %get3A_1284 = arith.constant 57 : i32
      %get3A_1285 = arith.index_cast %get3A_1284 : i32 to index
      %get3A_1286 = arith.constant 0 : index
      %get3A_1287 = tpu.vector_load %arg11[%get3A_1285, %get3A_1286] {strides = array<i32>} : memref<64x16xf32, #tpu.memory_space<vmem>>, vector<16xf32>,
      %reduce_sum3A_1288 = arith.constant true
      %reduce_sum3A_1289 = vector.broadcast %reduce_sum3A_1288 : i1 to vector<16xi1>
      %reduce_sum3A_1290 = tpu.scan <sum>, %get3A_1287 masked %reduce_sum3A_1289 : vector<16xf32>, vector<16xi1> -> vector<16xf32>
      %reduce_sum3A_1291 = vector.extract %reduce_sum3A_1290[15] : f32 from vector<16xf32>
      %eq3A_1292 = arith.constant 9 : i32
      %eq3A_1293 = vector.broadcast %eq3A_1292 : i32 to vector<16xi32>
      %eq3A_1294 = arith.cmpi eq, %iota3A, %eq3A_1293 : vector<16xi32>
      %broadcast_in_dim3A_1295 = vector.broadcast %reduce_sum3A_1291 : f32 to vector<16xf32>
      %select_n3A_1296 = arith.select %eq3A_1294, %broadcast_in_dim3A_1295, %select_n3A_1283 : vector<16xi1>, vector<16xf32>
      %get3A_1297 = arith.constant 58 : i32
      %get3A_1298 = arith.index_cast %get3A_1297 : i32 to index
      %get3A_1299 = arith.constant 0 : index
      %get3A_1300 = tpu.vector_load %arg11[%get3A_1298, %get3A_1299] {strides = array<i32>} : memref<64x16xf32, #tpu.memory_space<vmem>>, vector<16xf32>,
      %reduce_sum3A_1301 = arith.constant true
      %reduce_sum3A_1302 = vector.broadcast %reduce_sum3A_1301 : i1 to vector<16xi1>
      %reduce_sum3A_1303 = tpu.scan <sum>, %get3A_1300 masked %reduce_sum3A_1302 : vector<16xf32>, vector<16xi1> -> vector<16xf32>
      %reduce_sum3A_1304 = vector.extract %reduce_sum3A_1303[15] : f32 from vector<16xf32>
      %eq3A_1305 = arith.constant 10 : i32
      %eq3A_1306 = vector.broadcast %eq3A_1305 : i32 to vector<16xi32>
      %eq3A_1307 = arith.cmpi eq, %iota3A, %eq3A_1306 : vector<16xi32>
      %broadcast_in_dim3A_1308 = vector.broadcast %reduce_sum3A_1304 : f32 to vector<16xf32>
      %select_n3A_1309 = arith.select %eq3A_1307, %broadcast_in_dim3A_1308, %select_n3A_1296 : vector<16xi1>, vector<16xf32>
      %get3A_1310 = arith.constant 59 : i32
      %get3A_1311 = arith.index_cast %get3A_1310 : i32 to index
      %get3A_1312 = arith.constant 0 : index
      %get3A_1313 = tpu.vector_load %arg11[%get3A_1311, %get3A_1312] {strides = array<i32>} : memref<64x16xf32, #tpu.memory_space<vmem>>, vector<16xf32>,
      %reduce_sum3A_1314 = arith.constant true
      %reduce_sum3A_1315 = vector.broadcast %reduce_sum3A_1314 : i1 to vector<16xi1>
      %reduce_sum3A_1316 = tpu.scan <sum>, %get3A_1313 masked %reduce_sum3A_1315 : vector<16xf32>, vector<16xi1> -> vector<16xf32>
      %reduce_sum3A_1317 = vector.extract %reduce_sum3A_1316[15] : f32 from vector<16xf32>
      %eq3A_1318 = arith.constant 11 : i32
      %eq3A_1319 = vector.broadcast %eq3A_1318 : i32 to vector<16xi32>
      %eq3A_1320 = arith.cmpi eq, %iota3A, %eq3A_1319 : vector<16xi32>
      %broadcast_in_dim3A_1321 = vector.broadcast %reduce_sum3A_1317 : f32 to vector<16xf32>
      %select_n3A_1322 = arith.select %eq3A_1320, %broadcast_in_dim3A_1321, %select_n3A_1309 : vector<16xi1>, vector<16xf32>
      %get3A_1323 = arith.constant 60 : i32
      %get3A_1324 = arith.index_cast %get3A_1323 : i32 to index
      %get3A_1325 = arith.constant 0 : index
      %get3A_1326 = tpu.vector_load %arg11[%get3A_1324, %get3A_1325] {strides = array<i32>} : memref<64x16xf32, #tpu.memory_space<vmem>>, vector<16xf32>,
      %reduce_sum3A_1327 = arith.constant true
      %reduce_sum3A_1328 = vector.broadcast %reduce_sum3A_1327 : i1 to vector<16xi1>
      %reduce_sum3A_1329 = tpu.scan <sum>, %get3A_1326 masked %reduce_sum3A_1328 : vector<16xf32>, vector<16xi1> -> vector<16xf32>
      %reduce_sum3A_1330 = vector.extract %reduce_sum3A_1329[15] : f32 from vector<16xf32>
      %eq3A_1331 = arith.constant 12 : i32
      %eq3A_1332 = vector.broadcast %eq3A_1331 : i32 to vector<16xi32>
      %eq3A_1333 = arith.cmpi eq, %iota3A, %eq3A_1332 : vector<16xi32>
      %broadcast_in_dim3A_1334 = vector.broadcast %reduce_sum3A_1330 : f32 to vector<16xf32>
      %select_n3A_1335 = arith.select %eq3A_1333, %broadcast_in_dim3A_1334, %select_n3A_1322 : vector<16xi1>, vector<16xf32>
      %get3A_1336 = arith.constant 61 : i32
      %get3A_1337 = arith.index_cast %get3A_1336 : i32 to index
      %get3A_1338 = arith.constant 0 : index
      %get3A_1339 = tpu.vector_load %arg11[%get3A_1337, %get3A_1338] {strides = array<i32>} : memref<64x16xf32, #tpu.memory_space<vmem>>, vector<16xf32>,
      %reduce_sum3A_1340 = arith.constant true
      %reduce_sum3A_1341 = vector.broadcast %reduce_sum3A_1340 : i1 to vector<16xi1>
      %reduce_sum3A_1342 = tpu.scan <sum>, %get3A_1339 masked %reduce_sum3A_1341 : vector<16xf32>, vector<16xi1> -> vector<16xf32>
      %reduce_sum3A_1343 = vector.extract %reduce_sum3A_1342[15] : f32 from vector<16xf32>
      %eq3A_1344 = arith.constant 13 : i32
      %eq3A_1345 = vector.broadcast %eq3A_1344 : i32 to vector<16xi32>
      %eq3A_1346 = arith.cmpi eq, %iota3A, %eq3A_1345 : vector<16xi32>
      %broadcast_in_dim3A_1347 = vector.broadcast %reduce_sum3A_1343 : f32 to vector<16xf32>
      %select_n3A_1348 = arith.select %eq3A_1346, %broadcast_in_dim3A_1347, %select_n3A_1335 : vector<16xi1>, vector<16xf32>
      %get3A_1349 = arith.constant 62 : i32
      %get3A_1350 = arith.index_cast %get3A_1349 : i32 to index
      %get3A_1351 = arith.constant 0 : index
      %get3A_1352 = tpu.vector_load %arg11[%get3A_1350, %get3A_1351] {strides = array<i32>} : memref<64x16xf32, #tpu.memory_space<vmem>>, vector<16xf32>,
      %reduce_sum3A_1353 = arith.constant true
      %reduce_sum3A_1354 = vector.broadcast %reduce_sum3A_1353 : i1 to vector<16xi1>
      %reduce_sum3A_1355 = tpu.scan <sum>, %get3A_1352 masked %reduce_sum3A_1354 : vector<16xf32>, vector<16xi1> -> vector<16xf32>
      %reduce_sum3A_1356 = vector.extract %reduce_sum3A_1355[15] : f32 from vector<16xf32>
      %eq3A_1357 = arith.constant 14 : i32
      %eq3A_1358 = vector.broadcast %eq3A_1357 : i32 to vector<16xi32>
      %eq3A_1359 = arith.cmpi eq, %iota3A, %eq3A_1358 : vector<16xi32>
      %broadcast_in_dim3A_1360 = vector.broadcast %reduce_sum3A_1356 : f32 to vector<16xf32>
      %select_n3A_1361 = arith.select %eq3A_1359, %broadcast_in_dim3A_1360, %select_n3A_1348 : vector<16xi1>, vector<16xf32>
      %get3A_1362 = arith.constant 63 : i32
      %get3A_1363 = arith.index_cast %get3A_1362 : i32 to index
      %get3A_1364 = arith.constant 0 : index
      %get3A_1365 = tpu.vector_load %arg11[%get3A_1363, %get3A_1364] {strides = array<i32>} : memref<64x16xf32, #tpu.memory_space<vmem>>, vector<16xf32>,
      %reduce_sum3A_1366 = arith.constant true
      %reduce_sum3A_1367 = vector.broadcast %reduce_sum3A_1366 : i1 to vector<16xi1>
      %reduce_sum3A_1368 = tpu.scan <sum>, %get3A_1365 masked %reduce_sum3A_1367 : vector<16xf32>, vector<16xi1> -> vector<16xf32>
      %reduce_sum3A_1369 = vector.extract %reduce_sum3A_1368[15] : f32 from vector<16xf32>
      %eq3A_1370 = arith.constant 15 : i32
      %eq3A_1371 = vector.broadcast %eq3A_1370 : i32 to vector<16xi32>
      %eq3A_1372 = arith.cmpi eq, %iota3A, %eq3A_1371 : vector<16xi32>
      %broadcast_in_dim3A_1373 = vector.broadcast %reduce_sum3A_1369 : f32 to vector<16xf32>
      %select_n3A_1374 = arith.select %eq3A_1372, %broadcast_in_dim3A_1373, %select_n3A_1361 : vector<16xi1>, vector<16xf32>
      %neg3A_1375 = arith.constant 0.000000e+00 : f32
      %neg3A_1376 = vector.broadcast %neg3A_1375 : f32 to vector<16xf32>
      %neg3A_1377 = arith.subf %neg3A_1376, %select_n3A_1374 : vector<16xf32>
      %exp3A_1378 = math.exp %neg3A_1377 : vector<16xf32>
      %add3A_1379 = arith.constant 1.000000e+00 : f32
      %add3A_1380 = vector.broadcast %add3A_1379 : f32 to vector<16xf32>
      %add3A_1381 = arith.addf %add3A_1380, %exp3A_1378 : vector<16xf32>
      %div3A_1382 = arith.constant 1.000000e+00 : f32
      %div3A_1383 = vector.broadcast %div3A_1382 : f32 to vector<16xf32>
      %div3A_1384 = arith.divf %div3A_1383, %add3A_1381 : vector<16xf32>
      %add3A_1385 = arith.constant 48 : i32
      %add3A_1386 = arith.addi %mul3A_49, %add3A_1385 : i32
      %swap3A_1387 = arith.index_cast %add3A_1386 : i32 to index
      %swap3A_1388 = tpu.vector_load %arg12[%swap3A_1387] {strides = array<i32>} : memref<512xf32, #tpu.memory_space<vmem>>, vector<16xf32>,
      tpu.vector_store %arg12[%swap3A_1387], %div3A_1384 {strides = array<i32>} : memref<512xf32, #tpu.memory_space<vmem>>, vector<16xf32>,
    }
    %scan3A_46 = arith.constant 8 : i32
    "tpu.region"() ({
      %run_scoped3A_47 = tpu.sem_alloc : memref<!tpu.dma_semaphore, #tpu.memory_space<semaphore_mem>>
      %dma_start3A = tpu.memref_slice %arg6[%mul3A_2] : memref<16384xf32, #tpu.memory_space<hbm>> -> memref<512xf32, #tpu.memory_space<hbm>>
      %dma_start3A_48 = tpu.memref_slice %arg6[%mul3A_2] : memref<16384xf32, #tpu.memory_space<hbm>> -> memref<512xf32, #tpu.memory_space<hbm>>
      tpu.enqueue_dma source(%arg12 : memref<512xf32, #tpu.memory_space<vmem>>) target(%dma_start3A_48 : memref<512xf32, #tpu.memory_space<hbm>>) target_semaphore(%run_scoped3A_47 : memref<!tpu.dma_semaphore, #tpu.memory_space<semaphore_mem>>)
      %dma_wait3A = tpu.memref_slice %arg6[%mul3A_2] : memref<16384xf32, #tpu.memory_space<hbm>> -> memref<512xf32, #tpu.memory_space<hbm>>
      %dma_wait3A_49 = tpu.memref_slice %arg6[%mul3A_2] : memref<16384xf32, #tpu.memory_space<hbm>> -> memref<512xf32, #tpu.memory_space<hbm>>
      tpu.wait_dma2 semaphore(%run_scoped3A_47 : memref<!tpu.dma_semaphore, #tpu.memory_space<semaphore_mem>>) src(%arg12 : memref<512xf32, #tpu.memory_space<vmem>>) dst(%dma_wait3A_49 : memref<512xf32, #tpu.memory_space<hbm>>)
      tpu.yield
    }) : () -> ()
    return
  }
}

</mosaic_0001>

<sc_bundles>
// kernel: _cbow.3.cloned.1.call-start
scs
__scs_entry_jumppad:
0x0: {  	(pc) =	sbr.rel $0x88, $3  }
0x1: {  	(tag) =	ssettag $0x0;
	lr =	simm.s32 $0x1  }
0x2: {  	[smem:$0x3F9D] =	sst lr;
	_ =	strace $0xD0000000  }
0x3: {  	_ = 	snop  }
0x4: {  	_ = 	snop  }
0x5: {  	_ = 	snop  }
0x6: {  	_ = 	snop  }
0x7: {  	_ = 	snop  }
__scs_overlays_trampoline_lowered:
0x8: {  	[smem:$0x3FAC] =	sst s0  }
0x9: {  	[smem:$0x3FAD] =	sst s1  }
0xa: {  	[smem:$0x3FAE] =	sst s2  }
0xb: {  	[smem:$0x3FAF] =	sst s3  }
0xc: {  	[smem:$0x3FB0] =	sst s4  }
0xd: {  	[smem:$0x3FB1] =	sst s5  }
0xe: {  	[smem:$0x3FB2] =	sst s6  }
0xf: {  	[smem:$0x3FB3] =	sst s7  }
0x10: {  	[smem:$0x3FB4] =	sst s8  }
0x11: {  	[smem:$0x3FB5] =	sst s9;
	s0 =	simm.s32 @!p0 $0x0  }
0x12: {  	s1 =	sld [smem:$0x3F9B];
	s0 =	simm.s32 @p0 $0x1  }
0x13: {  	[smem:$0x3FB6] =	sst s0;
	s0 =	simm.s32 @!p1 $0x0  }
0x14: {  	s2 =	sld [smem:$0x3F9A];
	s0 =	simm.s32 @p1 $0x1  }
0x15: {  	[smem:$0x3FB7] =	sst s0;
	s0 =	simm.s32 @!p2 $0x0  }
0x16: {  	s3 =	sld [smem:$0x3FDB];
	s0 =	simm.s32 @p2 $0x1  }
0x17: {  	s4 =	simm.s32 $0x1BF5;
	[smem:$0x3FB9] =	sst s0  }
0x18: {  	s0 =	sld [smem:$0x3F9C];
	_ =	swait.ge [sflag:s4], $0x0  }
0x19: {  	s7 =	sld [smem:$0x3F9D]  }
0x1a: {  	s8 =	sadd.s32 $0xFFFFE003, lr  }
0x1b: {  	s9 =	sadd.s32 $0xFFFFFEF7, lr;
	s5 =	simm.s32 $0xFFFFFFFF;
	p2 =	slt.u32 s8, $0xFFFFF086  }
0x1c: {  	p1 =	slt.u32 s9, $0xF7A;
	s5 =	simm.s32 @!p2 $0x0  }
0x1d: {  	s5 =	simm.s32 @p1 $0x1;
	p0 =	seq.s32 s7, s2  }
0x1e: {  	s7 =	smul.u32 @!p0 $0xF7A, s2;
	p2 =	seq.s32 @!p0 s5, $0x0  }
0x1f: {  	s9 =	smul.u32 $0xF7A, s1;
	s8 =	simm.s32 @!p0 $0x1BF5;
	p2 =	por !p2, p0  }
0x20: {  	[sflag:s8] =	ssyncset.s32 @!p0 $0xFFFFF086;
	s6 =	sadd.s32 @!p0 s3, s7;
	s7 =	simm.s32 @!p0 $0x108  }
0x21: {  	s3 =	sadd.s32 s3, s9;
	s6 =	sadd.s32 @!p0 $0x88, s6;
	s7 =	simm.s32 @p2 $0x1082  }
0x22: {  	[simem:s7], [sflag:s8] =	dma.local @!p0 [hbm:s6], $0xF7A  }
0x23: {  	s9 =	sor.u32 $0xD0000000, s2;
	s6 =	simm.s32 $0x108;
	_ =	swait.ge @!p0 [sflag:s8], $0x0  }
0x24: {  	s3 =	sadd.s32 $0x88, s3;
	s6 =	simm.s32 @!p1 $0x1082;
	[sflag:s4] =	ssyncset.s32 $0xFFFFF086  }
0x25: {  	[simem:s6], [sflag:s4] =	dma.local [hbm:s3], $0xF7A  }
0x26: {  	[smem:$0x3F9D] =	sst s1;
	(tag) =	ssettag s2;
	_ =	strace s9  }
0x27: {  	s1 =	sld [smem:$0x3FAD]  }
0x28: {  	s2 =	sld [smem:$0x3FAE]  }
0x29: {  	s4 =	sld [smem:$0x3FB0]  }
0x2a: {  	p0 =	seq.s32 s5, $0x0;
	s5 =	sld [smem:$0x3FB1]  }
0x2b: {  	s6 =	sld [smem:$0x3FB2]  }
0x2c: {  	s7 =	sld [smem:$0x3FB3]  }
0x2d: {  	s3 =	simm.s32 $0x108;
	s8 =	sld [smem:$0x3FB4]  }
0x2e: {  	s3 =	simm.s32 @!p0 $0x1082;
	s9 =	sld [smem:$0x3FB5]  }
0x2f: {  	lr =	sadd.s32 s0, s3;
	s0 =	sld [smem:$0x3FAC]  }
0x30: {  	s3 =	sld [smem:$0x3FAF]  }
0x31: {  	[smem:$0x3FB8] =	sst s10  }
0x32: {  	s10 =	sld [smem:$0x3FB6];
	_ =	sdelay $0x3  }
0x33: {  	p0 =	seq.s32 s10, $0x1;
	s10 =	sld [smem:$0x3FB8];
	_ =	sdelay $0x3  }
0x34: {  	[smem:$0x3FB8] =	sst s10  }
0x35: {  	s10 =	sld [smem:$0x3FB7];
	_ =	sdelay $0x3  }
0x36: {  	p1 =	seq.s32 s10, $0x1;
	s10 =	sld [smem:$0x3FB8];
	_ =	sdelay $0x3  }
0x37: {  	[smem:$0x3FB8] =	sst s10  }
0x38: {  	s10 =	sld [smem:$0x3FB9]  }
0x39: {  	_ = 	snop;
	(pc) =	sbr.ind lr, $3  }
0x3a: {  	_ = 	snop  }
0x3b: {  	_ = 	snop  }
0x3c: {  	p2 =	seq.s32 s10, $0x1;
	s10 =	sld [smem:$0x3FB8]  }
0x3d: {  	_ =	shalt  }
0x3e: {  	_ =	shalt  }
0x3f: {  	_ =	shalt  }
0x40: {  	_ =	shalt  }
0x41: {  	_ =	shalt  }
0x42: {  	_ =	shalt  }
0x43: {  	_ =	shalt  }
0x44: {  	_ =	shalt  }
0x45: {  	_ =	shalt  }
0x46: {  	_ =	shalt  }
0x47: {  	_ =	shalt  }
0x48: {  	_ =	shalt  }
0x49: {  	_ =	shalt  }
0x4a: {  	_ =	shalt  }
0x4b: {  	_ =	shalt  }
0x4c: {  	_ =	shalt  }
0x4d: {  	_ =	shalt  }
0x4e: {  	_ =	shalt  }
0x4f: {  	_ =	shalt  }
0x50: {  	_ =	shalt  }
0x51: {  	_ =	shalt  }
0x52: {  	_ =	shalt  }
0x53: {  	_ =	shalt  }
0x54: {  	_ =	shalt  }
0x55: {  	_ =	shalt  }
0x56: {  	_ =	shalt  }
0x57: {  	_ =	shalt  }
0x58: {  	_ =	shalt  }
0x59: {  	_ =	shalt  }
0x5a: {  	_ =	shalt  }
0x5b: {  	_ =	shalt  }
0x5c: {  	_ =	shalt  }
0x5d: {  	_ =	shalt  }
0x5e: {  	_ =	shalt  }
0x5f: {  	_ =	shalt  }
0x60: {  	_ =	shalt  }
0x61: {  	_ =	shalt  }
0x62: {  	_ =	shalt  }
0x63: {  	_ =	shalt  }
0x64: {  	_ =	shalt  }
0x65: {  	_ =	shalt  }
0x66: {  	_ =	shalt  }
0x67: {  	_ =	shalt  }
0x68: {  	_ =	shalt  }
0x69: {  	_ =	shalt  }
0x6a: {  	_ =	shalt  }
0x6b: {  	_ =	shalt  }
0x6c: {  	_ =	shalt  }
0x6d: {  	_ =	shalt  }
0x6e: {  	_ =	shalt  }
0x6f: {  	_ =	shalt  }
0x70: {  	_ =	shalt  }
0x71: {  	_ =	shalt  }
0x72: {  	_ =	shalt  }
0x73: {  	_ =	shalt  }
0x74: {  	_ =	shalt  }
0x75: {  	_ =	shalt  }
0x76: {  	_ =	shalt  }
0x77: {  	_ =	shalt  }
0x78: {  	_ =	shalt  }
0x79: {  	_ =	shalt  }
0x7a: {  	_ =	shalt  }
0x7b: {  	_ =	shalt  }
0x7c: {  	_ =	shalt  }
0x7d: {  	_ =	shalt  }
0x7e: {  	_ =	shalt  }
0x7f: {  	_ =	shalt  }
0x80: {  	_ =	shalt  }
0x81: {  	_ =	shalt  }
0x82: {  	_ =	shalt  }
0x83: {  	_ =	shalt  }
0x84: {  	_ =	shalt  }
0x85: {  	_ =	shalt  }
0x86: {  	_ =	shalt  }
0x87: {  	_ =	shalt  }
.Lfunc_end0:
.L_simem_size_0:
called_computation_lowered:
.L_overlay_start_0:
0x88: {  	s2 =	sld [smem:$0x3FD9]  }
0x89: {  	s3 =	sld [smem:$0x3FFE];
	_ =	sdelay $0x1  }
0x8a: {  	s1 =	srdreg.scid  }
0x8b: {  	s0 =	sand.u32 $0x1, s1  }
0x8c: {  	s17 =	sshll.u32 s0, $0xA;
	s2 =	sadd.s32 s3, s2  }
0x8d: {  	s2 =	sadd.s32 s2, s17  }
0x8e: {  	[smem:$0x3FC4] =	sst s2  }
0x8f: {  	_ = 	snop  }
0x90: {  	s2 =	sld [smem:$0x3FC9]  }
0x91: {  	s18 =	sld [smem:$0x3FD0];
	(tm) =	ssettm $0x1  }
0x92: {  	s4 =	sld [smem:$0x3FFB];
	_ =	sdelay $0x3  }
0x93: {  	_ =	strace s4  }
0x94: {  	s4 =	sld [smem:$0x3FFC];
	_ =	sdelay $0x3  }
0x95: {  	_ =	strace s4  }
0x96: {  	s4 =	sld [smem:$0x3FFD];
	_ =	sdelay $0x3  }
0x97: {  	_ =	strace s4  }
0x98: {  	_ =	strace $0x8FFFFFFF  }
0x99: {  	s19 =	sld [smem:$0x3FDB];
	_ =	sdelay $0x1  }
0x9a: {  	s5 =	simm.s32 $_scs_section_size  }
0x9b: {  	s6 =	simm.s32 $_size__tile_overlayer_lowered;
	s7 =	simm.s32 $_tile_overlayer_lowered  }
0x9c: {  	s22 =	simm.s32 $0x1BFF;
	s21 =	sshll.u32 s7, $0x1;
	s4 =	sadd.s32 s5, s19  }
0x9d: {  	s8 =	simm.s32 $0x0;
	s20 =	sshll.u32 s6, $0x1;
	s6 =	sadd.s32 s21, s4  }
0x9e: {  	[timem:s8], [sflag:s22] =	dma.local [hbm:s6], s20  }
0x9f: {  	_ =	swait.ge [sflag:s22], s20  }
0xa0: {  	s5 =	ssub.s32 $0x0, s20;
	[sflag:s22] =	ssyncset.done $0x0  }
0xa1: {  	[sflag:s22] =	ssyncadd.s32 s5;
	_ =	sdelay $0x1  }
0xa2: {  	s23 =	simm.s32 $0x1B8B  }
0xa3: {  	_ =	swait.ge [sflag:s23], $0x1  }
0xa4: {  	[sflag:s23] =	ssyncset.done $0x0  }
0xa5: {  	s25 =	simm.s32 $0x1B8E;
	s24 =	sld [smem:$0x3FFE];
	[sflag:s23] =	ssyncadd.s32 $0xFFFFFFFF  }
0xa6: {  	s26 =	simm.s32 $execute0_lowered;
	[smem:$0x3FD2] =	sst s25  }
0xa7: {  	s6 =	sshll.u32 s26, $0x1;
	_ =	strace $0x80000046;
	[dreg:$0x1] =	wrdreg $0xFFFFFFFF  }
0xa8: {  	s28 =	simm.s32 $_size_execute0_lowered;
	s4 =	sadd.s32 s4, s6;
	[dreg:$0x0] =	wrdreg $0x0  }
0xa9: {  	s6 =	sshll.u32 s28, $0x1;
	[dreg:$0x2] =	wrdreg s4  }
0xaa: {  	[dreg:$0x3] =	wrdreg s6  }
0xab: {  	[dreg:$0x4] =	wrdreg $0xC0  }
0xac: {  	_ =	task [dreg:s8], $0x5FFFF  }
0xad: {  	[dreg:$0x1] =	wrdreg $0xFFFFFFFF  }
0xae: {  	[dreg:$0x0] =	wrdreg $0x60  }
0xaf: {  	[dreg:$0x2] =	wrdreg s2  }
0xb0: {  	[dreg:$0x3] =	wrdreg s24  }
0xb1: {  	[dreg:$0x4] =	wrdreg s18  }
0xb2: {  	[dreg:$0x5] =	wrdreg $0x9  }
0xb3: {  	_ =	task.clear_ibuf [dreg:s8], $0x6FFFF;
	_ =	strace $0x90000046  }
0xb4: {  	s29 =	simm.s32 $0x9;
	_ =	strace $0x80000048  }
0xb5: {  	_ =	swait.ge [sflag:s29], $0x1  }
0xb6: {  	[sflag:s29] =	ssyncadd.s32 $0xFFFFFFFF  }
0xb7: {  	_ =	strace $0x90000048  }
0xb8: {  	_ =	sfence  }
0xb9: {  	s30 =	sld [smem:$0x0];
	_ =	sdelay $0x2  }
0xba: {  	s31 =	sshll.u32 s1, $0xD;
	s1 =	sshrl.u32 s1, $0x2  }
0xbb: {  	s3 =	sand.u32 $0x4000, s31;
	s1 =	sadd.s32 s1, s30  }
0xbc: {  	s0 =	sor.u32 s3, s0;
	s1 =	sshll.u32 s1, $0x11  }
0xbd: {  	s0 =	sor.u32 s1, s0  }
0xbe: {  	s0 =	sadd.s32 $0x8F2B, s0  }
0xbf: {  	[sflag:s0] =	ssyncadd.remote.s32 $0x1  }
0xc0: {  	_ =	sfence.sel $0xFFFF  }
0xc1: {  	[dreg:$0x0] =	wrdreg $0xFFFFFFFF;
	(pc) =	sbr.abs _section_cstart, $3  }
0xc2: {  	[dreg:$0x1] =	wrdreg $0xFFFFFFFF  }
0xc3: {  	_ =	task.clear_ibuf [dreg:s8], $0x2FFFF;
	_ =	strace $0x9FFFFFFF  }
0xc4: {  	(tm) =	ssettm $0x7FFFFFFF  }
0xc5: {  	_ =	shalt  }
tec
execute0_lowered:
.L_overlay_start_1:
0x0: {  	(tag) =	ssettag $0x1  }
0x1: {  	s0 =	rddreg [dreg:$0x0]  }
0x2: {  	s1 =	rddreg [dreg:$0x1]  }
0x3: {  	s2 =	rddreg [dreg:$0x2];
	s3 =	srdreg.scid  }
0x4: {  	s4 =	stileid.u32;
	s24 =	simm.s32 $0x0;
	s3 =	sand.u32 $0x1, s3  }
0x5: {  	s4 =	sshll.u32 s4, $0x7;
	[smem:$0x7FF] =	sst s24;
	s5 =	sshll.u32 s3, $0x6  }
0x6: {  	s6 =	ssub.s32 $0x2, s3;
	_ =	strace $0x80000047;
	s5 =	sor.u32 s5, s4  }
0x7: {  	s3 =	sadd.s32 $0x16E3C00, s1;
	s8 =	sshrl.u32 s6, $0x1;
	s0 =	sadd.s32 s0, s5  }
0x8: {  	s7 =	sadd.s32 s5, s1;
	s22 =	sadd.s32 s2, s5;
	[dreg:$0x4] =	wrdreg s0  }
0x9: {  	s4 =	sadd.s32 $0xF42A00, s1;
	s31 =	sadd.s32 $0x600, s7;
	[dreg:$0x15] =	wrdreg s22  }
0xa: {  	s1 =	ssub.s32 s6, s8;
	s6 =	sadd.s32 $0xE00, s7;
	[dreg:$0x5] =	wrdreg s31  }
0xb: {  	s8 =	sadd.s32 $0x1600, s7;
	[dreg:$0x6] =	wrdreg s6  }
0xc: {  	s9 =	sadd.s32 $0x1E00, s7;
	[dreg:$0x7] =	wrdreg s8  }
0xd: {  	s10 =	sadd.s32 $0x2600, s7;
	[dreg:$0x8] =	wrdreg s9  }
0xe: {  	s11 =	sadd.s32 $0x2E00, s7;
	[dreg:$0x9] =	wrdreg s10  }
0xf: {  	s12 =	sadd.s32 $0x3600, s7;
	[dreg:$0xa] =	wrdreg s11  }
0x10: {  	s13 =	sadd.s32 $0x3E00, s7;
	[dreg:$0xb] =	wrdreg s12  }
0x11: {  	s14 =	sadd.s32 $0x4600, s7;
	[dreg:$0xc] =	wrdreg s13  }
0x12: {  	s15 =	sadd.s32 $0x4E00, s7;
	[dreg:$0xd] =	wrdreg s14  }
0x13: {  	s16 =	sadd.s32 $0x5600, s7;
	[dreg:$0xe] =	wrdreg s15  }
0x14: {  	s17 =	sadd.s32 $0x5E00, s7;
	[dreg:$0xf] =	wrdreg s16  }
0x15: {  	s18 =	sadd.s32 $0x6600, s7;
	[dreg:$0x10] =	wrdreg s17  }
0x16: {  	s19 =	sadd.s32 $0x6E00, s7;
	[dreg:$0x11] =	wrdreg s18  }
0x17: {  	s30 =	simm.s32 $0x2;
	s20 =	sadd.s32 $0x7600, s7;
	[dreg:$0x12] =	wrdreg s19  }
0x18: {  	s29 =	simm.s32 $0x40;
	s21 =	sadd.s32 $0x7E00, s7;
	[dreg:$0x13] =	wrdreg s20  }
0x19: {  	s5 =	simm.s32 $0x5A00;
	s23 =	sadd.s32 $0x8600, s7;
	[dreg:$0x14] =	wrdreg s21  }
0x1a: {  	s25 =	sadd.s32 $0x8E00, s7;
	s26 =	sadd.s32 $0x9600, s7;
	[dreg:$0x16] =	wrdreg s23  }
0x1b: {  	s28 =	sadd.s32 $0x9E00, s7;
	s0 =	simm.s32 $0x3A00;
	[dreg:$0x17] =	wrdreg s25  }
0x1c: {  	s7 =	simm.s32 $0x7A00;
	s22 =	simm.s32 $0x16A00;
	[dreg:$0x18] =	wrdreg s26  }
0x1d: {  	[dreg:$0x19] =	wrdreg s28;
	s31 =	smax.u32 s1, $0x1;
	s1 =	simm.s32 $0x4A00  }
0x1e: {  	s6 =	simm.s32 $0x6A00;
	s8 =	simm.s32 $0x8A00;
	s9 =	simm.s32 $0x9A00  }
0x1f: {  	vm0 =	vmmov $0x1;
	vm1 =	vmmov $0x3;
	vm2 =	vmmov $0x7;
	s10 =	simm.s32 $0xAA00;
	s11 =	simm.s32 $0xBA00;
	s12 =	simm.s32 $0xCA00  }
0x20: {  	vm3 =	vmmov $0xf;
	vm4 =	vmmov $0x1f;
	vm5 =	vmmov $0x3f;
	s13 =	simm.s32 $0xDA00;
	s14 =	simm.s32 $0xEA00;
	s15 =	simm.s32 $0xFA00  }
0x21: {  	vm6 =	vmmov $0x7f;
	vm7 =	vmmov $0xff;
	vm8 =	vmmov $0x1ff;
	s16 =	simm.s32 $0x10A00;
	s17 =	simm.s32 $0x11A00;
	s18 =	simm.s32 $0x12A00  }
0x22: {  	vm9 =	vmmov $0x3ff;
	vm10 =	vmmov $0x7ff;
	vm11 =	vmmov $0xfff;
	s19 =	simm.s32 $0x13A00;
	s20 =	simm.s32 $0x14A00;
	s21 =	simm.s32 $0x15A00  }
0x23: {  	vm12 =	vmmov $0x1fff;
	vm13 =	vmmov $0x3fff;
	vm14 =	vmmov $0x7fff;
	s23 =	simm.s32 $0x1;
	s25 =	simm.s32 $0x0;
	[dreg:$0x1a] =	wrdreg s31  }
.LBB2_1:
0x24: {  	[dreg:$0x1b] =	wrdreg s25  }
0x25: {  	s2 =	rddreg [dreg:$0x4];
	s31 =	simm.s32 $0x2800  }
0x26: {  	[tilespmem:s31], [sflag:$0x2] =	stream.linear.gather [hbm4b:s2+s24], $0x200, $0x38;
	[tilespmem:$0x18000] =	vst v63  }
0x27: {  	_ =	swait.ge [sflag:s30], $0x200  }
0x28: {  	[sflag:s30] =	ssyncset.done $0x0  }
0x29: {  	s26 =	rddreg [dreg:$0x5];
	[sflag:s30] =	ssyncadd.s32 $0xFFFFFE00  }
0x2a: {  	[tilespmem:s24], [sflag:$0x2] =	stream.linear.gather [hbm4b:s26+s24], $0x200, $0x38;
	[tilespmem:$0x18000] =	vst v63  }
0x2b: {  	_ =	swait.ge [sflag:s30], $0x200  }
0x2c: {  	[sflag:s30] =	ssyncset.done $0x0  }
0x2d: {  	s31 =	simm.s32 $0x200;
	s28 =	rddreg [dreg:$0x6];
	[sflag:s30] =	ssyncadd.s32 $0xFFFFFE00  }
0x2e: {  	[tilespmem:s31], [sflag:$0x2] =	stream.linear.gather [hbm4b:s28+s24], $0x200, $0x38;
	[tilespmem:$0x18000] =	vst v63  }
0x2f: {  	_ =	swait.ge [sflag:s30], $0x200  }
0x30: {  	[sflag:s30] =	ssyncset.done $0x0  }
0x31: {  	s26 =	simm.s32 $0x400;
	s25 =	rddreg [dreg:$0x7];
	[sflag:s30] =	ssyncadd.s32 $0xFFFFFE00  }
0x32: {  	[tilespmem:s26], [sflag:$0x2] =	stream.linear.gather [hbm4b:s25+s24], $0x200, $0x38;
	[tilespmem:$0x18000] =	vst v63  }
0x33: {  	_ =	swait.ge [sflag:s30], $0x200  }
0x34: {  	[sflag:s30] =	ssyncset.done $0x0  }
0x35: {  	s31 =	simm.s32 $0x600;
	s28 =	rddreg [dreg:$0x8];
	[sflag:s30] =	ssyncadd.s32 $0xFFFFFE00  }
0x36: {  	[tilespmem:s31], [sflag:$0x2] =	stream.linear.gather [hbm4b:s28+s24], $0x200, $0x38;
	[tilespmem:$0x18000] =	vst v63  }
0x37: {  	_ =	swait.ge [sflag:s30], $0x200  }
0x38: {  	[sflag:s30] =	ssyncset.done $0x0  }
0x39: {  	s26 =	simm.s32 $0x800;
	s25 =	rddreg [dreg:$0x9];
	[sflag:s30] =	ssyncadd.s32 $0xFFFFFE00  }
0x3a: {  	[tilespmem:s26], [sflag:$0x2] =	stream.linear.gather [hbm4b:s25+s24], $0x200, $0x38;
	[tilespmem:$0x18000] =	vst v63  }
0x3b: {  	_ =	swait.ge [sflag:s30], $0x200  }
0x3c: {  	[sflag:s30] =	ssyncset.done $0x0  }
0x3d: {  	s31 =	simm.s32 $0xA00;
	s28 =	rddreg [dreg:$0xa];
	[sflag:s30] =	ssyncadd.s32 $0xFFFFFE00  }
0x3e: {  	[tilespmem:s31], [sflag:$0x2] =	stream.linear.gather [hbm4b:s28+s24], $0x200, $0x38;
	[tilespmem:$0x18000] =	vst v63  }
0x3f: {  	_ =	swait.ge [sflag:s30], $0x200  }
0x40: {  	[sflag:s30] =	ssyncset.done $0x0  }
0x41: {  	s26 =	simm.s32 $0xC00;
	s25 =	rddreg [dreg:$0xb];
	[sflag:s30] =	ssyncadd.s32 $0xFFFFFE00  }
0x42: {  	[tilespmem:s26], [sflag:$0x2] =	stream.linear.gather [hbm4b:s25+s24], $0x200, $0x38;
	[tilespmem:$0x18000] =	vst v63  }
0x43: {  	_ =	swait.ge [sflag:s30], $0x200  }
0x44: {  	[sflag:s30] =	ssyncset.done $0x0  }
0x45: {  	s31 =	simm.s32 $0xE00;
	s28 =	rddreg [dreg:$0xc];
	[sflag:s30] =	ssyncadd.s32 $0xFFFFFE00  }
0x46: {  	[tilespmem:s31], [sflag:$0x2] =	stream.linear.gather [hbm4b:s28+s24], $0x200, $0x38;
	[tilespmem:$0x18000] =	vst v63  }
0x47: {  	_ =	swait.ge [sflag:s30], $0x200  }
0x48: {  	[sflag:s30] =	ssyncset.done $0x0  }
0x49: {  	s26 =	simm.s32 $0x1000;
	s25 =	rddreg [dreg:$0xd];
	[sflag:s30] =	ssyncadd.s32 $0xFFFFFE00  }
0x4a: {  	[tilespmem:s26], [sflag:$0x2] =	stream.linear.gather [hbm4b:s25+s24], $0x200, $0x38;
	[tilespmem:$0x18000] =	vst v63  }
0x4b: {  	_ =	swait.ge [sflag:s30], $0x200  }
0x4c: {  	[sflag:s30] =	ssyncset.done $0x0  }
0x4d: {  	s31 =	simm.s32 $0x1200;
	s28 =	rddreg [dreg:$0xe];
	[sflag:s30] =	ssyncadd.s32 $0xFFFFFE00  }
0x4e: {  	[tilespmem:s31], [sflag:$0x2] =	stream.linear.gather [hbm4b:s28+s24], $0x200, $0x38;
	[tilespmem:$0x18000] =	vst v63  }
0x4f: {  	_ =	swait.ge [sflag:s30], $0x200  }
0x50: {  	[sflag:s30] =	ssyncset.done $0x0  }
0x51: {  	s26 =	simm.s32 $0x1400;
	s25 =	rddreg [dreg:$0xf];
	[sflag:s30] =	ssyncadd.s32 $0xFFFFFE00  }
0x52: {  	[tilespmem:s26], [sflag:$0x2] =	stream.linear.gather [hbm4b:s25+s24], $0x200, $0x38;
	[tilespmem:$0x18000] =	vst v63  }
0x53: {  	_ =	swait.ge [sflag:s30], $0x200  }
0x54: {  	[sflag:s30] =	ssyncset.done $0x0  }
0x55: {  	s31 =	simm.s32 $0x1600;
	s28 =	rddreg [dreg:$0x10];
	[sflag:s30] =	ssyncadd.s32 $0xFFFFFE00  }
0x56: {  	[tilespmem:s31], [sflag:$0x2] =	stream.linear.gather [hbm4b:s28+s24], $0x200, $0x38;
	[tilespmem:$0x18000] =	vst v63  }
0x57: {  	_ =	swait.ge [sflag:s30], $0x200  }
0x58: {  	[sflag:s30] =	ssyncset.done $0x0  }
0x59: {  	s26 =	simm.s32 $0x1800;
	s25 =	rddreg [dreg:$0x11];
	[sflag:s30] =	ssyncadd.s32 $0xFFFFFE00  }
0x5a: {  	[tilespmem:s26], [sflag:$0x2] =	stream.linear.gather [hbm4b:s25+s24], $0x200, $0x38;
	[tilespmem:$0x18000] =	vst v63  }
0x5b: {  	_ =	swait.ge [sflag:s30], $0x200  }
0x5c: {  	[sflag:s30] =	ssyncset.done $0x0  }
0x5d: {  	s31 =	simm.s32 $0x1A00;
	s28 =	rddreg [dreg:$0x12];
	[sflag:s30] =	ssyncadd.s32 $0xFFFFFE00  }
0x5e: {  	[tilespmem:s31], [sflag:$0x2] =	stream.linear.gather [hbm4b:s28+s24], $0x200, $0x38;
	[tilespmem:$0x18000] =	vst v63  }
0x5f: {  	_ =	swait.ge [sflag:s30], $0x200  }
0x60: {  	[sflag:s30] =	ssyncset.done $0x0  }
0x61: {  	s26 =	simm.s32 $0x1C00;
	s25 =	rddreg [dreg:$0x13];
	[sflag:s30] =	ssyncadd.s32 $0xFFFFFE00  }
0x62: {  	[tilespmem:s26], [sflag:$0x2] =	stream.linear.gather [hbm4b:s25+s24], $0x200, $0x38;
	[tilespmem:$0x18000] =	vst v63  }
0x63: {  	_ =	swait.ge [sflag:s30], $0x200  }
0x64: {  	[sflag:s30] =	ssyncset.done $0x0  }
0x65: {  	s31 =	simm.s32 $0x1E00;
	s28 =	rddreg [dreg:$0x14];
	[sflag:s30] =	ssyncadd.s32 $0xFFFFFE00  }
0x66: {  	[tilespmem:s31], [sflag:$0x2] =	stream.linear.gather [hbm4b:s28+s24], $0x200, $0x38;
	[tilespmem:$0x18000] =	vst v63  }
0x67: {  	_ =	swait.ge [sflag:s30], $0x200  }
0x68: {  	[sflag:s30] =	ssyncset.done $0x0  }
0x69: {  	s26 =	simm.s32 $0x2000;
	s25 =	rddreg [dreg:$0x16];
	[sflag:s30] =	ssyncadd.s32 $0xFFFFFE00  }
0x6a: {  	[tilespmem:s26], [sflag:$0x2] =	stream.linear.gather [hbm4b:s25+s24], $0x200, $0x38;
	[tilespmem:$0x18000] =	vst v63  }
0x6b: {  	_ =	swait.ge [sflag:s30], $0x200  }
0x6c: {  	[sflag:s30] =	ssyncset.done $0x0  }
0x6d: {  	s31 =	simm.s32 $0x2200;
	s28 =	rddreg [dreg:$0x17];
	[sflag:s30] =	ssyncadd.s32 $0xFFFFFE00  }
0x6e: {  	[tilespmem:s31], [sflag:$0x2] =	stream.linear.gather [hbm4b:s28+s24], $0x200, $0x38;
	[tilespmem:$0x18000] =	vst v63  }
0x6f: {  	_ =	swait.ge [sflag:s30], $0x200  }
0x70: {  	[sflag:s30] =	ssyncset.done $0x0  }
0x71: {  	s26 =	simm.s32 $0x2400;
	s25 =	rddreg [dreg:$0x18];
	[sflag:s30] =	ssyncadd.s32 $0xFFFFFE00  }
0x72: {  	[tilespmem:s26], [sflag:$0x2] =	stream.linear.gather [hbm4b:s25+s24], $0x200, $0x38;
	[tilespmem:$0x18000] =	vst v63  }
0x73: {  	_ =	swait.ge [sflag:s30], $0x200  }
0x74: {  	[sflag:s30] =	ssyncset.done $0x0  }
0x75: {  	s31 =	simm.s32 $0x2600;
	s28 =	rddreg [dreg:$0x19];
	[sflag:s30] =	ssyncadd.s32 $0xFFFFFE00  }
0x76: {  	[tilespmem:s31], [sflag:$0x2] =	stream.linear.gather [hbm4b:s28+s24], $0x200, $0x38;
	[tilespmem:$0x18000] =	vst v63  }
0x77: {  	_ =	swait.ge [sflag:s30], $0x200  }
0x78: {  	[sflag:s30] =	ssyncset.done $0x0  }
0x79: {  	s25 =	simm.s32 $0x0;
	[sflag:s30] =	ssyncadd.s32 $0xFFFFFE00  }
.LBB2_2:
0x7a: {  	s26 =	sshll.u32 s25, $0x6;
	s2 =	simm.s32 $0x2A00  }
0x7b: {  	[tilespmem:s2], [sflag:$0x1] =	stream.indirect.gather [hbm4b:s3+s29], $0x40, s26, s29, $0xb8;
	[tilespmem:$0x18000] =	vst v63  }
0x7c: {  	s24 =	sadd.s32 $0x200, s26  }
0x7d: {  	[tilespmem:s0], [sflag:$0x1] =	stream.indirect.gather [hbm4b:s3+s29], $0x40, s24, s29, $0xb8;
	[tilespmem:$0x18000] =	vst v63  }
0x7e: {  	s31 =	sadd.s32 $0x400, s26  }
0x7f: {  	[tilespmem:s1], [sflag:$0x1] =	stream.indirect.gather [hbm4b:s3+s29], $0x40, s31, s29, $0xb8;
	[tilespmem:$0x18000] =	vst v63  }
0x80: {  	s24 =	sadd.s32 $0x600, s26  }
0x81: {  	[tilespmem:s5], [sflag:$0x1] =	stream.indirect.gather [hbm4b:s3+s29], $0x40, s24, s29, $0xb8;
	[tilespmem:$0x18000] =	vst v63  }
0x82: {  	s31 =	sadd.s32 $0x800, s26  }
0x83: {  	[tilespmem:s6], [sflag:$0x1] =	stream.indirect.gather [hbm4b:s3+s29], $0x40, s31, s29, $0xb8;
	[tilespmem:$0x18000] =	vst v63  }
0x84: {  	s24 =	sadd.s32 $0xA00, s26  }
0x85: {  	[tilespmem:s7], [sflag:$0x1] =	stream.indirect.gather [hbm4b:s3+s29], $0x40, s24, s29, $0xb8;
	[tilespmem:$0x18000] =	vst v63  }
0x86: {  	s31 =	sadd.s32 $0xC00, s26  }
0x87: {  	[tilespmem:s8], [sflag:$0x1] =	stream.indirect.gather [hbm4b:s3+s29], $0x40, s31, s29, $0xb8;
	[tilespmem:$0x18000] =	vst v63  }
0x88: {  	s24 =	sadd.s32 $0xE00, s26  }
0x89: {  	[tilespmem:s9], [sflag:$0x1] =	stream.indirect.gather [hbm4b:s3+s29], $0x40, s24, s29, $0xb8;
	[tilespmem:$0x18000] =	vst v63  }
0x8a: {  	s31 =	sadd.s32 $0x1000, s26  }
0x8b: {  	[tilespmem:s10], [sflag:$0x1] =	stream.indirect.gather [hbm4b:s3+s29], $0x40, s31, s29, $0xb8;
	[tilespmem:$0x18000] =	vst v63  }
0x8c: {  	s24 =	sadd.s32 $0x1200, s26  }
0x8d: {  	[tilespmem:s11], [sflag:$0x1] =	stream.indirect.gather [hbm4b:s3+s29], $0x40, s24, s29, $0xb8;
	[tilespmem:$0x18000] =	vst v63  }
0x8e: {  	s31 =	sadd.s32 $0x1400, s26  }
0x8f: {  	[tilespmem:s12], [sflag:$0x1] =	stream.indirect.gather [hbm4b:s3+s29], $0x40, s31, s29, $0xb8;
	[tilespmem:$0x18000] =	vst v63  }
0x90: {  	s24 =	sadd.s32 $0x1600, s26  }
0x91: {  	[tilespmem:s13], [sflag:$0x1] =	stream.indirect.gather [hbm4b:s3+s29], $0x40, s24, s29, $0xb8;
	[tilespmem:$0x18000] =	vst v63  }
0x92: {  	s31 =	sadd.s32 $0x1800, s26  }
0x93: {  	[tilespmem:s14], [sflag:$0x1] =	stream.indirect.gather [hbm4b:s3+s29], $0x40, s31, s29, $0xb8;
	[tilespmem:$0x18000] =	vst v63  }
0x94: {  	s24 =	sadd.s32 $0x1A00, s26  }
0x95: {  	[tilespmem:s15], [sflag:$0x1] =	stream.indirect.gather [hbm4b:s3+s29], $0x40, s24, s29, $0xb8;
	[tilespmem:$0x18000] =	vst v63  }
0x96: {  	s31 =	sadd.s32 $0x1C00, s26  }
0x97: {  	[tilespmem:s16], [sflag:$0x1] =	stream.indirect.gather [hbm4b:s3+s29], $0x40, s31, s29, $0xb8;
	[tilespmem:$0x18000] =	vst v63  }
0x98: {  	s24 =	sadd.s32 $0x1E00, s26  }
0x99: {  	[tilespmem:s17], [sflag:$0x1] =	stream.indirect.gather [hbm4b:s3+s29], $0x40, s24, s29, $0xb8;
	[tilespmem:$0x18000] =	vst v63  }
0x9a: {  	s31 =	sadd.s32 $0x2000, s26  }
0x9b: {  	[tilespmem:s18], [sflag:$0x1] =	stream.indirect.gather [hbm4b:s3+s29], $0x40, s31, s29, $0xb8;
	[tilespmem:$0x18000] =	vst v63  }
0x9c: {  	s24 =	sadd.s32 $0x2200, s26  }
0x9d: {  	[tilespmem:s19], [sflag:$0x1] =	stream.indirect.gather [hbm4b:s3+s29], $0x40, s24, s29, $0xb8;
	[tilespmem:$0x18000] =	vst v63  }
0x9e: {  	s31 =	sadd.s32 $0x2400, s26  }
0x9f: {  	[tilespmem:s20], [sflag:$0x1] =	stream.indirect.gather [hbm4b:s3+s29], $0x40, s31, s29, $0xb8;
	[tilespmem:$0x18000] =	vst v63  }
0xa0: {  	s24 =	sadd.s32 $0x2600, s26  }
0xa1: {  	[tilespmem:s21], [sflag:$0x1] =	stream.indirect.gather [hbm4b:s3+s29], $0x40, s24, s29, $0xb8;
	[tilespmem:$0x18000] =	vst v63  }
0xa2: {  	s31 =	sadd.s32 $0x2800, s26  }
0xa3: {  	[tilespmem:s22], [sflag:$0x1] =	stream.indirect.gather [hbm4b:s4+s29], $0x40, s31, s29, $0xb8;
	[tilespmem:$0x18000] =	vst v63  }
0xa4: {  	_ =	swait.ge [sflag:s23], $0x1000  }
0xa5: {  	[sflag:s23] =	ssyncset.done $0x0  }
0xa6: {  	[sflag:s23] =	ssyncadd.s32 $0xFFFFF000  }
0xa7: {  	_ =	swait.ge [sflag:s23], $0x1000  }
0xa8: {  	[sflag:s23] =	ssyncset.done $0x0  }
0xa9: {  	[sflag:s23] =	ssyncadd.s32 $0xFFFFF000  }
0xaa: {  	_ =	swait.ge [sflag:s23], $0x1000  }
0xab: {  	[sflag:s23] =	ssyncset.done $0x0  }
0xac: {  	[sflag:s23] =	ssyncadd.s32 $0xFFFFF000  }
0xad: {  	_ =	swait.ge [sflag:s23], $0x1000  }
0xae: {  	[sflag:s23] =	ssyncset.done $0x0  }
0xaf: {  	[sflag:s23] =	ssyncadd.s32 $0xFFFFF000  }
0xb0: {  	_ =	swait.ge [sflag:s23], $0x1000  }
0xb1: {  	[sflag:s23] =	ssyncset.done $0x0  }
0xb2: {  	[sflag:s23] =	ssyncadd.s32 $0xFFFFF000  }
0xb3: {  	_ =	swait.ge [sflag:s23], $0x1000  }
0xb4: {  	[sflag:s23] =	ssyncset.done $0x0  }
0xb5: {  	[sflag:s23] =	ssyncadd.s32 $0xFFFFF000  }
0xb6: {  	_ =	swait.ge [sflag:s23], $0x1000  }
0xb7: {  	[sflag:s23] =	ssyncset.done $0x0  }
0xb8: {  	[sflag:s23] =	ssyncadd.s32 $0xFFFFF000  }
0xb9: {  	_ =	swait.ge [sflag:s23], $0x1000  }
0xba: {  	[sflag:s23] =	ssyncset.done $0x0  }
0xbb: {  	[sflag:s23] =	ssyncadd.s32 $0xFFFFF000  }
0xbc: {  	_ =	swait.ge [sflag:s23], $0x1000  }
0xbd: {  	[sflag:s23] =	ssyncset.done $0x0  }
0xbe: {  	[sflag:s23] =	ssyncadd.s32 $0xFFFFF000  }
0xbf: {  	_ =	swait.ge [sflag:s23], $0x1000  }
0xc0: {  	[sflag:s23] =	ssyncset.done $0x0  }
0xc1: {  	[sflag:s23] =	ssyncadd.s32 $0xFFFFF000  }
0xc2: {  	_ =	swait.ge [sflag:s23], $0x1000  }
0xc3: {  	[sflag:s23] =	ssyncset.done $0x0  }
0xc4: {  	[sflag:s23] =	ssyncadd.s32 $0xFFFFF000  }
0xc5: {  	_ =	swait.ge [sflag:s23], $0x1000  }
0xc6: {  	[sflag:s23] =	ssyncset.done $0x0  }
0xc7: {  	[sflag:s23] =	ssyncadd.s32 $0xFFFFF000  }
0xc8: {  	_ =	swait.ge [sflag:s23], $0x1000  }
0xc9: {  	[sflag:s23] =	ssyncset.done $0x0  }
0xca: {  	[sflag:s23] =	ssyncadd.s32 $0xFFFFF000  }
0xcb: {  	_ =	swait.ge [sflag:s23], $0x1000  }
0xcc: {  	[sflag:s23] =	ssyncset.done $0x0  }
0xcd: {  	[sflag:s23] =	ssyncadd.s32 $0xFFFFF000  }
0xce: {  	_ =	swait.ge [sflag:s23], $0x1000  }
0xcf: {  	[sflag:s23] =	ssyncset.done $0x0  }
0xd0: {  	[sflag:s23] =	ssyncadd.s32 $0xFFFFF000  }
0xd1: {  	_ =	swait.ge [sflag:s23], $0x1000  }
0xd2: {  	[sflag:s23] =	ssyncset.done $0x0  }
0xd3: {  	[sflag:s23] =	ssyncadd.s32 $0xFFFFF000  }
0xd4: {  	_ =	swait.ge [sflag:s23], $0x1000  }
0xd5: {  	[sflag:s23] =	ssyncset.done $0x0  }
0xd6: {  	[sflag:s23] =	ssyncadd.s32 $0xFFFFF000  }
0xd7: {  	_ =	swait.ge [sflag:s23], $0x1000  }
0xd8: {  	[sflag:s23] =	ssyncset.done $0x0  }
0xd9: {  	[sflag:s23] =	ssyncadd.s32 $0xFFFFF000  }
0xda: {  	_ =	swait.ge [sflag:s23], $0x1000  }
0xdb: {  	[sflag:s23] =	ssyncset.done $0x0  }
0xdc: {  	[sflag:s23] =	ssyncadd.s32 $0xFFFFF000  }
0xdd: {  	_ =	swait.ge [sflag:s23], $0x1000  }
0xde: {  	[sflag:s23] =	ssyncset.done $0x0  }
0xdf: {  	[sflag:s23] =	ssyncadd.s32 $0xFFFFF000  }
0xe0: {  	_ =	swait.ge [sflag:s23], $0x1000  }
0xe1: {  	s28 =	simm.s32 $0xFFFFFFFE;
	[sflag:s23] =	ssyncset.done $0x0  }
0xe2: {  	s2 =	simm.s32 $0x17A10;
	s24 =	simm.s32 $0x0;
	[sflag:s23] =	ssyncadd.s32 $0xFFFFF000  }
.LBB2_3:
0xe3: {  	s31 =	sshra.s32 s24, $0x2  }
0xe4: {  	v1 =	vld [tilespmem:s31+$0x2A00]  }
0xe5: {  	v2 =	vld [tilespmem:s31+$0x3A00]  }
0xe6: {  	v3 =	vld [tilespmem:s31+$0x4A00]  }
0xe7: {  	v4 =	vld [tilespmem:s31+$0x5A00]  }
0xe8: {  	v5 =	vld [tilespmem:s31+$0x6A00]  }
0xe9: {  	v6 =	vld [tilespmem:s31+$0x7A00]  }
0xea: {  	v7 =	vld [tilespmem:s31+$0x8A00]  }
0xeb: {  	v8 =	vld [tilespmem:s31+$0x9A00]  }
0xec: {  	v9 =	vld [tilespmem:s31+$0xAA00]  }
0xed: {  	v10 =	vld [tilespmem:s31+$0xBA00]  }
0xee: {  	v11 =	vld [tilespmem:s31+$0xCA00]  }
0xef: {  	v12 =	vld [tilespmem:s31+$0xDA00]  }
0xf0: {  	v13 =	vld [tilespmem:s31+$0xEA00]  }
0xf1: {  	v14 =	vld [tilespmem:s31+$0xFA00]  }
0xf2: {  	v15 =	vld [tilespmem:s31+$0x10A00]  }
0xf3: {  	v16 =	vld [tilespmem:s31+$0x11A00]  }
0xf4: {  	v17 =	vld [tilespmem:s31+$0x12A00]  }
0xf5: {  	v18 =	vld [tilespmem:s31+$0x13A00]  }
0xf6: {  	v19 =	vld [tilespmem:s31+$0x14A00]  }
0xf7: {  	v20 =	vld [tilespmem:s31+$0x15A00]  }
0xf8: {  	v0 =	vld [tilespmem:s31+$0x16A00]  }
0xf9: {  	v21 =	vld [tilespmem:s31+$0x2A10]  }
0xfa: {  	v22 =	vld [tilespmem:s31+$0x3A10]  }
0xfb: {  	v23 =	vld [tilespmem:s31+$0x4A10]  }
0xfc: {  	v24 =	vld [tilespmem:s31+$0x5A10]  }
0xfd: {  	v25 =	vld [tilespmem:s31+$0x6A10]  }
0xfe: {  	v26 =	vld [tilespmem:s31+$0x7A10]  }
0xff: {  	v27 =	vld [tilespmem:s31+$0x8A10]  }
0x100: {  	v28 =	vld [tilespmem:s31+$0x9A10]  }
0x101: {  	v29 =	vld [tilespmem:s31+$0xAA10]  }
0x102: {  	v30 =	vld [tilespmem:s31+$0xBA10]  }
0x103: {  	v31 =	vld [tilespmem:s31+$0xCA10]  }
0x104: {  	v32 =	vld [tilespmem:s31+$0xDA10]  }
0x105: {  	v33 =	vld [tilespmem:s31+$0xEA10]  }
0x106: {  	v34 =	vld [tilespmem:s31+$0xFA10]  }
0x107: {  	v35 =	vld [tilespmem:s31+$0x10A10]  }
0x108: {  	v36 =	vld [tilespmem:s31+$0x11A10]  }
0x109: {  	v37 =	vld [tilespmem:s31+$0x12A10]  }
0x10a: {  	v38 =	vld [tilespmem:s31+$0x13A10]  }
0x10b: {  	v39 =	vld [tilespmem:s31+$0x14A10]  }
0x10c: {  	v40 =	vld [tilespmem:s31+$0x15A10]  }
0x10d: {  	v41 =	vld [tilespmem:s31+$0x16A10]  }
0x10e: {  	v42 =	vld [tilespmem:s31+$0x2A20]  }
0x10f: {  	v43 =	vld [tilespmem:s31+$0x3A20]  }
0x110: {  	v63 =	vld [tilespmem:s31+$0x4A20]  }
0x111: {  	v44 =	vld [tilespmem:s31+$0x2A30];
	v1 =	vadd.f32 v2, v1  }
0x112: {  	v48 =	vld [tilespmem:s31+$0x3A30];
	v47 =	vadd.f32 v22, v21  }
0x113: {  	v49 =	vld [tilespmem:s31+$0x5A20];
	v1 =	vadd.f32 v3, v1  }
0x114: {  	v50 =	vld [tilespmem:s31+$0x4A30];
	v51 =	vadd.f32 v43, v42;
	v3 =	vadd.f32 v23, v47  }
0x115: {  	v52 =	vld [tilespmem:s31+$0x6A20];
	v1 =	vadd.f32 v4, v1  }
0x116: {  	v53 =	vld [tilespmem:s31+$0x5A30];
	v2 =	vadd.f32 v63, v51;
	v3 =	vadd.f32 v24, v3  }
0x117: {  	v54 =	vld [tilespmem:s31+$0x7A20];
	v21 =	vadd.f32 v48, v44;
	v1 =	vadd.f32 v5, v1  }
0x118: {  	v55 =	vld [tilespmem:s31+$0x6A30];
	v2 =	vadd.f32 v49, v2;
	v3 =	vadd.f32 v25, v3  }
0x119: {  	v56 =	vld [tilespmem:s31+$0x8A20];
	v4 =	vadd.f32 v50, v21;
	v1 =	vadd.f32 v6, v1  }
0x11a: {  	v57 =	vld [tilespmem:s31+$0x7A30];
	v2 =	vadd.f32 v52, v2;
	v3 =	vadd.f32 v26, v3  }
0x11b: {  	v58 =	vld [tilespmem:s31+$0x9A20];
	v4 =	vadd.f32 v53, v4;
	v1 =	vadd.f32 v7, v1  }
0x11c: {  	v59 =	vld [tilespmem:s31+$0x8A30];
	v2 =	vadd.f32 v54, v2;
	v3 =	vadd.f32 v27, v3  }
0x11d: {  	v60 =	vld [tilespmem:s31+$0xAA20];
	v4 =	vadd.f32 v55, v4;
	v1 =	vadd.f32 v8, v1  }
0x11e: {  	v61 =	vld [tilespmem:s31+$0x9A30];
	v2 =	vadd.f32 v56, v2;
	v3 =	vadd.f32 v28, v3  }
0x11f: {  	v62 =	vld [tilespmem:s31+$0xBA20];
	v4 =	vadd.f32 v57, v4;
	v1 =	vadd.f32 v9, v1  }
0x120: {  	v63 =	vld [tilespmem:s31+$0xAA30];
	v2 =	vadd.f32 v58, v2;
	v3 =	vadd.f32 v29, v3  }
0x121: {  	v22 =	vld [tilespmem:s31+$0xCA20];
	v4 =	vadd.f32 v59, v4;
	v1 =	vadd.f32 v10, v1  }
0x122: {  	v23 =	vld [tilespmem:s31+$0xBA30];
	v2 =	vadd.f32 v60, v2;
	v3 =	vadd.f32 v30, v3  }
0x123: {  	v24 =	vld [tilespmem:s31+$0xDA20];
	v4 =	vadd.f32 v61, v4;
	v1 =	vadd.f32 v11, v1  }
0x124: {  	v25 =	vld [tilespmem:s31+$0xCA30];
	v2 =	vadd.f32 v62, v2;
	v3 =	vadd.f32 v31, v3  }
0x125: {  	v26 =	vld [tilespmem:s31+$0xEA20];
	v4 =	vadd.f32 v63, v4;
	v1 =	vadd.f32 v12, v1  }
0x126: {  	v27 =	vld [tilespmem:s31+$0xDA30];
	v2 =	vadd.f32 v22, v2;
	v3 =	vadd.f32 v32, v3  }
0x127: {  	v28 =	vld [tilespmem:s31+$0xFA20];
	v4 =	vadd.f32 v23, v4;
	v1 =	vadd.f32 v13, v1  }
0x128: {  	v29 =	vld [tilespmem:s31+$0xEA30];
	v2 =	vadd.f32 v24, v2;
	v3 =	vadd.f32 v33, v3  }
0x129: {  	v30 =	vld [tilespmem:s31+$0x10A20];
	v4 =	vadd.f32 v25, v4;
	v1 =	vadd.f32 v14, v1  }
0x12a: {  	v31 =	vld [tilespmem:s31+$0xFA30];
	v2 =	vadd.f32 v26, v2;
	v3 =	vadd.f32 v34, v3  }
0x12b: {  	v32 =	vld [tilespmem:s31+$0x11A20];
	v4 =	vadd.f32 v27, v4;
	v1 =	vadd.f32 v15, v1  }
0x12c: {  	v33 =	vld [tilespmem:s31+$0x10A30];
	v2 =	vadd.f32 v28, v2;
	v3 =	vadd.f32 v35, v3  }
0x12d: {  	v34 =	vld [tilespmem:s31+$0x12A20];
	v4 =	vadd.f32 v29, v4;
	v1 =	vadd.f32 v16, v1  }
0x12e: {  	v35 =	vld [tilespmem:s31+$0x11A30];
	v2 =	vadd.f32 v30, v2;
	v3 =	vadd.f32 v36, v3  }
0x12f: {  	v4 =	vadd.f32 v31, v4;
	v36 =	vld [tilespmem:s31+$0x13A20];
	v1 =	vadd.f32 v17, v1  }
0x130: {  	v2 =	vadd.f32 v32, v2;
	v3 =	vadd.f32 v37, v3;
	v37 =	vld [tilespmem:s31+$0x12A30]  }
0x131: {  	v42 =	vld [tilespmem:s31+$0x14A20];
	v4 =	vadd.f32 v33, v4;
	v1 =	vadd.f32 v18, v1  }
0x132: {  	v43 =	vld [tilespmem:s31+$0x13A30];
	v2 =	vadd.f32 v34, v2;
	v3 =	vadd.f32 v38, v3  }
0x133: {  	v44 =	vld [tilespmem:s31+$0x15A20];
	v4 =	vadd.f32 v35, v4;
	v1 =	vadd.f32 v19, v1  }
0x134: {  	v45 =	vld [tilespmem:s31+$0x14A30];
	v2 =	vadd.f32 v36, v2;
	v3 =	vadd.f32 v39, v3  }
0x135: {  	v46 =	vld [tilespmem:s31+$0x16A20];
	v4 =	vadd.f32 v37, v4;
	v1 =	vadd.f32 v20, v1  }
0x136: {  	v48 =	vld [tilespmem:s31+$0x15A30];
	v2 =	vadd.f32 v42, v2  }
0x137: {  	v47 =	vadd.f32 v40, v3;
	v4 =	vadd.f32 v43, v4;
	v0 =	vmul.f32 v0, v1  }
0x138: {  	v49 =	vld [tilespmem:s31+$0x16A30];
	v2 =	vadd.f32 v44, v2  }
0x139: {  	v1 =	vmul.f32 v41, v47;
	v4 =	vadd.f32 v45, v4;
	v0 =	vadd.f32 $0.0e+00, v0;
	_ =	sdelay $0x1  }
0x13a: {  	v50 =	vmul.f32 v46, v2;
	v51 =	vadd.f32 v48, v4;
	v0 =	vadd.f32 v1, v0;
	_ =	sdelay $0x1  }
0x13b: {  	v52 =	vmul.f32 v49, v51;
	v0 =	vadd.f32 v50, v0;
	_ =	sdelay $0x1  }
0x13c: {  	v0 =	vadd.f32 v52, v0;
	_ =	sdelay $0x1  }
0x13d: {  	v0 =	vmul.f32 $5.000000070e-02, v0;
	_ =	sdelay $0x1  }
0x13e: {  	[tilespmem:s2+$0xFFFFFFF0] =	vst v0  }
0x13f: {  	v53 =	vld [tilespmem:s31+$0x2A40]  }
0x140: {  	v54 =	vld [tilespmem:s31+$0x3A40]  }
0x141: {  	v55 =	vld [tilespmem:s31+$0x4A40]  }
0x142: {  	v56 =	vld [tilespmem:s31+$0x5A40]  }
0x143: {  	v57 =	vld [tilespmem:s31+$0x6A40]  }
0x144: {  	v6 =	vld [tilespmem:s31+$0x7A40]  }
0x145: {  	v7 =	vld [tilespmem:s31+$0x8A40]  }
0x146: {  	v8 =	vld [tilespmem:s31+$0x9A40]  }
0x147: {  	v9 =	vld [tilespmem:s31+$0xAA40]  }
0x148: {  	v10 =	vld [tilespmem:s31+$0xBA40]  }
0x149: {  	v11 =	vld [tilespmem:s31+$0xCA40]  }
0x14a: {  	v12 =	vld [tilespmem:s31+$0xDA40]  }
0x14b: {  	v13 =	vld [tilespmem:s31+$0xEA40]  }
0x14c: {  	v14 =	vld [tilespmem:s31+$0xFA40]  }
0x14d: {  	v15 =	vld [tilespmem:s31+$0x10A40]  }
0x14e: {  	v16 =	vld [tilespmem:s31+$0x11A40]  }
0x14f: {  	v17 =	vld [tilespmem:s31+$0x12A40]  }
0x150: {  	v18 =	vld [tilespmem:s31+$0x13A40]  }
0x151: {  	v19 =	vld [tilespmem:s31+$0x14A40]  }
0x152: {  	v20 =	vld [tilespmem:s31+$0x15A40]  }
0x153: {  	v0 =	vld [tilespmem:s31+$0x16A40]  }
0x154: {  	v58 =	vld [tilespmem:s31+$0x2A50]  }
0x155: {  	v59 =	vld [tilespmem:s31+$0x3A50]  }
0x156: {  	v60 =	vld [tilespmem:s31+$0x4A50]  }
0x157: {  	v61 =	vld [tilespmem:s31+$0x5A50]  }
0x158: {  	v62 =	vld [tilespmem:s31+$0x6A50]  }
0x159: {  	v63 =	vld [tilespmem:s31+$0x7A50]  }
0x15a: {  	v27 =	vld [tilespmem:s31+$0x8A50]  }
0x15b: {  	v28 =	vld [tilespmem:s31+$0x9A50]  }
0x15c: {  	v29 =	vld [tilespmem:s31+$0xAA50]  }
0x15d: {  	v30 =	vld [tilespmem:s31+$0xBA50]  }
0x15e: {  	v31 =	vld [tilespmem:s31+$0xCA50]  }
0x15f: {  	v32 =	vld [tilespmem:s31+$0xDA50]  }
0x160: {  	v33 =	vld [tilespmem:s31+$0xEA50]  }
0x161: {  	v34 =	vld [tilespmem:s31+$0xFA50]  }
0x162: {  	v35 =	vld [tilespmem:s31+$0x10A50]  }
0x163: {  	v36 =	vld [tilespmem:s31+$0x11A50]  }
0x164: {  	v37 =	vld [tilespmem:s31+$0x12A50]  }
0x165: {  	v38 =	vld [tilespmem:s31+$0x13A50]  }
0x166: {  	v39 =	vld [tilespmem:s31+$0x14A50]  }
0x167: {  	v40 =	vld [tilespmem:s31+$0x15A50]  }
0x168: {  	v48 =	vld [tilespmem:s31+$0x2A60]  }
0x169: {  	v49 =	vld [tilespmem:s31+$0x3A60]  }
0x16a: {  	v41 =	vld [tilespmem:s31+$0x16A50]  }
0x16b: {  	v50 =	vld [tilespmem:s31+$0x4A60];
	v1 =	vadd.f32 v54, v53  }
0x16c: {  	v51 =	vld [tilespmem:s31+$0x2A70]  }
0x16d: {  	v52 =	vld [tilespmem:s31+$0x3A70];
	v21 =	vadd.f32 v59, v58;
	v1 =	vadd.f32 v55, v1  }
0x16e: {  	v53 =	vld [tilespmem:s31+$0x5A60];
	v54 =	vadd.f32 v49, v48  }
0x16f: {  	v55 =	vld [tilespmem:s31+$0x4A70];
	v21 =	vadd.f32 v60, v21;
	v1 =	vadd.f32 v56, v1  }
0x170: {  	v2 =	vadd.f32 v50, v54;
	v56 =	vld [tilespmem:s31+$0x6A60]  }
0x171: {  	v58 =	vadd.f32 v61, v21;
	v1 =	vadd.f32 v57, v1;
	v57 =	vld [tilespmem:s31+$0x5A70]  }
0x172: {  	v3 =	vadd.f32 v52, v51;
	v59 =	vld [tilespmem:s31+$0x7A60]  }
0x173: {  	v60 =	vld [tilespmem:s31+$0x6A70];
	v2 =	vadd.f32 v53, v2;
	v5 =	vadd.f32 v62, v58  }
0x174: {  	v61 =	vld [tilespmem:s31+$0x8A60];
	v3 =	vadd.f32 v55, v3;
	v1 =	vadd.f32 v6, v1  }
0x175: {  	v62 =	vld [tilespmem:s31+$0x7A70];
	v5 =	vadd.f32 v63, v5;
	v2 =	vadd.f32 v56, v2  }
0x176: {  	v63 =	vld [tilespmem:s31+$0x9A60];
	v1 =	vadd.f32 v7, v1;
	v3 =	vadd.f32 v57, v3  }
0x177: {  	v21 =	vld [tilespmem:s31+$0x8A70];
	v5 =	vadd.f32 v27, v5;
	v2 =	vadd.f32 v59, v2  }
0x178: {  	v23 =	vld [tilespmem:s31+$0xAA60];
	v1 =	vadd.f32 v8, v1;
	v3 =	vadd.f32 v60, v3  }
0x179: {  	v24 =	vld [tilespmem:s31+$0x9A70];
	v5 =	vadd.f32 v28, v5;
	v2 =	vadd.f32 v61, v2  }
0x17a: {  	v25 =	vld [tilespmem:s31+$0xBA60];
	v1 =	vadd.f32 v9, v1;
	v3 =	vadd.f32 v62, v3  }
0x17b: {  	v26 =	vld [tilespmem:s31+$0xAA70];
	v5 =	vadd.f32 v29, v5;
	v2 =	vadd.f32 v63, v2  }
0x17c: {  	v27 =	vld [tilespmem:s31+$0xCA60];
	v1 =	vadd.f32 v10, v1;
	v3 =	vadd.f32 v21, v3  }
0x17d: {  	v28 =	vld [tilespmem:s31+$0xBA70];
	v5 =	vadd.f32 v30, v5;
	v2 =	vadd.f32 v23, v2  }
0x17e: {  	v29 =	vld [tilespmem:s31+$0xDA60];
	v1 =	vadd.f32 v11, v1;
	v3 =	vadd.f32 v24, v3  }
0x17f: {  	v30 =	vld [tilespmem:s31+$0xCA70];
	v5 =	vadd.f32 v31, v5;
	v2 =	vadd.f32 v25, v2  }
0x180: {  	v31 =	vld [tilespmem:s31+$0xEA60];
	v1 =	vadd.f32 v12, v1;
	v3 =	vadd.f32 v26, v3  }
0x181: {  	v42 =	vld [tilespmem:s31+$0xDA70];
	v5 =	vadd.f32 v32, v5;
	v2 =	vadd.f32 v27, v2  }
0x182: {  	v43 =	vld [tilespmem:s31+$0xFA60];
	v1 =	vadd.f32 v13, v1;
	v3 =	vadd.f32 v28, v3  }
0x183: {  	v44 =	vld [tilespmem:s31+$0xEA70];
	v5 =	vadd.f32 v33, v5;
	v2 =	vadd.f32 v29, v2  }
0x184: {  	v45 =	vld [tilespmem:s31+$0x10A60];
	v1 =	vadd.f32 v14, v1;
	v3 =	vadd.f32 v30, v3  }
0x185: {  	v46 =	vld [tilespmem:s31+$0xFA70];
	v5 =	vadd.f32 v34, v5;
	v2 =	vadd.f32 v31, v2  }
0x186: {  	v47 =	vld [tilespmem:s31+$0x11A60];
	v1 =	vadd.f32 v15, v1;
	v3 =	vadd.f32 v42, v3  }
0x187: {  	v48 =	vld [tilespmem:s31+$0x10A70];
	v5 =	vadd.f32 v35, v5;
	v2 =	vadd.f32 v43, v2  }
0x188: {  	v49 =	vld [tilespmem:s31+$0x12A60];
	v1 =	vadd.f32 v16, v1;
	v3 =	vadd.f32 v44, v3  }
0x189: {  	v50 =	vld [tilespmem:s31+$0x11A70];
	v5 =	vadd.f32 v36, v5;
	v2 =	vadd.f32 v45, v2  }
0x18a: {  	v51 =	vld [tilespmem:s31+$0x13A60];
	v1 =	vadd.f32 v17, v1;
	v3 =	vadd.f32 v46, v3  }
0x18b: {  	v52 =	vld [tilespmem:s31+$0x12A70];
	v5 =	vadd.f32 v37, v5;
	v2 =	vadd.f32 v47, v2  }
0x18c: {  	v53 =	vld [tilespmem:s31+$0x14A60];
	v1 =	vadd.f32 v18, v1;
	v3 =	vadd.f32 v48, v3  }
0x18d: {  	v54 =	vld [tilespmem:s31+$0x13A70];
	v5 =	vadd.f32 v38, v5;
	v2 =	vadd.f32 v49, v2  }
0x18e: {  	v55 =	vld [tilespmem:s31+$0x15A60];
	v1 =	vadd.f32 v19, v1;
	v3 =	vadd.f32 v50, v3  }
0x18f: {  	v56 =	vld [tilespmem:s31+$0x14A70];
	v5 =	vadd.f32 v39, v5;
	v2 =	vadd.f32 v51, v2  }
0x190: {  	v58 =	vld [tilespmem:s31+$0x15A70];
	v1 =	vadd.f32 v20, v1;
	v3 =	vadd.f32 v52, v3  }
0x191: {  	v57 =	vld [tilespmem:s31+$0x16A60];
	v2 =	vadd.f32 v53, v2  }
0x192: {  	v59 =	vadd.f32 v40, v5;
	v0 =	vmul.f32 v0, v1;
	v3 =	vadd.f32 v54, v3  }
0x193: {  	v60 =	vld [tilespmem:s31+$0x16A70];
	v2 =	vadd.f32 v55, v2  }
0x194: {  	v1 =	vmul.f32 v41, v59;
	v0 =	vadd.f32 $0.0e+00, v0;
	v3 =	vadd.f32 v56, v3;
	_ =	sdelay $0x1  }
0x195: {  	v61 =	vmul.f32 v57, v2;
	v0 =	vadd.f32 v1, v0;
	v62 =	vadd.f32 v58, v3;
	_ =	sdelay $0x1  }
0x196: {  	s28 =	sadd.s32 $0x2, s28;
	v0 =	vadd.f32 v61, v0;
	v63 =	vmul.f32 v60, v62  }
0x197: {  	p0 =	slt.u32 s28, $0x3E  }
.Ltmp0:
0x198: {  	v0 =	vadd.f32 v63, v0;
	(pc) =	sbr.rel @p0 .LBB2_3-.Ltmp0, $3  }
0x199: {  	_ = 	snop  }
0x19a: {  	v0 =	vmul.f32 $5.000000070e-02, v0;
	_ =	sdelay $0x1  }
0x19b: {  	s24 =	sadd.s32 $0x200, s24;
	[tilespmem:s2+$0x0] =	vst v0;
	s2 =	sadd.s32 $0x20, s2  }
0x19c: {  	v0 =	vld [tilespmem:$0x17A00]  }
0x19d: {  	v1 =	vld [tilespmem:$0x17A10]  }
0x19e: {  	v2 =	vld [tilespmem:$0x17A20]  }
0x19f: {  	v3 =	vld [tilespmem:$0x17A30]  }
0x1a0: {  	v4 =	vld [tilespmem:$0x17A40]  }
0x1a1: {  	v14 =	vld [tilespmem:$0x17A50];
	(xrf2) =	vadd.scan.msk.f32 $0xffff, v0  }
0x1a2: {  	v15 =	vld [tilespmem:$0x17A60];
	(xrf2) =	vadd.scan.msk.f32 $0xffff, v1  }
0x1a3: {  	v16 =	vld [tilespmem:$0x17A70];
	(xrf2) =	vadd.scan.msk.f32 $0xffff, v2  }
0x1a4: {  	v17 =	vld [tilespmem:$0x17A80];
	(xrf2) =	vadd.scan.msk.f32 $0xffff, v3  }
0x1a5: {  	v18 =	vld [tilespmem:$0x17A90];
	(xrf2) =	vadd.scan.msk.f32 $0xffff, v4  }
0x1a6: {  	v19 =	vld [tilespmem:$0x17AA0];
	(xrf2) =	vadd.scan.msk.f32 $0xffff, v14  }
0x1a7: {  	v20 =	vld [tilespmem:$0x17AB0];
	(xrf2) =	vadd.scan.msk.f32 $0xffff, v15  }
0x1a8: {  	v21 =	vld [tilespmem:$0x17AC0];
	(xrf2) =	vadd.scan.msk.f32 $0xffff, v16  }
0x1a9: {  	v22 =	vld [tilespmem:$0x17AD0];
	(xrf2) =	vadd.scan.msk.f32 $0xffff, v17  }
0x1aa: {  	v23 =	vld [tilespmem:$0x17AE0];
	(xrf2) =	vadd.scan.msk.f32 $0xffff, v18  }
0x1ab: {  	v5, _, _ =	vpop (xrf2);
	(xrf2) =	vadd.scan.msk.f32 $0xffff, v19  }
0x1ac: {  	v24, _, _ =	vpop (xrf2);
	(xrf2) =	vadd.scan.msk.f32 $0xffff, v20  }
0x1ad: {  	v27 =	vld [tilespmem:$0x17AF0];
	v25 =	vbroadcast v5, $0xF;
	v0 =	vbroadcast v24, $0xF;
	v26, _, _ =	vpop (xrf2);
	(xrf2) =	vadd.scan.msk.f32 $0xffff, v21  }
0x1ae: {  	v5 =	vbroadcast v26, $0xF;
	v6, _, _ =	vpop (xrf2);
	(xrf2) =	vadd.scan.msk.f32 $0xffff, v22  }
0x1af: {  	v0 =	vsel vm0, v25, v0;
	v28 =	vbroadcast v6, $0xF;
	v29, _, _ =	vpop (xrf2);
	(xrf2) =	vadd.scan.msk.f32 $0xffff, v23  }
0x1b0: {  	v0 =	vsel vm1, v0, v5;
	v3 =	vbroadcast v29, $0xF;
	v30, _, _ =	vpop (xrf2)  }
0x1b1: {  	v0 =	vsel vm2, v0, v28;
	v31 =	vbroadcast v30, $0xF;
	v32, _, _ =	vpop (xrf2)  }
0x1b2: {  	v0 =	vsel vm3, v0, v3;
	v33 =	vbroadcast v32, $0xF;
	v34, _, _ =	vpop (xrf2);
	(xrf2) =	vadd.scan.msk.f32 $0xffff, v27  }
0x1b3: {  	v0 =	vsel vm4, v0, v31;
	v35 =	vbroadcast v34, $0xF;
	v36, _, _ =	vpop (xrf2)  }
0x1b4: {  	v0 =	vsel vm5, v0, v33;
	v2 =	vbroadcast v36, $0xF;
	v37, _, _ =	vpop (xrf2)  }
0x1b5: {  	v0 =	vsel vm6, v0, v35;
	v38 =	vbroadcast v37, $0xF;
	v39, _, _ =	vpop (xrf2)  }
0x1b6: {  	v0 =	vsel vm7, v0, v2;
	v40 =	vbroadcast v39, $0xF;
	v41, _, _ =	vpop (xrf2)  }
0x1b7: {  	v0 =	vsel vm8, v0, v38;
	v42 =	vbroadcast v41, $0xF;
	v43, _, _ =	vpop (xrf2)  }
0x1b8: {  	v0 =	vsel vm9, v0, v40;
	v44 =	vbroadcast v43, $0xF;
	v45, _, _ =	vpop (xrf2)  }
0x1b9: {  	v0 =	vsel vm10, v0, v42;
	v46 =	vbroadcast v45, $0xF;
	v47, _, _ =	vpop (xrf2)  }
0x1ba: {  	v0 =	vsel vm11, v0, v44;
	v48 =	vbroadcast v47, $0xF  }
0x1bb: {  	v0 =	vsel vm12, v0, v46  }
0x1bc: {  	v0 =	vsel vm13, v0, v48;
	v49, _, _ =	vpop (xrf2)  }
0x1bd: {  	v0 =	vsel vm14, v0, v49  }
0x1be: {  	v0 =	vsub.f32 $0.0e+00, v0;
	_ =	sdelay $0x1  }
0x1bf: {  	v0 =	vmul.f32 $1.442695020e+00, v0;
	_ =	sdelay $0x1  }
0x1c0: {  	(erf) = vpow2.f32 v0;
	_ =	sdelay $0x8  }
0x1c1: {  	v0 =	vpop (erf)  }
0x1c2: {  	v0 =	vadd.f32 $1.000000000e+00, v0;
	_ =	sdelay $0x1  }
0x1c3: {  	(erf) = vrcp.f32 v0;
	_ =	sdelay $0x8  }
0x1c4: {  	v0 =	vpop (erf)  }
0x1c5: {  	[tilespmem:s26+$0x17E00] =	vst v0  }
0x1c6: {  	v0 =	vld [tilespmem:$0x17B00]  }
0x1c7: {  	v50 =	vld [tilespmem:$0x17B10]  }
0x1c8: {  	v51 =	vld [tilespmem:$0x17B20]  }
0x1c9: {  	v52 =	vld [tilespmem:$0x17B30]  }
0x1ca: {  	v53 =	vld [tilespmem:$0x17B40]  }
0x1cb: {  	v54 =	vld [tilespmem:$0x17B50];
	(xrf2) =	vadd.scan.msk.f32 $0xffff, v0  }
0x1cc: {  	v55 =	vld [tilespmem:$0x17B60];
	(xrf2) =	vadd.scan.msk.f32 $0xffff, v50  }
0x1cd: {  	v56 =	vld [tilespmem:$0x17B70];
	(xrf2) =	vadd.scan.msk.f32 $0xffff, v51  }
0x1ce: {  	v57 =	vld [tilespmem:$0x17B80];
	(xrf2) =	vadd.scan.msk.f32 $0xffff, v52  }
0x1cf: {  	v58 =	vld [tilespmem:$0x17B90];
	(xrf2) =	vadd.scan.msk.f32 $0xffff, v53  }
0x1d0: {  	v59 =	vld [tilespmem:$0x17BA0];
	(xrf2) =	vadd.scan.msk.f32 $0xffff, v54  }
0x1d1: {  	v60 =	vld [tilespmem:$0x17BB0];
	(xrf2) =	vadd.scan.msk.f32 $0xffff, v55  }
0x1d2: {  	v61 =	vld [tilespmem:$0x17BC0];
	(xrf2) =	vadd.scan.msk.f32 $0xffff, v56  }
0x1d3: {  	v62 =	vld [tilespmem:$0x17BD0];
	(xrf2) =	vadd.scan.msk.f32 $0xffff, v57  }
0x1d4: {  	v63 =	vld [tilespmem:$0x17BE0];
	(xrf2) =	vadd.scan.msk.f32 $0xffff, v58  }
0x1d5: {  	v8, _, _ =	vpop (xrf2);
	(xrf2) =	vadd.scan.msk.f32 $0xffff, v59  }
0x1d6: {  	v9, _, _ =	vpop (xrf2);
	(xrf2) =	vadd.scan.msk.f32 $0xffff, v60  }
0x1d7: {  	v12 =	vld [tilespmem:$0x17BF0];
	v10 =	vbroadcast v8, $0xF;
	v0 =	vbroadcast v9, $0xF;
	v11, _, _ =	vpop (xrf2);
	(xrf2) =	vadd.scan.msk.f32 $0xffff, v61  }
0x1d8: {  	v5 =	vbroadcast v11, $0xF;
	v13, _, _ =	vpop (xrf2);
	(xrf2) =	vadd.scan.msk.f32 $0xffff, v62  }
0x1d9: {  	v0 =	vsel vm0, v10, v0;
	v14 =	vbroadcast v13, $0xF;
	v15, _, _ =	vpop (xrf2);
	(xrf2) =	vadd.scan.msk.f32 $0xffff, v63  }
0x1da: {  	v0 =	vsel vm1, v0, v5;
	v3 =	vbroadcast v15, $0xF;
	v16, _, _ =	vpop (xrf2)  }
0x1db: {  	v0 =	vsel vm2, v0, v14;
	v17 =	vbroadcast v16, $0xF;
	v18, _, _ =	vpop (xrf2)  }
0x1dc: {  	(xrf2) =	vadd.scan.msk.f32 $0xffff, v12;
	v0 =	vsel vm3, v0, v3;
	v19 =	vbroadcast v18, $0xF;
	v20, _, _ =	vpop (xrf2)  }
0x1dd: {  	v0 =	vsel vm4, v0, v17;
	v21 =	vbroadcast v20, $0xF;
	v22, _, _ =	vpop (xrf2)  }
0x1de: {  	v0 =	vsel vm5, v0, v19;
	v2 =	vbroadcast v22, $0xF;
	v23, _, _ =	vpop (xrf2)  }
0x1df: {  	v0 =	vsel vm6, v0, v21;
	v24 =	vbroadcast v23, $0xF;
	v25, _, _ =	vpop (xrf2)  }
0x1e0: {  	v0 =	vsel vm7, v0, v2;
	v26 =	vbroadcast v25, $0xF;
	v27, _, _ =	vpop (xrf2)  }
0x1e1: {  	v0 =	vsel vm8, v0, v24;
	v28 =	vbroadcast v27, $0xF;
	v29, _, _ =	vpop (xrf2)  }
0x1e2: {  	v0 =	vsel vm9, v0, v26;
	v30 =	vbroadcast v29, $0xF;
	v31, _, _ =	vpop (xrf2)  }
0x1e3: {  	v0 =	vsel vm10, v0, v28;
	v32 =	vbroadcast v31, $0xF;
	v33, _, _ =	vpop (xrf2)  }
0x1e4: {  	v0 =	vsel vm11, v0, v30;
	v34 =	vbroadcast v33, $0xF  }
0x1e5: {  	v0 =	vsel vm12, v0, v32  }
0x1e6: {  	v35, _, _ =	vpop (xrf2);
	v0 =	vsel vm13, v0, v34  }
0x1e7: {  	v0 =	vsel vm14, v0, v35  }
0x1e8: {  	v0 =	vsub.f32 $0.0e+00, v0;
	_ =	sdelay $0x1  }
0x1e9: {  	v0 =	vmul.f32 $1.442695020e+00, v0;
	_ =	sdelay $0x1  }
0x1ea: {  	(erf) = vpow2.f32 v0;
	_ =	sdelay $0x8  }
0x1eb: {  	v0 =	vpop (erf)  }
0x1ec: {  	v0 =	vadd.f32 $1.000000000e+00, v0;
	_ =	sdelay $0x1  }
0x1ed: {  	(erf) = vrcp.f32 v0;
	_ =	sdelay $0x8  }
0x1ee: {  	v0 =	vpop (erf)  }
0x1ef: {  	[tilespmem:s26+$0x17E10] =	vst v0  }
0x1f0: {  	v0 =	vld [tilespmem:$0x17C00]  }
0x1f1: {  	v36 =	vld [tilespmem:$0x17C10]  }
0x1f2: {  	v37 =	vld [tilespmem:$0x17C20]  }
0x1f3: {  	v38 =	vld [tilespmem:$0x17C30]  }
0x1f4: {  	v39 =	vld [tilespmem:$0x17C40]  }
0x1f5: {  	v40 =	vld [tilespmem:$0x17C50];
	(xrf2) =	vadd.scan.msk.f32 $0xffff, v0  }
0x1f6: {  	v41 =	vld [tilespmem:$0x17C60];
	(xrf2) =	vadd.scan.msk.f32 $0xffff, v36  }
0x1f7: {  	v42 =	vld [tilespmem:$0x17C70];
	(xrf2) =	vadd.scan.msk.f32 $0xffff, v37  }
0x1f8: {  	v43 =	vld [tilespmem:$0x17C80];
	(xrf2) =	vadd.scan.msk.f32 $0xffff, v38  }
0x1f9: {  	v44 =	vld [tilespmem:$0x17C90];
	(xrf2) =	vadd.scan.msk.f32 $0xffff, v39  }
0x1fa: {  	v45 =	vld [tilespmem:$0x17CA0];
	(xrf2) =	vadd.scan.msk.f32 $0xffff, v40  }
0x1fb: {  	v46 =	vld [tilespmem:$0x17CB0];
	(xrf2) =	vadd.scan.msk.f32 $0xffff, v41  }
0x1fc: {  	v47 =	vld [tilespmem:$0x17CC0];
	(xrf2) =	vadd.scan.msk.f32 $0xffff, v42  }
0x1fd: {  	v48 =	vld [tilespmem:$0x17CD0];
	(xrf2) =	vadd.scan.msk.f32 $0xffff, v43  }
0x1fe: {  	v49 =	vld [tilespmem:$0x17CE0];
	(xrf2) =	vadd.scan.msk.f32 $0xffff, v44  }
0x1ff: {  	v50, _, _ =	vpop (xrf2);
	(xrf2) =	vadd.scan.msk.f32 $0xffff, v45  }
0x200: {  	v51, _, _ =	vpop (xrf2);
	(xrf2) =	vadd.scan.msk.f32 $0xffff, v46  }
0x201: {  	v54 =	vld [tilespmem:$0x17CF0];
	v52 =	vbroadcast v50, $0xF;
	v0 =	vbroadcast v51, $0xF;
	v53, _, _ =	vpop (xrf2);
	(xrf2) =	vadd.scan.msk.f32 $0xffff, v47  }
0x202: {  	v5 =	vbroadcast v53, $0xF;
	v55, _, _ =	vpop (xrf2);
	(xrf2) =	vadd.scan.msk.f32 $0xffff, v48  }
0x203: {  	v0 =	vsel vm0, v52, v0;
	v56 =	vbroadcast v55, $0xF;
	v57, _, _ =	vpop (xrf2);
	(xrf2) =	vadd.scan.msk.f32 $0xffff, v49  }
0x204: {  	v0 =	vsel vm1, v0, v5;
	v3 =	vbroadcast v57, $0xF;
	v58, _, _ =	vpop (xrf2)  }
0x205: {  	v0 =	vsel vm2, v0, v56;
	v59 =	vbroadcast v58, $0xF;
	v60, _, _ =	vpop (xrf2)  }
0x206: {  	v0 =	vsel vm3, v0, v3;
	v61 =	vbroadcast v60, $0xF;
	v62, _, _ =	vpop (xrf2);
	(xrf2) =	vadd.scan.msk.f32 $0xffff, v54  }
0x207: {  	v0 =	vsel vm4, v0, v59;
	v63 =	vbroadcast v62, $0xF;
	v6, _, _ =	vpop (xrf2)  }
0x208: {  	v0 =	vsel vm5, v0, v61;
	v2 =	vbroadcast v6, $0xF;
	v7, _, _ =	vpop (xrf2)  }
0x209: {  	v0 =	vsel vm6, v0, v63;
	v8 =	vbroadcast v7, $0xF;
	v9, _, _ =	vpop (xrf2)  }
0x20a: {  	v0 =	vsel vm7, v0, v2;
	v10 =	vbroadcast v9, $0xF;
	v11, _, _ =	vpop (xrf2)  }
0x20b: {  	v0 =	vsel vm8, v0, v8;
	v12 =	vbroadcast v11, $0xF;
	v13, _, _ =	vpop (xrf2)  }
0x20c: {  	v0 =	vsel vm9, v0, v10;
	v14 =	vbroadcast v13, $0xF;
	v15, _, _ =	vpop (xrf2)  }
0x20d: {  	v0 =	vsel vm10, v0, v12;
	v16 =	vbroadcast v15, $0xF;
	v17, _, _ =	vpop (xrf2)  }
0x20e: {  	v0 =	vsel vm11, v0, v14;
	v18 =	vbroadcast v17, $0xF  }
0x20f: {  	v0 =	vsel vm12, v0, v16  }
0x210: {  	v0 =	vsel vm13, v0, v18;
	v19, _, _ =	vpop (xrf2)  }
0x211: {  	v0 =	vsel vm14, v0, v19  }
0x212: {  	v0 =	vsub.f32 $0.0e+00, v0;
	_ =	sdelay $0x1  }
0x213: {  	v0 =	vmul.f32 $1.442695020e+00, v0;
	_ =	sdelay $0x1  }
0x214: {  	(erf) = vpow2.f32 v0;
	_ =	sdelay $0x8  }
0x215: {  	v0 =	vpop (erf)  }
0x216: {  	v0 =	vadd.f32 $1.000000000e+00, v0;
	_ =	sdelay $0x1  }
0x217: {  	(erf) = vrcp.f32 v0;
	_ =	sdelay $0x8  }
0x218: {  	v0 =	vpop (erf)  }
0x219: {  	[tilespmem:s26+$0x17E20] =	vst v0  }
0x21a: {  	v0 =	vld [tilespmem:$0x17D00]  }
0x21b: {  	v20 =	vld [tilespmem:$0x17D10]  }
0x21c: {  	v21 =	vld [tilespmem:$0x17D20]  }
0x21d: {  	v22 =	vld [tilespmem:$0x17D30]  }
0x21e: {  	v23 =	vld [tilespmem:$0x17D40]  }
0x21f: {  	v24 =	vld [tilespmem:$0x17D50];
	(xrf2) =	vadd.scan.msk.f32 $0xffff, v0  }
0x220: {  	v25 =	vld [tilespmem:$0x17D60];
	(xrf2) =	vadd.scan.msk.f32 $0xffff, v20  }
0x221: {  	v26 =	vld [tilespmem:$0x17D70];
	(xrf2) =	vadd.scan.msk.f32 $0xffff, v21  }
0x222: {  	v27 =	vld [tilespmem:$0x17D80];
	(xrf2) =	vadd.scan.msk.f32 $0xffff, v22  }
0x223: {  	v28 =	vld [tilespmem:$0x17D90];
	(xrf2) =	vadd.scan.msk.f32 $0xffff, v23  }
0x224: {  	v29 =	vld [tilespmem:$0x17DA0];
	(xrf2) =	vadd.scan.msk.f32 $0xffff, v24  }
0x225: {  	v30 =	vld [tilespmem:$0x17DB0];
	(xrf2) =	vadd.scan.msk.f32 $0xffff, v25  }
0x226: {  	v31 =	vld [tilespmem:$0x17DC0];
	(xrf2) =	vadd.scan.msk.f32 $0xffff, v26  }
0x227: {  	v32 =	vld [tilespmem:$0x17DD0];
	(xrf2) =	vadd.scan.msk.f32 $0xffff, v27  }
0x228: {  	v33 =	vld [tilespmem:$0x17DE0];
	(xrf2) =	vadd.scan.msk.f32 $0xffff, v28  }
0x229: {  	v34, _, _ =	vpop (xrf2);
	(xrf2) =	vadd.scan.msk.f32 $0xffff, v29  }
0x22a: {  	v35, _, _ =	vpop (xrf2);
	(xrf2) =	vadd.scan.msk.f32 $0xffff, v30  }
0x22b: {  	v38 =	vld [tilespmem:$0x17DF0];
	v36 =	vbroadcast v34, $0xF;
	v0 =	vbroadcast v35, $0xF;
	v37, _, _ =	vpop (xrf2);
	(xrf2) =	vadd.scan.msk.f32 $0xffff, v31  }
0x22c: {  	v39, _, _ =	vpop (xrf2);
	(xrf2) =	vadd.scan.msk.f32 $0xffff, v32;
	v40 =	vbroadcast v37, $0xF  }
0x22d: {  	v0 =	vsel vm0, v36, v0;
	v41 =	vbroadcast v39, $0xF;
	v42, _, _ =	vpop (xrf2);
	(xrf2) =	vadd.scan.msk.f32 $0xffff, v33  }
0x22e: {  	v43, _, _ =	vpop (xrf2);
	v0 =	vsel vm1, v0, v40;
	v44 =	vbroadcast v42, $0xF  }
0x22f: {  	v45, _, _ =	vpop (xrf2);
	v0 =	vsel vm2, v0, v41;
	v46 =	vbroadcast v43, $0xF  }
0x230: {  	(xrf2) =	vadd.scan.msk.f32 $0xffff, v38;
	v0 =	vsel vm3, v0, v44;
	v47 =	vbroadcast v45, $0xF;
	v48, _, _ =	vpop (xrf2)  }
0x231: {  	v49, _, _ =	vpop (xrf2);
	v0 =	vsel vm4, v0, v46;
	v50 =	vbroadcast v48, $0xF  }
0x232: {  	v51, _, _ =	vpop (xrf2);
	v0 =	vsel vm5, v0, v47;
	v2 =	vbroadcast v49, $0xF  }
0x233: {  	v52, _, _ =	vpop (xrf2);
	v0 =	vsel vm6, v0, v50;
	v53 =	vbroadcast v51, $0xF  }
0x234: {  	v54, _, _ =	vpop (xrf2);
	v0 =	vsel vm7, v0, v2;
	v55 =	vbroadcast v52, $0xF  }
0x235: {  	v56, _, _ =	vpop (xrf2);
	v0 =	vsel vm8, v0, v53;
	v57 =	vbroadcast v54, $0xF  }
0x236: {  	v58, _, _ =	vpop (xrf2);
	v0 =	vsel vm9, v0, v55;
	v59 =	vbroadcast v56, $0xF  }
0x237: {  	v60, _, _ =	vpop (xrf2);
	v0 =	vsel vm10, v0, v57;
	v61 =	vbroadcast v58, $0xF  }
0x238: {  	v0 =	vsel vm11, v0, v59;
	v62 =	vbroadcast v60, $0xF  }
0x239: {  	v0 =	vsel vm12, v0, v61  }
0x23a: {  	v63, _, _ =	vpop (xrf2);
	v0 =	vsel vm13, v0, v62  }
0x23b: {  	v0 =	vsel vm14, v0, v63  }
0x23c: {  	v0 =	vsub.f32 $0.0e+00, v0;
	_ =	sdelay $0x1  }
0x23d: {  	v0 =	vmul.f32 $1.442695020e+00, v0;
	_ =	sdelay $0x1  }
0x23e: {  	(erf) = vpow2.f32 v0;
	_ =	sdelay $0x8  }
0x23f: {  	v0 =	vpop (erf)  }
0x240: {  	v0 =	vadd.f32 $1.000000000e+00, v0;
	_ =	sdelay $0x1  }
0x241: {  	(erf) = vrcp.f32 v0;
	_ =	sdelay $0x3  }
0x242: {  	s25 =	sadd.s32 $0x1, s25  }
0x243: {  	p0 =	sne.s32 s25, $0x8  }
.Ltmp1:
0x244: {  	_ = 	snop;
	(pc) =	sbr.rel @p0 .LBB2_2-.Ltmp1, $3  }
0x245: {  	_ =	sdelay $0x1  }
0x246: {  	v0 =	vpop (erf)  }
0x247: {  	[tilespmem:s26+$0x17E30] =	vst v0  }
0x248: {  	s24 =	simm.s32 $0x0;
	s2 =	rddreg [dreg:$0x15];
	s25 =	simm.s32 $0x17E00  }
0x249: {  	[hbm4b:s2+s24] =	stream.linear.scatter [tilespmem:s25], [sflag:$0x2], $0x200, $0x38;
	[tilespmem:$0x18000] =	vst v63  }
0x24a: {  	_ =	swait.ge [sflag:s30], $0x200  }
0x24b: {  	s28 =	rddreg [dreg:$0x1b]  }
0x24c: {  	s31 =	rddreg [dreg:$0x1a];
	s25 =	sadd.s32 $0x1, s28  }
0x24d: {  	p0 =	sne.s32 s25, s31  }
.Ltmp2:
0x24e: {  	_ = 	snop;
	(pc) =	sbr.rel @p0 .LBB2_1-.Ltmp2, $3  }
0x24f: {  	_ =	sdelay $0x1  }
0x250: {  	[sflag:s30] =	ssyncset.done $0x0  }
0x251: {  	[sflag:s30] =	ssyncadd.s32 $0xFFFFFE00  }
0x252: {  	_ =	sfence.sel $0x180000  }
0x253: {  	[bflag:$0x0] =	sbarrier.arrive $0xFFFF  }
0x254: {  	_ =	strace $0x90000047  }
0x255: {  	s0 =	stileid.u32;
	[bflag:$0x2] =	sbarrier.arrive $0xFFFF  }
0x256: {  	p0 =	sne.s32 s0, $0x0;
	s0 =	rddreg [dreg:$0x3]  }
0x257: {  	s0 =	sadd.s32 @!p0 $0x100000, s0  }
0x258: {  	[sflag:s0] =	ssyncadd.tile.s32 @!p0 $0x1;
	_ =	shalt  }
.Lfunc_end2:
_tile_overlayer_lowered:
.L_overlay_start_2:
0x259: {  	(tag) =	ssettag $0x2  }
0x25a: {  	s0 =	rddreg [dreg:$0x0];
	s2 =	stileid.u32  }
0x25b: {  	s1 =	rddreg [dreg:$0x1];
	p0 =	sne.s32 s2, $0x0  }
0x25c: {  	s3 =	rddreg [dreg:$0x2];
	[bflag:$0x3] =	sbarrier.arrive $0xFFFF;
	s2 =	simm.s32 @!p0 $0x1C02  }
0x25d: {  	[timem:s3], [sflag:s2] =	dma.local @!p0 [hbm:s0], s1  }
0x25e: {  	s0 =	simm.s32 @!p0 $0x2  }
0x25f: {  	_ =	swait.ge @!p0 [sflag:s0], s1  }
0x260: {  	s1 =	ssub.s32 @!p0 $0x0, s1;
	[sflag:s0] =	ssyncset.done @!p0 $0x0  }
0x261: {  	[sflag:s0] =	ssyncadd.s32 @!p0 s1  }
0x262: {  	[bflag:$0x3] =	sbarrier.arrive $0xFFFF  }
0x263: {  	_ =	shalt  }

</sc_bundles>
